<compile_context>
chip_gen: v7x
topology: tpu7x:2x2x1
jax: 0.10.2.dev20260603
libtpu: 0.0.44.dev20260713+nightly
codegen_flags: <defaults>
</compile_context>

<pallas_src>
import functools

import jax
import jax.numpy as jnp
from jax import lax
from jax.experimental import pallas as pl
from jax.experimental.pallas import tpu as pltpu
from jax.experimental.pallas import tpu_sc as plsc

_F = 26
_B = 4096
_D = 64
_NF = _F + 1
_ROWS = _F * _B
_NC = 2
_NS = 16
_NW = _NC * _NS
_RPW = _ROWS // _NW
_CHUNK = 832
_NCH = _RPW // _CHUNK

_BSZ = 512
_NBLK = _B // _BSZ
_FEAT = 416


def _make_gather():
    mesh = plsc.VectorSubcoreMesh(core_axis_name="c", subcore_axis_name="s")

    @functools.partial(
        pl.kernel,
        mesh=mesh,
        out_type=jax.ShapeDtypeStruct((_ROWS, _D), jnp.float32),
        compiler_params=pltpu.CompilerParams(use_tc_tiling_on_sc=False),
        scratch_types=[
            pltpu.VMEM((_CHUNK,), jnp.int32),
            pltpu.VMEM((_CHUNK, _D), jnp.float32),
            pltpu.SemaphoreType.DMA,
        ],
    )
    def gather_k(idx_hbm, table_hbm, out_hbm, idx_v, rows_v, sem):
        wid = lax.axis_index("s") * _NC + lax.axis_index("c")
        base = wid * _RPW
        for i in range(_NCH):
            off = base + i * _CHUNK
            pltpu.sync_copy(idx_hbm.at[pl.ds(off, _CHUNK)], idx_v)
            pltpu.async_copy(table_hbm.at[idx_v], rows_v, sem).wait()
            pltpu.sync_copy(rows_v, out_hbm.at[pl.ds(off, _CHUNK)])

    return gather_k


_gather = _make_gather()


def _dense_body(xT_ref, s2_ref, w0T, db0, w1T, db1, w2T, db2,
                ow0T, ob0, ow1T, ob1, ow2T, ob2, ow3T, ob3,
                out_ref, featT_ref):
    xb = xT_ref[...]
    h = jnp.maximum(jnp.dot(w0T[...], xb, preferred_element_type=jnp.float32) + db0[...], 0.0)
    h = jnp.maximum(jnp.dot(w1T[...], h, preferred_element_type=jnp.float32) + db1[...], 0.0)
    dT = jnp.maximum(jnp.dot(w2T[...], h, preferred_element_type=jnp.float32) + db2[...], 0.0)
    featT_ref[0:_D, :] = dT
    ST = jnp.transpose(s2_ref[...])
    c = [dT] + [ST[f * _D:(f + 1) * _D, :] for f in range(_F)]
    p = 0
    for i in range(1, _NF):
        for j in range(i):
            prod = c[i] * c[j]
            featT_ref[_D + p:_D + p + 1, :] = jnp.sum(prod, axis=0, keepdims=True)
            p += 1
    featT_ref[_D + p:_FEAT, :] = jnp.zeros((_FEAT - _D - p, _BSZ), jnp.float32)
    y = jnp.maximum(jnp.dot(ow0T[...], featT_ref[...], preferred_element_type=jnp.float32) + ob0[...], 0.0)
    y = jnp.maximum(jnp.dot(ow1T[...], y, preferred_element_type=jnp.float32) + ob1[...], 0.0)
    y = jnp.maximum(jnp.dot(ow2T[...], y, preferred_element_type=jnp.float32) + ob2[...], 0.0)
    out_ref[...] = jnp.dot(ow3T[...], y, preferred_element_type=jnp.float32) + ob3[...]


_dense_call = pl.pallas_call(
    _dense_body,
    grid=(_NBLK,),
    in_specs=[
        pl.BlockSpec((13, _BSZ), lambda i: (0, i)),
        pl.BlockSpec((_BSZ, _F * _D), lambda i: (i, 0)),
        pl.BlockSpec((512, 13), lambda i: (0, 0)),
        pl.BlockSpec((512, 1), lambda i: (0, 0)),
        pl.BlockSpec((256, 512), lambda i: (0, 0)),
        pl.BlockSpec((256, 1), lambda i: (0, 0)),
        pl.BlockSpec((64, 256), lambda i: (0, 0)),
        pl.BlockSpec((64, 1), lambda i: (0, 0)),
        pl.BlockSpec((512, _FEAT), lambda i: (0, 0)),
        pl.BlockSpec((512, 1), lambda i: (0, 0)),
        pl.BlockSpec((512, 512), lambda i: (0, 0)),
        pl.BlockSpec((512, 1), lambda i: (0, 0)),
        pl.BlockSpec((256, 512), lambda i: (0, 0)),
        pl.BlockSpec((256, 1), lambda i: (0, 0)),
        pl.BlockSpec((1, 256), lambda i: (0, 0)),
        pl.BlockSpec((1, 1), lambda i: (0, 0)),
    ],
    out_specs=pl.BlockSpec((1, _BSZ), lambda i: (0, i)),
    out_shape=jax.ShapeDtypeStruct((1, _B), jnp.float32),
    scratch_shapes=[pltpu.VMEM((_FEAT, _BSZ), jnp.float32)],
)


def kernel(dense_features, sparse_values, sparse_offsets, emb_table,
           dense_w0, dense_b0, dense_w1, dense_b1, dense_w2, dense_b2,
           over_w0, over_b0, over_w1, over_b1, over_w2, over_b2,
           over_w3, over_b3):
    idx_perm = jnp.transpose(sparse_values.reshape(_F, _B)).reshape(-1)
    bags = _gather(idx_perm, emb_table)
    s2 = bags.reshape(_B, _F * _D)
    xT = jnp.transpose(dense_features)
    out = _dense_call(
        xT, s2,
        jnp.transpose(dense_w0), dense_b0[:, None],
        jnp.transpose(dense_w1), dense_b1[:, None],
        jnp.transpose(dense_w2), dense_b2[:, None],
        jnp.pad(jnp.transpose(over_w0), ((0, 0), (0, _FEAT - 415))), over_b0[:, None],
        jnp.transpose(over_w1), over_b1[:, None],
        jnp.transpose(over_w2), over_b2[:, None],
        jnp.transpose(over_w3), over_b3[:, None],
    )
    return out.reshape(_B, 1)

# --- scband reference (transcript-rebuilt; emitter-appended) ---
"""Pipeline reference for scband-hybrid-parallel-dlrm-4312147165202 (READ-ONLY COPY).

The authoritative reference and input builder live on the scoring server;
editing this copy changes nothing except your own understanding.
"""

import jax, jax.numpy as jnp
import numpy as np

F = 26
B = 4096
D = 64
PER_TABLE = 38462
TOTAL_VOCAB = F * PER_TABLE
DENSE_IN = 13
DENSE_LAYERS = [512, 256, 64]
OVER_LAYERS = [512, 512, 256, 1]
NUM_F = F + 1
OVER_IN = D + (NUM_F * (NUM_F - 1)) // 2


def _init_linear(key, fan_in, fan_out):
    kw, kb = jax.random.split(key)
    lim = 1.0 / np.sqrt(fan_in)
    w = jax.random.uniform(kw, (fan_in, fan_out), minval=-lim, maxval=lim, dtype=jnp.float32)
    b = jax.random.uniform(kb, (fan_out,), minval=-lim, maxval=lim, dtype=jnp.float32)
    return w, b


def setup_inputs(seed: int = 0):
    key = jax.random.key(seed)
    ks = jax.random.split(key, 12)
    dense_features = jax.random.normal(ks[0], (B, DENSE_IN), dtype=jnp.float32)
    raw = jax.random.randint(ks[1], (F, B), 0, PER_TABLE, dtype=jnp.int32)
    table_offsets = (jnp.arange(F, dtype=jnp.int32) * PER_TABLE)[:, None]
    sparse_values = (raw + table_offsets).reshape(-1)
    sparse_offsets = jnp.arange(F * B + 1, dtype=jnp.int32)
    emb_table = jax.random.normal(ks[2], (TOTAL_VOCAB, D), dtype=jnp.float32) * 0.01
    inp = {"dense_features": dense_features, "sparse_values": sparse_values, "sparse_offsets": sparse_offsets, "emb_table": emb_table}
    dims = [DENSE_IN] + DENSE_LAYERS
    for i in range(len(DENSE_LAYERS)):
        w, b = _init_linear(ks[3 + i], dims[i], dims[i + 1])
        inp["dense_w%d" % i] = w
        inp["dense_b%d" % i] = b
    odims = [OVER_IN] + OVER_LAYERS
    for i in range(len(OVER_LAYERS)):
        w, b = _init_linear(ks[7 + i], odims[i], odims[i + 1])
        inp["over_w%d" % i] = w
        inp["over_b%d" % i] = b
    return inp


def _forward(dense_features, emb_table, dws, dbs, ows, obs, sparse_values, sparse_offsets):
    # FusedSparseModules: fused EmbeddingBag(mode='sum', include_last_offset=True)
    n_bags = sparse_offsets.shape[0] - 1
    lengths = sparse_offsets[1:] - sparse_offsets[:-1]
    seg_ids = jnp.repeat(jnp.arange(n_bags), lengths, total_repeat_length=sparse_values.shape[0])
    gathered = jnp.take(emb_table, sparse_values, axis=0)
    bags = jax.ops.segment_sum(gathered, seg_ids, num_segments=n_bags)
    # sparse_embedding_shape_hook: view(F, B, -1).transpose(0, 1) -> [B, F, D]
    sparse_emb = jnp.transpose(bags.reshape(F, B, D), (1, 0, 2))
    # DenseArch: MLP with ReLU after every layer
    x = dense_features
    for w, b in zip(dws, dbs):
        x = jax.nn.relu(x @ w + b)
    dense_emb = x
    # InteractionArch: pairwise dot products over [dense_emb; sparse_emb]
    combined = jnp.concatenate([dense_emb[:, None, :], sparse_emb], axis=1)
    Z = jnp.einsum("bfd,bgd->bfg", combined, combined)
    li, lj = jnp.tril_indices(NUM_F, k=-1)
    inter = Z[:, li, lj]
    feat = jnp.concatenate([dense_emb, inter], axis=1)
    # OverArch: ReLU on all but the final linear layer
    y = feat
    n = len(ows)
    for i in range(n):
        y = y @ ows[i] + obs[i]
        if i < n - 1:
            y = jax.nn.relu(y)
    return y


def reference(dense_features, sparse_values, sparse_offsets, emb_table, dense_w0, dense_b0, dense_w1, dense_b1, dense_w2, dense_b2, over_w0, over_b0, over_w1, over_b1, over_w2, over_b2, over_w3, over_b3):
    return _forward(dense_features, emb_table,
                    [dense_w0, dense_w1, dense_w2], [dense_b0, dense_b1, dense_b2],
                    [over_w0, over_w1, over_w2, over_w3], [over_b0, over_b1, over_b2, over_b3],
                    sparse_values, sparse_offsets)

if __name__ == "__main__":
    import jax
    _d = setup_inputs()
    print(jax.jit(kernel)(*tuple(_d.values())))

</pallas_src>

<mosaic_0001>
#map = affine_map<(d0, d1) -> (0)>
#map1 = affine_map<(d0, d1) -> (0, 0)>
module attributes {stable_mosaic.version = 14 : i64} {
  func.func @gather_k(%arg0: i32, %arg1: i32, %arg2: memref<106496xi32, #tpu.memory_space<hbm>>, %arg3: memref<1000012x64xf32, #tpu.memory_space<hbm>>, %arg4: memref<106496x64xf32, #tpu.memory_space<hbm>>, %arg5: memref<832xi32, #tpu.memory_space<vmem>>, %arg6: memref<832x64xf32, #tpu.memory_space<vmem>>, %arg7: memref<!tpu.dma_semaphore, #tpu.memory_space<semaphore_mem>>) attributes {dimension_semantics = [#tpu.dimension_semantics<core_parallel>, #tpu.dimension_semantics<subcore_parallel>], iteration_bounds = array<i64: 2, 16>, scalar_prefetch = 0 : i64, scratch_operands = 3 : i64, tpu.core_type = #tpu.core_type<sc_vector_subcore>, window_params = [{transform_indices = #map}, {transform_indices = #map1}, {transform_indices = #map1}]} {
    %mul3A = arith.constant 2 : i32
    %mul3A_0 = arith.muli %arg1, %mul3A : i32
    %add3A = arith.addi %mul3A_0, %arg0 : i32
    %mul3A_1 = arith.constant 3328 : i32
    %mul3A_2 = arith.muli %add3A, %mul3A_1 : i32
    %add3A_3 = arith.constant 0 : i32
    %add3A_4 = arith.addi %mul3A_2, %add3A_3 : i32
    "tpu.region"() ({
      %run_scoped3A = tpu.sem_alloc : memref<!tpu.dma_semaphore, #tpu.memory_space<semaphore_mem>>
      %dma_start3A_33 = tpu.memref_slice %arg2[%add3A_4] : memref<106496xi32, #tpu.memory_space<hbm>> -> memref<832xi32, #tpu.memory_space<hbm>>
      %dma_start3A_34 = tpu.memref_slice %arg2[%add3A_4] : memref<106496xi32, #tpu.memory_space<hbm>> -> memref<832xi32, #tpu.memory_space<hbm>>
      tpu.enqueue_dma source(%dma_start3A_34 : memref<832xi32, #tpu.memory_space<hbm>>) target(%arg5 : memref<832xi32, #tpu.memory_space<vmem>>) target_semaphore(%run_scoped3A : memref<!tpu.dma_semaphore, #tpu.memory_space<semaphore_mem>>)
      %dma_wait3A_35 = tpu.memref_slice %arg2[%add3A_4] : memref<106496xi32, #tpu.memory_space<hbm>> -> memref<832xi32, #tpu.memory_space<hbm>>
      %dma_wait3A_36 = tpu.memref_slice %arg2[%add3A_4] : memref<106496xi32, #tpu.memory_space<hbm>> -> memref<832xi32, #tpu.memory_space<hbm>>
      tpu.wait_dma2 semaphore(%run_scoped3A : memref<!tpu.dma_semaphore, #tpu.memory_space<semaphore_mem>>) src(%dma_wait3A_36 : memref<832xi32, #tpu.memory_space<hbm>>) dst(%arg5 : memref<832xi32, #tpu.memory_space<vmem>>)
      tpu.yield
    }) : () -> ()
    %dma_start3A = arith.constant 0 : i32
    %dma_start3A_5 = arith.constant 0 : i32
    %dma_start3A_6 = tpu.memref_slice %arg3[%dma_start3A, %dma_start3A_5] : memref<1000012x64xf32, #tpu.memory_space<hbm>> -> memref<1000012x64xf32, #tpu.memory_space<hbm>>
    tpu.enqueue_indirect_dma source(%dma_start3A_6 : memref<1000012x64xf32, #tpu.memory_space<hbm>>) target(%arg6 : memref<832x64xf32, #tpu.memory_space<vmem>>) offsets(%arg5 : memref<832xi32, #tpu.memory_space<vmem>>) semaphore(%arg7 : memref<!tpu.dma_semaphore, #tpu.memory_space<semaphore_mem>>)
    %dma_wait3A = arith.constant 0 : i32
    %dma_wait3A_7 = arith.constant 0 : i32
    %dma_wait3A_8 = tpu.memref_slice %arg3[%dma_wait3A, %dma_wait3A_7] : memref<1000012x64xf32, #tpu.memory_space<hbm>> -> memref<1000012x64xf32, #tpu.memory_space<hbm>>
    tpu.wait_indirect_dma semaphore(%arg7 : memref<!tpu.dma_semaphore, #tpu.memory_space<semaphore_mem>>) src(%dma_wait3A_8 : memref<1000012x64xf32, #tpu.memory_space<hbm>>) dst(%arg6 : memref<832x64xf32, #tpu.memory_space<vmem>>)
    "tpu.region"() ({
      %run_scoped3A = tpu.sem_alloc : memref<!tpu.dma_semaphore, #tpu.memory_space<semaphore_mem>>
      %dma_start3A_33 = arith.constant 0 : i32
      %dma_start3A_34 = tpu.memref_slice %arg4[%add3A_4, %dma_start3A_33] : memref<106496x64xf32, #tpu.memory_space<hbm>> -> memref<832x64xf32, #tpu.memory_space<hbm>>
      %dma_start3A_35 = arith.constant 0 : i32
      %dma_start3A_36 = tpu.memref_slice %arg4[%add3A_4, %dma_start3A_35] : memref<106496x64xf32, #tpu.memory_space<hbm>> -> memref<832x64xf32, #tpu.memory_space<hbm>>
      tpu.enqueue_dma source(%arg6 : memref<832x64xf32, #tpu.memory_space<vmem>>) target(%dma_start3A_36 : memref<832x64xf32, #tpu.memory_space<hbm>>) target_semaphore(%run_scoped3A : memref<!tpu.dma_semaphore, #tpu.memory_space<semaphore_mem>>)
      %dma_wait3A_37 = arith.constant 0 : i32
      %dma_wait3A_38 = tpu.memref_slice %arg4[%add3A_4, %dma_wait3A_37] : memref<106496x64xf32, #tpu.memory_space<hbm>> -> memref<832x64xf32, #tpu.memory_space<hbm>>
      %dma_wait3A_39 = arith.constant 0 : i32
      %dma_wait3A_40 = tpu.memref_slice %arg4[%add3A_4, %dma_wait3A_39] : memref<106496x64xf32, #tpu.memory_space<hbm>> -> memref<832x64xf32, #tpu.memory_space<hbm>>
      tpu.wait_dma2 semaphore(%run_scoped3A : memref<!tpu.dma_semaphore, #tpu.memory_space<semaphore_mem>>) src(%arg6 : memref<832x64xf32, #tpu.memory_space<vmem>>) dst(%dma_wait3A_40 : memref<832x64xf32, #tpu.memory_space<hbm>>)
      tpu.yield
    }) : () -> ()
    %add3A_9 = arith.constant 832 : i32
    %add3A_10 = arith.addi %mul3A_2, %add3A_9 : i32
    "tpu.region"() ({
      %run_scoped3A = tpu.sem_alloc : memref<!tpu.dma_semaphore, #tpu.memory_space<semaphore_mem>>
      %dma_start3A_33 = tpu.memref_slice %arg2[%add3A_10] : memref<106496xi32, #tpu.memory_space<hbm>> -> memref<832xi32, #tpu.memory_space<hbm>>
      %dma_start3A_34 = tpu.memref_slice %arg2[%add3A_10] : memref<106496xi32, #tpu.memory_space<hbm>> -> memref<832xi32, #tpu.memory_space<hbm>>
      tpu.enqueue_dma source(%dma_start3A_34 : memref<832xi32, #tpu.memory_space<hbm>>) target(%arg5 : memref<832xi32, #tpu.memory_space<vmem>>) target_semaphore(%run_scoped3A : memref<!tpu.dma_semaphore, #tpu.memory_space<semaphore_mem>>)
      %dma_wait3A_35 = tpu.memref_slice %arg2[%add3A_10] : memref<106496xi32, #tpu.memory_space<hbm>> -> memref<832xi32, #tpu.memory_space<hbm>>
      %dma_wait3A_36 = tpu.memref_slice %arg2[%add3A_10] : memref<106496xi32, #tpu.memory_space<hbm>> -> memref<832xi32, #tpu.memory_space<hbm>>
      tpu.wait_dma2 semaphore(%run_scoped3A : memref<!tpu.dma_semaphore, #tpu.memory_space<semaphore_mem>>) src(%dma_wait3A_36 : memref<832xi32, #tpu.memory_space<hbm>>) dst(%arg5 : memref<832xi32, #tpu.memory_space<vmem>>)
      tpu.yield
    }) : () -> ()
    %dma_start3A_11 = arith.constant 0 : i32
    %dma_start3A_12 = arith.constant 0 : i32
    %dma_start3A_13 = tpu.memref_slice %arg3[%dma_start3A_11, %dma_start3A_12] : memref<1000012x64xf32, #tpu.memory_space<hbm>> -> memref<1000012x64xf32, #tpu.memory_space<hbm>>
    tpu.enqueue_indirect_dma source(%dma_start3A_13 : memref<1000012x64xf32, #tpu.memory_space<hbm>>) target(%arg6 : memref<832x64xf32, #tpu.memory_space<vmem>>) offsets(%arg5 : memref<832xi32, #tpu.memory_space<vmem>>) semaphore(%arg7 : memref<!tpu.dma_semaphore, #tpu.memory_space<semaphore_mem>>)
    %dma_wait3A_14 = arith.constant 0 : i32
    %dma_wait3A_15 = arith.constant 0 : i32
    %dma_wait3A_16 = tpu.memref_slice %arg3[%dma_wait3A_14, %dma_wait3A_15] : memref<1000012x64xf32, #tpu.memory_space<hbm>> -> memref<1000012x64xf32, #tpu.memory_space<hbm>>
    tpu.wait_indirect_dma semaphore(%arg7 : memref<!tpu.dma_semaphore, #tpu.memory_space<semaphore_mem>>) src(%dma_wait3A_16 : memref<1000012x64xf32, #tpu.memory_space<hbm>>) dst(%arg6 : memref<832x64xf32, #tpu.memory_space<vmem>>)
    "tpu.region"() ({
      %run_scoped3A = tpu.sem_alloc : memref<!tpu.dma_semaphore, #tpu.memory_space<semaphore_mem>>
      %dma_start3A_33 = arith.constant 0 : i32
      %dma_start3A_34 = tpu.memref_slice %arg4[%add3A_10, %dma_start3A_33] : memref<106496x64xf32, #tpu.memory_space<hbm>> -> memref<832x64xf32, #tpu.memory_space<hbm>>
      %dma_start3A_35 = arith.constant 0 : i32
      %dma_start3A_36 = tpu.memref_slice %arg4[%add3A_10, %dma_start3A_35] : memref<106496x64xf32, #tpu.memory_space<hbm>> -> memref<832x64xf32, #tpu.memory_space<hbm>>
      tpu.enqueue_dma source(%arg6 : memref<832x64xf32, #tpu.memory_space<vmem>>) target(%dma_start3A_36 : memref<832x64xf32, #tpu.memory_space<hbm>>) target_semaphore(%run_scoped3A : memref<!tpu.dma_semaphore, #tpu.memory_space<semaphore_mem>>)
      %dma_wait3A_37 = arith.constant 0 : i32
      %dma_wait3A_38 = tpu.memref_slice %arg4[%add3A_10, %dma_wait3A_37] : memref<106496x64xf32, #tpu.memory_space<hbm>> -> memref<832x64xf32, #tpu.memory_space<hbm>>
      %dma_wait3A_39 = arith.constant 0 : i32
      %dma_wait3A_40 = tpu.memref_slice %arg4[%add3A_10, %dma_wait3A_39] : memref<106496x64xf32, #tpu.memory_space<hbm>> -> memref<832x64xf32, #tpu.memory_space<hbm>>
      tpu.wait_dma2 semaphore(%run_scoped3A : memref<!tpu.dma_semaphore, #tpu.memory_space<semaphore_mem>>) src(%arg6 : memref<832x64xf32, #tpu.memory_space<vmem>>) dst(%dma_wait3A_40 : memref<832x64xf32, #tpu.memory_space<hbm>>)
      tpu.yield
    }) : () -> ()
    %add3A_17 = arith.constant 1664 : i32
    %add3A_18 = arith.addi %mul3A_2, %add3A_17 : i32
    "tpu.region"() ({
      %run_scoped3A = tpu.sem_alloc : memref<!tpu.dma_semaphore, #tpu.memory_space<semaphore_mem>>
      %dma_start3A_33 = tpu.memref_slice %arg2[%add3A_18] : memref<106496xi32, #tpu.memory_space<hbm>> -> memref<832xi32, #tpu.memory_space<hbm>>
      %dma_start3A_34 = tpu.memref_slice %arg2[%add3A_18] : memref<106496xi32, #tpu.memory_space<hbm>> -> memref<832xi32, #tpu.memory_space<hbm>>
      tpu.enqueue_dma source(%dma_start3A_34 : memref<832xi32, #tpu.memory_space<hbm>>) target(%arg5 : memref<832xi32, #tpu.memory_space<vmem>>) target_semaphore(%run_scoped3A : memref<!tpu.dma_semaphore, #tpu.memory_space<semaphore_mem>>)
      %dma_wait3A_35 = tpu.memref_slice %arg2[%add3A_18] : memref<106496xi32, #tpu.memory_space<hbm>> -> memref<832xi32, #tpu.memory_space<hbm>>
      %dma_wait3A_36 = tpu.memref_slice %arg2[%add3A_18] : memref<106496xi32, #tpu.memory_space<hbm>> -> memref<832xi32, #tpu.memory_space<hbm>>
      tpu.wait_dma2 semaphore(%run_scoped3A : memref<!tpu.dma_semaphore, #tpu.memory_space<semaphore_mem>>) src(%dma_wait3A_36 : memref<832xi32, #tpu.memory_space<hbm>>) dst(%arg5 : memref<832xi32, #tpu.memory_space<vmem>>)
      tpu.yield
    }) : () -> ()
    %dma_start3A_19 = arith.constant 0 : i32
    %dma_start3A_20 = arith.constant 0 : i32
    %dma_start3A_21 = tpu.memref_slice %arg3[%dma_start3A_19, %dma_start3A_20] : memref<1000012x64xf32, #tpu.memory_space<hbm>> -> memref<1000012x64xf32, #tpu.memory_space<hbm>>
    tpu.enqueue_indirect_dma source(%dma_start3A_21 : memref<1000012x64xf32, #tpu.memory_space<hbm>>) target(%arg6 : memref<832x64xf32, #tpu.memory_space<vmem>>) offsets(%arg5 : memref<832xi32, #tpu.memory_space<vmem>>) semaphore(%arg7 : memref<!tpu.dma_semaphore, #tpu.memory_space<semaphore_mem>>)
    %dma_wait3A_22 = arith.constant 0 : i32
    %dma_wait3A_23 = arith.constant 0 : i32
    %dma_wait3A_24 = tpu.memref_slice %arg3[%dma_wait3A_22, %dma_wait3A_23] : memref<1000012x64xf32, #tpu.memory_space<hbm>> -> memref<1000012x64xf32, #tpu.memory_space<hbm>>
    tpu.wait_indirect_dma semaphore(%arg7 : memref<!tpu.dma_semaphore, #tpu.memory_space<semaphore_mem>>) src(%dma_wait3A_24 : memref<1000012x64xf32, #tpu.memory_space<hbm>>) dst(%arg6 : memref<832x64xf32, #tpu.memory_space<vmem>>)
    "tpu.region"() ({
      %run_scoped3A = tpu.sem_alloc : memref<!tpu.dma_semaphore, #tpu.memory_space<semaphore_mem>>
      %dma_start3A_33 = arith.constant 0 : i32
      %dma_start3A_34 = tpu.memref_slice %arg4[%add3A_18, %dma_start3A_33] : memref<106496x64xf32, #tpu.memory_space<hbm>> -> memref<832x64xf32, #tpu.memory_space<hbm>>
      %dma_start3A_35 = arith.constant 0 : i32
      %dma_start3A_36 = tpu.memref_slice %arg4[%add3A_18, %dma_start3A_35] : memref<106496x64xf32, #tpu.memory_space<hbm>> -> memref<832x64xf32, #tpu.memory_space<hbm>>
      tpu.enqueue_dma source(%arg6 : memref<832x64xf32, #tpu.memory_space<vmem>>) target(%dma_start3A_36 : memref<832x64xf32, #tpu.memory_space<hbm>>) target_semaphore(%run_scoped3A : memref<!tpu.dma_semaphore, #tpu.memory_space<semaphore_mem>>)
      %dma_wait3A_37 = arith.constant 0 : i32
      %dma_wait3A_38 = tpu.memref_slice %arg4[%add3A_18, %dma_wait3A_37] : memref<106496x64xf32, #tpu.memory_space<hbm>> -> memref<832x64xf32, #tpu.memory_space<hbm>>
      %dma_wait3A_39 = arith.constant 0 : i32
      %dma_wait3A_40 = tpu.memref_slice %arg4[%add3A_18, %dma_wait3A_39] : memref<106496x64xf32, #tpu.memory_space<hbm>> -> memref<832x64xf32, #tpu.memory_space<hbm>>
      tpu.wait_dma2 semaphore(%run_scoped3A : memref<!tpu.dma_semaphore, #tpu.memory_space<semaphore_mem>>) src(%arg6 : memref<832x64xf32, #tpu.memory_space<vmem>>) dst(%dma_wait3A_40 : memref<832x64xf32, #tpu.memory_space<hbm>>)
      tpu.yield
    }) : () -> ()
    %add3A_25 = arith.constant 2496 : i32
    %add3A_26 = arith.addi %mul3A_2, %add3A_25 : i32
    "tpu.region"() ({
      %run_scoped3A = tpu.sem_alloc : memref<!tpu.dma_semaphore, #tpu.memory_space<semaphore_mem>>
      %dma_start3A_33 = tpu.memref_slice %arg2[%add3A_26] : memref<106496xi32, #tpu.memory_space<hbm>> -> memref<832xi32, #tpu.memory_space<hbm>>
      %dma_start3A_34 = tpu.memref_slice %arg2[%add3A_26] : memref<106496xi32, #tpu.memory_space<hbm>> -> memref<832xi32, #tpu.memory_space<hbm>>
      tpu.enqueue_dma source(%dma_start3A_34 : memref<832xi32, #tpu.memory_space<hbm>>) target(%arg5 : memref<832xi32, #tpu.memory_space<vmem>>) target_semaphore(%run_scoped3A : memref<!tpu.dma_semaphore, #tpu.memory_space<semaphore_mem>>)
      %dma_wait3A_35 = tpu.memref_slice %arg2[%add3A_26] : memref<106496xi32, #tpu.memory_space<hbm>> -> memref<832xi32, #tpu.memory_space<hbm>>
      %dma_wait3A_36 = tpu.memref_slice %arg2[%add3A_26] : memref<106496xi32, #tpu.memory_space<hbm>> -> memref<832xi32, #tpu.memory_space<hbm>>
      tpu.wait_dma2 semaphore(%run_scoped3A : memref<!tpu.dma_semaphore, #tpu.memory_space<semaphore_mem>>) src(%dma_wait3A_36 : memref<832xi32, #tpu.memory_space<hbm>>) dst(%arg5 : memref<832xi32, #tpu.memory_space<vmem>>)
      tpu.yield
    }) : () -> ()
    %dma_start3A_27 = arith.constant 0 : i32
    %dma_start3A_28 = arith.constant 0 : i32
    %dma_start3A_29 = tpu.memref_slice %arg3[%dma_start3A_27, %dma_start3A_28] : memref<1000012x64xf32, #tpu.memory_space<hbm>> -> memref<1000012x64xf32, #tpu.memory_space<hbm>>
    tpu.enqueue_indirect_dma source(%dma_start3A_29 : memref<1000012x64xf32, #tpu.memory_space<hbm>>) target(%arg6 : memref<832x64xf32, #tpu.memory_space<vmem>>) offsets(%arg5 : memref<832xi32, #tpu.memory_space<vmem>>) semaphore(%arg7 : memref<!tpu.dma_semaphore, #tpu.memory_space<semaphore_mem>>)
    %dma_wait3A_30 = arith.constant 0 : i32
    %dma_wait3A_31 = arith.constant 0 : i32
    %dma_wait3A_32 = tpu.memref_slice %arg3[%dma_wait3A_30, %dma_wait3A_31] : memref<1000012x64xf32, #tpu.memory_space<hbm>> -> memref<1000012x64xf32, #tpu.memory_space<hbm>>
    tpu.wait_indirect_dma semaphore(%arg7 : memref<!tpu.dma_semaphore, #tpu.memory_space<semaphore_mem>>) src(%dma_wait3A_32 : memref<1000012x64xf32, #tpu.memory_space<hbm>>) dst(%arg6 : memref<832x64xf32, #tpu.memory_space<vmem>>)
    "tpu.region"() ({
      %run_scoped3A = tpu.sem_alloc : memref<!tpu.dma_semaphore, #tpu.memory_space<semaphore_mem>>
      %dma_start3A_33 = arith.constant 0 : i32
      %dma_start3A_34 = tpu.memref_slice %arg4[%add3A_26, %dma_start3A_33] : memref<106496x64xf32, #tpu.memory_space<hbm>> -> memref<832x64xf32, #tpu.memory_space<hbm>>
      %dma_start3A_35 = arith.constant 0 : i32
      %dma_start3A_36 = tpu.memref_slice %arg4[%add3A_26, %dma_start3A_35] : memref<106496x64xf32, #tpu.memory_space<hbm>> -> memref<832x64xf32, #tpu.memory_space<hbm>>
      tpu.enqueue_dma source(%arg6 : memref<832x64xf32, #tpu.memory_space<vmem>>) target(%dma_start3A_36 : memref<832x64xf32, #tpu.memory_space<hbm>>) target_semaphore(%run_scoped3A : memref<!tpu.dma_semaphore, #tpu.memory_space<semaphore_mem>>)
      %dma_wait3A_37 = arith.constant 0 : i32
      %dma_wait3A_38 = tpu.memref_slice %arg4[%add3A_26, %dma_wait3A_37] : memref<106496x64xf32, #tpu.memory_space<hbm>> -> memref<832x64xf32, #tpu.memory_space<hbm>>
      %dma_wait3A_39 = arith.constant 0 : i32
      %dma_wait3A_40 = tpu.memref_slice %arg4[%add3A_26, %dma_wait3A_39] : memref<106496x64xf32, #tpu.memory_space<hbm>> -> memref<832x64xf32, #tpu.memory_space<hbm>>
      tpu.wait_dma2 semaphore(%run_scoped3A : memref<!tpu.dma_semaphore, #tpu.memory_space<semaphore_mem>>) src(%arg6 : memref<832x64xf32, #tpu.memory_space<vmem>>) dst(%dma_wait3A_40 : memref<832x64xf32, #tpu.memory_space<hbm>>)
      tpu.yield
    }) : () -> ()
    return
  }
}

module attributes {stable_mosaic.version = 14 : i64} {
  func.func @_dense_body(%arg0: i32, %arg1: memref<13x512xf32, #tpu.memory_space<vmem>>, %arg2: memref<512x1664xf32, #tpu.memory_space<vmem>>, %arg3: memref<512x13xf32, #tpu.memory_space<vmem>>, %arg4: memref<512x1xf32, #tpu.memory_space<vmem>>, %arg5: memref<256x512xf32, #tpu.memory_space<vmem>>, %arg6: memref<256x1xf32, #tpu.memory_space<vmem>>, %arg7: memref<64x256xf32, #tpu.memory_space<vmem>>, %arg8: memref<64x1xf32, #tpu.memory_space<vmem>>, %arg9: memref<512x416xf32, #tpu.memory_space<vmem>>, %arg10: memref<512x1xf32, #tpu.memory_space<vmem>>, %arg11: memref<512x512xf32, #tpu.memory_space<vmem>>, %arg12: memref<512x1xf32, #tpu.memory_space<vmem>>, %arg13: memref<256x512xf32, #tpu.memory_space<vmem>>, %arg14: memref<256x1xf32, #tpu.memory_space<vmem>>, %arg15: memref<1x256xf32, #tpu.memory_space<vmem>>, %arg16: memref<1x1xf32, #tpu.memory_space<vmem>>, %arg17: memref<1x512xf32, #tpu.memory_space<vmem>>, %arg18: memref<416x512xf32, #tpu.memory_space<vmem>>) attributes {dimension_semantics = [#tpu.dimension_semantics<arbitrary>], iteration_bounds = array<i64: 8>, scalar_prefetch = 0 : i64, scratch_operands = 1 : i64, tpu.core_type = #tpu.core_type<tc>, window_params = [{transform_indices = @transform_0, window_bounds = array<i64: 13, 512>}, {transform_indices = @transform_1, window_bounds = array<i64: 512, 1664>}, {pipeline_mode = #tpu.pipeline_mode<synchronous>, transform_indices = @transform_2, window_bounds = array<i64: 512, 13>}, {pipeline_mode = #tpu.pipeline_mode<synchronous>, transform_indices = @transform_3, window_bounds = array<i64: 512, 1>}, {pipeline_mode = #tpu.pipeline_mode<synchronous>, transform_indices = @transform_4, window_bounds = array<i64: 256, 512>}, {pipeline_mode = #tpu.pipeline_mode<synchronous>, transform_indices = @transform_5, window_bounds = array<i64: 256, 1>}, {pipeline_mode = #tpu.pipeline_mode<synchronous>, transform_indices = @transform_6, window_bounds = array<i64: 64, 256>}, {pipeline_mode = #tpu.pipeline_mode<synchronous>, transform_indices = @transform_7, window_bounds = array<i64: 64, 1>}, {pipeline_mode = #tpu.pipeline_mode<synchronous>, transform_indices = @transform_8, window_bounds = array<i64: 512, 416>}, {pipeline_mode = #tpu.pipeline_mode<synchronous>, transform_indices = @transform_9, window_bounds = array<i64: 512, 1>}, {pipeline_mode = #tpu.pipeline_mode<synchronous>, transform_indices = @transform_10, window_bounds = array<i64: 512, 512>}, {pipeline_mode = #tpu.pipeline_mode<synchronous>, transform_indices = @transform_11, window_bounds = array<i64: 512, 1>}, {pipeline_mode = #tpu.pipeline_mode<synchronous>, transform_indices = @transform_12, window_bounds = array<i64: 256, 512>}, {pipeline_mode = #tpu.pipeline_mode<synchronous>, transform_indices = @transform_13, window_bounds = array<i64: 256, 1>}, {pipeline_mode = #tpu.pipeline_mode<synchronous>, transform_indices = @transform_14, window_bounds = array<i64: 1, 256>}, {pipeline_mode = #tpu.pipeline_mode<synchronous>, transform_indices = @transform_15, window_bounds = array<i64: 1, 1>}, {transform_indices = @transform_16, window_bounds = array<i64: 1, 512>}]} {
    %get3A = arith.constant 0 : index
    %get3A_0 = arith.constant 0 : index
    %get3A_1 = vector.load %arg1[%get3A, %get3A_0] : memref<13x512xf32, #tpu.memory_space<vmem>>, vector<13x512xf32>
    %get3A_2 = arith.constant 0 : index
    %get3A_3 = arith.constant 0 : index
    %get3A_4 = vector.load %arg3[%get3A_2, %get3A_3] : memref<512x13xf32, #tpu.memory_space<vmem>>, vector<512x13xf32>
    %dot_general3A = arith.constant dense<0.000000e+00> : vector<512x512xf32>
    %dot_general3A_5 = tpu.matmul %get3A_4, %get3A_1, %dot_general3A {dimension_numbers = #tpu.dot_dimension_numbers<[1], [0], [0], [1], [0, 0, 1, 1], [], []>, transpose_lhs_hint = false} : vector<512x13xf32>, vector<13x512xf32>, vector<512x512xf32> -> vector<512x512xf32>
    %get3A_6 = arith.constant 0 : index
    %get3A_7 = arith.constant 0 : index
    %get3A_8 = vector.load %arg4[%get3A_6, %get3A_7] : memref<512x1xf32, #tpu.memory_space<vmem>>, vector<512x1xf32>
    %add3A = vector.broadcast %get3A_8 : vector<512x1xf32> to vector<512x512xf32>
    %add3A_9 = arith.addf %dot_general3A_5, %add3A : vector<512x512xf32>
    %max3A = arith.constant 0.000000e+00 : f32
    %max3A_10 = vector.broadcast %max3A : f32 to vector<512x512xf32>
    %max3A_11 = arith.maximumf %add3A_9, %max3A_10 : vector<512x512xf32>
    %get3A_12 = arith.constant 0 : index
    %get3A_13 = arith.constant 0 : index
    %get3A_14 = vector.load %arg5[%get3A_12, %get3A_13] : memref<256x512xf32, #tpu.memory_space<vmem>>, vector<256x512xf32>
    %dot_general3A_15 = arith.constant dense<0.000000e+00> : vector<256x512xf32>
    %dot_general3A_16 = tpu.matmul %get3A_14, %max3A_11, %dot_general3A_15 {dimension_numbers = #tpu.dot_dimension_numbers<[1], [0], [0], [1], [0, 0, 1, 1], [], []>, transpose_lhs_hint = false} : vector<256x512xf32>, vector<512x512xf32>, vector<256x512xf32> -> vector<256x512xf32>
    %get3A_17 = arith.constant 0 : index
    %get3A_18 = arith.constant 0 : index
    %get3A_19 = vector.load %arg6[%get3A_17, %get3A_18] : memref<256x1xf32, #tpu.memory_space<vmem>>, vector<256x1xf32>
    %add3A_20 = vector.broadcast %get3A_19 : vector<256x1xf32> to vector<256x512xf32>
    %add3A_21 = arith.addf %dot_general3A_16, %add3A_20 : vector<256x512xf32>
    %max3A_22 = arith.constant 0.000000e+00 : f32
    %max3A_23 = vector.broadcast %max3A_22 : f32 to vector<256x512xf32>
    %max3A_24 = arith.maximumf %add3A_21, %max3A_23 : vector<256x512xf32>
    %get3A_25 = arith.constant 0 : index
    %get3A_26 = arith.constant 0 : index
    %get3A_27 = vector.load %arg7[%get3A_25, %get3A_26] : memref<64x256xf32, #tpu.memory_space<vmem>>, vector<64x256xf32>
    %dot_general3A_28 = arith.constant dense<0.000000e+00> : vector<64x512xf32>
    %dot_general3A_29 = tpu.matmul %get3A_27, %max3A_24, %dot_general3A_28 {dimension_numbers = #tpu.dot_dimension_numbers<[1], [0], [0], [1], [0, 0, 1, 1], [], []>, transpose_lhs_hint = false} : vector<64x256xf32>, vector<256x512xf32>, vector<64x512xf32> -> vector<64x512xf32>
    %get3A_30 = arith.constant 0 : index
    %get3A_31 = arith.constant 0 : index
    %get3A_32 = vector.load %arg8[%get3A_30, %get3A_31] : memref<64x1xf32, #tpu.memory_space<vmem>>, vector<64x1xf32>
    %add3A_33 = vector.broadcast %get3A_32 : vector<64x1xf32> to vector<64x512xf32>
    %add3A_34 = arith.addf %dot_general3A_29, %add3A_33 : vector<64x512xf32>
    %max3A_35 = arith.constant 0.000000e+00 : f32
    %max3A_36 = vector.broadcast %max3A_35 : f32 to vector<64x512xf32>
    %max3A_37 = arith.maximumf %add3A_34, %max3A_36 : vector<64x512xf32>
    %swap3A = arith.constant 0 : index
    %swap3A_38 = arith.constant 0 : index
    %swap3A_39 = vector.load %arg18[%swap3A, %swap3A_38] : memref<416x512xf32, #tpu.memory_space<vmem>>, vector<64x512xf32>
    tpu.vector_store %arg18[%swap3A, %swap3A_38], %max3A_37 {strides = array<i32>} : memref<416x512xf32, #tpu.memory_space<vmem>>, vector<64x512xf32>,
    %get3A_40 = arith.constant 0 : index
    %get3A_41 = arith.constant 0 : index
    %get3A_42 = vector.load %arg2[%get3A_40, %get3A_41] : memref<512x1664xf32, #tpu.memory_space<vmem>>, vector<512x1664xf32>
    %transpose3A = tpu.transpose %get3A_42, [1, 0] : vector<512x1664xf32> -> vector<1664x512xf32>
    %slice3A = vector.extract_strided_slice %transpose3A {offsets = [0, 0], sizes = [64, 512], strides = [1, 1]} : vector<1664x512xf32> to vector<64x512xf32>
    %slice3A_43 = vector.extract_strided_slice %transpose3A {offsets = [64, 0], sizes = [64, 512], strides = [1, 1]} : vector<1664x512xf32> to vector<64x512xf32>
    %slice3A_44 = vector.extract_strided_slice %transpose3A {offsets = [128, 0], sizes = [64, 512], strides = [1, 1]} : vector<1664x512xf32> to vector<64x512xf32>
    %slice3A_45 = vector.extract_strided_slice %transpose3A {offsets = [192, 0], sizes = [64, 512], strides = [1, 1]} : vector<1664x512xf32> to vector<64x512xf32>
    %slice3A_46 = vector.extract_strided_slice %transpose3A {offsets = [256, 0], sizes = [64, 512], strides = [1, 1]} : vector<1664x512xf32> to vector<64x512xf32>
    %slice3A_47 = vector.extract_strided_slice %transpose3A {offsets = [320, 0], sizes = [64, 512], strides = [1, 1]} : vector<1664x512xf32> to vector<64x512xf32>
    %slice3A_48 = vector.extract_strided_slice %transpose3A {offsets = [384, 0], sizes = [64, 512], strides = [1, 1]} : vector<1664x512xf32> to vector<64x512xf32>
    %slice3A_49 = vector.extract_strided_slice %transpose3A {offsets = [448, 0], sizes = [64, 512], strides = [1, 1]} : vector<1664x512xf32> to vector<64x512xf32>
    %slice3A_50 = vector.extract_strided_slice %transpose3A {offsets = [512, 0], sizes = [64, 512], strides = [1, 1]} : vector<1664x512xf32> to vector<64x512xf32>
    %slice3A_51 = vector.extract_strided_slice %transpose3A {offsets = [576, 0], sizes = [64, 512], strides = [1, 1]} : vector<1664x512xf32> to vector<64x512xf32>
    %slice3A_52 = vector.extract_strided_slice %transpose3A {offsets = [640, 0], sizes = [64, 512], strides = [1, 1]} : vector<1664x512xf32> to vector<64x512xf32>
    %slice3A_53 = vector.extract_strided_slice %transpose3A {offsets = [704, 0], sizes = [64, 512], strides = [1, 1]} : vector<1664x512xf32> to vector<64x512xf32>
    %slice3A_54 = vector.extract_strided_slice %transpose3A {offsets = [768, 0], sizes = [64, 512], strides = [1, 1]} : vector<1664x512xf32> to vector<64x512xf32>
    %slice3A_55 = vector.extract_strided_slice %transpose3A {offsets = [832, 0], sizes = [64, 512], strides = [1, 1]} : vector<1664x512xf32> to vector<64x512xf32>
    %slice3A_56 = vector.extract_strided_slice %transpose3A {offsets = [896, 0], sizes = [64, 512], strides = [1, 1]} : vector<1664x512xf32> to vector<64x512xf32>
    %slice3A_57 = vector.extract_strided_slice %transpose3A {offsets = [960, 0], sizes = [64, 512], strides = [1, 1]} : vector<1664x512xf32> to vector<64x512xf32>
    %slice3A_58 = vector.extract_strided_slice %transpose3A {offsets = [1024, 0], sizes = [64, 512], strides = [1, 1]} : vector<1664x512xf32> to vector<64x512xf32>
    %slice3A_59 = vector.extract_strided_slice %transpose3A {offsets = [1088, 0], sizes = [64, 512], strides = [1, 1]} : vector<1664x512xf32> to vector<64x512xf32>
    %slice3A_60 = vector.extract_strided_slice %transpose3A {offsets = [1152, 0], sizes = [64, 512], strides = [1, 1]} : vector<1664x512xf32> to vector<64x512xf32>
    %slice3A_61 = vector.extract_strided_slice %transpose3A {offsets = [1216, 0], sizes = [64, 512], strides = [1, 1]} : vector<1664x512xf32> to vector<64x512xf32>
    %slice3A_62 = vector.extract_strided_slice %transpose3A {offsets = [1280, 0], sizes = [64, 512], strides = [1, 1]} : vector<1664x512xf32> to vector<64x512xf32>
    %slice3A_63 = vector.extract_strided_slice %transpose3A {offsets = [1344, 0], sizes = [64, 512], strides = [1, 1]} : vector<1664x512xf32> to vector<64x512xf32>
    %slice3A_64 = vector.extract_strided_slice %transpose3A {offsets = [1408, 0], sizes = [64, 512], strides = [1, 1]} : vector<1664x512xf32> to vector<64x512xf32>
    %slice3A_65 = vector.extract_strided_slice %transpose3A {offsets = [1472, 0], sizes = [64, 512], strides = [1, 1]} : vector<1664x512xf32> to vector<64x512xf32>
    %slice3A_66 = vector.extract_strided_slice %transpose3A {offsets = [1536, 0], sizes = [64, 512], strides = [1, 1]} : vector<1664x512xf32> to vector<64x512xf32>
    %slice3A_67 = vector.extract_strided_slice %transpose3A {offsets = [1600, 0], sizes = [64, 512], strides = [1, 1]} : vector<1664x512xf32> to vector<64x512xf32>
    %mul3A = arith.mulf %slice3A, %max3A_37 : vector<64x512xf32>
    %reduce_sum3A = arith.constant dense<0.000000e+00> : vector<512xf32>
    %reduce_sum3A_68 = vector.multi_reduction <add>, %mul3A, %reduce_sum3A [0] : vector<64x512xf32> to vector<512xf32>
    %broadcast_in_dim3A = vector.shape_cast %reduce_sum3A_68 : vector<512xf32> to vector<1x512xf32>
    %swap3A_69 = arith.constant 64 : index
    %swap3A_70 = arith.constant 0 : index
    %swap3A_71 = vector.load %arg18[%swap3A_69, %swap3A_70] : memref<416x512xf32, #tpu.memory_space<vmem>>, vector<1x512xf32>
    tpu.vector_store %arg18[%swap3A_69, %swap3A_70], %broadcast_in_dim3A {strides = array<i32>} : memref<416x512xf32, #tpu.memory_space<vmem>>, vector<1x512xf32>,
    %mul3A_72 = arith.mulf %slice3A_43, %max3A_37 : vector<64x512xf32>
    %reduce_sum3A_73 = arith.constant dense<0.000000e+00> : vector<512xf32>
    %reduce_sum3A_74 = vector.multi_reduction <add>, %mul3A_72, %reduce_sum3A_73 [0] : vector<64x512xf32> to vector<512xf32>
    %broadcast_in_dim3A_75 = vector.shape_cast %reduce_sum3A_74 : vector<512xf32> to vector<1x512xf32>
    %swap3A_76 = arith.constant 65 : index
    %swap3A_77 = arith.constant 0 : index
    %swap3A_78 = vector.load %arg18[%swap3A_76, %swap3A_77] : memref<416x512xf32, #tpu.memory_space<vmem>>, vector<1x512xf32>
    tpu.vector_store %arg18[%swap3A_76, %swap3A_77], %broadcast_in_dim3A_75 {strides = array<i32>} : memref<416x512xf32, #tpu.memory_space<vmem>>, vector<1x512xf32>,
    %mul3A_79 = arith.mulf %slice3A_43, %slice3A : vector<64x512xf32>
    %reduce_sum3A_80 = arith.constant dense<0.000000e+00> : vector<512xf32>
    %reduce_sum3A_81 = vector.multi_reduction <add>, %mul3A_79, %reduce_sum3A_80 [0] : vector<64x512xf32> to vector<512xf32>
    %broadcast_in_dim3A_82 = vector.shape_cast %reduce_sum3A_81 : vector<512xf32> to vector<1x512xf32>
    %swap3A_83 = arith.constant 66 : index
    %swap3A_84 = arith.constant 0 : index
    %swap3A_85 = vector.load %arg18[%swap3A_83, %swap3A_84] : memref<416x512xf32, #tpu.memory_space<vmem>>, vector<1x512xf32>
    tpu.vector_store %arg18[%swap3A_83, %swap3A_84], %broadcast_in_dim3A_82 {strides = array<i32>} : memref<416x512xf32, #tpu.memory_space<vmem>>, vector<1x512xf32>,
    %mul3A_86 = arith.mulf %slice3A_44, %max3A_37 : vector<64x512xf32>
    %reduce_sum3A_87 = arith.constant dense<0.000000e+00> : vector<512xf32>
    %reduce_sum3A_88 = vector.multi_reduction <add>, %mul3A_86, %reduce_sum3A_87 [0] : vector<64x512xf32> to vector<512xf32>
    %broadcast_in_dim3A_89 = vector.shape_cast %reduce_sum3A_88 : vector<512xf32> to vector<1x512xf32>
    %swap3A_90 = arith.constant 67 : index
    %swap3A_91 = arith.constant 0 : index
    %swap3A_92 = vector.load %arg18[%swap3A_90, %swap3A_91] : memref<416x512xf32, #tpu.memory_space<vmem>>, vector<1x512xf32>
    tpu.vector_store %arg18[%swap3A_90, %swap3A_91], %broadcast_in_dim3A_89 {strides = array<i32>} : memref<416x512xf32, #tpu.memory_space<vmem>>, vector<1x512xf32>,
    %mul3A_93 = arith.mulf %slice3A_44, %slice3A : vector<64x512xf32>
    %reduce_sum3A_94 = arith.constant dense<0.000000e+00> : vector<512xf32>
    %reduce_sum3A_95 = vector.multi_reduction <add>, %mul3A_93, %reduce_sum3A_94 [0] : vector<64x512xf32> to vector<512xf32>
    %broadcast_in_dim3A_96 = vector.shape_cast %reduce_sum3A_95 : vector<512xf32> to vector<1x512xf32>
    %swap3A_97 = arith.constant 68 : index
    %swap3A_98 = arith.constant 0 : index
    %swap3A_99 = vector.load %arg18[%swap3A_97, %swap3A_98] : memref<416x512xf32, #tpu.memory_space<vmem>>, vector<1x512xf32>
    tpu.vector_store %arg18[%swap3A_97, %swap3A_98], %broadcast_in_dim3A_96 {strides = array<i32>} : memref<416x512xf32, #tpu.memory_space<vmem>>, vector<1x512xf32>,
    %mul3A_100 = arith.mulf %slice3A_44, %slice3A_43 : vector<64x512xf32>
    %reduce_sum3A_101 = arith.constant dense<0.000000e+00> : vector<512xf32>
    %reduce_sum3A_102 = vector.multi_reduction <add>, %mul3A_100, %reduce_sum3A_101 [0] : vector<64x512xf32> to vector<512xf32>
    %broadcast_in_dim3A_103 = vector.shape_cast %reduce_sum3A_102 : vector<512xf32> to vector<1x512xf32>
    %swap3A_104 = arith.constant 69 : index
    %swap3A_105 = arith.constant 0 : index
    %swap3A_106 = vector.load %arg18[%swap3A_104, %swap3A_105] : memref<416x512xf32, #tpu.memory_space<vmem>>, vector<1x512xf32>
    tpu.vector_store %arg18[%swap3A_104, %swap3A_105], %broadcast_in_dim3A_103 {strides = array<i32>} : memref<416x512xf32, #tpu.memory_space<vmem>>, vector<1x512xf32>,
    %mul3A_107 = arith.mulf %slice3A_45, %max3A_37 : vector<64x512xf32>
    %reduce_sum3A_108 = arith.constant dense<0.000000e+00> : vector<512xf32>
    %reduce_sum3A_109 = vector.multi_reduction <add>, %mul3A_107, %reduce_sum3A_108 [0] : vector<64x512xf32> to vector<512xf32>
    %broadcast_in_dim3A_110 = vector.shape_cast %reduce_sum3A_109 : vector<512xf32> to vector<1x512xf32>
    %swap3A_111 = arith.constant 70 : index
    %swap3A_112 = arith.constant 0 : index
    %swap3A_113 = vector.load %arg18[%swap3A_111, %swap3A_112] : memref<416x512xf32, #tpu.memory_space<vmem>>, vector<1x512xf32>
    tpu.vector_store %arg18[%swap3A_111, %swap3A_112], %broadcast_in_dim3A_110 {strides = array<i32>} : memref<416x512xf32, #tpu.memory_space<vmem>>, vector<1x512xf32>,
    %mul3A_114 = arith.mulf %slice3A_45, %slice3A : vector<64x512xf32>
    %reduce_sum3A_115 = arith.constant dense<0.000000e+00> : vector<512xf32>
    %reduce_sum3A_116 = vector.multi_reduction <add>, %mul3A_114, %reduce_sum3A_115 [0] : vector<64x512xf32> to vector<512xf32>
    %broadcast_in_dim3A_117 = vector.shape_cast %reduce_sum3A_116 : vector<512xf32> to vector<1x512xf32>
    %swap3A_118 = arith.constant 71 : index
    %swap3A_119 = arith.constant 0 : index
    %swap3A_120 = vector.load %arg18[%swap3A_118, %swap3A_119] : memref<416x512xf32, #tpu.memory_space<vmem>>, vector<1x512xf32>
    tpu.vector_store %arg18[%swap3A_118, %swap3A_119], %broadcast_in_dim3A_117 {strides = array<i32>} : memref<416x512xf32, #tpu.memory_space<vmem>>, vector<1x512xf32>,
    %mul3A_121 = arith.mulf %slice3A_45, %slice3A_43 : vector<64x512xf32>
    %reduce_sum3A_122 = arith.constant dense<0.000000e+00> : vector<512xf32>
    %reduce_sum3A_123 = vector.multi_reduction <add>, %mul3A_121, %reduce_sum3A_122 [0] : vector<64x512xf32> to vector<512xf32>
    %broadcast_in_dim3A_124 = vector.shape_cast %reduce_sum3A_123 : vector<512xf32> to vector<1x512xf32>
    %swap3A_125 = arith.constant 72 : index
    %swap3A_126 = arith.constant 0 : index
    %swap3A_127 = vector.load %arg18[%swap3A_125, %swap3A_126] : memref<416x512xf32, #tpu.memory_space<vmem>>, vector<1x512xf32>
    tpu.vector_store %arg18[%swap3A_125, %swap3A_126], %broadcast_in_dim3A_124 {strides = array<i32>} : memref<416x512xf32, #tpu.memory_space<vmem>>, vector<1x512xf32>,
    %mul3A_128 = arith.mulf %slice3A_45, %slice3A_44 : vector<64x512xf32>
    %reduce_sum3A_129 = arith.constant dense<0.000000e+00> : vector<512xf32>
    %reduce_sum3A_130 = vector.multi_reduction <add>, %mul3A_128, %reduce_sum3A_129 [0] : vector<64x512xf32> to vector<512xf32>
    %broadcast_in_dim3A_131 = vector.shape_cast %reduce_sum3A_130 : vector<512xf32> to vector<1x512xf32>
    %swap3A_132 = arith.constant 73 : index
    %swap3A_133 = arith.constant 0 : index
    %swap3A_134 = vector.load %arg18[%swap3A_132, %swap3A_133] : memref<416x512xf32, #tpu.memory_space<vmem>>, vector<1x512xf32>
    tpu.vector_store %arg18[%swap3A_132, %swap3A_133], %broadcast_in_dim3A_131 {strides = array<i32>} : memref<416x512xf32, #tpu.memory_space<vmem>>, vector<1x512xf32>,
    %mul3A_135 = arith.mulf %slice3A_46, %max3A_37 : vector<64x512xf32>
    %reduce_sum3A_136 = arith.constant dense<0.000000e+00> : vector<512xf32>
    %reduce_sum3A_137 = vector.multi_reduction <add>, %mul3A_135, %reduce_sum3A_136 [0] : vector<64x512xf32> to vector<512xf32>
    %broadcast_in_dim3A_138 = vector.shape_cast %reduce_sum3A_137 : vector<512xf32> to vector<1x512xf32>
    %swap3A_139 = arith.constant 74 : index
    %swap3A_140 = arith.constant 0 : index
    %swap3A_141 = vector.load %arg18[%swap3A_139, %swap3A_140] : memref<416x512xf32, #tpu.memory_space<vmem>>, vector<1x512xf32>
    tpu.vector_store %arg18[%swap3A_139, %swap3A_140], %broadcast_in_dim3A_138 {strides = array<i32>} : memref<416x512xf32, #tpu.memory_space<vmem>>, vector<1x512xf32>,
    %mul3A_142 = arith.mulf %slice3A_46, %slice3A : vector<64x512xf32>
    %reduce_sum3A_143 = arith.constant dense<0.000000e+00> : vector<512xf32>
    %reduce_sum3A_144 = vector.multi_reduction <add>, %mul3A_142, %reduce_sum3A_143 [0] : vector<64x512xf32> to vector<512xf32>
    %broadcast_in_dim3A_145 = vector.shape_cast %reduce_sum3A_144 : vector<512xf32> to vector<1x512xf32>
    %swap3A_146 = arith.constant 75 : index
    %swap3A_147 = arith.constant 0 : index
    %swap3A_148 = vector.load %arg18[%swap3A_146, %swap3A_147] : memref<416x512xf32, #tpu.memory_space<vmem>>, vector<1x512xf32>
    tpu.vector_store %arg18[%swap3A_146, %swap3A_147], %broadcast_in_dim3A_145 {strides = array<i32>} : memref<416x512xf32, #tpu.memory_space<vmem>>, vector<1x512xf32>,
    %mul3A_149 = arith.mulf %slice3A_46, %slice3A_43 : vector<64x512xf32>
    %reduce_sum3A_150 = arith.constant dense<0.000000e+00> : vector<512xf32>
    %reduce_sum3A_151 = vector.multi_reduction <add>, %mul3A_149, %reduce_sum3A_150 [0] : vector<64x512xf32> to vector<512xf32>
    %broadcast_in_dim3A_152 = vector.shape_cast %reduce_sum3A_151 : vector<512xf32> to vector<1x512xf32>
    %swap3A_153 = arith.constant 76 : index
    %swap3A_154 = arith.constant 0 : index
    %swap3A_155 = vector.load %arg18[%swap3A_153, %swap3A_154] : memref<416x512xf32, #tpu.memory_space<vmem>>, vector<1x512xf32>
    tpu.vector_store %arg18[%swap3A_153, %swap3A_154], %broadcast_in_dim3A_152 {strides = array<i32>} : memref<416x512xf32, #tpu.memory_space<vmem>>, vector<1x512xf32>,
    %mul3A_156 = arith.mulf %slice3A_46, %slice3A_44 : vector<64x512xf32>
    %reduce_sum3A_157 = arith.constant dense<0.000000e+00> : vector<512xf32>
    %reduce_sum3A_158 = vector.multi_reduction <add>, %mul3A_156, %reduce_sum3A_157 [0] : vector<64x512xf32> to vector<512xf32>
    %broadcast_in_dim3A_159 = vector.shape_cast %reduce_sum3A_158 : vector<512xf32> to vector<1x512xf32>
    %swap3A_160 = arith.constant 77 : index
    %swap3A_161 = arith.constant 0 : index
    %swap3A_162 = vector.load %arg18[%swap3A_160, %swap3A_161] : memref<416x512xf32, #tpu.memory_space<vmem>>, vector<1x512xf32>
    tpu.vector_store %arg18[%swap3A_160, %swap3A_161], %broadcast_in_dim3A_159 {strides = array<i32>} : memref<416x512xf32, #tpu.memory_space<vmem>>, vector<1x512xf32>,
    %mul3A_163 = arith.mulf %slice3A_46, %slice3A_45 : vector<64x512xf32>
    %reduce_sum3A_164 = arith.constant dense<0.000000e+00> : vector<512xf32>
    %reduce_sum3A_165 = vector.multi_reduction <add>, %mul3A_163, %reduce_sum3A_164 [0] : vector<64x512xf32> to vector<512xf32>
    %broadcast_in_dim3A_166 = vector.shape_cast %reduce_sum3A_165 : vector<512xf32> to vector<1x512xf32>
    %swap3A_167 = arith.constant 78 : index
    %swap3A_168 = arith.constant 0 : index
    %swap3A_169 = vector.load %arg18[%swap3A_167, %swap3A_168] : memref<416x512xf32, #tpu.memory_space<vmem>>, vector<1x512xf32>
    tpu.vector_store %arg18[%swap3A_167, %swap3A_168], %broadcast_in_dim3A_166 {strides = array<i32>} : memref<416x512xf32, #tpu.memory_space<vmem>>, vector<1x512xf32>,
    %mul3A_170 = arith.mulf %slice3A_47, %max3A_37 : vector<64x512xf32>
    %reduce_sum3A_171 = arith.constant dense<0.000000e+00> : vector<512xf32>
    %reduce_sum3A_172 = vector.multi_reduction <add>, %mul3A_170, %reduce_sum3A_171 [0] : vector<64x512xf32> to vector<512xf32>
    %broadcast_in_dim3A_173 = vector.shape_cast %reduce_sum3A_172 : vector<512xf32> to vector<1x512xf32>
    %swap3A_174 = arith.constant 79 : index
    %swap3A_175 = arith.constant 0 : index
    %swap3A_176 = vector.load %arg18[%swap3A_174, %swap3A_175] : memref<416x512xf32, #tpu.memory_space<vmem>>, vector<1x512xf32>
    tpu.vector_store %arg18[%swap3A_174, %swap3A_175], %broadcast_in_dim3A_173 {strides = array<i32>} : memref<416x512xf32, #tpu.memory_space<vmem>>, vector<1x512xf32>,
    %mul3A_177 = arith.mulf %slice3A_47, %slice3A : vector<64x512xf32>
    %reduce_sum3A_178 = arith.constant dense<0.000000e+00> : vector<512xf32>
    %reduce_sum3A_179 = vector.multi_reduction <add>, %mul3A_177, %reduce_sum3A_178 [0] : vector<64x512xf32> to vector<512xf32>
    %broadcast_in_dim3A_180 = vector.shape_cast %reduce_sum3A_179 : vector<512xf32> to vector<1x512xf32>
    %swap3A_181 = arith.constant 80 : index
    %swap3A_182 = arith.constant 0 : index
    %swap3A_183 = vector.load %arg18[%swap3A_181, %swap3A_182] : memref<416x512xf32, #tpu.memory_space<vmem>>, vector<1x512xf32>
    tpu.vector_store %arg18[%swap3A_181, %swap3A_182], %broadcast_in_dim3A_180 {strides = array<i32>} : memref<416x512xf32, #tpu.memory_space<vmem>>, vector<1x512xf32>,
    %mul3A_184 = arith.mulf %slice3A_47, %slice3A_43 : vector<64x512xf32>
    %reduce_sum3A_185 = arith.constant dense<0.000000e+00> : vector<512xf32>
    %reduce_sum3A_186 = vector.multi_reduction <add>, %mul3A_184, %reduce_sum3A_185 [0] : vector<64x512xf32> to vector<512xf32>
    %broadcast_in_dim3A_187 = vector.shape_cast %reduce_sum3A_186 : vector<512xf32> to vector<1x512xf32>
    %swap3A_188 = arith.constant 81 : index
    %swap3A_189 = arith.constant 0 : index
    %swap3A_190 = vector.load %arg18[%swap3A_188, %swap3A_189] : memref<416x512xf32, #tpu.memory_space<vmem>>, vector<1x512xf32>
    tpu.vector_store %arg18[%swap3A_188, %swap3A_189], %broadcast_in_dim3A_187 {strides = array<i32>} : memref<416x512xf32, #tpu.memory_space<vmem>>, vector<1x512xf32>,
    %mul3A_191 = arith.mulf %slice3A_47, %slice3A_44 : vector<64x512xf32>
    %reduce_sum3A_192 = arith.constant dense<0.000000e+00> : vector<512xf32>
    %reduce_sum3A_193 = vector.multi_reduction <add>, %mul3A_191, %reduce_sum3A_192 [0] : vector<64x512xf32> to vector<512xf32>
    %broadcast_in_dim3A_194 = vector.shape_cast %reduce_sum3A_193 : vector<512xf32> to vector<1x512xf32>
    %swap3A_195 = arith.constant 82 : index
    %swap3A_196 = arith.constant 0 : index
    %swap3A_197 = vector.load %arg18[%swap3A_195, %swap3A_196] : memref<416x512xf32, #tpu.memory_space<vmem>>, vector<1x512xf32>
    tpu.vector_store %arg18[%swap3A_195, %swap3A_196], %broadcast_in_dim3A_194 {strides = array<i32>} : memref<416x512xf32, #tpu.memory_space<vmem>>, vector<1x512xf32>,
    %mul3A_198 = arith.mulf %slice3A_47, %slice3A_45 : vector<64x512xf32>
    %reduce_sum3A_199 = arith.constant dense<0.000000e+00> : vector<512xf32>
    %reduce_sum3A_200 = vector.multi_reduction <add>, %mul3A_198, %reduce_sum3A_199 [0] : vector<64x512xf32> to vector<512xf32>
    %broadcast_in_dim3A_201 = vector.shape_cast %reduce_sum3A_200 : vector<512xf32> to vector<1x512xf32>
    %swap3A_202 = arith.constant 83 : index
    %swap3A_203 = arith.constant 0 : index
    %swap3A_204 = vector.load %arg18[%swap3A_202, %swap3A_203] : memref<416x512xf32, #tpu.memory_space<vmem>>, vector<1x512xf32>
    tpu.vector_store %arg18[%swap3A_202, %swap3A_203], %broadcast_in_dim3A_201 {strides = array<i32>} : memref<416x512xf32, #tpu.memory_space<vmem>>, vector<1x512xf32>,
    %mul3A_205 = arith.mulf %slice3A_47, %slice3A_46 : vector<64x512xf32>
    %reduce_sum3A_206 = arith.constant dense<0.000000e+00> : vector<512xf32>
    %reduce_sum3A_207 = vector.multi_reduction <add>, %mul3A_205, %reduce_sum3A_206 [0] : vector<64x512xf32> to vector<512xf32>
    %broadcast_in_dim3A_208 = vector.shape_cast %reduce_sum3A_207 : vector<512xf32> to vector<1x512xf32>
    %swap3A_209 = arith.constant 84 : index
    %swap3A_210 = arith.constant 0 : index
    %swap3A_211 = vector.load %arg18[%swap3A_209, %swap3A_210] : memref<416x512xf32, #tpu.memory_space<vmem>>, vector<1x512xf32>
    tpu.vector_store %arg18[%swap3A_209, %swap3A_210], %broadcast_in_dim3A_208 {strides = array<i32>} : memref<416x512xf32, #tpu.memory_space<vmem>>, vector<1x512xf32>,
    %mul3A_212 = arith.mulf %slice3A_48, %max3A_37 : vector<64x512xf32>
    %reduce_sum3A_213 = arith.constant dense<0.000000e+00> : vector<512xf32>
    %reduce_sum3A_214 = vector.multi_reduction <add>, %mul3A_212, %reduce_sum3A_213 [0] : vector<64x512xf32> to vector<512xf32>
    %broadcast_in_dim3A_215 = vector.shape_cast %reduce_sum3A_214 : vector<512xf32> to vector<1x512xf32>
    %swap3A_216 = arith.constant 85 : index
    %swap3A_217 = arith.constant 0 : index
    %swap3A_218 = vector.load %arg18[%swap3A_216, %swap3A_217] : memref<416x512xf32, #tpu.memory_space<vmem>>, vector<1x512xf32>
    tpu.vector_store %arg18[%swap3A_216, %swap3A_217], %broadcast_in_dim3A_215 {strides = array<i32>} : memref<416x512xf32, #tpu.memory_space<vmem>>, vector<1x512xf32>,
    %mul3A_219 = arith.mulf %slice3A_48, %slice3A : vector<64x512xf32>
    %reduce_sum3A_220 = arith.constant dense<0.000000e+00> : vector<512xf32>
    %reduce_sum3A_221 = vector.multi_reduction <add>, %mul3A_219, %reduce_sum3A_220 [0] : vector<64x512xf32> to vector<512xf32>
    %broadcast_in_dim3A_222 = vector.shape_cast %reduce_sum3A_221 : vector<512xf32> to vector<1x512xf32>
    %swap3A_223 = arith.constant 86 : index
    %swap3A_224 = arith.constant 0 : index
    %swap3A_225 = vector.load %arg18[%swap3A_223, %swap3A_224] : memref<416x512xf32, #tpu.memory_space<vmem>>, vector<1x512xf32>
    tpu.vector_store %arg18[%swap3A_223, %swap3A_224], %broadcast_in_dim3A_222 {strides = array<i32>} : memref<416x512xf32, #tpu.memory_space<vmem>>, vector<1x512xf32>,
    %mul3A_226 = arith.mulf %slice3A_48, %slice3A_43 : vector<64x512xf32>
    %reduce_sum3A_227 = arith.constant dense<0.000000e+00> : vector<512xf32>
    %reduce_sum3A_228 = vector.multi_reduction <add>, %mul3A_226, %reduce_sum3A_227 [0] : vector<64x512xf32> to vector<512xf32>
    %broadcast_in_dim3A_229 = vector.shape_cast %reduce_sum3A_228 : vector<512xf32> to vector<1x512xf32>
    %swap3A_230 = arith.constant 87 : index
    %swap3A_231 = arith.constant 0 : index
    %swap3A_232 = vector.load %arg18[%swap3A_230, %swap3A_231] : memref<416x512xf32, #tpu.memory_space<vmem>>, vector<1x512xf32>
    tpu.vector_store %arg18[%swap3A_230, %swap3A_231], %broadcast_in_dim3A_229 {strides = array<i32>} : memref<416x512xf32, #tpu.memory_space<vmem>>, vector<1x512xf32>,
    %mul3A_233 = arith.mulf %slice3A_48, %slice3A_44 : vector<64x512xf32>
    %reduce_sum3A_234 = arith.constant dense<0.000000e+00> : vector<512xf32>
    %reduce_sum3A_235 = vector.multi_reduction <add>, %mul3A_233, %reduce_sum3A_234 [0] : vector<64x512xf32> to vector<512xf32>
    %broadcast_in_dim3A_236 = vector.shape_cast %reduce_sum3A_235 : vector<512xf32> to vector<1x512xf32>
    %swap3A_237 = arith.constant 88 : index
    %swap3A_238 = arith.constant 0 : index
    %swap3A_239 = vector.load %arg18[%swap3A_237, %swap3A_238] : memref<416x512xf32, #tpu.memory_space<vmem>>, vector<1x512xf32>
    tpu.vector_store %arg18[%swap3A_237, %swap3A_238], %broadcast_in_dim3A_236 {strides = array<i32>} : memref<416x512xf32, #tpu.memory_space<vmem>>, vector<1x512xf32>,
    %mul3A_240 = arith.mulf %slice3A_48, %slice3A_45 : vector<64x512xf32>
    %reduce_sum3A_241 = arith.constant dense<0.000000e+00> : vector<512xf32>
    %reduce_sum3A_242 = vector.multi_reduction <add>, %mul3A_240, %reduce_sum3A_241 [0] : vector<64x512xf32> to vector<512xf32>
    %broadcast_in_dim3A_243 = vector.shape_cast %reduce_sum3A_242 : vector<512xf32> to vector<1x512xf32>
    %swap3A_244 = arith.constant 89 : index
    %swap3A_245 = arith.constant 0 : index
    %swap3A_246 = vector.load %arg18[%swap3A_244, %swap3A_245] : memref<416x512xf32, #tpu.memory_space<vmem>>, vector<1x512xf32>
    tpu.vector_store %arg18[%swap3A_244, %swap3A_245], %broadcast_in_dim3A_243 {strides = array<i32>} : memref<416x512xf32, #tpu.memory_space<vmem>>, vector<1x512xf32>,
    %mul3A_247 = arith.mulf %slice3A_48, %slice3A_46 : vector<64x512xf32>
    %reduce_sum3A_248 = arith.constant dense<0.000000e+00> : vector<512xf32>
    %reduce_sum3A_249 = vector.multi_reduction <add>, %mul3A_247, %reduce_sum3A_248 [0] : vector<64x512xf32> to vector<512xf32>
    %broadcast_in_dim3A_250 = vector.shape_cast %reduce_sum3A_249 : vector<512xf32> to vector<1x512xf32>
    %swap3A_251 = arith.constant 90 : index
    %swap3A_252 = arith.constant 0 : index
    %swap3A_253 = vector.load %arg18[%swap3A_251, %swap3A_252] : memref<416x512xf32, #tpu.memory_space<vmem>>, vector<1x512xf32>
    tpu.vector_store %arg18[%swap3A_251, %swap3A_252], %broadcast_in_dim3A_250 {strides = array<i32>} : memref<416x512xf32, #tpu.memory_space<vmem>>, vector<1x512xf32>,
    %mul3A_254 = arith.mulf %slice3A_48, %slice3A_47 : vector<64x512xf32>
    %reduce_sum3A_255 = arith.constant dense<0.000000e+00> : vector<512xf32>
    %reduce_sum3A_256 = vector.multi_reduction <add>, %mul3A_254, %reduce_sum3A_255 [0] : vector<64x512xf32> to vector<512xf32>
    %broadcast_in_dim3A_257 = vector.shape_cast %reduce_sum3A_256 : vector<512xf32> to vector<1x512xf32>
    %swap3A_258 = arith.constant 91 : index
    %swap3A_259 = arith.constant 0 : index
    %swap3A_260 = vector.load %arg18[%swap3A_258, %swap3A_259] : memref<416x512xf32, #tpu.memory_space<vmem>>, vector<1x512xf32>
    tpu.vector_store %arg18[%swap3A_258, %swap3A_259], %broadcast_in_dim3A_257 {strides = array<i32>} : memref<416x512xf32, #tpu.memory_space<vmem>>, vector<1x512xf32>,
    %mul3A_261 = arith.mulf %slice3A_49, %max3A_37 : vector<64x512xf32>
    %reduce_sum3A_262 = arith.constant dense<0.000000e+00> : vector<512xf32>
    %reduce_sum3A_263 = vector.multi_reduction <add>, %mul3A_261, %reduce_sum3A_262 [0] : vector<64x512xf32> to vector<512xf32>
    %broadcast_in_dim3A_264 = vector.shape_cast %reduce_sum3A_263 : vector<512xf32> to vector<1x512xf32>
    %swap3A_265 = arith.constant 92 : index
    %swap3A_266 = arith.constant 0 : index
    %swap3A_267 = vector.load %arg18[%swap3A_265, %swap3A_266] : memref<416x512xf32, #tpu.memory_space<vmem>>, vector<1x512xf32>
    tpu.vector_store %arg18[%swap3A_265, %swap3A_266], %broadcast_in_dim3A_264 {strides = array<i32>} : memref<416x512xf32, #tpu.memory_space<vmem>>, vector<1x512xf32>,
    %mul3A_268 = arith.mulf %slice3A_49, %slice3A : vector<64x512xf32>
    %reduce_sum3A_269 = arith.constant dense<0.000000e+00> : vector<512xf32>
    %reduce_sum3A_270 = vector.multi_reduction <add>, %mul3A_268, %reduce_sum3A_269 [0] : vector<64x512xf32> to vector<512xf32>
    %broadcast_in_dim3A_271 = vector.shape_cast %reduce_sum3A_270 : vector<512xf32> to vector<1x512xf32>
    %swap3A_272 = arith.constant 93 : index
    %swap3A_273 = arith.constant 0 : index
    %swap3A_274 = vector.load %arg18[%swap3A_272, %swap3A_273] : memref<416x512xf32, #tpu.memory_space<vmem>>, vector<1x512xf32>
    tpu.vector_store %arg18[%swap3A_272, %swap3A_273], %broadcast_in_dim3A_271 {strides = array<i32>} : memref<416x512xf32, #tpu.memory_space<vmem>>, vector<1x512xf32>,
    %mul3A_275 = arith.mulf %slice3A_49, %slice3A_43 : vector<64x512xf32>
    %reduce_sum3A_276 = arith.constant dense<0.000000e+00> : vector<512xf32>
    %reduce_sum3A_277 = vector.multi_reduction <add>, %mul3A_275, %reduce_sum3A_276 [0] : vector<64x512xf32> to vector<512xf32>
    %broadcast_in_dim3A_278 = vector.shape_cast %reduce_sum3A_277 : vector<512xf32> to vector<1x512xf32>
    %swap3A_279 = arith.constant 94 : index
    %swap3A_280 = arith.constant 0 : index
    %swap3A_281 = vector.load %arg18[%swap3A_279, %swap3A_280] : memref<416x512xf32, #tpu.memory_space<vmem>>, vector<1x512xf32>
    tpu.vector_store %arg18[%swap3A_279, %swap3A_280], %broadcast_in_dim3A_278 {strides = array<i32>} : memref<416x512xf32, #tpu.memory_space<vmem>>, vector<1x512xf32>,
    %mul3A_282 = arith.mulf %slice3A_49, %slice3A_44 : vector<64x512xf32>
    %reduce_sum3A_283 = arith.constant dense<0.000000e+00> : vector<512xf32>
    %reduce_sum3A_284 = vector.multi_reduction <add>, %mul3A_282, %reduce_sum3A_283 [0] : vector<64x512xf32> to vector<512xf32>
    %broadcast_in_dim3A_285 = vector.shape_cast %reduce_sum3A_284 : vector<512xf32> to vector<1x512xf32>
    %swap3A_286 = arith.constant 95 : index
    %swap3A_287 = arith.constant 0 : index
    %swap3A_288 = vector.load %arg18[%swap3A_286, %swap3A_287] : memref<416x512xf32, #tpu.memory_space<vmem>>, vector<1x512xf32>
    tpu.vector_store %arg18[%swap3A_286, %swap3A_287], %broadcast_in_dim3A_285 {strides = array<i32>} : memref<416x512xf32, #tpu.memory_space<vmem>>, vector<1x512xf32>,
    %mul3A_289 = arith.mulf %slice3A_49, %slice3A_45 : vector<64x512xf32>
    %reduce_sum3A_290 = arith.constant dense<0.000000e+00> : vector<512xf32>
    %reduce_sum3A_291 = vector.multi_reduction <add>, %mul3A_289, %reduce_sum3A_290 [0] : vector<64x512xf32> to vector<512xf32>
    %broadcast_in_dim3A_292 = vector.shape_cast %reduce_sum3A_291 : vector<512xf32> to vector<1x512xf32>
    %swap3A_293 = arith.constant 96 : index
    %swap3A_294 = arith.constant 0 : index
    %swap3A_295 = vector.load %arg18[%swap3A_293, %swap3A_294] : memref<416x512xf32, #tpu.memory_space<vmem>>, vector<1x512xf32>
    tpu.vector_store %arg18[%swap3A_293, %swap3A_294], %broadcast_in_dim3A_292 {strides = array<i32>} : memref<416x512xf32, #tpu.memory_space<vmem>>, vector<1x512xf32>,
    %mul3A_296 = arith.mulf %slice3A_49, %slice3A_46 : vector<64x512xf32>
    %reduce_sum3A_297 = arith.constant dense<0.000000e+00> : vector<512xf32>
    %reduce_sum3A_298 = vector.multi_reduction <add>, %mul3A_296, %reduce_sum3A_297 [0] : vector<64x512xf32> to vector<512xf32>
    %broadcast_in_dim3A_299 = vector.shape_cast %reduce_sum3A_298 : vector<512xf32> to vector<1x512xf32>
    %swap3A_300 = arith.constant 97 : index
    %swap3A_301 = arith.constant 0 : index
    %swap3A_302 = vector.load %arg18[%swap3A_300, %swap3A_301] : memref<416x512xf32, #tpu.memory_space<vmem>>, vector<1x512xf32>
    tpu.vector_store %arg18[%swap3A_300, %swap3A_301], %broadcast_in_dim3A_299 {strides = array<i32>} : memref<416x512xf32, #tpu.memory_space<vmem>>, vector<1x512xf32>,
    %mul3A_303 = arith.mulf %slice3A_49, %slice3A_47 : vector<64x512xf32>
    %reduce_sum3A_304 = arith.constant dense<0.000000e+00> : vector<512xf32>
    %reduce_sum3A_305 = vector.multi_reduction <add>, %mul3A_303, %reduce_sum3A_304 [0] : vector<64x512xf32> to vector<512xf32>
    %broadcast_in_dim3A_306 = vector.shape_cast %reduce_sum3A_305 : vector<512xf32> to vector<1x512xf32>
    %swap3A_307 = arith.constant 98 : index
    %swap3A_308 = arith.constant 0 : index
    %swap3A_309 = vector.load %arg18[%swap3A_307, %swap3A_308] : memref<416x512xf32, #tpu.memory_space<vmem>>, vector<1x512xf32>
    tpu.vector_store %arg18[%swap3A_307, %swap3A_308], %broadcast_in_dim3A_306 {strides = array<i32>} : memref<416x512xf32, #tpu.memory_space<vmem>>, vector<1x512xf32>,
    %mul3A_310 = arith.mulf %slice3A_49, %slice3A_48 : vector<64x512xf32>
    %reduce_sum3A_311 = arith.constant dense<0.000000e+00> : vector<512xf32>
    %reduce_sum3A_312 = vector.multi_reduction <add>, %mul3A_310, %reduce_sum3A_311 [0] : vector<64x512xf32> to vector<512xf32>
    %broadcast_in_dim3A_313 = vector.shape_cast %reduce_sum3A_312 : vector<512xf32> to vector<1x512xf32>
    %swap3A_314 = arith.constant 99 : index
    %swap3A_315 = arith.constant 0 : index
    %swap3A_316 = vector.load %arg18[%swap3A_314, %swap3A_315] : memref<416x512xf32, #tpu.memory_space<vmem>>, vector<1x512xf32>
    tpu.vector_store %arg18[%swap3A_314, %swap3A_315], %broadcast_in_dim3A_313 {strides = array<i32>} : memref<416x512xf32, #tpu.memory_space<vmem>>, vector<1x512xf32>,
    %mul3A_317 = arith.mulf %slice3A_50, %max3A_37 : vector<64x512xf32>
    %reduce_sum3A_318 = arith.constant dense<0.000000e+00> : vector<512xf32>
    %reduce_sum3A_319 = vector.multi_reduction <add>, %mul3A_317, %reduce_sum3A_318 [0] : vector<64x512xf32> to vector<512xf32>
    %broadcast_in_dim3A_320 = vector.shape_cast %reduce_sum3A_319 : vector<512xf32> to vector<1x512xf32>
    %swap3A_321 = arith.constant 100 : index
    %swap3A_322 = arith.constant 0 : index
    %swap3A_323 = vector.load %arg18[%swap3A_321, %swap3A_322] : memref<416x512xf32, #tpu.memory_space<vmem>>, vector<1x512xf32>
    tpu.vector_store %arg18[%swap3A_321, %swap3A_322], %broadcast_in_dim3A_320 {strides = array<i32>} : memref<416x512xf32, #tpu.memory_space<vmem>>, vector<1x512xf32>,
    %mul3A_324 = arith.mulf %slice3A_50, %slice3A : vector<64x512xf32>
    %reduce_sum3A_325 = arith.constant dense<0.000000e+00> : vector<512xf32>
    %reduce_sum3A_326 = vector.multi_reduction <add>, %mul3A_324, %reduce_sum3A_325 [0] : vector<64x512xf32> to vector<512xf32>
    %broadcast_in_dim3A_327 = vector.shape_cast %reduce_sum3A_326 : vector<512xf32> to vector<1x512xf32>
    %swap3A_328 = arith.constant 101 : index
    %swap3A_329 = arith.constant 0 : index
    %swap3A_330 = vector.load %arg18[%swap3A_328, %swap3A_329] : memref<416x512xf32, #tpu.memory_space<vmem>>, vector<1x512xf32>
    tpu.vector_store %arg18[%swap3A_328, %swap3A_329], %broadcast_in_dim3A_327 {strides = array<i32>} : memref<416x512xf32, #tpu.memory_space<vmem>>, vector<1x512xf32>,
    %mul3A_331 = arith.mulf %slice3A_50, %slice3A_43 : vector<64x512xf32>
    %reduce_sum3A_332 = arith.constant dense<0.000000e+00> : vector<512xf32>
    %reduce_sum3A_333 = vector.multi_reduction <add>, %mul3A_331, %reduce_sum3A_332 [0] : vector<64x512xf32> to vector<512xf32>
    %broadcast_in_dim3A_334 = vector.shape_cast %reduce_sum3A_333 : vector<512xf32> to vector<1x512xf32>
    %swap3A_335 = arith.constant 102 : index
    %swap3A_336 = arith.constant 0 : index
    %swap3A_337 = vector.load %arg18[%swap3A_335, %swap3A_336] : memref<416x512xf32, #tpu.memory_space<vmem>>, vector<1x512xf32>
    tpu.vector_store %arg18[%swap3A_335, %swap3A_336], %broadcast_in_dim3A_334 {strides = array<i32>} : memref<416x512xf32, #tpu.memory_space<vmem>>, vector<1x512xf32>,
    %mul3A_338 = arith.mulf %slice3A_50, %slice3A_44 : vector<64x512xf32>
    %reduce_sum3A_339 = arith.constant dense<0.000000e+00> : vector<512xf32>
    %reduce_sum3A_340 = vector.multi_reduction <add>, %mul3A_338, %reduce_sum3A_339 [0] : vector<64x512xf32> to vector<512xf32>
    %broadcast_in_dim3A_341 = vector.shape_cast %reduce_sum3A_340 : vector<512xf32> to vector<1x512xf32>
    %swap3A_342 = arith.constant 103 : index
    %swap3A_343 = arith.constant 0 : index
    %swap3A_344 = vector.load %arg18[%swap3A_342, %swap3A_343] : memref<416x512xf32, #tpu.memory_space<vmem>>, vector<1x512xf32>
    tpu.vector_store %arg18[%swap3A_342, %swap3A_343], %broadcast_in_dim3A_341 {strides = array<i32>} : memref<416x512xf32, #tpu.memory_space<vmem>>, vector<1x512xf32>,
    %mul3A_345 = arith.mulf %slice3A_50, %slice3A_45 : vector<64x512xf32>
    %reduce_sum3A_346 = arith.constant dense<0.000000e+00> : vector<512xf32>
    %reduce_sum3A_347 = vector.multi_reduction <add>, %mul3A_345, %reduce_sum3A_346 [0] : vector<64x512xf32> to vector<512xf32>
    %broadcast_in_dim3A_348 = vector.shape_cast %reduce_sum3A_347 : vector<512xf32> to vector<1x512xf32>
    %swap3A_349 = arith.constant 104 : index
    %swap3A_350 = arith.constant 0 : index
    %swap3A_351 = vector.load %arg18[%swap3A_349, %swap3A_350] : memref<416x512xf32, #tpu.memory_space<vmem>>, vector<1x512xf32>
    tpu.vector_store %arg18[%swap3A_349, %swap3A_350], %broadcast_in_dim3A_348 {strides = array<i32>} : memref<416x512xf32, #tpu.memory_space<vmem>>, vector<1x512xf32>,
    %mul3A_352 = arith.mulf %slice3A_50, %slice3A_46 : vector<64x512xf32>
    %reduce_sum3A_353 = arith.constant dense<0.000000e+00> : vector<512xf32>
    %reduce_sum3A_354 = vector.multi_reduction <add>, %mul3A_352, %reduce_sum3A_353 [0] : vector<64x512xf32> to vector<512xf32>
    %broadcast_in_dim3A_355 = vector.shape_cast %reduce_sum3A_354 : vector<512xf32> to vector<1x512xf32>
    %swap3A_356 = arith.constant 105 : index
    %swap3A_357 = arith.constant 0 : index
    %swap3A_358 = vector.load %arg18[%swap3A_356, %swap3A_357] : memref<416x512xf32, #tpu.memory_space<vmem>>, vector<1x512xf32>
    tpu.vector_store %arg18[%swap3A_356, %swap3A_357], %broadcast_in_dim3A_355 {strides = array<i32>} : memref<416x512xf32, #tpu.memory_space<vmem>>, vector<1x512xf32>,
    %mul3A_359 = arith.mulf %slice3A_50, %slice3A_47 : vector<64x512xf32>
    %reduce_sum3A_360 = arith.constant dense<0.000000e+00> : vector<512xf32>
    %reduce_sum3A_361 = vector.multi_reduction <add>, %mul3A_359, %reduce_sum3A_360 [0] : vector<64x512xf32> to vector<512xf32>
    %broadcast_in_dim3A_362 = vector.shape_cast %reduce_sum3A_361 : vector<512xf32> to vector<1x512xf32>
    %swap3A_363 = arith.constant 106 : index
    %swap3A_364 = arith.constant 0 : index
    %swap3A_365 = vector.load %arg18[%swap3A_363, %swap3A_364] : memref<416x512xf32, #tpu.memory_space<vmem>>, vector<1x512xf32>
    tpu.vector_store %arg18[%swap3A_363, %swap3A_364], %broadcast_in_dim3A_362 {strides = array<i32>} : memref<416x512xf32, #tpu.memory_space<vmem>>, vector<1x512xf32>,
    %mul3A_366 = arith.mulf %slice3A_50, %slice3A_48 : vector<64x512xf32>
    %reduce_sum3A_367 = arith.constant dense<0.000000e+00> : vector<512xf32>
    %reduce_sum3A_368 = vector.multi_reduction <add>, %mul3A_366, %reduce_sum3A_367 [0] : vector<64x512xf32> to vector<512xf32>
    %broadcast_in_dim3A_369 = vector.shape_cast %reduce_sum3A_368 : vector<512xf32> to vector<1x512xf32>
    %swap3A_370 = arith.constant 107 : index
    %swap3A_371 = arith.constant 0 : index
    %swap3A_372 = vector.load %arg18[%swap3A_370, %swap3A_371] : memref<416x512xf32, #tpu.memory_space<vmem>>, vector<1x512xf32>
    tpu.vector_store %arg18[%swap3A_370, %swap3A_371], %broadcast_in_dim3A_369 {strides = array<i32>} : memref<416x512xf32, #tpu.memory_space<vmem>>, vector<1x512xf32>,
    %mul3A_373 = arith.mulf %slice3A_50, %slice3A_49 : vector<64x512xf32>
    %reduce_sum3A_374 = arith.constant dense<0.000000e+00> : vector<512xf32>
    %reduce_sum3A_375 = vector.multi_reduction <add>, %mul3A_373, %reduce_sum3A_374 [0] : vector<64x512xf32> to vector<512xf32>
    %broadcast_in_dim3A_376 = vector.shape_cast %reduce_sum3A_375 : vector<512xf32> to vector<1x512xf32>
    %swap3A_377 = arith.constant 108 : index
    %swap3A_378 = arith.constant 0 : index
    %swap3A_379 = vector.load %arg18[%swap3A_377, %swap3A_378] : memref<416x512xf32, #tpu.memory_space<vmem>>, vector<1x512xf32>
    tpu.vector_store %arg18[%swap3A_377, %swap3A_378], %broadcast_in_dim3A_376 {strides = array<i32>} : memref<416x512xf32, #tpu.memory_space<vmem>>, vector<1x512xf32>,
    %mul3A_380 = arith.mulf %slice3A_51, %max3A_37 : vector<64x512xf32>
    %reduce_sum3A_381 = arith.constant dense<0.000000e+00> : vector<512xf32>
    %reduce_sum3A_382 = vector.multi_reduction <add>, %mul3A_380, %reduce_sum3A_381 [0] : vector<64x512xf32> to vector<512xf32>
    %broadcast_in_dim3A_383 = vector.shape_cast %reduce_sum3A_382 : vector<512xf32> to vector<1x512xf32>
    %swap3A_384 = arith.constant 109 : index
    %swap3A_385 = arith.constant 0 : index
    %swap3A_386 = vector.load %arg18[%swap3A_384, %swap3A_385] : memref<416x512xf32, #tpu.memory_space<vmem>>, vector<1x512xf32>
    tpu.vector_store %arg18[%swap3A_384, %swap3A_385], %broadcast_in_dim3A_383 {strides = array<i32>} : memref<416x512xf32, #tpu.memory_space<vmem>>, vector<1x512xf32>,
    %mul3A_387 = arith.mulf %slice3A_51, %slice3A : vector<64x512xf32>
    %reduce_sum3A_388 = arith.constant dense<0.000000e+00> : vector<512xf32>
    %reduce_sum3A_389 = vector.multi_reduction <add>, %mul3A_387, %reduce_sum3A_388 [0] : vector<64x512xf32> to vector<512xf32>
    %broadcast_in_dim3A_390 = vector.shape_cast %reduce_sum3A_389 : vector<512xf32> to vector<1x512xf32>
    %swap3A_391 = arith.constant 110 : index
    %swap3A_392 = arith.constant 0 : index
    %swap3A_393 = vector.load %arg18[%swap3A_391, %swap3A_392] : memref<416x512xf32, #tpu.memory_space<vmem>>, vector<1x512xf32>
    tpu.vector_store %arg18[%swap3A_391, %swap3A_392], %broadcast_in_dim3A_390 {strides = array<i32>} : memref<416x512xf32, #tpu.memory_space<vmem>>, vector<1x512xf32>,
    %mul3A_394 = arith.mulf %slice3A_51, %slice3A_43 : vector<64x512xf32>
    %reduce_sum3A_395 = arith.constant dense<0.000000e+00> : vector<512xf32>
    %reduce_sum3A_396 = vector.multi_reduction <add>, %mul3A_394, %reduce_sum3A_395 [0] : vector<64x512xf32> to vector<512xf32>
    %broadcast_in_dim3A_397 = vector.shape_cast %reduce_sum3A_396 : vector<512xf32> to vector<1x512xf32>
    %swap3A_398 = arith.constant 111 : index
    %swap3A_399 = arith.constant 0 : index
    %swap3A_400 = vector.load %arg18[%swap3A_398, %swap3A_399] : memref<416x512xf32, #tpu.memory_space<vmem>>, vector<1x512xf32>
    tpu.vector_store %arg18[%swap3A_398, %swap3A_399], %broadcast_in_dim3A_397 {strides = array<i32>} : memref<416x512xf32, #tpu.memory_space<vmem>>, vector<1x512xf32>,
    %mul3A_401 = arith.mulf %slice3A_51, %slice3A_44 : vector<64x512xf32>
    %reduce_sum3A_402 = arith.constant dense<0.000000e+00> : vector<512xf32>
    %reduce_sum3A_403 = vector.multi_reduction <add>, %mul3A_401, %reduce_sum3A_402 [0] : vector<64x512xf32> to vector<512xf32>
    %broadcast_in_dim3A_404 = vector.shape_cast %reduce_sum3A_403 : vector<512xf32> to vector<1x512xf32>
    %swap3A_405 = arith.constant 112 : index
    %swap3A_406 = arith.constant 0 : index
    %swap3A_407 = vector.load %arg18[%swap3A_405, %swap3A_406] : memref<416x512xf32, #tpu.memory_space<vmem>>, vector<1x512xf32>
    tpu.vector_store %arg18[%swap3A_405, %swap3A_406], %broadcast_in_dim3A_404 {strides = array<i32>} : memref<416x512xf32, #tpu.memory_space<vmem>>, vector<1x512xf32>,
    %mul3A_408 = arith.mulf %slice3A_51, %slice3A_45 : vector<64x512xf32>
    %reduce_sum3A_409 = arith.constant dense<0.000000e+00> : vector<512xf32>
    %reduce_sum3A_410 = vector.multi_reduction <add>, %mul3A_408, %reduce_sum3A_409 [0] : vector<64x512xf32> to vector<512xf32>
    %broadcast_in_dim3A_411 = vector.shape_cast %reduce_sum3A_410 : vector<512xf32> to vector<1x512xf32>
    %swap3A_412 = arith.constant 113 : index
    %swap3A_413 = arith.constant 0 : index
    %swap3A_414 = vector.load %arg18[%swap3A_412, %swap3A_413] : memref<416x512xf32, #tpu.memory_space<vmem>>, vector<1x512xf32>
    tpu.vector_store %arg18[%swap3A_412, %swap3A_413], %broadcast_in_dim3A_411 {strides = array<i32>} : memref<416x512xf32, #tpu.memory_space<vmem>>, vector<1x512xf32>,
    %mul3A_415 = arith.mulf %slice3A_51, %slice3A_46 : vector<64x512xf32>
    %reduce_sum3A_416 = arith.constant dense<0.000000e+00> : vector<512xf32>
    %reduce_sum3A_417 = vector.multi_reduction <add>, %mul3A_415, %reduce_sum3A_416 [0] : vector<64x512xf32> to vector<512xf32>
    %broadcast_in_dim3A_418 = vector.shape_cast %reduce_sum3A_417 : vector<512xf32> to vector<1x512xf32>
    %swap3A_419 = arith.constant 114 : index
    %swap3A_420 = arith.constant 0 : index
    %swap3A_421 = vector.load %arg18[%swap3A_419, %swap3A_420] : memref<416x512xf32, #tpu.memory_space<vmem>>, vector<1x512xf32>
    tpu.vector_store %arg18[%swap3A_419, %swap3A_420], %broadcast_in_dim3A_418 {strides = array<i32>} : memref<416x512xf32, #tpu.memory_space<vmem>>, vector<1x512xf32>,
    %mul3A_422 = arith.mulf %slice3A_51, %slice3A_47 : vector<64x512xf32>
    %reduce_sum3A_423 = arith.constant dense<0.000000e+00> : vector<512xf32>
    %reduce_sum3A_424 = vector.multi_reduction <add>, %mul3A_422, %reduce_sum3A_423 [0] : vector<64x512xf32> to vector<512xf32>
    %broadcast_in_dim3A_425 = vector.shape_cast %reduce_sum3A_424 : vector<512xf32> to vector<1x512xf32>
    %swap3A_426 = arith.constant 115 : index
    %swap3A_427 = arith.constant 0 : index
    %swap3A_428 = vector.load %arg18[%swap3A_426, %swap3A_427] : memref<416x512xf32, #tpu.memory_space<vmem>>, vector<1x512xf32>
    tpu.vector_store %arg18[%swap3A_426, %swap3A_427], %broadcast_in_dim3A_425 {strides = array<i32>} : memref<416x512xf32, #tpu.memory_space<vmem>>, vector<1x512xf32>,
    %mul3A_429 = arith.mulf %slice3A_51, %slice3A_48 : vector<64x512xf32>
    %reduce_sum3A_430 = arith.constant dense<0.000000e+00> : vector<512xf32>
    %reduce_sum3A_431 = vector.multi_reduction <add>, %mul3A_429, %reduce_sum3A_430 [0] : vector<64x512xf32> to vector<512xf32>
    %broadcast_in_dim3A_432 = vector.shape_cast %reduce_sum3A_431 : vector<512xf32> to vector<1x512xf32>
    %swap3A_433 = arith.constant 116 : index
    %swap3A_434 = arith.constant 0 : index
    %swap3A_435 = vector.load %arg18[%swap3A_433, %swap3A_434] : memref<416x512xf32, #tpu.memory_space<vmem>>, vector<1x512xf32>
    tpu.vector_store %arg18[%swap3A_433, %swap3A_434], %broadcast_in_dim3A_432 {strides = array<i32>} : memref<416x512xf32, #tpu.memory_space<vmem>>, vector<1x512xf32>,
    %mul3A_436 = arith.mulf %slice3A_51, %slice3A_49 : vector<64x512xf32>
    %reduce_sum3A_437 = arith.constant dense<0.000000e+00> : vector<512xf32>
    %reduce_sum3A_438 = vector.multi_reduction <add>, %mul3A_436, %reduce_sum3A_437 [0] : vector<64x512xf32> to vector<512xf32>
    %broadcast_in_dim3A_439 = vector.shape_cast %reduce_sum3A_438 : vector<512xf32> to vector<1x512xf32>
    %swap3A_440 = arith.constant 117 : index
    %swap3A_441 = arith.constant 0 : index
    %swap3A_442 = vector.load %arg18[%swap3A_440, %swap3A_441] : memref<416x512xf32, #tpu.memory_space<vmem>>, vector<1x512xf32>
    tpu.vector_store %arg18[%swap3A_440, %swap3A_441], %broadcast_in_dim3A_439 {strides = array<i32>} : memref<416x512xf32, #tpu.memory_space<vmem>>, vector<1x512xf32>,
    %mul3A_443 = arith.mulf %slice3A_51, %slice3A_50 : vector<64x512xf32>
    %reduce_sum3A_444 = arith.constant dense<0.000000e+00> : vector<512xf32>
    %reduce_sum3A_445 = vector.multi_reduction <add>, %mul3A_443, %reduce_sum3A_444 [0] : vector<64x512xf32> to vector<512xf32>
    %broadcast_in_dim3A_446 = vector.shape_cast %reduce_sum3A_445 : vector<512xf32> to vector<1x512xf32>
    %swap3A_447 = arith.constant 118 : index
    %swap3A_448 = arith.constant 0 : index
    %swap3A_449 = vector.load %arg18[%swap3A_447, %swap3A_448] : memref<416x512xf32, #tpu.memory_space<vmem>>, vector<1x512xf32>
    tpu.vector_store %arg18[%swap3A_447, %swap3A_448], %broadcast_in_dim3A_446 {strides = array<i32>} : memref<416x512xf32, #tpu.memory_space<vmem>>, vector<1x512xf32>,
    %mul3A_450 = arith.mulf %slice3A_52, %max3A_37 : vector<64x512xf32>
    %reduce_sum3A_451 = arith.constant dense<0.000000e+00> : vector<512xf32>
    %reduce_sum3A_452 = vector.multi_reduction <add>, %mul3A_450, %reduce_sum3A_451 [0] : vector<64x512xf32> to vector<512xf32>
    %broadcast_in_dim3A_453 = vector.shape_cast %reduce_sum3A_452 : vector<512xf32> to vector<1x512xf32>
    %swap3A_454 = arith.constant 119 : index
    %swap3A_455 = arith.constant 0 : index
    %swap3A_456 = vector.load %arg18[%swap3A_454, %swap3A_455] : memref<416x512xf32, #tpu.memory_space<vmem>>, vector<1x512xf32>
    tpu.vector_store %arg18[%swap3A_454, %swap3A_455], %broadcast_in_dim3A_453 {strides = array<i32>} : memref<416x512xf32, #tpu.memory_space<vmem>>, vector<1x512xf32>,
    %mul3A_457 = arith.mulf %slice3A_52, %slice3A : vector<64x512xf32>
    %reduce_sum3A_458 = arith.constant dense<0.000000e+00> : vector<512xf32>
    %reduce_sum3A_459 = vector.multi_reduction <add>, %mul3A_457, %reduce_sum3A_458 [0] : vector<64x512xf32> to vector<512xf32>
    %broadcast_in_dim3A_460 = vector.shape_cast %reduce_sum3A_459 : vector<512xf32> to vector<1x512xf32>
    %swap3A_461 = arith.constant 120 : index
    %swap3A_462 = arith.constant 0 : index
    %swap3A_463 = vector.load %arg18[%swap3A_461, %swap3A_462] : memref<416x512xf32, #tpu.memory_space<vmem>>, vector<1x512xf32>
    tpu.vector_store %arg18[%swap3A_461, %swap3A_462], %broadcast_in_dim3A_460 {strides = array<i32>} : memref<416x512xf32, #tpu.memory_space<vmem>>, vector<1x512xf32>,
    %mul3A_464 = arith.mulf %slice3A_52, %slice3A_43 : vector<64x512xf32>
    %reduce_sum3A_465 = arith.constant dense<0.000000e+00> : vector<512xf32>
    %reduce_sum3A_466 = vector.multi_reduction <add>, %mul3A_464, %reduce_sum3A_465 [0] : vector<64x512xf32> to vector<512xf32>
    %broadcast_in_dim3A_467 = vector.shape_cast %reduce_sum3A_466 : vector<512xf32> to vector<1x512xf32>
    %swap3A_468 = arith.constant 121 : index
    %swap3A_469 = arith.constant 0 : index
    %swap3A_470 = vector.load %arg18[%swap3A_468, %swap3A_469] : memref<416x512xf32, #tpu.memory_space<vmem>>, vector<1x512xf32>
    tpu.vector_store %arg18[%swap3A_468, %swap3A_469], %broadcast_in_dim3A_467 {strides = array<i32>} : memref<416x512xf32, #tpu.memory_space<vmem>>, vector<1x512xf32>,
    %mul3A_471 = arith.mulf %slice3A_52, %slice3A_44 : vector<64x512xf32>
    %reduce_sum3A_472 = arith.constant dense<0.000000e+00> : vector<512xf32>
    %reduce_sum3A_473 = vector.multi_reduction <add>, %mul3A_471, %reduce_sum3A_472 [0] : vector<64x512xf32> to vector<512xf32>
    %broadcast_in_dim3A_474 = vector.shape_cast %reduce_sum3A_473 : vector<512xf32> to vector<1x512xf32>
    %swap3A_475 = arith.constant 122 : index
    %swap3A_476 = arith.constant 0 : index
    %swap3A_477 = vector.load %arg18[%swap3A_475, %swap3A_476] : memref<416x512xf32, #tpu.memory_space<vmem>>, vector<1x512xf32>
    tpu.vector_store %arg18[%swap3A_475, %swap3A_476], %broadcast_in_dim3A_474 {strides = array<i32>} : memref<416x512xf32, #tpu.memory_space<vmem>>, vector<1x512xf32>,
    %mul3A_478 = arith.mulf %slice3A_52, %slice3A_45 : vector<64x512xf32>
    %reduce_sum3A_479 = arith.constant dense<0.000000e+00> : vector<512xf32>
    %reduce_sum3A_480 = vector.multi_reduction <add>, %mul3A_478, %reduce_sum3A_479 [0] : vector<64x512xf32> to vector<512xf32>
    %broadcast_in_dim3A_481 = vector.shape_cast %reduce_sum3A_480 : vector<512xf32> to vector<1x512xf32>
    %swap3A_482 = arith.constant 123 : index
    %swap3A_483 = arith.constant 0 : index
    %swap3A_484 = vector.load %arg18[%swap3A_482, %swap3A_483] : memref<416x512xf32, #tpu.memory_space<vmem>>, vector<1x512xf32>
    tpu.vector_store %arg18[%swap3A_482, %swap3A_483], %broadcast_in_dim3A_481 {strides = array<i32>} : memref<416x512xf32, #tpu.memory_space<vmem>>, vector<1x512xf32>,
    %mul3A_485 = arith.mulf %slice3A_52, %slice3A_46 : vector<64x512xf32>
    %reduce_sum3A_486 = arith.constant dense<0.000000e+00> : vector<512xf32>
    %reduce_sum3A_487 = vector.multi_reduction <add>, %mul3A_485, %reduce_sum3A_486 [0] : vector<64x512xf32> to vector<512xf32>
    %broadcast_in_dim3A_488 = vector.shape_cast %reduce_sum3A_487 : vector<512xf32> to vector<1x512xf32>
    %swap3A_489 = arith.constant 124 : index
    %swap3A_490 = arith.constant 0 : index
    %swap3A_491 = vector.load %arg18[%swap3A_489, %swap3A_490] : memref<416x512xf32, #tpu.memory_space<vmem>>, vector<1x512xf32>
    tpu.vector_store %arg18[%swap3A_489, %swap3A_490], %broadcast_in_dim3A_488 {strides = array<i32>} : memref<416x512xf32, #tpu.memory_space<vmem>>, vector<1x512xf32>,
    %mul3A_492 = arith.mulf %slice3A_52, %slice3A_47 : vector<64x512xf32>
    %reduce_sum3A_493 = arith.constant dense<0.000000e+00> : vector<512xf32>
    %reduce_sum3A_494 = vector.multi_reduction <add>, %mul3A_492, %reduce_sum3A_493 [0] : vector<64x512xf32> to vector<512xf32>
    %broadcast_in_dim3A_495 = vector.shape_cast %reduce_sum3A_494 : vector<512xf32> to vector<1x512xf32>
    %swap3A_496 = arith.constant 125 : index
    %swap3A_497 = arith.constant 0 : index
    %swap3A_498 = vector.load %arg18[%swap3A_496, %swap3A_497] : memref<416x512xf32, #tpu.memory_space<vmem>>, vector<1x512xf32>
    tpu.vector_store %arg18[%swap3A_496, %swap3A_497], %broadcast_in_dim3A_495 {strides = array<i32>} : memref<416x512xf32, #tpu.memory_space<vmem>>, vector<1x512xf32>,
    %mul3A_499 = arith.mulf %slice3A_52, %slice3A_48 : vector<64x512xf32>
    %reduce_sum3A_500 = arith.constant dense<0.000000e+00> : vector<512xf32>
    %reduce_sum3A_501 = vector.multi_reduction <add>, %mul3A_499, %reduce_sum3A_500 [0] : vector<64x512xf32> to vector<512xf32>
    %broadcast_in_dim3A_502 = vector.shape_cast %reduce_sum3A_501 : vector<512xf32> to vector<1x512xf32>
    %swap3A_503 = arith.constant 126 : index
    %swap3A_504 = arith.constant 0 : index
    %swap3A_505 = vector.load %arg18[%swap3A_503, %swap3A_504] : memref<416x512xf32, #tpu.memory_space<vmem>>, vector<1x512xf32>
    tpu.vector_store %arg18[%swap3A_503, %swap3A_504], %broadcast_in_dim3A_502 {strides = array<i32>} : memref<416x512xf32, #tpu.memory_space<vmem>>, vector<1x512xf32>,
    %mul3A_506 = arith.mulf %slice3A_52, %slice3A_49 : vector<64x512xf32>
    %reduce_sum3A_507 = arith.constant dense<0.000000e+00> : vector<512xf32>
    %reduce_sum3A_508 = vector.multi_reduction <add>, %mul3A_506, %reduce_sum3A_507 [0] : vector<64x512xf32> to vector<512xf32>
    %broadcast_in_dim3A_509 = vector.shape_cast %reduce_sum3A_508 : vector<512xf32> to vector<1x512xf32>
    %swap3A_510 = arith.constant 127 : index
    %swap3A_511 = arith.constant 0 : index
    %swap3A_512 = vector.load %arg18[%swap3A_510, %swap3A_511] : memref<416x512xf32, #tpu.memory_space<vmem>>, vector<1x512xf32>
    tpu.vector_store %arg18[%swap3A_510, %swap3A_511], %broadcast_in_dim3A_509 {strides = array<i32>} : memref<416x512xf32, #tpu.memory_space<vmem>>, vector<1x512xf32>,
    %mul3A_513 = arith.mulf %slice3A_52, %slice3A_50 : vector<64x512xf32>
    %reduce_sum3A_514 = arith.constant dense<0.000000e+00> : vector<512xf32>
    %reduce_sum3A_515 = vector.multi_reduction <add>, %mul3A_513, %reduce_sum3A_514 [0] : vector<64x512xf32> to vector<512xf32>
    %broadcast_in_dim3A_516 = vector.shape_cast %reduce_sum3A_515 : vector<512xf32> to vector<1x512xf32>
    %swap3A_517 = arith.constant 128 : index
    %swap3A_518 = arith.constant 0 : index
    %swap3A_519 = vector.load %arg18[%swap3A_517, %swap3A_518] : memref<416x512xf32, #tpu.memory_space<vmem>>, vector<1x512xf32>
    tpu.vector_store %arg18[%swap3A_517, %swap3A_518], %broadcast_in_dim3A_516 {strides = array<i32>} : memref<416x512xf32, #tpu.memory_space<vmem>>, vector<1x512xf32>,
    %mul3A_520 = arith.mulf %slice3A_52, %slice3A_51 : vector<64x512xf32>
    %reduce_sum3A_521 = arith.constant dense<0.000000e+00> : vector<512xf32>
    %reduce_sum3A_522 = vector.multi_reduction <add>, %mul3A_520, %reduce_sum3A_521 [0] : vector<64x512xf32> to vector<512xf32>
    %broadcast_in_dim3A_523 = vector.shape_cast %reduce_sum3A_522 : vector<512xf32> to vector<1x512xf32>
    %swap3A_524 = arith.constant 129 : index
    %swap3A_525 = arith.constant 0 : index
    %swap3A_526 = vector.load %arg18[%swap3A_524, %swap3A_525] : memref<416x512xf32, #tpu.memory_space<vmem>>, vector<1x512xf32>
    tpu.vector_store %arg18[%swap3A_524, %swap3A_525], %broadcast_in_dim3A_523 {strides = array<i32>} : memref<416x512xf32, #tpu.memory_space<vmem>>, vector<1x512xf32>,
    %mul3A_527 = arith.mulf %slice3A_53, %max3A_37 : vector<64x512xf32>
    %reduce_sum3A_528 = arith.constant dense<0.000000e+00> : vector<512xf32>
    %reduce_sum3A_529 = vector.multi_reduction <add>, %mul3A_527, %reduce_sum3A_528 [0] : vector<64x512xf32> to vector<512xf32>
    %broadcast_in_dim3A_530 = vector.shape_cast %reduce_sum3A_529 : vector<512xf32> to vector<1x512xf32>
    %swap3A_531 = arith.constant 130 : index
    %swap3A_532 = arith.constant 0 : index
    %swap3A_533 = vector.load %arg18[%swap3A_531, %swap3A_532] : memref<416x512xf32, #tpu.memory_space<vmem>>, vector<1x512xf32>
    tpu.vector_store %arg18[%swap3A_531, %swap3A_532], %broadcast_in_dim3A_530 {strides = array<i32>} : memref<416x512xf32, #tpu.memory_space<vmem>>, vector<1x512xf32>,
    %mul3A_534 = arith.mulf %slice3A_53, %slice3A : vector<64x512xf32>
    %reduce_sum3A_535 = arith.constant dense<0.000000e+00> : vector<512xf32>
    %reduce_sum3A_536 = vector.multi_reduction <add>, %mul3A_534, %reduce_sum3A_535 [0] : vector<64x512xf32> to vector<512xf32>
    %broadcast_in_dim3A_537 = vector.shape_cast %reduce_sum3A_536 : vector<512xf32> to vector<1x512xf32>
    %swap3A_538 = arith.constant 131 : index
    %swap3A_539 = arith.constant 0 : index
    %swap3A_540 = vector.load %arg18[%swap3A_538, %swap3A_539] : memref<416x512xf32, #tpu.memory_space<vmem>>, vector<1x512xf32>
    tpu.vector_store %arg18[%swap3A_538, %swap3A_539], %broadcast_in_dim3A_537 {strides = array<i32>} : memref<416x512xf32, #tpu.memory_space<vmem>>, vector<1x512xf32>,
    %mul3A_541 = arith.mulf %slice3A_53, %slice3A_43 : vector<64x512xf32>
    %reduce_sum3A_542 = arith.constant dense<0.000000e+00> : vector<512xf32>
    %reduce_sum3A_543 = vector.multi_reduction <add>, %mul3A_541, %reduce_sum3A_542 [0] : vector<64x512xf32> to vector<512xf32>
    %broadcast_in_dim3A_544 = vector.shape_cast %reduce_sum3A_543 : vector<512xf32> to vector<1x512xf32>
    %swap3A_545 = arith.constant 132 : index
    %swap3A_546 = arith.constant 0 : index
    %swap3A_547 = vector.load %arg18[%swap3A_545, %swap3A_546] : memref<416x512xf32, #tpu.memory_space<vmem>>, vector<1x512xf32>
    tpu.vector_store %arg18[%swap3A_545, %swap3A_546], %broadcast_in_dim3A_544 {strides = array<i32>} : memref<416x512xf32, #tpu.memory_space<vmem>>, vector<1x512xf32>,
    %mul3A_548 = arith.mulf %slice3A_53, %slice3A_44 : vector<64x512xf32>
    %reduce_sum3A_549 = arith.constant dense<0.000000e+00> : vector<512xf32>
    %reduce_sum3A_550 = vector.multi_reduction <add>, %mul3A_548, %reduce_sum3A_549 [0] : vector<64x512xf32> to vector<512xf32>
    %broadcast_in_dim3A_551 = vector.shape_cast %reduce_sum3A_550 : vector<512xf32> to vector<1x512xf32>
    %swap3A_552 = arith.constant 133 : index
    %swap3A_553 = arith.constant 0 : index
    %swap3A_554 = vector.load %arg18[%swap3A_552, %swap3A_553] : memref<416x512xf32, #tpu.memory_space<vmem>>, vector<1x512xf32>
    tpu.vector_store %arg18[%swap3A_552, %swap3A_553], %broadcast_in_dim3A_551 {strides = array<i32>} : memref<416x512xf32, #tpu.memory_space<vmem>>, vector<1x512xf32>,
    %mul3A_555 = arith.mulf %slice3A_53, %slice3A_45 : vector<64x512xf32>
    %reduce_sum3A_556 = arith.constant dense<0.000000e+00> : vector<512xf32>
    %reduce_sum3A_557 = vector.multi_reduction <add>, %mul3A_555, %reduce_sum3A_556 [0] : vector<64x512xf32> to vector<512xf32>
    %broadcast_in_dim3A_558 = vector.shape_cast %reduce_sum3A_557 : vector<512xf32> to vector<1x512xf32>
    %swap3A_559 = arith.constant 134 : index
    %swap3A_560 = arith.constant 0 : index
    %swap3A_561 = vector.load %arg18[%swap3A_559, %swap3A_560] : memref<416x512xf32, #tpu.memory_space<vmem>>, vector<1x512xf32>
    tpu.vector_store %arg18[%swap3A_559, %swap3A_560], %broadcast_in_dim3A_558 {strides = array<i32>} : memref<416x512xf32, #tpu.memory_space<vmem>>, vector<1x512xf32>,
    %mul3A_562 = arith.mulf %slice3A_53, %slice3A_46 : vector<64x512xf32>
    %reduce_sum3A_563 = arith.constant dense<0.000000e+00> : vector<512xf32>
    %reduce_sum3A_564 = vector.multi_reduction <add>, %mul3A_562, %reduce_sum3A_563 [0] : vector<64x512xf32> to vector<512xf32>
    %broadcast_in_dim3A_565 = vector.shape_cast %reduce_sum3A_564 : vector<512xf32> to vector<1x512xf32>
    %swap3A_566 = arith.constant 135 : index
    %swap3A_567 = arith.constant 0 : index
    %swap3A_568 = vector.load %arg18[%swap3A_566, %swap3A_567] : memref<416x512xf32, #tpu.memory_space<vmem>>, vector<1x512xf32>
    tpu.vector_store %arg18[%swap3A_566, %swap3A_567], %broadcast_in_dim3A_565 {strides = array<i32>} : memref<416x512xf32, #tpu.memory_space<vmem>>, vector<1x512xf32>,
    %mul3A_569 = arith.mulf %slice3A_53, %slice3A_47 : vector<64x512xf32>
    %reduce_sum3A_570 = arith.constant dense<0.000000e+00> : vector<512xf32>
    %reduce_sum3A_571 = vector.multi_reduction <add>, %mul3A_569, %reduce_sum3A_570 [0] : vector<64x512xf32> to vector<512xf32>
    %broadcast_in_dim3A_572 = vector.shape_cast %reduce_sum3A_571 : vector<512xf32> to vector<1x512xf32>
    %swap3A_573 = arith.constant 136 : index
    %swap3A_574 = arith.constant 0 : index
    %swap3A_575 = vector.load %arg18[%swap3A_573, %swap3A_574] : memref<416x512xf32, #tpu.memory_space<vmem>>, vector<1x512xf32>
    tpu.vector_store %arg18[%swap3A_573, %swap3A_574], %broadcast_in_dim3A_572 {strides = array<i32>} : memref<416x512xf32, #tpu.memory_space<vmem>>, vector<1x512xf32>,
    %mul3A_576 = arith.mulf %slice3A_53, %slice3A_48 : vector<64x512xf32>
    %reduce_sum3A_577 = arith.constant dense<0.000000e+00> : vector<512xf32>
    %reduce_sum3A_578 = vector.multi_reduction <add>, %mul3A_576, %reduce_sum3A_577 [0] : vector<64x512xf32> to vector<512xf32>
    %broadcast_in_dim3A_579 = vector.shape_cast %reduce_sum3A_578 : vector<512xf32> to vector<1x512xf32>
    %swap3A_580 = arith.constant 137 : index
    %swap3A_581 = arith.constant 0 : index
    %swap3A_582 = vector.load %arg18[%swap3A_580, %swap3A_581] : memref<416x512xf32, #tpu.memory_space<vmem>>, vector<1x512xf32>
    tpu.vector_store %arg18[%swap3A_580, %swap3A_581], %broadcast_in_dim3A_579 {strides = array<i32>} : memref<416x512xf32, #tpu.memory_space<vmem>>, vector<1x512xf32>,
    %mul3A_583 = arith.mulf %slice3A_53, %slice3A_49 : vector<64x512xf32>
    %reduce_sum3A_584 = arith.constant dense<0.000000e+00> : vector<512xf32>
    %reduce_sum3A_585 = vector.multi_reduction <add>, %mul3A_583, %reduce_sum3A_584 [0] : vector<64x512xf32> to vector<512xf32>
    %broadcast_in_dim3A_586 = vector.shape_cast %reduce_sum3A_585 : vector<512xf32> to vector<1x512xf32>
    %swap3A_587 = arith.constant 138 : index
    %swap3A_588 = arith.constant 0 : index
    %swap3A_589 = vector.load %arg18[%swap3A_587, %swap3A_588] : memref<416x512xf32, #tpu.memory_space<vmem>>, vector<1x512xf32>
    tpu.vector_store %arg18[%swap3A_587, %swap3A_588], %broadcast_in_dim3A_586 {strides = array<i32>} : memref<416x512xf32, #tpu.memory_space<vmem>>, vector<1x512xf32>,
    %mul3A_590 = arith.mulf %slice3A_53, %slice3A_50 : vector<64x512xf32>
    %reduce_sum3A_591 = arith.constant dense<0.000000e+00> : vector<512xf32>
    %reduce_sum3A_592 = vector.multi_reduction <add>, %mul3A_590, %reduce_sum3A_591 [0] : vector<64x512xf32> to vector<512xf32>
    %broadcast_in_dim3A_593 = vector.shape_cast %reduce_sum3A_592 : vector<512xf32> to vector<1x512xf32>
    %swap3A_594 = arith.constant 139 : index
    %swap3A_595 = arith.constant 0 : index
    %swap3A_596 = vector.load %arg18[%swap3A_594, %swap3A_595] : memref<416x512xf32, #tpu.memory_space<vmem>>, vector<1x512xf32>
    tpu.vector_store %arg18[%swap3A_594, %swap3A_595], %broadcast_in_dim3A_593 {strides = array<i32>} : memref<416x512xf32, #tpu.memory_space<vmem>>, vector<1x512xf32>,
    %mul3A_597 = arith.mulf %slice3A_53, %slice3A_51 : vector<64x512xf32>
    %reduce_sum3A_598 = arith.constant dense<0.000000e+00> : vector<512xf32>
    %reduce_sum3A_599 = vector.multi_reduction <add>, %mul3A_597, %reduce_sum3A_598 [0] : vector<64x512xf32> to vector<512xf32>
    %broadcast_in_dim3A_600 = vector.shape_cast %reduce_sum3A_599 : vector<512xf32> to vector<1x512xf32>
    %swap3A_601 = arith.constant 140 : index
    %swap3A_602 = arith.constant 0 : index
    %swap3A_603 = vector.load %arg18[%swap3A_601, %swap3A_602] : memref<416x512xf32, #tpu.memory_space<vmem>>, vector<1x512xf32>
    tpu.vector_store %arg18[%swap3A_601, %swap3A_602], %broadcast_in_dim3A_600 {strides = array<i32>} : memref<416x512xf32, #tpu.memory_space<vmem>>, vector<1x512xf32>,
    %mul3A_604 = arith.mulf %slice3A_53, %slice3A_52 : vector<64x512xf32>
    %reduce_sum3A_605 = arith.constant dense<0.000000e+00> : vector<512xf32>
    %reduce_sum3A_606 = vector.multi_reduction <add>, %mul3A_604, %reduce_sum3A_605 [0] : vector<64x512xf32> to vector<512xf32>
    %broadcast_in_dim3A_607 = vector.shape_cast %reduce_sum3A_606 : vector<512xf32> to vector<1x512xf32>
    %swap3A_608 = arith.constant 141 : index
    %swap3A_609 = arith.constant 0 : index
    %swap3A_610 = vector.load %arg18[%swap3A_608, %swap3A_609] : memref<416x512xf32, #tpu.memory_space<vmem>>, vector<1x512xf32>
    tpu.vector_store %arg18[%swap3A_608, %swap3A_609], %broadcast_in_dim3A_607 {strides = array<i32>} : memref<416x512xf32, #tpu.memory_space<vmem>>, vector<1x512xf32>,
    %mul3A_611 = arith.mulf %slice3A_54, %max3A_37 : vector<64x512xf32>
    %reduce_sum3A_612 = arith.constant dense<0.000000e+00> : vector<512xf32>
    %reduce_sum3A_613 = vector.multi_reduction <add>, %mul3A_611, %reduce_sum3A_612 [0] : vector<64x512xf32> to vector<512xf32>
    %broadcast_in_dim3A_614 = vector.shape_cast %reduce_sum3A_613 : vector<512xf32> to vector<1x512xf32>
    %swap3A_615 = arith.constant 142 : index
    %swap3A_616 = arith.constant 0 : index
    %swap3A_617 = vector.load %arg18[%swap3A_615, %swap3A_616] : memref<416x512xf32, #tpu.memory_space<vmem>>, vector<1x512xf32>
    tpu.vector_store %arg18[%swap3A_615, %swap3A_616], %broadcast_in_dim3A_614 {strides = array<i32>} : memref<416x512xf32, #tpu.memory_space<vmem>>, vector<1x512xf32>,
    %mul3A_618 = arith.mulf %slice3A_54, %slice3A : vector<64x512xf32>
    %reduce_sum3A_619 = arith.constant dense<0.000000e+00> : vector<512xf32>
    %reduce_sum3A_620 = vector.multi_reduction <add>, %mul3A_618, %reduce_sum3A_619 [0] : vector<64x512xf32> to vector<512xf32>
    %broadcast_in_dim3A_621 = vector.shape_cast %reduce_sum3A_620 : vector<512xf32> to vector<1x512xf32>
    %swap3A_622 = arith.constant 143 : index
    %swap3A_623 = arith.constant 0 : index
    %swap3A_624 = vector.load %arg18[%swap3A_622, %swap3A_623] : memref<416x512xf32, #tpu.memory_space<vmem>>, vector<1x512xf32>
    tpu.vector_store %arg18[%swap3A_622, %swap3A_623], %broadcast_in_dim3A_621 {strides = array<i32>} : memref<416x512xf32, #tpu.memory_space<vmem>>, vector<1x512xf32>,
    %mul3A_625 = arith.mulf %slice3A_54, %slice3A_43 : vector<64x512xf32>
    %reduce_sum3A_626 = arith.constant dense<0.000000e+00> : vector<512xf32>
    %reduce_sum3A_627 = vector.multi_reduction <add>, %mul3A_625, %reduce_sum3A_626 [0] : vector<64x512xf32> to vector<512xf32>
    %broadcast_in_dim3A_628 = vector.shape_cast %reduce_sum3A_627 : vector<512xf32> to vector<1x512xf32>
    %swap3A_629 = arith.constant 144 : index
    %swap3A_630 = arith.constant 0 : index
    %swap3A_631 = vector.load %arg18[%swap3A_629, %swap3A_630] : memref<416x512xf32, #tpu.memory_space<vmem>>, vector<1x512xf32>
    tpu.vector_store %arg18[%swap3A_629, %swap3A_630], %broadcast_in_dim3A_628 {strides = array<i32>} : memref<416x512xf32, #tpu.memory_space<vmem>>, vector<1x512xf32>,
    %mul3A_632 = arith.mulf %slice3A_54, %slice3A_44 : vector<64x512xf32>
    %reduce_sum3A_633 = arith.constant dense<0.000000e+00> : vector<512xf32>
    %reduce_sum3A_634 = vector.multi_reduction <add>, %mul3A_632, %reduce_sum3A_633 [0] : vector<64x512xf32> to vector<512xf32>
    %broadcast_in_dim3A_635 = vector.shape_cast %reduce_sum3A_634 : vector<512xf32> to vector<1x512xf32>
    %swap3A_636 = arith.constant 145 : index
    %swap3A_637 = arith.constant 0 : index
    %swap3A_638 = vector.load %arg18[%swap3A_636, %swap3A_637] : memref<416x512xf32, #tpu.memory_space<vmem>>, vector<1x512xf32>
    tpu.vector_store %arg18[%swap3A_636, %swap3A_637], %broadcast_in_dim3A_635 {strides = array<i32>} : memref<416x512xf32, #tpu.memory_space<vmem>>, vector<1x512xf32>,
    %mul3A_639 = arith.mulf %slice3A_54, %slice3A_45 : vector<64x512xf32>
    %reduce_sum3A_640 = arith.constant dense<0.000000e+00> : vector<512xf32>
    %reduce_sum3A_641 = vector.multi_reduction <add>, %mul3A_639, %reduce_sum3A_640 [0] : vector<64x512xf32> to vector<512xf32>
    %broadcast_in_dim3A_642 = vector.shape_cast %reduce_sum3A_641 : vector<512xf32> to vector<1x512xf32>
    %swap3A_643 = arith.constant 146 : index
    %swap3A_644 = arith.constant 0 : index
    %swap3A_645 = vector.load %arg18[%swap3A_643, %swap3A_644] : memref<416x512xf32, #tpu.memory_space<vmem>>, vector<1x512xf32>
    tpu.vector_store %arg18[%swap3A_643, %swap3A_644], %broadcast_in_dim3A_642 {strides = array<i32>} : memref<416x512xf32, #tpu.memory_space<vmem>>, vector<1x512xf32>,
    %mul3A_646 = arith.mulf %slice3A_54, %slice3A_46 : vector<64x512xf32>
    %reduce_sum3A_647 = arith.constant dense<0.000000e+00> : vector<512xf32>
    %reduce_sum3A_648 = vector.multi_reduction <add>, %mul3A_646, %reduce_sum3A_647 [0] : vector<64x512xf32> to vector<512xf32>
    %broadcast_in_dim3A_649 = vector.shape_cast %reduce_sum3A_648 : vector<512xf32> to vector<1x512xf32>
    %swap3A_650 = arith.constant 147 : index
    %swap3A_651 = arith.constant 0 : index
    %swap3A_652 = vector.load %arg18[%swap3A_650, %swap3A_651] : memref<416x512xf32, #tpu.memory_space<vmem>>, vector<1x512xf32>
    tpu.vector_store %arg18[%swap3A_650, %swap3A_651], %broadcast_in_dim3A_649 {strides = array<i32>} : memref<416x512xf32, #tpu.memory_space<vmem>>, vector<1x512xf32>,
    %mul3A_653 = arith.mulf %slice3A_54, %slice3A_47 : vector<64x512xf32>
    %reduce_sum3A_654 = arith.constant dense<0.000000e+00> : vector<512xf32>
    %reduce_sum3A_655 = vector.multi_reduction <add>, %mul3A_653, %reduce_sum3A_654 [0] : vector<64x512xf32> to vector<512xf32>
    %broadcast_in_dim3A_656 = vector.shape_cast %reduce_sum3A_655 : vector<512xf32> to vector<1x512xf32>
    %swap3A_657 = arith.constant 148 : index
    %swap3A_658 = arith.constant 0 : index
    %swap3A_659 = vector.load %arg18[%swap3A_657, %swap3A_658] : memref<416x512xf32, #tpu.memory_space<vmem>>, vector<1x512xf32>
    tpu.vector_store %arg18[%swap3A_657, %swap3A_658], %broadcast_in_dim3A_656 {strides = array<i32>} : memref<416x512xf32, #tpu.memory_space<vmem>>, vector<1x512xf32>,
    %mul3A_660 = arith.mulf %slice3A_54, %slice3A_48 : vector<64x512xf32>
    %reduce_sum3A_661 = arith.constant dense<0.000000e+00> : vector<512xf32>
    %reduce_sum3A_662 = vector.multi_reduction <add>, %mul3A_660, %reduce_sum3A_661 [0] : vector<64x512xf32> to vector<512xf32>
    %broadcast_in_dim3A_663 = vector.shape_cast %reduce_sum3A_662 : vector<512xf32> to vector<1x512xf32>
    %swap3A_664 = arith.constant 149 : index
    %swap3A_665 = arith.constant 0 : index
    %swap3A_666 = vector.load %arg18[%swap3A_664, %swap3A_665] : memref<416x512xf32, #tpu.memory_space<vmem>>, vector<1x512xf32>
    tpu.vector_store %arg18[%swap3A_664, %swap3A_665], %broadcast_in_dim3A_663 {strides = array<i32>} : memref<416x512xf32, #tpu.memory_space<vmem>>, vector<1x512xf32>,
    %mul3A_667 = arith.mulf %slice3A_54, %slice3A_49 : vector<64x512xf32>
    %reduce_sum3A_668 = arith.constant dense<0.000000e+00> : vector<512xf32>
    %reduce_sum3A_669 = vector.multi_reduction <add>, %mul3A_667, %reduce_sum3A_668 [0] : vector<64x512xf32> to vector<512xf32>
    %broadcast_in_dim3A_670 = vector.shape_cast %reduce_sum3A_669 : vector<512xf32> to vector<1x512xf32>
    %swap3A_671 = arith.constant 150 : index
    %swap3A_672 = arith.constant 0 : index
    %swap3A_673 = vector.load %arg18[%swap3A_671, %swap3A_672] : memref<416x512xf32, #tpu.memory_space<vmem>>, vector<1x512xf32>
    tpu.vector_store %arg18[%swap3A_671, %swap3A_672], %broadcast_in_dim3A_670 {strides = array<i32>} : memref<416x512xf32, #tpu.memory_space<vmem>>, vector<1x512xf32>,
    %mul3A_674 = arith.mulf %slice3A_54, %slice3A_50 : vector<64x512xf32>
    %reduce_sum3A_675 = arith.constant dense<0.000000e+00> : vector<512xf32>
    %reduce_sum3A_676 = vector.multi_reduction <add>, %mul3A_674, %reduce_sum3A_675 [0] : vector<64x512xf32> to vector<512xf32>
    %broadcast_in_dim3A_677 = vector.shape_cast %reduce_sum3A_676 : vector<512xf32> to vector<1x512xf32>
    %swap3A_678 = arith.constant 151 : index
    %swap3A_679 = arith.constant 0 : index
    %swap3A_680 = vector.load %arg18[%swap3A_678, %swap3A_679] : memref<416x512xf32, #tpu.memory_space<vmem>>, vector<1x512xf32>
    tpu.vector_store %arg18[%swap3A_678, %swap3A_679], %broadcast_in_dim3A_677 {strides = array<i32>} : memref<416x512xf32, #tpu.memory_space<vmem>>, vector<1x512xf32>,
    %mul3A_681 = arith.mulf %slice3A_54, %slice3A_51 : vector<64x512xf32>
    %reduce_sum3A_682 = arith.constant dense<0.000000e+00> : vector<512xf32>
    %reduce_sum3A_683 = vector.multi_reduction <add>, %mul3A_681, %reduce_sum3A_682 [0] : vector<64x512xf32> to vector<512xf32>
    %broadcast_in_dim3A_684 = vector.shape_cast %reduce_sum3A_683 : vector<512xf32> to vector<1x512xf32>
    %swap3A_685 = arith.constant 152 : index
    %swap3A_686 = arith.constant 0 : index
    %swap3A_687 = vector.load %arg18[%swap3A_685, %swap3A_686] : memref<416x512xf32, #tpu.memory_space<vmem>>, vector<1x512xf32>
    tpu.vector_store %arg18[%swap3A_685, %swap3A_686], %broadcast_in_dim3A_684 {strides = array<i32>} : memref<416x512xf32, #tpu.memory_space<vmem>>, vector<1x512xf32>,
    %mul3A_688 = arith.mulf %slice3A_54, %slice3A_52 : vector<64x512xf32>
    %reduce_sum3A_689 = arith.constant dense<0.000000e+00> : vector<512xf32>
    %reduce_sum3A_690 = vector.multi_reduction <add>, %mul3A_688, %reduce_sum3A_689 [0] : vector<64x512xf32> to vector<512xf32>
    %broadcast_in_dim3A_691 = vector.shape_cast %reduce_sum3A_690 : vector<512xf32> to vector<1x512xf32>
    %swap3A_692 = arith.constant 153 : index
    %swap3A_693 = arith.constant 0 : index
    %swap3A_694 = vector.load %arg18[%swap3A_692, %swap3A_693] : memref<416x512xf32, #tpu.memory_space<vmem>>, vector<1x512xf32>
    tpu.vector_store %arg18[%swap3A_692, %swap3A_693], %broadcast_in_dim3A_691 {strides = array<i32>} : memref<416x512xf32, #tpu.memory_space<vmem>>, vector<1x512xf32>,
    %mul3A_695 = arith.mulf %slice3A_54, %slice3A_53 : vector<64x512xf32>
    %reduce_sum3A_696 = arith.constant dense<0.000000e+00> : vector<512xf32>
    %reduce_sum3A_697 = vector.multi_reduction <add>, %mul3A_695, %reduce_sum3A_696 [0] : vector<64x512xf32> to vector<512xf32>
    %broadcast_in_dim3A_698 = vector.shape_cast %reduce_sum3A_697 : vector<512xf32> to vector<1x512xf32>
    %swap3A_699 = arith.constant 154 : index
    %swap3A_700 = arith.constant 0 : index
    %swap3A_701 = vector.load %arg18[%swap3A_699, %swap3A_700] : memref<416x512xf32, #tpu.memory_space<vmem>>, vector<1x512xf32>
    tpu.vector_store %arg18[%swap3A_699, %swap3A_700], %broadcast_in_dim3A_698 {strides = array<i32>} : memref<416x512xf32, #tpu.memory_space<vmem>>, vector<1x512xf32>,
    %mul3A_702 = arith.mulf %slice3A_55, %max3A_37 : vector<64x512xf32>
    %reduce_sum3A_703 = arith.constant dense<0.000000e+00> : vector<512xf32>
    %reduce_sum3A_704 = vector.multi_reduction <add>, %mul3A_702, %reduce_sum3A_703 [0] : vector<64x512xf32> to vector<512xf32>
    %broadcast_in_dim3A_705 = vector.shape_cast %reduce_sum3A_704 : vector<512xf32> to vector<1x512xf32>
    %swap3A_706 = arith.constant 155 : index
    %swap3A_707 = arith.constant 0 : index
    %swap3A_708 = vector.load %arg18[%swap3A_706, %swap3A_707] : memref<416x512xf32, #tpu.memory_space<vmem>>, vector<1x512xf32>
    tpu.vector_store %arg18[%swap3A_706, %swap3A_707], %broadcast_in_dim3A_705 {strides = array<i32>} : memref<416x512xf32, #tpu.memory_space<vmem>>, vector<1x512xf32>,
    %mul3A_709 = arith.mulf %slice3A_55, %slice3A : vector<64x512xf32>
    %reduce_sum3A_710 = arith.constant dense<0.000000e+00> : vector<512xf32>
    %reduce_sum3A_711 = vector.multi_reduction <add>, %mul3A_709, %reduce_sum3A_710 [0] : vector<64x512xf32> to vector<512xf32>
    %broadcast_in_dim3A_712 = vector.shape_cast %reduce_sum3A_711 : vector<512xf32> to vector<1x512xf32>
    %swap3A_713 = arith.constant 156 : index
    %swap3A_714 = arith.constant 0 : index
    %swap3A_715 = vector.load %arg18[%swap3A_713, %swap3A_714] : memref<416x512xf32, #tpu.memory_space<vmem>>, vector<1x512xf32>
    tpu.vector_store %arg18[%swap3A_713, %swap3A_714], %broadcast_in_dim3A_712 {strides = array<i32>} : memref<416x512xf32, #tpu.memory_space<vmem>>, vector<1x512xf32>,
    %mul3A_716 = arith.mulf %slice3A_55, %slice3A_43 : vector<64x512xf32>
    %reduce_sum3A_717 = arith.constant dense<0.000000e+00> : vector<512xf32>
    %reduce_sum3A_718 = vector.multi_reduction <add>, %mul3A_716, %reduce_sum3A_717 [0] : vector<64x512xf32> to vector<512xf32>
    %broadcast_in_dim3A_719 = vector.shape_cast %reduce_sum3A_718 : vector<512xf32> to vector<1x512xf32>
    %swap3A_720 = arith.constant 157 : index
    %swap3A_721 = arith.constant 0 : index
    %swap3A_722 = vector.load %arg18[%swap3A_720, %swap3A_721] : memref<416x512xf32, #tpu.memory_space<vmem>>, vector<1x512xf32>
    tpu.vector_store %arg18[%swap3A_720, %swap3A_721], %broadcast_in_dim3A_719 {strides = array<i32>} : memref<416x512xf32, #tpu.memory_space<vmem>>, vector<1x512xf32>,
    %mul3A_723 = arith.mulf %slice3A_55, %slice3A_44 : vector<64x512xf32>
    %reduce_sum3A_724 = arith.constant dense<0.000000e+00> : vector<512xf32>
    %reduce_sum3A_725 = vector.multi_reduction <add>, %mul3A_723, %reduce_sum3A_724 [0] : vector<64x512xf32> to vector<512xf32>
    %broadcast_in_dim3A_726 = vector.shape_cast %reduce_sum3A_725 : vector<512xf32> to vector<1x512xf32>
    %swap3A_727 = arith.constant 158 : index
    %swap3A_728 = arith.constant 0 : index
    %swap3A_729 = vector.load %arg18[%swap3A_727, %swap3A_728] : memref<416x512xf32, #tpu.memory_space<vmem>>, vector<1x512xf32>
    tpu.vector_store %arg18[%swap3A_727, %swap3A_728], %broadcast_in_dim3A_726 {strides = array<i32>} : memref<416x512xf32, #tpu.memory_space<vmem>>, vector<1x512xf32>,
    %mul3A_730 = arith.mulf %slice3A_55, %slice3A_45 : vector<64x512xf32>
    %reduce_sum3A_731 = arith.constant dense<0.000000e+00> : vector<512xf32>
    %reduce_sum3A_732 = vector.multi_reduction <add>, %mul3A_730, %reduce_sum3A_731 [0] : vector<64x512xf32> to vector<512xf32>
    %broadcast_in_dim3A_733 = vector.shape_cast %reduce_sum3A_732 : vector<512xf32> to vector<1x512xf32>
    %swap3A_734 = arith.constant 159 : index
    %swap3A_735 = arith.constant 0 : index
    %swap3A_736 = vector.load %arg18[%swap3A_734, %swap3A_735] : memref<416x512xf32, #tpu.memory_space<vmem>>, vector<1x512xf32>
    tpu.vector_store %arg18[%swap3A_734, %swap3A_735], %broadcast_in_dim3A_733 {strides = array<i32>} : memref<416x512xf32, #tpu.memory_space<vmem>>, vector<1x512xf32>,
    %mul3A_737 = arith.mulf %slice3A_55, %slice3A_46 : vector<64x512xf32>
    %reduce_sum3A_738 = arith.constant dense<0.000000e+00> : vector<512xf32>
    %reduce_sum3A_739 = vector.multi_reduction <add>, %mul3A_737, %reduce_sum3A_738 [0] : vector<64x512xf32> to vector<512xf32>
    %broadcast_in_dim3A_740 = vector.shape_cast %reduce_sum3A_739 : vector<512xf32> to vector<1x512xf32>
    %swap3A_741 = arith.constant 160 : index
    %swap3A_742 = arith.constant 0 : index
    %swap3A_743 = vector.load %arg18[%swap3A_741, %swap3A_742] : memref<416x512xf32, #tpu.memory_space<vmem>>, vector<1x512xf32>
    tpu.vector_store %arg18[%swap3A_741, %swap3A_742], %broadcast_in_dim3A_740 {strides = array<i32>} : memref<416x512xf32, #tpu.memory_space<vmem>>, vector<1x512xf32>,
    %mul3A_744 = arith.mulf %slice3A_55, %slice3A_47 : vector<64x512xf32>
    %reduce_sum3A_745 = arith.constant dense<0.000000e+00> : vector<512xf32>
    %reduce_sum3A_746 = vector.multi_reduction <add>, %mul3A_744, %reduce_sum3A_745 [0] : vector<64x512xf32> to vector<512xf32>
    %broadcast_in_dim3A_747 = vector.shape_cast %reduce_sum3A_746 : vector<512xf32> to vector<1x512xf32>
    %swap3A_748 = arith.constant 161 : index
    %swap3A_749 = arith.constant 0 : index
    %swap3A_750 = vector.load %arg18[%swap3A_748, %swap3A_749] : memref<416x512xf32, #tpu.memory_space<vmem>>, vector<1x512xf32>
    tpu.vector_store %arg18[%swap3A_748, %swap3A_749], %broadcast_in_dim3A_747 {strides = array<i32>} : memref<416x512xf32, #tpu.memory_space<vmem>>, vector<1x512xf32>,
    %mul3A_751 = arith.mulf %slice3A_55, %slice3A_48 : vector<64x512xf32>
    %reduce_sum3A_752 = arith.constant dense<0.000000e+00> : vector<512xf32>
    %reduce_sum3A_753 = vector.multi_reduction <add>, %mul3A_751, %reduce_sum3A_752 [0] : vector<64x512xf32> to vector<512xf32>
    %broadcast_in_dim3A_754 = vector.shape_cast %reduce_sum3A_753 : vector<512xf32> to vector<1x512xf32>
    %swap3A_755 = arith.constant 162 : index
    %swap3A_756 = arith.constant 0 : index
    %swap3A_757 = vector.load %arg18[%swap3A_755, %swap3A_756] : memref<416x512xf32, #tpu.memory_space<vmem>>, vector<1x512xf32>
    tpu.vector_store %arg18[%swap3A_755, %swap3A_756], %broadcast_in_dim3A_754 {strides = array<i32>} : memref<416x512xf32, #tpu.memory_space<vmem>>, vector<1x512xf32>,
    %mul3A_758 = arith.mulf %slice3A_55, %slice3A_49 : vector<64x512xf32>
    %reduce_sum3A_759 = arith.constant dense<0.000000e+00> : vector<512xf32>
    %reduce_sum3A_760 = vector.multi_reduction <add>, %mul3A_758, %reduce_sum3A_759 [0] : vector<64x512xf32> to vector<512xf32>
    %broadcast_in_dim3A_761 = vector.shape_cast %reduce_sum3A_760 : vector<512xf32> to vector<1x512xf32>
    %swap3A_762 = arith.constant 163 : index
    %swap3A_763 = arith.constant 0 : index
    %swap3A_764 = vector.load %arg18[%swap3A_762, %swap3A_763] : memref<416x512xf32, #tpu.memory_space<vmem>>, vector<1x512xf32>
    tpu.vector_store %arg18[%swap3A_762, %swap3A_763], %broadcast_in_dim3A_761 {strides = array<i32>} : memref<416x512xf32, #tpu.memory_space<vmem>>, vector<1x512xf32>,
    %mul3A_765 = arith.mulf %slice3A_55, %slice3A_50 : vector<64x512xf32>
    %reduce_sum3A_766 = arith.constant dense<0.000000e+00> : vector<512xf32>
    %reduce_sum3A_767 = vector.multi_reduction <add>, %mul3A_765, %reduce_sum3A_766 [0] : vector<64x512xf32> to vector<512xf32>
    %broadcast_in_dim3A_768 = vector.shape_cast %reduce_sum3A_767 : vector<512xf32> to vector<1x512xf32>
    %swap3A_769 = arith.constant 164 : index
    %swap3A_770 = arith.constant 0 : index
    %swap3A_771 = vector.load %arg18[%swap3A_769, %swap3A_770] : memref<416x512xf32, #tpu.memory_space<vmem>>, vector<1x512xf32>
    tpu.vector_store %arg18[%swap3A_769, %swap3A_770], %broadcast_in_dim3A_768 {strides = array<i32>} : memref<416x512xf32, #tpu.memory_space<vmem>>, vector<1x512xf32>,
    %mul3A_772 = arith.mulf %slice3A_55, %slice3A_51 : vector<64x512xf32>
    %reduce_sum3A_773 = arith.constant dense<0.000000e+00> : vector<512xf32>
    %reduce_sum3A_774 = vector.multi_reduction <add>, %mul3A_772, %reduce_sum3A_773 [0] : vector<64x512xf32> to vector<512xf32>
    %broadcast_in_dim3A_775 = vector.shape_cast %reduce_sum3A_774 : vector<512xf32> to vector<1x512xf32>
    %swap3A_776 = arith.constant 165 : index
    %swap3A_777 = arith.constant 0 : index
    %swap3A_778 = vector.load %arg18[%swap3A_776, %swap3A_777] : memref<416x512xf32, #tpu.memory_space<vmem>>, vector<1x512xf32>
    tpu.vector_store %arg18[%swap3A_776, %swap3A_777], %broadcast_in_dim3A_775 {strides = array<i32>} : memref<416x512xf32, #tpu.memory_space<vmem>>, vector<1x512xf32>,
    %mul3A_779 = arith.mulf %slice3A_55, %slice3A_52 : vector<64x512xf32>
    %reduce_sum3A_780 = arith.constant dense<0.000000e+00> : vector<512xf32>
    %reduce_sum3A_781 = vector.multi_reduction <add>, %mul3A_779, %reduce_sum3A_780 [0] : vector<64x512xf32> to vector<512xf32>
    %broadcast_in_dim3A_782 = vector.shape_cast %reduce_sum3A_781 : vector<512xf32> to vector<1x512xf32>
    %swap3A_783 = arith.constant 166 : index
    %swap3A_784 = arith.constant 0 : index
    %swap3A_785 = vector.load %arg18[%swap3A_783, %swap3A_784] : memref<416x512xf32, #tpu.memory_space<vmem>>, vector<1x512xf32>
    tpu.vector_store %arg18[%swap3A_783, %swap3A_784], %broadcast_in_dim3A_782 {strides = array<i32>} : memref<416x512xf32, #tpu.memory_space<vmem>>, vector<1x512xf32>,
    %mul3A_786 = arith.mulf %slice3A_55, %slice3A_53 : vector<64x512xf32>
    %reduce_sum3A_787 = arith.constant dense<0.000000e+00> : vector<512xf32>
    %reduce_sum3A_788 = vector.multi_reduction <add>, %mul3A_786, %reduce_sum3A_787 [0] : vector<64x512xf32> to vector<512xf32>
    %broadcast_in_dim3A_789 = vector.shape_cast %reduce_sum3A_788 : vector<512xf32> to vector<1x512xf32>
    %swap3A_790 = arith.constant 167 : index
    %swap3A_791 = arith.constant 0 : index
    %swap3A_792 = vector.load %arg18[%swap3A_790, %swap3A_791] : memref<416x512xf32, #tpu.memory_space<vmem>>, vector<1x512xf32>
    tpu.vector_store %arg18[%swap3A_790, %swap3A_791], %broadcast_in_dim3A_789 {strides = array<i32>} : memref<416x512xf32, #tpu.memory_space<vmem>>, vector<1x512xf32>,
    %mul3A_793 = arith.mulf %slice3A_55, %slice3A_54 : vector<64x512xf32>
    %reduce_sum3A_794 = arith.constant dense<0.000000e+00> : vector<512xf32>
    %reduce_sum3A_795 = vector.multi_reduction <add>, %mul3A_793, %reduce_sum3A_794 [0] : vector<64x512xf32> to vector<512xf32>
    %broadcast_in_dim3A_796 = vector.shape_cast %reduce_sum3A_795 : vector<512xf32> to vector<1x512xf32>
    %swap3A_797 = arith.constant 168 : index
    %swap3A_798 = arith.constant 0 : index
    %swap3A_799 = vector.load %arg18[%swap3A_797, %swap3A_798] : memref<416x512xf32, #tpu.memory_space<vmem>>, vector<1x512xf32>
    tpu.vector_store %arg18[%swap3A_797, %swap3A_798], %broadcast_in_dim3A_796 {strides = array<i32>} : memref<416x512xf32, #tpu.memory_space<vmem>>, vector<1x512xf32>,
    %mul3A_800 = arith.mulf %slice3A_56, %max3A_37 : vector<64x512xf32>
    %reduce_sum3A_801 = arith.constant dense<0.000000e+00> : vector<512xf32>
    %reduce_sum3A_802 = vector.multi_reduction <add>, %mul3A_800, %reduce_sum3A_801 [0] : vector<64x512xf32> to vector<512xf32>
    %broadcast_in_dim3A_803 = vector.shape_cast %reduce_sum3A_802 : vector<512xf32> to vector<1x512xf32>
    %swap3A_804 = arith.constant 169 : index
    %swap3A_805 = arith.constant 0 : index
    %swap3A_806 = vector.load %arg18[%swap3A_804, %swap3A_805] : memref<416x512xf32, #tpu.memory_space<vmem>>, vector<1x512xf32>
    tpu.vector_store %arg18[%swap3A_804, %swap3A_805], %broadcast_in_dim3A_803 {strides = array<i32>} : memref<416x512xf32, #tpu.memory_space<vmem>>, vector<1x512xf32>,
    %mul3A_807 = arith.mulf %slice3A_56, %slice3A : vector<64x512xf32>
    %reduce_sum3A_808 = arith.constant dense<0.000000e+00> : vector<512xf32>
    %reduce_sum3A_809 = vector.multi_reduction <add>, %mul3A_807, %reduce_sum3A_808 [0] : vector<64x512xf32> to vector<512xf32>
    %broadcast_in_dim3A_810 = vector.shape_cast %reduce_sum3A_809 : vector<512xf32> to vector<1x512xf32>
    %swap3A_811 = arith.constant 170 : index
    %swap3A_812 = arith.constant 0 : index
    %swap3A_813 = vector.load %arg18[%swap3A_811, %swap3A_812] : memref<416x512xf32, #tpu.memory_space<vmem>>, vector<1x512xf32>
    tpu.vector_store %arg18[%swap3A_811, %swap3A_812], %broadcast_in_dim3A_810 {strides = array<i32>} : memref<416x512xf32, #tpu.memory_space<vmem>>, vector<1x512xf32>,
    %mul3A_814 = arith.mulf %slice3A_56, %slice3A_43 : vector<64x512xf32>
    %reduce_sum3A_815 = arith.constant dense<0.000000e+00> : vector<512xf32>
    %reduce_sum3A_816 = vector.multi_reduction <add>, %mul3A_814, %reduce_sum3A_815 [0] : vector<64x512xf32> to vector<512xf32>
    %broadcast_in_dim3A_817 = vector.shape_cast %reduce_sum3A_816 : vector<512xf32> to vector<1x512xf32>
    %swap3A_818 = arith.constant 171 : index
    %swap3A_819 = arith.constant 0 : index
    %swap3A_820 = vector.load %arg18[%swap3A_818, %swap3A_819] : memref<416x512xf32, #tpu.memory_space<vmem>>, vector<1x512xf32>
    tpu.vector_store %arg18[%swap3A_818, %swap3A_819], %broadcast_in_dim3A_817 {strides = array<i32>} : memref<416x512xf32, #tpu.memory_space<vmem>>, vector<1x512xf32>,
    %mul3A_821 = arith.mulf %slice3A_56, %slice3A_44 : vector<64x512xf32>
    %reduce_sum3A_822 = arith.constant dense<0.000000e+00> : vector<512xf32>
    %reduce_sum3A_823 = vector.multi_reduction <add>, %mul3A_821, %reduce_sum3A_822 [0] : vector<64x512xf32> to vector<512xf32>
    %broadcast_in_dim3A_824 = vector.shape_cast %reduce_sum3A_823 : vector<512xf32> to vector<1x512xf32>
    %swap3A_825 = arith.constant 172 : index
    %swap3A_826 = arith.constant 0 : index
    %swap3A_827 = vector.load %arg18[%swap3A_825, %swap3A_826] : memref<416x512xf32, #tpu.memory_space<vmem>>, vector<1x512xf32>
    tpu.vector_store %arg18[%swap3A_825, %swap3A_826], %broadcast_in_dim3A_824 {strides = array<i32>} : memref<416x512xf32, #tpu.memory_space<vmem>>, vector<1x512xf32>,
    %mul3A_828 = arith.mulf %slice3A_56, %slice3A_45 : vector<64x512xf32>
    %reduce_sum3A_829 = arith.constant dense<0.000000e+00> : vector<512xf32>
    %reduce_sum3A_830 = vector.multi_reduction <add>, %mul3A_828, %reduce_sum3A_829 [0] : vector<64x512xf32> to vector<512xf32>
    %broadcast_in_dim3A_831 = vector.shape_cast %reduce_sum3A_830 : vector<512xf32> to vector<1x512xf32>
    %swap3A_832 = arith.constant 173 : index
    %swap3A_833 = arith.constant 0 : index
    %swap3A_834 = vector.load %arg18[%swap3A_832, %swap3A_833] : memref<416x512xf32, #tpu.memory_space<vmem>>, vector<1x512xf32>
    tpu.vector_store %arg18[%swap3A_832, %swap3A_833], %broadcast_in_dim3A_831 {strides = array<i32>} : memref<416x512xf32, #tpu.memory_space<vmem>>, vector<1x512xf32>,
    %mul3A_835 = arith.mulf %slice3A_56, %slice3A_46 : vector<64x512xf32>
    %reduce_sum3A_836 = arith.constant dense<0.000000e+00> : vector<512xf32>
    %reduce_sum3A_837 = vector.multi_reduction <add>, %mul3A_835, %reduce_sum3A_836 [0] : vector<64x512xf32> to vector<512xf32>
    %broadcast_in_dim3A_838 = vector.shape_cast %reduce_sum3A_837 : vector<512xf32> to vector<1x512xf32>
    %swap3A_839 = arith.constant 174 : index
    %swap3A_840 = arith.constant 0 : index
    %swap3A_841 = vector.load %arg18[%swap3A_839, %swap3A_840] : memref<416x512xf32, #tpu.memory_space<vmem>>, vector<1x512xf32>
    tpu.vector_store %arg18[%swap3A_839, %swap3A_840], %broadcast_in_dim3A_838 {strides = array<i32>} : memref<416x512xf32, #tpu.memory_space<vmem>>, vector<1x512xf32>,
    %mul3A_842 = arith.mulf %slice3A_56, %slice3A_47 : vector<64x512xf32>
    %reduce_sum3A_843 = arith.constant dense<0.000000e+00> : vector<512xf32>
    %reduce_sum3A_844 = vector.multi_reduction <add>, %mul3A_842, %reduce_sum3A_843 [0] : vector<64x512xf32> to vector<512xf32>
    %broadcast_in_dim3A_845 = vector.shape_cast %reduce_sum3A_844 : vector<512xf32> to vector<1x512xf32>
    %swap3A_846 = arith.constant 175 : index
    %swap3A_847 = arith.constant 0 : index
    %swap3A_848 = vector.load %arg18[%swap3A_846, %swap3A_847] : memref<416x512xf32, #tpu.memory_space<vmem>>, vector<1x512xf32>
    tpu.vector_store %arg18[%swap3A_846, %swap3A_847], %broadcast_in_dim3A_845 {strides = array<i32>} : memref<416x512xf32, #tpu.memory_space<vmem>>, vector<1x512xf32>,
    %mul3A_849 = arith.mulf %slice3A_56, %slice3A_48 : vector<64x512xf32>
    %reduce_sum3A_850 = arith.constant dense<0.000000e+00> : vector<512xf32>
    %reduce_sum3A_851 = vector.multi_reduction <add>, %mul3A_849, %reduce_sum3A_850 [0] : vector<64x512xf32> to vector<512xf32>
    %broadcast_in_dim3A_852 = vector.shape_cast %reduce_sum3A_851 : vector<512xf32> to vector<1x512xf32>
    %swap3A_853 = arith.constant 176 : index
    %swap3A_854 = arith.constant 0 : index
    %swap3A_855 = vector.load %arg18[%swap3A_853, %swap3A_854] : memref<416x512xf32, #tpu.memory_space<vmem>>, vector<1x512xf32>
    tpu.vector_store %arg18[%swap3A_853, %swap3A_854], %broadcast_in_dim3A_852 {strides = array<i32>} : memref<416x512xf32, #tpu.memory_space<vmem>>, vector<1x512xf32>,
    %mul3A_856 = arith.mulf %slice3A_56, %slice3A_49 : vector<64x512xf32>
    %reduce_sum3A_857 = arith.constant dense<0.000000e+00> : vector<512xf32>
    %reduce_sum3A_858 = vector.multi_reduction <add>, %mul3A_856, %reduce_sum3A_857 [0] : vector<64x512xf32> to vector<512xf32>
    %broadcast_in_dim3A_859 = vector.shape_cast %reduce_sum3A_858 : vector<512xf32> to vector<1x512xf32>
    %swap3A_860 = arith.constant 177 : index
    %swap3A_861 = arith.constant 0 : index
    %swap3A_862 = vector.load %arg18[%swap3A_860, %swap3A_861] : memref<416x512xf32, #tpu.memory_space<vmem>>, vector<1x512xf32>
    tpu.vector_store %arg18[%swap3A_860, %swap3A_861], %broadcast_in_dim3A_859 {strides = array<i32>} : memref<416x512xf32, #tpu.memory_space<vmem>>, vector<1x512xf32>,
    %mul3A_863 = arith.mulf %slice3A_56, %slice3A_50 : vector<64x512xf32>
    %reduce_sum3A_864 = arith.constant dense<0.000000e+00> : vector<512xf32>
    %reduce_sum3A_865 = vector.multi_reduction <add>, %mul3A_863, %reduce_sum3A_864 [0] : vector<64x512xf32> to vector<512xf32>
    %broadcast_in_dim3A_866 = vector.shape_cast %reduce_sum3A_865 : vector<512xf32> to vector<1x512xf32>
    %swap3A_867 = arith.constant 178 : index
    %swap3A_868 = arith.constant 0 : index
    %swap3A_869 = vector.load %arg18[%swap3A_867, %swap3A_868] : memref<416x512xf32, #tpu.memory_space<vmem>>, vector<1x512xf32>
    tpu.vector_store %arg18[%swap3A_867, %swap3A_868], %broadcast_in_dim3A_866 {strides = array<i32>} : memref<416x512xf32, #tpu.memory_space<vmem>>, vector<1x512xf32>,
    %mul3A_870 = arith.mulf %slice3A_56, %slice3A_51 : vector<64x512xf32>
    %reduce_sum3A_871 = arith.constant dense<0.000000e+00> : vector<512xf32>
    %reduce_sum3A_872 = vector.multi_reduction <add>, %mul3A_870, %reduce_sum3A_871 [0] : vector<64x512xf32> to vector<512xf32>
    %broadcast_in_dim3A_873 = vector.shape_cast %reduce_sum3A_872 : vector<512xf32> to vector<1x512xf32>
    %swap3A_874 = arith.constant 179 : index
    %swap3A_875 = arith.constant 0 : index
    %swap3A_876 = vector.load %arg18[%swap3A_874, %swap3A_875] : memref<416x512xf32, #tpu.memory_space<vmem>>, vector<1x512xf32>
    tpu.vector_store %arg18[%swap3A_874, %swap3A_875], %broadcast_in_dim3A_873 {strides = array<i32>} : memref<416x512xf32, #tpu.memory_space<vmem>>, vector<1x512xf32>,
    %mul3A_877 = arith.mulf %slice3A_56, %slice3A_52 : vector<64x512xf32>
    %reduce_sum3A_878 = arith.constant dense<0.000000e+00> : vector<512xf32>
    %reduce_sum3A_879 = vector.multi_reduction <add>, %mul3A_877, %reduce_sum3A_878 [0] : vector<64x512xf32> to vector<512xf32>
    %broadcast_in_dim3A_880 = vector.shape_cast %reduce_sum3A_879 : vector<512xf32> to vector<1x512xf32>
    %swap3A_881 = arith.constant 180 : index
    %swap3A_882 = arith.constant 0 : index
    %swap3A_883 = vector.load %arg18[%swap3A_881, %swap3A_882] : memref<416x512xf32, #tpu.memory_space<vmem>>, vector<1x512xf32>
    tpu.vector_store %arg18[%swap3A_881, %swap3A_882], %broadcast_in_dim3A_880 {strides = array<i32>} : memref<416x512xf32, #tpu.memory_space<vmem>>, vector<1x512xf32>,
    %mul3A_884 = arith.mulf %slice3A_56, %slice3A_53 : vector<64x512xf32>
    %reduce_sum3A_885 = arith.constant dense<0.000000e+00> : vector<512xf32>
    %reduce_sum3A_886 = vector.multi_reduction <add>, %mul3A_884, %reduce_sum3A_885 [0] : vector<64x512xf32> to vector<512xf32>
    %broadcast_in_dim3A_887 = vector.shape_cast %reduce_sum3A_886 : vector<512xf32> to vector<1x512xf32>
    %swap3A_888 = arith.constant 181 : index
    %swap3A_889 = arith.constant 0 : index
    %swap3A_890 = vector.load %arg18[%swap3A_888, %swap3A_889] : memref<416x512xf32, #tpu.memory_space<vmem>>, vector<1x512xf32>
    tpu.vector_store %arg18[%swap3A_888, %swap3A_889], %broadcast_in_dim3A_887 {strides = array<i32>} : memref<416x512xf32, #tpu.memory_space<vmem>>, vector<1x512xf32>,
    %mul3A_891 = arith.mulf %slice3A_56, %slice3A_54 : vector<64x512xf32>
    %reduce_sum3A_892 = arith.constant dense<0.000000e+00> : vector<512xf32>
    %reduce_sum3A_893 = vector.multi_reduction <add>, %mul3A_891, %reduce_sum3A_892 [0] : vector<64x512xf32> to vector<512xf32>
    %broadcast_in_dim3A_894 = vector.shape_cast %reduce_sum3A_893 : vector<512xf32> to vector<1x512xf32>
    %swap3A_895 = arith.constant 182 : index
    %swap3A_896 = arith.constant 0 : index
    %swap3A_897 = vector.load %arg18[%swap3A_895, %swap3A_896] : memref<416x512xf32, #tpu.memory_space<vmem>>, vector<1x512xf32>
    tpu.vector_store %arg18[%swap3A_895, %swap3A_896], %broadcast_in_dim3A_894 {strides = array<i32>} : memref<416x512xf32, #tpu.memory_space<vmem>>, vector<1x512xf32>,
    %mul3A_898 = arith.mulf %slice3A_56, %slice3A_55 : vector<64x512xf32>
    %reduce_sum3A_899 = arith.constant dense<0.000000e+00> : vector<512xf32>
    %reduce_sum3A_900 = vector.multi_reduction <add>, %mul3A_898, %reduce_sum3A_899 [0] : vector<64x512xf32> to vector<512xf32>
    %broadcast_in_dim3A_901 = vector.shape_cast %reduce_sum3A_900 : vector<512xf32> to vector<1x512xf32>
    %swap3A_902 = arith.constant 183 : index
    %swap3A_903 = arith.constant 0 : index
    %swap3A_904 = vector.load %arg18[%swap3A_902, %swap3A_903] : memref<416x512xf32, #tpu.memory_space<vmem>>, vector<1x512xf32>
    tpu.vector_store %arg18[%swap3A_902, %swap3A_903], %broadcast_in_dim3A_901 {strides = array<i32>} : memref<416x512xf32, #tpu.memory_space<vmem>>, vector<1x512xf32>,
    %mul3A_905 = arith.mulf %slice3A_57, %max3A_37 : vector<64x512xf32>
    %reduce_sum3A_906 = arith.constant dense<0.000000e+00> : vector<512xf32>
    %reduce_sum3A_907 = vector.multi_reduction <add>, %mul3A_905, %reduce_sum3A_906 [0] : vector<64x512xf32> to vector<512xf32>
    %broadcast_in_dim3A_908 = vector.shape_cast %reduce_sum3A_907 : vector<512xf32> to vector<1x512xf32>
    %swap3A_909 = arith.constant 184 : index
    %swap3A_910 = arith.constant 0 : index
    %swap3A_911 = vector.load %arg18[%swap3A_909, %swap3A_910] : memref<416x512xf32, #tpu.memory_space<vmem>>, vector<1x512xf32>
    tpu.vector_store %arg18[%swap3A_909, %swap3A_910], %broadcast_in_dim3A_908 {strides = array<i32>} : memref<416x512xf32, #tpu.memory_space<vmem>>, vector<1x512xf32>,
    %mul3A_912 = arith.mulf %slice3A_57, %slice3A : vector<64x512xf32>
    %reduce_sum3A_913 = arith.constant dense<0.000000e+00> : vector<512xf32>
    %reduce_sum3A_914 = vector.multi_reduction <add>, %mul3A_912, %reduce_sum3A_913 [0] : vector<64x512xf32> to vector<512xf32>
    %broadcast_in_dim3A_915 = vector.shape_cast %reduce_sum3A_914 : vector<512xf32> to vector<1x512xf32>
    %swap3A_916 = arith.constant 185 : index
    %swap3A_917 = arith.constant 0 : index
    %swap3A_918 = vector.load %arg18[%swap3A_916, %swap3A_917] : memref<416x512xf32, #tpu.memory_space<vmem>>, vector<1x512xf32>
    tpu.vector_store %arg18[%swap3A_916, %swap3A_917], %broadcast_in_dim3A_915 {strides = array<i32>} : memref<416x512xf32, #tpu.memory_space<vmem>>, vector<1x512xf32>,
    %mul3A_919 = arith.mulf %slice3A_57, %slice3A_43 : vector<64x512xf32>
    %reduce_sum3A_920 = arith.constant dense<0.000000e+00> : vector<512xf32>
    %reduce_sum3A_921 = vector.multi_reduction <add>, %mul3A_919, %reduce_sum3A_920 [0] : vector<64x512xf32> to vector<512xf32>
    %broadcast_in_dim3A_922 = vector.shape_cast %reduce_sum3A_921 : vector<512xf32> to vector<1x512xf32>
    %swap3A_923 = arith.constant 186 : index
    %swap3A_924 = arith.constant 0 : index
    %swap3A_925 = vector.load %arg18[%swap3A_923, %swap3A_924] : memref<416x512xf32, #tpu.memory_space<vmem>>, vector<1x512xf32>
    tpu.vector_store %arg18[%swap3A_923, %swap3A_924], %broadcast_in_dim3A_922 {strides = array<i32>} : memref<416x512xf32, #tpu.memory_space<vmem>>, vector<1x512xf32>,
    %mul3A_926 = arith.mulf %slice3A_57, %slice3A_44 : vector<64x512xf32>
    %reduce_sum3A_927 = arith.constant dense<0.000000e+00> : vector<512xf32>
    %reduce_sum3A_928 = vector.multi_reduction <add>, %mul3A_926, %reduce_sum3A_927 [0] : vector<64x512xf32> to vector<512xf32>
    %broadcast_in_dim3A_929 = vector.shape_cast %reduce_sum3A_928 : vector<512xf32> to vector<1x512xf32>
    %swap3A_930 = arith.constant 187 : index
    %swap3A_931 = arith.constant 0 : index
    %swap3A_932 = vector.load %arg18[%swap3A_930, %swap3A_931] : memref<416x512xf32, #tpu.memory_space<vmem>>, vector<1x512xf32>
    tpu.vector_store %arg18[%swap3A_930, %swap3A_931], %broadcast_in_dim3A_929 {strides = array<i32>} : memref<416x512xf32, #tpu.memory_space<vmem>>, vector<1x512xf32>,
    %mul3A_933 = arith.mulf %slice3A_57, %slice3A_45 : vector<64x512xf32>
    %reduce_sum3A_934 = arith.constant dense<0.000000e+00> : vector<512xf32>
    %reduce_sum3A_935 = vector.multi_reduction <add>, %mul3A_933, %reduce_sum3A_934 [0] : vector<64x512xf32> to vector<512xf32>
    %broadcast_in_dim3A_936 = vector.shape_cast %reduce_sum3A_935 : vector<512xf32> to vector<1x512xf32>
    %swap3A_937 = arith.constant 188 : index
    %swap3A_938 = arith.constant 0 : index
    %swap3A_939 = vector.load %arg18[%swap3A_937, %swap3A_938] : memref<416x512xf32, #tpu.memory_space<vmem>>, vector<1x512xf32>
    tpu.vector_store %arg18[%swap3A_937, %swap3A_938], %broadcast_in_dim3A_936 {strides = array<i32>} : memref<416x512xf32, #tpu.memory_space<vmem>>, vector<1x512xf32>,
    %mul3A_940 = arith.mulf %slice3A_57, %slice3A_46 : vector<64x512xf32>
    %reduce_sum3A_941 = arith.constant dense<0.000000e+00> : vector<512xf32>
    %reduce_sum3A_942 = vector.multi_reduction <add>, %mul3A_940, %reduce_sum3A_941 [0] : vector<64x512xf32> to vector<512xf32>
    %broadcast_in_dim3A_943 = vector.shape_cast %reduce_sum3A_942 : vector<512xf32> to vector<1x512xf32>
    %swap3A_944 = arith.constant 189 : index
    %swap3A_945 = arith.constant 0 : index
    %swap3A_946 = vector.load %arg18[%swap3A_944, %swap3A_945] : memref<416x512xf32, #tpu.memory_space<vmem>>, vector<1x512xf32>
    tpu.vector_store %arg18[%swap3A_944, %swap3A_945], %broadcast_in_dim3A_943 {strides = array<i32>} : memref<416x512xf32, #tpu.memory_space<vmem>>, vector<1x512xf32>,
    %mul3A_947 = arith.mulf %slice3A_57, %slice3A_47 : vector<64x512xf32>
    %reduce_sum3A_948 = arith.constant dense<0.000000e+00> : vector<512xf32>
    %reduce_sum3A_949 = vector.multi_reduction <add>, %mul3A_947, %reduce_sum3A_948 [0] : vector<64x512xf32> to vector<512xf32>
    %broadcast_in_dim3A_950 = vector.shape_cast %reduce_sum3A_949 : vector<512xf32> to vector<1x512xf32>
    %swap3A_951 = arith.constant 190 : index
    %swap3A_952 = arith.constant 0 : index
    %swap3A_953 = vector.load %arg18[%swap3A_951, %swap3A_952] : memref<416x512xf32, #tpu.memory_space<vmem>>, vector<1x512xf32>
    tpu.vector_store %arg18[%swap3A_951, %swap3A_952], %broadcast_in_dim3A_950 {strides = array<i32>} : memref<416x512xf32, #tpu.memory_space<vmem>>, vector<1x512xf32>,
    %mul3A_954 = arith.mulf %slice3A_57, %slice3A_48 : vector<64x512xf32>
    %reduce_sum3A_955 = arith.constant dense<0.000000e+00> : vector<512xf32>
    %reduce_sum3A_956 = vector.multi_reduction <add>, %mul3A_954, %reduce_sum3A_955 [0] : vector<64x512xf32> to vector<512xf32>
    %broadcast_in_dim3A_957 = vector.shape_cast %reduce_sum3A_956 : vector<512xf32> to vector<1x512xf32>
    %swap3A_958 = arith.constant 191 : index
    %swap3A_959 = arith.constant 0 : index
    %swap3A_960 = vector.load %arg18[%swap3A_958, %swap3A_959] : memref<416x512xf32, #tpu.memory_space<vmem>>, vector<1x512xf32>
    tpu.vector_store %arg18[%swap3A_958, %swap3A_959], %broadcast_in_dim3A_957 {strides = array<i32>} : memref<416x512xf32, #tpu.memory_space<vmem>>, vector<1x512xf32>,
    %mul3A_961 = arith.mulf %slice3A_57, %slice3A_49 : vector<64x512xf32>
    %reduce_sum3A_962 = arith.constant dense<0.000000e+00> : vector<512xf32>
    %reduce_sum3A_963 = vector.multi_reduction <add>, %mul3A_961, %reduce_sum3A_962 [0] : vector<64x512xf32> to vector<512xf32>
    %broadcast_in_dim3A_964 = vector.shape_cast %reduce_sum3A_963 : vector<512xf32> to vector<1x512xf32>
    %swap3A_965 = arith.constant 192 : index
    %swap3A_966 = arith.constant 0 : index
    %swap3A_967 = vector.load %arg18[%swap3A_965, %swap3A_966] : memref<416x512xf32, #tpu.memory_space<vmem>>, vector<1x512xf32>
    tpu.vector_store %arg18[%swap3A_965, %swap3A_966], %broadcast_in_dim3A_964 {strides = array<i32>} : memref<416x512xf32, #tpu.memory_space<vmem>>, vector<1x512xf32>,
    %mul3A_968 = arith.mulf %slice3A_57, %slice3A_50 : vector<64x512xf32>
    %reduce_sum3A_969 = arith.constant dense<0.000000e+00> : vector<512xf32>
    %reduce_sum3A_970 = vector.multi_reduction <add>, %mul3A_968, %reduce_sum3A_969 [0] : vector<64x512xf32> to vector<512xf32>
    %broadcast_in_dim3A_971 = vector.shape_cast %reduce_sum3A_970 : vector<512xf32> to vector<1x512xf32>
    %swap3A_972 = arith.constant 193 : index
    %swap3A_973 = arith.constant 0 : index
    %swap3A_974 = vector.load %arg18[%swap3A_972, %swap3A_973] : memref<416x512xf32, #tpu.memory_space<vmem>>, vector<1x512xf32>
    tpu.vector_store %arg18[%swap3A_972, %swap3A_973], %broadcast_in_dim3A_971 {strides = array<i32>} : memref<416x512xf32, #tpu.memory_space<vmem>>, vector<1x512xf32>,
    %mul3A_975 = arith.mulf %slice3A_57, %slice3A_51 : vector<64x512xf32>
    %reduce_sum3A_976 = arith.constant dense<0.000000e+00> : vector<512xf32>
    %reduce_sum3A_977 = vector.multi_reduction <add>, %mul3A_975, %reduce_sum3A_976 [0] : vector<64x512xf32> to vector<512xf32>
    %broadcast_in_dim3A_978 = vector.shape_cast %reduce_sum3A_977 : vector<512xf32> to vector<1x512xf32>
    %swap3A_979 = arith.constant 194 : index
    %swap3A_980 = arith.constant 0 : index
    %swap3A_981 = vector.load %arg18[%swap3A_979, %swap3A_980] : memref<416x512xf32, #tpu.memory_space<vmem>>, vector<1x512xf32>
    tpu.vector_store %arg18[%swap3A_979, %swap3A_980], %broadcast_in_dim3A_978 {strides = array<i32>} : memref<416x512xf32, #tpu.memory_space<vmem>>, vector<1x512xf32>,
    %mul3A_982 = arith.mulf %slice3A_57, %slice3A_52 : vector<64x512xf32>
    %reduce_sum3A_983 = arith.constant dense<0.000000e+00> : vector<512xf32>
    %reduce_sum3A_984 = vector.multi_reduction <add>, %mul3A_982, %reduce_sum3A_983 [0] : vector<64x512xf32> to vector<512xf32>
    %broadcast_in_dim3A_985 = vector.shape_cast %reduce_sum3A_984 : vector<512xf32> to vector<1x512xf32>
    %swap3A_986 = arith.constant 195 : index
    %swap3A_987 = arith.constant 0 : index
    %swap3A_988 = vector.load %arg18[%swap3A_986, %swap3A_987] : memref<416x512xf32, #tpu.memory_space<vmem>>, vector<1x512xf32>
    tpu.vector_store %arg18[%swap3A_986, %swap3A_987], %broadcast_in_dim3A_985 {strides = array<i32>} : memref<416x512xf32, #tpu.memory_space<vmem>>, vector<1x512xf32>,
    %mul3A_989 = arith.mulf %slice3A_57, %slice3A_53 : vector<64x512xf32>
    %reduce_sum3A_990 = arith.constant dense<0.000000e+00> : vector<512xf32>
    %reduce_sum3A_991 = vector.multi_reduction <add>, %mul3A_989, %reduce_sum3A_990 [0] : vector<64x512xf32> to vector<512xf32>
    %broadcast_in_dim3A_992 = vector.shape_cast %reduce_sum3A_991 : vector<512xf32> to vector<1x512xf32>
    %swap3A_993 = arith.constant 196 : index
    %swap3A_994 = arith.constant 0 : index
    %swap3A_995 = vector.load %arg18[%swap3A_993, %swap3A_994] : memref<416x512xf32, #tpu.memory_space<vmem>>, vector<1x512xf32>
    tpu.vector_store %arg18[%swap3A_993, %swap3A_994], %broadcast_in_dim3A_992 {strides = array<i32>} : memref<416x512xf32, #tpu.memory_space<vmem>>, vector<1x512xf32>,
    %mul3A_996 = arith.mulf %slice3A_57, %slice3A_54 : vector<64x512xf32>
    %reduce_sum3A_997 = arith.constant dense<0.000000e+00> : vector<512xf32>
    %reduce_sum3A_998 = vector.multi_reduction <add>, %mul3A_996, %reduce_sum3A_997 [0] : vector<64x512xf32> to vector<512xf32>
    %broadcast_in_dim3A_999 = vector.shape_cast %reduce_sum3A_998 : vector<512xf32> to vector<1x512xf32>
    %swap3A_1000 = arith.constant 197 : index
    %swap3A_1001 = arith.constant 0 : index
    %swap3A_1002 = vector.load %arg18[%swap3A_1000, %swap3A_1001] : memref<416x512xf32, #tpu.memory_space<vmem>>, vector<1x512xf32>
    tpu.vector_store %arg18[%swap3A_1000, %swap3A_1001], %broadcast_in_dim3A_999 {strides = array<i32>} : memref<416x512xf32, #tpu.memory_space<vmem>>, vector<1x512xf32>,
    %mul3A_1003 = arith.mulf %slice3A_57, %slice3A_55 : vector<64x512xf32>
    %reduce_sum3A_1004 = arith.constant dense<0.000000e+00> : vector<512xf32>
    %reduce_sum3A_1005 = vector.multi_reduction <add>, %mul3A_1003, %reduce_sum3A_1004 [0] : vector<64x512xf32> to vector<512xf32>
    %broadcast_in_dim3A_1006 = vector.shape_cast %reduce_sum3A_1005 : vector<512xf32> to vector<1x512xf32>
    %swap3A_1007 = arith.constant 198 : index
    %swap3A_1008 = arith.constant 0 : index
    %swap3A_1009 = vector.load %arg18[%swap3A_1007, %swap3A_1008] : memref<416x512xf32, #tpu.memory_space<vmem>>, vector<1x512xf32>
    tpu.vector_store %arg18[%swap3A_1007, %swap3A_1008], %broadcast_in_dim3A_1006 {strides = array<i32>} : memref<416x512xf32, #tpu.memory_space<vmem>>, vector<1x512xf32>,
    %mul3A_1010 = arith.mulf %slice3A_57, %slice3A_56 : vector<64x512xf32>
    %reduce_sum3A_1011 = arith.constant dense<0.000000e+00> : vector<512xf32>
    %reduce_sum3A_1012 = vector.multi_reduction <add>, %mul3A_1010, %reduce_sum3A_1011 [0] : vector<64x512xf32> to vector<512xf32>
    %broadcast_in_dim3A_1013 = vector.shape_cast %reduce_sum3A_1012 : vector<512xf32> to vector<1x512xf32>
    %swap3A_1014 = arith.constant 199 : index
    %swap3A_1015 = arith.constant 0 : index
    %swap3A_1016 = vector.load %arg18[%swap3A_1014, %swap3A_1015] : memref<416x512xf32, #tpu.memory_space<vmem>>, vector<1x512xf32>
    tpu.vector_store %arg18[%swap3A_1014, %swap3A_1015], %broadcast_in_dim3A_1013 {strides = array<i32>} : memref<416x512xf32, #tpu.memory_space<vmem>>, vector<1x512xf32>,
    %mul3A_1017 = arith.mulf %slice3A_58, %max3A_37 : vector<64x512xf32>
    %reduce_sum3A_1018 = arith.constant dense<0.000000e+00> : vector<512xf32>
    %reduce_sum3A_1019 = vector.multi_reduction <add>, %mul3A_1017, %reduce_sum3A_1018 [0] : vector<64x512xf32> to vector<512xf32>
    %broadcast_in_dim3A_1020 = vector.shape_cast %reduce_sum3A_1019 : vector<512xf32> to vector<1x512xf32>
    %swap3A_1021 = arith.constant 200 : index
    %swap3A_1022 = arith.constant 0 : index
    %swap3A_1023 = vector.load %arg18[%swap3A_1021, %swap3A_1022] : memref<416x512xf32, #tpu.memory_space<vmem>>, vector<1x512xf32>
    tpu.vector_store %arg18[%swap3A_1021, %swap3A_1022], %broadcast_in_dim3A_1020 {strides = array<i32>} : memref<416x512xf32, #tpu.memory_space<vmem>>, vector<1x512xf32>,
    %mul3A_1024 = arith.mulf %slice3A_58, %slice3A : vector<64x512xf32>
    %reduce_sum3A_1025 = arith.constant dense<0.000000e+00> : vector<512xf32>
    %reduce_sum3A_1026 = vector.multi_reduction <add>, %mul3A_1024, %reduce_sum3A_1025 [0] : vector<64x512xf32> to vector<512xf32>
    %broadcast_in_dim3A_1027 = vector.shape_cast %reduce_sum3A_1026 : vector<512xf32> to vector<1x512xf32>
    %swap3A_1028 = arith.constant 201 : index
    %swap3A_1029 = arith.constant 0 : index
    %swap3A_1030 = vector.load %arg18[%swap3A_1028, %swap3A_1029] : memref<416x512xf32, #tpu.memory_space<vmem>>, vector<1x512xf32>
    tpu.vector_store %arg18[%swap3A_1028, %swap3A_1029], %broadcast_in_dim3A_1027 {strides = array<i32>} : memref<416x512xf32, #tpu.memory_space<vmem>>, vector<1x512xf32>,
    %mul3A_1031 = arith.mulf %slice3A_58, %slice3A_43 : vector<64x512xf32>
    %reduce_sum3A_1032 = arith.constant dense<0.000000e+00> : vector<512xf32>
    %reduce_sum3A_1033 = vector.multi_reduction <add>, %mul3A_1031, %reduce_sum3A_1032 [0] : vector<64x512xf32> to vector<512xf32>
    %broadcast_in_dim3A_1034 = vector.shape_cast %reduce_sum3A_1033 : vector<512xf32> to vector<1x512xf32>
    %swap3A_1035 = arith.constant 202 : index
    %swap3A_1036 = arith.constant 0 : index
    %swap3A_1037 = vector.load %arg18[%swap3A_1035, %swap3A_1036] : memref<416x512xf32, #tpu.memory_space<vmem>>, vector<1x512xf32>
    tpu.vector_store %arg18[%swap3A_1035, %swap3A_1036], %broadcast_in_dim3A_1034 {strides = array<i32>} : memref<416x512xf32, #tpu.memory_space<vmem>>, vector<1x512xf32>,
    %mul3A_1038 = arith.mulf %slice3A_58, %slice3A_44 : vector<64x512xf32>
    %reduce_sum3A_1039 = arith.constant dense<0.000000e+00> : vector<512xf32>
    %reduce_sum3A_1040 = vector.multi_reduction <add>, %mul3A_1038, %reduce_sum3A_1039 [0] : vector<64x512xf32> to vector<512xf32>
    %broadcast_in_dim3A_1041 = vector.shape_cast %reduce_sum3A_1040 : vector<512xf32> to vector<1x512xf32>
    %swap3A_1042 = arith.constant 203 : index
    %swap3A_1043 = arith.constant 0 : index
    %swap3A_1044 = vector.load %arg18[%swap3A_1042, %swap3A_1043] : memref<416x512xf32, #tpu.memory_space<vmem>>, vector<1x512xf32>
    tpu.vector_store %arg18[%swap3A_1042, %swap3A_1043], %broadcast_in_dim3A_1041 {strides = array<i32>} : memref<416x512xf32, #tpu.memory_space<vmem>>, vector<1x512xf32>,
    %mul3A_1045 = arith.mulf %slice3A_58, %slice3A_45 : vector<64x512xf32>
    %reduce_sum3A_1046 = arith.constant dense<0.000000e+00> : vector<512xf32>
    %reduce_sum3A_1047 = vector.multi_reduction <add>, %mul3A_1045, %reduce_sum3A_1046 [0] : vector<64x512xf32> to vector<512xf32>
    %broadcast_in_dim3A_1048 = vector.shape_cast %reduce_sum3A_1047 : vector<512xf32> to vector<1x512xf32>
    %swap3A_1049 = arith.constant 204 : index
    %swap3A_1050 = arith.constant 0 : index
    %swap3A_1051 = vector.load %arg18[%swap3A_1049, %swap3A_1050] : memref<416x512xf32, #tpu.memory_space<vmem>>, vector<1x512xf32>
    tpu.vector_store %arg18[%swap3A_1049, %swap3A_1050], %broadcast_in_dim3A_1048 {strides = array<i32>} : memref<416x512xf32, #tpu.memory_space<vmem>>, vector<1x512xf32>,
    %mul3A_1052 = arith.mulf %slice3A_58, %slice3A_46 : vector<64x512xf32>
    %reduce_sum3A_1053 = arith.constant dense<0.000000e+00> : vector<512xf32>
    %reduce_sum3A_1054 = vector.multi_reduction <add>, %mul3A_1052, %reduce_sum3A_1053 [0] : vector<64x512xf32> to vector<512xf32>
    %broadcast_in_dim3A_1055 = vector.shape_cast %reduce_sum3A_1054 : vector<512xf32> to vector<1x512xf32>
    %swap3A_1056 = arith.constant 205 : index
    %swap3A_1057 = arith.constant 0 : index
    %swap3A_1058 = vector.load %arg18[%swap3A_1056, %swap3A_1057] : memref<416x512xf32, #tpu.memory_space<vmem>>, vector<1x512xf32>
    tpu.vector_store %arg18[%swap3A_1056, %swap3A_1057], %broadcast_in_dim3A_1055 {strides = array<i32>} : memref<416x512xf32, #tpu.memory_space<vmem>>, vector<1x512xf32>,
    %mul3A_1059 = arith.mulf %slice3A_58, %slice3A_47 : vector<64x512xf32>
    %reduce_sum3A_1060 = arith.constant dense<0.000000e+00> : vector<512xf32>
    %reduce_sum3A_1061 = vector.multi_reduction <add>, %mul3A_1059, %reduce_sum3A_1060 [0] : vector<64x512xf32> to vector<512xf32>
    %broadcast_in_dim3A_1062 = vector.shape_cast %reduce_sum3A_1061 : vector<512xf32> to vector<1x512xf32>
    %swap3A_1063 = arith.constant 206 : index
    %swap3A_1064 = arith.constant 0 : index
    %swap3A_1065 = vector.load %arg18[%swap3A_1063, %swap3A_1064] : memref<416x512xf32, #tpu.memory_space<vmem>>, vector<1x512xf32>
    tpu.vector_store %arg18[%swap3A_1063, %swap3A_1064], %broadcast_in_dim3A_1062 {strides = array<i32>} : memref<416x512xf32, #tpu.memory_space<vmem>>, vector<1x512xf32>,
    %mul3A_1066 = arith.mulf %slice3A_58, %slice3A_48 : vector<64x512xf32>
    %reduce_sum3A_1067 = arith.constant dense<0.000000e+00> : vector<512xf32>
    %reduce_sum3A_1068 = vector.multi_reduction <add>, %mul3A_1066, %reduce_sum3A_1067 [0] : vector<64x512xf32> to vector<512xf32>
    %broadcast_in_dim3A_1069 = vector.shape_cast %reduce_sum3A_1068 : vector<512xf32> to vector<1x512xf32>
    %swap3A_1070 = arith.constant 207 : index
    %swap3A_1071 = arith.constant 0 : index
    %swap3A_1072 = vector.load %arg18[%swap3A_1070, %swap3A_1071] : memref<416x512xf32, #tpu.memory_space<vmem>>, vector<1x512xf32>
    tpu.vector_store %arg18[%swap3A_1070, %swap3A_1071], %broadcast_in_dim3A_1069 {strides = array<i32>} : memref<416x512xf32, #tpu.memory_space<vmem>>, vector<1x512xf32>,
    %mul3A_1073 = arith.mulf %slice3A_58, %slice3A_49 : vector<64x512xf32>
    %reduce_sum3A_1074 = arith.constant dense<0.000000e+00> : vector<512xf32>
    %reduce_sum3A_1075 = vector.multi_reduction <add>, %mul3A_1073, %reduce_sum3A_1074 [0] : vector<64x512xf32> to vector<512xf32>
    %broadcast_in_dim3A_1076 = vector.shape_cast %reduce_sum3A_1075 : vector<512xf32> to vector<1x512xf32>
    %swap3A_1077 = arith.constant 208 : index
    %swap3A_1078 = arith.constant 0 : index
    %swap3A_1079 = vector.load %arg18[%swap3A_1077, %swap3A_1078] : memref<416x512xf32, #tpu.memory_space<vmem>>, vector<1x512xf32>
    tpu.vector_store %arg18[%swap3A_1077, %swap3A_1078], %broadcast_in_dim3A_1076 {strides = array<i32>} : memref<416x512xf32, #tpu.memory_space<vmem>>, vector<1x512xf32>,
    %mul3A_1080 = arith.mulf %slice3A_58, %slice3A_50 : vector<64x512xf32>
    %reduce_sum3A_1081 = arith.constant dense<0.000000e+00> : vector<512xf32>
    %reduce_sum3A_1082 = vector.multi_reduction <add>, %mul3A_1080, %reduce_sum3A_1081 [0] : vector<64x512xf32> to vector<512xf32>
    %broadcast_in_dim3A_1083 = vector.shape_cast %reduce_sum3A_1082 : vector<512xf32> to vector<1x512xf32>
    %swap3A_1084 = arith.constant 209 : index
    %swap3A_1085 = arith.constant 0 : index
    %swap3A_1086 = vector.load %arg18[%swap3A_1084, %swap3A_1085] : memref<416x512xf32, #tpu.memory_space<vmem>>, vector<1x512xf32>
    tpu.vector_store %arg18[%swap3A_1084, %swap3A_1085], %broadcast_in_dim3A_1083 {strides = array<i32>} : memref<416x512xf32, #tpu.memory_space<vmem>>, vector<1x512xf32>,
    %mul3A_1087 = arith.mulf %slice3A_58, %slice3A_51 : vector<64x512xf32>
    %reduce_sum3A_1088 = arith.constant dense<0.000000e+00> : vector<512xf32>
    %reduce_sum3A_1089 = vector.multi_reduction <add>, %mul3A_1087, %reduce_sum3A_1088 [0] : vector<64x512xf32> to vector<512xf32>
    %broadcast_in_dim3A_1090 = vector.shape_cast %reduce_sum3A_1089 : vector<512xf32> to vector<1x512xf32>
    %swap3A_1091 = arith.constant 210 : index
    %swap3A_1092 = arith.constant 0 : index
    %swap3A_1093 = vector.load %arg18[%swap3A_1091, %swap3A_1092] : memref<416x512xf32, #tpu.memory_space<vmem>>, vector<1x512xf32>
    tpu.vector_store %arg18[%swap3A_1091, %swap3A_1092], %broadcast_in_dim3A_1090 {strides = array<i32>} : memref<416x512xf32, #tpu.memory_space<vmem>>, vector<1x512xf32>,
    %mul3A_1094 = arith.mulf %slice3A_58, %slice3A_52 : vector<64x512xf32>
    %reduce_sum3A_1095 = arith.constant dense<0.000000e+00> : vector<512xf32>
    %reduce_sum3A_1096 = vector.multi_reduction <add>, %mul3A_1094, %reduce_sum3A_1095 [0] : vector<64x512xf32> to vector<512xf32>
    %broadcast_in_dim3A_1097 = vector.shape_cast %reduce_sum3A_1096 : vector<512xf32> to vector<1x512xf32>
    %swap3A_1098 = arith.constant 211 : index
    %swap3A_1099 = arith.constant 0 : index
    %swap3A_1100 = vector.load %arg18[%swap3A_1098, %swap3A_1099] : memref<416x512xf32, #tpu.memory_space<vmem>>, vector<1x512xf32>
    tpu.vector_store %arg18[%swap3A_1098, %swap3A_1099], %broadcast_in_dim3A_1097 {strides = array<i32>} : memref<416x512xf32, #tpu.memory_space<vmem>>, vector<1x512xf32>,
    %mul3A_1101 = arith.mulf %slice3A_58, %slice3A_53 : vector<64x512xf32>
    %reduce_sum3A_1102 = arith.constant dense<0.000000e+00> : vector<512xf32>
    %reduce_sum3A_1103 = vector.multi_reduction <add>, %mul3A_1101, %reduce_sum3A_1102 [0] : vector<64x512xf32> to vector<512xf32>
    %broadcast_in_dim3A_1104 = vector.shape_cast %reduce_sum3A_1103 : vector<512xf32> to vector<1x512xf32>
    %swap3A_1105 = arith.constant 212 : index
    %swap3A_1106 = arith.constant 0 : index
    %swap3A_1107 = vector.load %arg18[%swap3A_1105, %swap3A_1106] : memref<416x512xf32, #tpu.memory_space<vmem>>, vector<1x512xf32>
    tpu.vector_store %arg18[%swap3A_1105, %swap3A_1106], %broadcast_in_dim3A_1104 {strides = array<i32>} : memref<416x512xf32, #tpu.memory_space<vmem>>, vector<1x512xf32>,
    %mul3A_1108 = arith.mulf %slice3A_58, %slice3A_54 : vector<64x512xf32>
    %reduce_sum3A_1109 = arith.constant dense<0.000000e+00> : vector<512xf32>
    %reduce_sum3A_1110 = vector.multi_reduction <add>, %mul3A_1108, %reduce_sum3A_1109 [0] : vector<64x512xf32> to vector<512xf32>
    %broadcast_in_dim3A_1111 = vector.shape_cast %reduce_sum3A_1110 : vector<512xf32> to vector<1x512xf32>
    %swap3A_1112 = arith.constant 213 : index
    %swap3A_1113 = arith.constant 0 : index
    %swap3A_1114 = vector.load %arg18[%swap3A_1112, %swap3A_1113] : memref<416x512xf32, #tpu.memory_space<vmem>>, vector<1x512xf32>
    tpu.vector_store %arg18[%swap3A_1112, %swap3A_1113], %broadcast_in_dim3A_1111 {strides = array<i32>} : memref<416x512xf32, #tpu.memory_space<vmem>>, vector<1x512xf32>,
    %mul3A_1115 = arith.mulf %slice3A_58, %slice3A_55 : vector<64x512xf32>
    %reduce_sum3A_1116 = arith.constant dense<0.000000e+00> : vector<512xf32>
    %reduce_sum3A_1117 = vector.multi_reduction <add>, %mul3A_1115, %reduce_sum3A_1116 [0] : vector<64x512xf32> to vector<512xf32>
    %broadcast_in_dim3A_1118 = vector.shape_cast %reduce_sum3A_1117 : vector<512xf32> to vector<1x512xf32>
    %swap3A_1119 = arith.constant 214 : index
    %swap3A_1120 = arith.constant 0 : index
    %swap3A_1121 = vector.load %arg18[%swap3A_1119, %swap3A_1120] : memref<416x512xf32, #tpu.memory_space<vmem>>, vector<1x512xf32>
    tpu.vector_store %arg18[%swap3A_1119, %swap3A_1120], %broadcast_in_dim3A_1118 {strides = array<i32>} : memref<416x512xf32, #tpu.memory_space<vmem>>, vector<1x512xf32>,
    %mul3A_1122 = arith.mulf %slice3A_58, %slice3A_56 : vector<64x512xf32>
    %reduce_sum3A_1123 = arith.constant dense<0.000000e+00> : vector<512xf32>
    %reduce_sum3A_1124 = vector.multi_reduction <add>, %mul3A_1122, %reduce_sum3A_1123 [0] : vector<64x512xf32> to vector<512xf32>
    %broadcast_in_dim3A_1125 = vector.shape_cast %reduce_sum3A_1124 : vector<512xf32> to vector<1x512xf32>
    %swap3A_1126 = arith.constant 215 : index
    %swap3A_1127 = arith.constant 0 : index
    %swap3A_1128 = vector.load %arg18[%swap3A_1126, %swap3A_1127] : memref<416x512xf32, #tpu.memory_space<vmem>>, vector<1x512xf32>
    tpu.vector_store %arg18[%swap3A_1126, %swap3A_1127], %broadcast_in_dim3A_1125 {strides = array<i32>} : memref<416x512xf32, #tpu.memory_space<vmem>>, vector<1x512xf32>,
    %mul3A_1129 = arith.mulf %slice3A_58, %slice3A_57 : vector<64x512xf32>
    %reduce_sum3A_1130 = arith.constant dense<0.000000e+00> : vector<512xf32>
    %reduce_sum3A_1131 = vector.multi_reduction <add>, %mul3A_1129, %reduce_sum3A_1130 [0] : vector<64x512xf32> to vector<512xf32>
    %broadcast_in_dim3A_1132 = vector.shape_cast %reduce_sum3A_1131 : vector<512xf32> to vector<1x512xf32>
    %swap3A_1133 = arith.constant 216 : index
    %swap3A_1134 = arith.constant 0 : index
    %swap3A_1135 = vector.load %arg18[%swap3A_1133, %swap3A_1134] : memref<416x512xf32, #tpu.memory_space<vmem>>, vector<1x512xf32>
    tpu.vector_store %arg18[%swap3A_1133, %swap3A_1134], %broadcast_in_dim3A_1132 {strides = array<i32>} : memref<416x512xf32, #tpu.memory_space<vmem>>, vector<1x512xf32>,
    %mul3A_1136 = arith.mulf %slice3A_59, %max3A_37 : vector<64x512xf32>
    %reduce_sum3A_1137 = arith.constant dense<0.000000e+00> : vector<512xf32>
    %reduce_sum3A_1138 = vector.multi_reduction <add>, %mul3A_1136, %reduce_sum3A_1137 [0] : vector<64x512xf32> to vector<512xf32>
    %broadcast_in_dim3A_1139 = vector.shape_cast %reduce_sum3A_1138 : vector<512xf32> to vector<1x512xf32>
    %swap3A_1140 = arith.constant 217 : index
    %swap3A_1141 = arith.constant 0 : index
    %swap3A_1142 = vector.load %arg18[%swap3A_1140, %swap3A_1141] : memref<416x512xf32, #tpu.memory_space<vmem>>, vector<1x512xf32>
    tpu.vector_store %arg18[%swap3A_1140, %swap3A_1141], %broadcast_in_dim3A_1139 {strides = array<i32>} : memref<416x512xf32, #tpu.memory_space<vmem>>, vector<1x512xf32>,
    %mul3A_1143 = arith.mulf %slice3A_59, %slice3A : vector<64x512xf32>
    %reduce_sum3A_1144 = arith.constant dense<0.000000e+00> : vector<512xf32>
    %reduce_sum3A_1145 = vector.multi_reduction <add>, %mul3A_1143, %reduce_sum3A_1144 [0] : vector<64x512xf32> to vector<512xf32>
    %broadcast_in_dim3A_1146 = vector.shape_cast %reduce_sum3A_1145 : vector<512xf32> to vector<1x512xf32>
    %swap3A_1147 = arith.constant 218 : index
    %swap3A_1148 = arith.constant 0 : index
    %swap3A_1149 = vector.load %arg18[%swap3A_1147, %swap3A_1148] : memref<416x512xf32, #tpu.memory_space<vmem>>, vector<1x512xf32>
    tpu.vector_store %arg18[%swap3A_1147, %swap3A_1148], %broadcast_in_dim3A_1146 {strides = array<i32>} : memref<416x512xf32, #tpu.memory_space<vmem>>, vector<1x512xf32>,
    %mul3A_1150 = arith.mulf %slice3A_59, %slice3A_43 : vector<64x512xf32>
    %reduce_sum3A_1151 = arith.constant dense<0.000000e+00> : vector<512xf32>
    %reduce_sum3A_1152 = vector.multi_reduction <add>, %mul3A_1150, %reduce_sum3A_1151 [0] : vector<64x512xf32> to vector<512xf32>
    %broadcast_in_dim3A_1153 = vector.shape_cast %reduce_sum3A_1152 : vector<512xf32> to vector<1x512xf32>
    %swap3A_1154 = arith.constant 219 : index
    %swap3A_1155 = arith.constant 0 : index
    %swap3A_1156 = vector.load %arg18[%swap3A_1154, %swap3A_1155] : memref<416x512xf32, #tpu.memory_space<vmem>>, vector<1x512xf32>
    tpu.vector_store %arg18[%swap3A_1154, %swap3A_1155], %broadcast_in_dim3A_1153 {strides = array<i32>} : memref<416x512xf32, #tpu.memory_space<vmem>>, vector<1x512xf32>,
    %mul3A_1157 = arith.mulf %slice3A_59, %slice3A_44 : vector<64x512xf32>
    %reduce_sum3A_1158 = arith.constant dense<0.000000e+00> : vector<512xf32>
    %reduce_sum3A_1159 = vector.multi_reduction <add>, %mul3A_1157, %reduce_sum3A_1158 [0] : vector<64x512xf32> to vector<512xf32>
    %broadcast_in_dim3A_1160 = vector.shape_cast %reduce_sum3A_1159 : vector<512xf32> to vector<1x512xf32>
    %swap3A_1161 = arith.constant 220 : index
    %swap3A_1162 = arith.constant 0 : index
    %swap3A_1163 = vector.load %arg18[%swap3A_1161, %swap3A_1162] : memref<416x512xf32, #tpu.memory_space<vmem>>, vector<1x512xf32>
    tpu.vector_store %arg18[%swap3A_1161, %swap3A_1162], %broadcast_in_dim3A_1160 {strides = array<i32>} : memref<416x512xf32, #tpu.memory_space<vmem>>, vector<1x512xf32>,
    %mul3A_1164 = arith.mulf %slice3A_59, %slice3A_45 : vector<64x512xf32>
    %reduce_sum3A_1165 = arith.constant dense<0.000000e+00> : vector<512xf32>
    %reduce_sum3A_1166 = vector.multi_reduction <add>, %mul3A_1164, %reduce_sum3A_1165 [0] : vector<64x512xf32> to vector<512xf32>
    %broadcast_in_dim3A_1167 = vector.shape_cast %reduce_sum3A_1166 : vector<512xf32> to vector<1x512xf32>
    %swap3A_1168 = arith.constant 221 : index
    %swap3A_1169 = arith.constant 0 : index
    %swap3A_1170 = vector.load %arg18[%swap3A_1168, %swap3A_1169] : memref<416x512xf32, #tpu.memory_space<vmem>>, vector<1x512xf32>
    tpu.vector_store %arg18[%swap3A_1168, %swap3A_1169], %broadcast_in_dim3A_1167 {strides = array<i32>} : memref<416x512xf32, #tpu.memory_space<vmem>>, vector<1x512xf32>,
    %mul3A_1171 = arith.mulf %slice3A_59, %slice3A_46 : vector<64x512xf32>
    %reduce_sum3A_1172 = arith.constant dense<0.000000e+00> : vector<512xf32>
    %reduce_sum3A_1173 = vector.multi_reduction <add>, %mul3A_1171, %reduce_sum3A_1172 [0] : vector<64x512xf32> to vector<512xf32>
    %broadcast_in_dim3A_1174 = vector.shape_cast %reduce_sum3A_1173 : vector<512xf32> to vector<1x512xf32>
    %swap3A_1175 = arith.constant 222 : index
    %swap3A_1176 = arith.constant 0 : index
    %swap3A_1177 = vector.load %arg18[%swap3A_1175, %swap3A_1176] : memref<416x512xf32, #tpu.memory_space<vmem>>, vector<1x512xf32>
    tpu.vector_store %arg18[%swap3A_1175, %swap3A_1176], %broadcast_in_dim3A_1174 {strides = array<i32>} : memref<416x512xf32, #tpu.memory_space<vmem>>, vector<1x512xf32>,
    %mul3A_1178 = arith.mulf %slice3A_59, %slice3A_47 : vector<64x512xf32>
    %reduce_sum3A_1179 = arith.constant dense<0.000000e+00> : vector<512xf32>
    %reduce_sum3A_1180 = vector.multi_reduction <add>, %mul3A_1178, %reduce_sum3A_1179 [0] : vector<64x512xf32> to vector<512xf32>
    %broadcast_in_dim3A_1181 = vector.shape_cast %reduce_sum3A_1180 : vector<512xf32> to vector<1x512xf32>
    %swap3A_1182 = arith.constant 223 : index
    %swap3A_1183 = arith.constant 0 : index
    %swap3A_1184 = vector.load %arg18[%swap3A_1182, %swap3A_1183] : memref<416x512xf32, #tpu.memory_space<vmem>>, vector<1x512xf32>
    tpu.vector_store %arg18[%swap3A_1182, %swap3A_1183], %broadcast_in_dim3A_1181 {strides = array<i32>} : memref<416x512xf32, #tpu.memory_space<vmem>>, vector<1x512xf32>,
    %mul3A_1185 = arith.mulf %slice3A_59, %slice3A_48 : vector<64x512xf32>
    %reduce_sum3A_1186 = arith.constant dense<0.000000e+00> : vector<512xf32>
    %reduce_sum3A_1187 = vector.multi_reduction <add>, %mul3A_1185, %reduce_sum3A_1186 [0] : vector<64x512xf32> to vector<512xf32>
    %broadcast_in_dim3A_1188 = vector.shape_cast %reduce_sum3A_1187 : vector<512xf32> to vector<1x512xf32>
    %swap3A_1189 = arith.constant 224 : index
    %swap3A_1190 = arith.constant 0 : index
    %swap3A_1191 = vector.load %arg18[%swap3A_1189, %swap3A_1190] : memref<416x512xf32, #tpu.memory_space<vmem>>, vector<1x512xf32>
    tpu.vector_store %arg18[%swap3A_1189, %swap3A_1190], %broadcast_in_dim3A_1188 {strides = array<i32>} : memref<416x512xf32, #tpu.memory_space<vmem>>, vector<1x512xf32>,
    %mul3A_1192 = arith.mulf %slice3A_59, %slice3A_49 : vector<64x512xf32>
    %reduce_sum3A_1193 = arith.constant dense<0.000000e+00> : vector<512xf32>
    %reduce_sum3A_1194 = vector.multi_reduction <add>, %mul3A_1192, %reduce_sum3A_1193 [0] : vector<64x512xf32> to vector<512xf32>
    %broadcast_in_dim3A_1195 = vector.shape_cast %reduce_sum3A_1194 : vector<512xf32> to vector<1x512xf32>
    %swap3A_1196 = arith.constant 225 : index
    %swap3A_1197 = arith.constant 0 : index
    %swap3A_1198 = vector.load %arg18[%swap3A_1196, %swap3A_1197] : memref<416x512xf32, #tpu.memory_space<vmem>>, vector<1x512xf32>
    tpu.vector_store %arg18[%swap3A_1196, %swap3A_1197], %broadcast_in_dim3A_1195 {strides = array<i32>} : memref<416x512xf32, #tpu.memory_space<vmem>>, vector<1x512xf32>,
    %mul3A_1199 = arith.mulf %slice3A_59, %slice3A_50 : vector<64x512xf32>
    %reduce_sum3A_1200 = arith.constant dense<0.000000e+00> : vector<512xf32>
    %reduce_sum3A_1201 = vector.multi_reduction <add>, %mul3A_1199, %reduce_sum3A_1200 [0] : vector<64x512xf32> to vector<512xf32>
    %broadcast_in_dim3A_1202 = vector.shape_cast %reduce_sum3A_1201 : vector<512xf32> to vector<1x512xf32>
    %swap3A_1203 = arith.constant 226 : index
    %swap3A_1204 = arith.constant 0 : index
    %swap3A_1205 = vector.load %arg18[%swap3A_1203, %swap3A_1204] : memref<416x512xf32, #tpu.memory_space<vmem>>, vector<1x512xf32>
    tpu.vector_store %arg18[%swap3A_1203, %swap3A_1204], %broadcast_in_dim3A_1202 {strides = array<i32>} : memref<416x512xf32, #tpu.memory_space<vmem>>, vector<1x512xf32>,
    %mul3A_1206 = arith.mulf %slice3A_59, %slice3A_51 : vector<64x512xf32>
    %reduce_sum3A_1207 = arith.constant dense<0.000000e+00> : vector<512xf32>
    %reduce_sum3A_1208 = vector.multi_reduction <add>, %mul3A_1206, %reduce_sum3A_1207 [0] : vector<64x512xf32> to vector<512xf32>
    %broadcast_in_dim3A_1209 = vector.shape_cast %reduce_sum3A_1208 : vector<512xf32> to vector<1x512xf32>
    %swap3A_1210 = arith.constant 227 : index
    %swap3A_1211 = arith.constant 0 : index
    %swap3A_1212 = vector.load %arg18[%swap3A_1210, %swap3A_1211] : memref<416x512xf32, #tpu.memory_space<vmem>>, vector<1x512xf32>
    tpu.vector_store %arg18[%swap3A_1210, %swap3A_1211], %broadcast_in_dim3A_1209 {strides = array<i32>} : memref<416x512xf32, #tpu.memory_space<vmem>>, vector<1x512xf32>,
    %mul3A_1213 = arith.mulf %slice3A_59, %slice3A_52 : vector<64x512xf32>
    %reduce_sum3A_1214 = arith.constant dense<0.000000e+00> : vector<512xf32>
    %reduce_sum3A_1215 = vector.multi_reduction <add>, %mul3A_1213, %reduce_sum3A_1214 [0] : vector<64x512xf32> to vector<512xf32>
    %broadcast_in_dim3A_1216 = vector.shape_cast %reduce_sum3A_1215 : vector<512xf32> to vector<1x512xf32>
    %swap3A_1217 = arith.constant 228 : index
    %swap3A_1218 = arith.constant 0 : index
    %swap3A_1219 = vector.load %arg18[%swap3A_1217, %swap3A_1218] : memref<416x512xf32, #tpu.memory_space<vmem>>, vector<1x512xf32>
    tpu.vector_store %arg18[%swap3A_1217, %swap3A_1218], %broadcast_in_dim3A_1216 {strides = array<i32>} : memref<416x512xf32, #tpu.memory_space<vmem>>, vector<1x512xf32>,
    %mul3A_1220 = arith.mulf %slice3A_59, %slice3A_53 : vector<64x512xf32>
    %reduce_sum3A_1221 = arith.constant dense<0.000000e+00> : vector<512xf32>
    %reduce_sum3A_1222 = vector.multi_reduction <add>, %mul3A_1220, %reduce_sum3A_1221 [0] : vector<64x512xf32> to vector<512xf32>
    %broadcast_in_dim3A_1223 = vector.shape_cast %reduce_sum3A_1222 : vector<512xf32> to vector<1x512xf32>
    %swap3A_1224 = arith.constant 229 : index
    %swap3A_1225 = arith.constant 0 : index
    %swap3A_1226 = vector.load %arg18[%swap3A_1224, %swap3A_1225] : memref<416x512xf32, #tpu.memory_space<vmem>>, vector<1x512xf32>
    tpu.vector_store %arg18[%swap3A_1224, %swap3A_1225], %broadcast_in_dim3A_1223 {strides = array<i32>} : memref<416x512xf32, #tpu.memory_space<vmem>>, vector<1x512xf32>,
    %mul3A_1227 = arith.mulf %slice3A_59, %slice3A_54 : vector<64x512xf32>
    %reduce_sum3A_1228 = arith.constant dense<0.000000e+00> : vector<512xf32>
    %reduce_sum3A_1229 = vector.multi_reduction <add>, %mul3A_1227, %reduce_sum3A_1228 [0] : vector<64x512xf32> to vector<512xf32>
    %broadcast_in_dim3A_1230 = vector.shape_cast %reduce_sum3A_1229 : vector<512xf32> to vector<1x512xf32>
    %swap3A_1231 = arith.constant 230 : index
    %swap3A_1232 = arith.constant 0 : index
    %swap3A_1233 = vector.load %arg18[%swap3A_1231, %swap3A_1232] : memref<416x512xf32, #tpu.memory_space<vmem>>, vector<1x512xf32>
    tpu.vector_store %arg18[%swap3A_1231, %swap3A_1232], %broadcast_in_dim3A_1230 {strides = array<i32>} : memref<416x512xf32, #tpu.memory_space<vmem>>, vector<1x512xf32>,
    %mul3A_1234 = arith.mulf %slice3A_59, %slice3A_55 : vector<64x512xf32>
    %reduce_sum3A_1235 = arith.constant dense<0.000000e+00> : vector<512xf32>
    %reduce_sum3A_1236 = vector.multi_reduction <add>, %mul3A_1234, %reduce_sum3A_1235 [0] : vector<64x512xf32> to vector<512xf32>
    %broadcast_in_dim3A_1237 = vector.shape_cast %reduce_sum3A_1236 : vector<512xf32> to vector<1x512xf32>
    %swap3A_1238 = arith.constant 231 : index
    %swap3A_1239 = arith.constant 0 : index
    %swap3A_1240 = vector.load %arg18[%swap3A_1238, %swap3A_1239] : memref<416x512xf32, #tpu.memory_space<vmem>>, vector<1x512xf32>
    tpu.vector_store %arg18[%swap3A_1238, %swap3A_1239], %broadcast_in_dim3A_1237 {strides = array<i32>} : memref<416x512xf32, #tpu.memory_space<vmem>>, vector<1x512xf32>,
    %mul3A_1241 = arith.mulf %slice3A_59, %slice3A_56 : vector<64x512xf32>
    %reduce_sum3A_1242 = arith.constant dense<0.000000e+00> : vector<512xf32>
    %reduce_sum3A_1243 = vector.multi_reduction <add>, %mul3A_1241, %reduce_sum3A_1242 [0] : vector<64x512xf32> to vector<512xf32>
    %broadcast_in_dim3A_1244 = vector.shape_cast %reduce_sum3A_1243 : vector<512xf32> to vector<1x512xf32>
    %swap3A_1245 = arith.constant 232 : index
    %swap3A_1246 = arith.constant 0 : index
    %swap3A_1247 = vector.load %arg18[%swap3A_1245, %swap3A_1246] : memref<416x512xf32, #tpu.memory_space<vmem>>, vector<1x512xf32>
    tpu.vector_store %arg18[%swap3A_1245, %swap3A_1246], %broadcast_in_dim3A_1244 {strides = array<i32>} : memref<416x512xf32, #tpu.memory_space<vmem>>, vector<1x512xf32>,
    %mul3A_1248 = arith.mulf %slice3A_59, %slice3A_57 : vector<64x512xf32>
    %reduce_sum3A_1249 = arith.constant dense<0.000000e+00> : vector<512xf32>
    %reduce_sum3A_1250 = vector.multi_reduction <add>, %mul3A_1248, %reduce_sum3A_1249 [0] : vector<64x512xf32> to vector<512xf32>
    %broadcast_in_dim3A_1251 = vector.shape_cast %reduce_sum3A_1250 : vector<512xf32> to vector<1x512xf32>
    %swap3A_1252 = arith.constant 233 : index
    %swap3A_1253 = arith.constant 0 : index
    %swap3A_1254 = vector.load %arg18[%swap3A_1252, %swap3A_1253] : memref<416x512xf32, #tpu.memory_space<vmem>>, vector<1x512xf32>
    tpu.vector_store %arg18[%swap3A_1252, %swap3A_1253], %broadcast_in_dim3A_1251 {strides = array<i32>} : memref<416x512xf32, #tpu.memory_space<vmem>>, vector<1x512xf32>,
    %mul3A_1255 = arith.mulf %slice3A_59, %slice3A_58 : vector<64x512xf32>
    %reduce_sum3A_1256 = arith.constant dense<0.000000e+00> : vector<512xf32>
    %reduce_sum3A_1257 = vector.multi_reduction <add>, %mul3A_1255, %reduce_sum3A_1256 [0] : vector<64x512xf32> to vector<512xf32>
    %broadcast_in_dim3A_1258 = vector.shape_cast %reduce_sum3A_1257 : vector<512xf32> to vector<1x512xf32>
    %swap3A_1259 = arith.constant 234 : index
    %swap3A_1260 = arith.constant 0 : index
    %swap3A_1261 = vector.load %arg18[%swap3A_1259, %swap3A_1260] : memref<416x512xf32, #tpu.memory_space<vmem>>, vector<1x512xf32>
    tpu.vector_store %arg18[%swap3A_1259, %swap3A_1260], %broadcast_in_dim3A_1258 {strides = array<i32>} : memref<416x512xf32, #tpu.memory_space<vmem>>, vector<1x512xf32>,
    %mul3A_1262 = arith.mulf %slice3A_60, %max3A_37 : vector<64x512xf32>
    %reduce_sum3A_1263 = arith.constant dense<0.000000e+00> : vector<512xf32>
    %reduce_sum3A_1264 = vector.multi_reduction <add>, %mul3A_1262, %reduce_sum3A_1263 [0] : vector<64x512xf32> to vector<512xf32>
    %broadcast_in_dim3A_1265 = vector.shape_cast %reduce_sum3A_1264 : vector<512xf32> to vector<1x512xf32>
    %swap3A_1266 = arith.constant 235 : index
    %swap3A_1267 = arith.constant 0 : index
    %swap3A_1268 = vector.load %arg18[%swap3A_1266, %swap3A_1267] : memref<416x512xf32, #tpu.memory_space<vmem>>, vector<1x512xf32>
    tpu.vector_store %arg18[%swap3A_1266, %swap3A_1267], %broadcast_in_dim3A_1265 {strides = array<i32>} : memref<416x512xf32, #tpu.memory_space<vmem>>, vector<1x512xf32>,
    %mul3A_1269 = arith.mulf %slice3A_60, %slice3A : vector<64x512xf32>
    %reduce_sum3A_1270 = arith.constant dense<0.000000e+00> : vector<512xf32>
    %reduce_sum3A_1271 = vector.multi_reduction <add>, %mul3A_1269, %reduce_sum3A_1270 [0] : vector<64x512xf32> to vector<512xf32>
    %broadcast_in_dim3A_1272 = vector.shape_cast %reduce_sum3A_1271 : vector<512xf32> to vector<1x512xf32>
    %swap3A_1273 = arith.constant 236 : index
    %swap3A_1274 = arith.constant 0 : index
    %swap3A_1275 = vector.load %arg18[%swap3A_1273, %swap3A_1274] : memref<416x512xf32, #tpu.memory_space<vmem>>, vector<1x512xf32>
    tpu.vector_store %arg18[%swap3A_1273, %swap3A_1274], %broadcast_in_dim3A_1272 {strides = array<i32>} : memref<416x512xf32, #tpu.memory_space<vmem>>, vector<1x512xf32>,
    %mul3A_1276 = arith.mulf %slice3A_60, %slice3A_43 : vector<64x512xf32>
    %reduce_sum3A_1277 = arith.constant dense<0.000000e+00> : vector<512xf32>
    %reduce_sum3A_1278 = vector.multi_reduction <add>, %mul3A_1276, %reduce_sum3A_1277 [0] : vector<64x512xf32> to vector<512xf32>
    %broadcast_in_dim3A_1279 = vector.shape_cast %reduce_sum3A_1278 : vector<512xf32> to vector<1x512xf32>
    %swap3A_1280 = arith.constant 237 : index
    %swap3A_1281 = arith.constant 0 : index
    %swap3A_1282 = vector.load %arg18[%swap3A_1280, %swap3A_1281] : memref<416x512xf32, #tpu.memory_space<vmem>>, vector<1x512xf32>
    tpu.vector_store %arg18[%swap3A_1280, %swap3A_1281], %broadcast_in_dim3A_1279 {strides = array<i32>} : memref<416x512xf32, #tpu.memory_space<vmem>>, vector<1x512xf32>,
    %mul3A_1283 = arith.mulf %slice3A_60, %slice3A_44 : vector<64x512xf32>
    %reduce_sum3A_1284 = arith.constant dense<0.000000e+00> : vector<512xf32>
    %reduce_sum3A_1285 = vector.multi_reduction <add>, %mul3A_1283, %reduce_sum3A_1284 [0] : vector<64x512xf32> to vector<512xf32>
    %broadcast_in_dim3A_1286 = vector.shape_cast %reduce_sum3A_1285 : vector<512xf32> to vector<1x512xf32>
    %swap3A_1287 = arith.constant 238 : index
    %swap3A_1288 = arith.constant 0 : index
    %swap3A_1289 = vector.load %arg18[%swap3A_1287, %swap3A_1288] : memref<416x512xf32, #tpu.memory_space<vmem>>, vector<1x512xf32>
    tpu.vector_store %arg18[%swap3A_1287, %swap3A_1288], %broadcast_in_dim3A_1286 {strides = array<i32>} : memref<416x512xf32, #tpu.memory_space<vmem>>, vector<1x512xf32>,
    %mul3A_1290 = arith.mulf %slice3A_60, %slice3A_45 : vector<64x512xf32>
    %reduce_sum3A_1291 = arith.constant dense<0.000000e+00> : vector<512xf32>
    %reduce_sum3A_1292 = vector.multi_reduction <add>, %mul3A_1290, %reduce_sum3A_1291 [0] : vector<64x512xf32> to vector<512xf32>
    %broadcast_in_dim3A_1293 = vector.shape_cast %reduce_sum3A_1292 : vector<512xf32> to vector<1x512xf32>
    %swap3A_1294 = arith.constant 239 : index
    %swap3A_1295 = arith.constant 0 : index
    %swap3A_1296 = vector.load %arg18[%swap3A_1294, %swap3A_1295] : memref<416x512xf32, #tpu.memory_space<vmem>>, vector<1x512xf32>
    tpu.vector_store %arg18[%swap3A_1294, %swap3A_1295], %broadcast_in_dim3A_1293 {strides = array<i32>} : memref<416x512xf32, #tpu.memory_space<vmem>>, vector<1x512xf32>,
    %mul3A_1297 = arith.mulf %slice3A_60, %slice3A_46 : vector<64x512xf32>
    %reduce_sum3A_1298 = arith.constant dense<0.000000e+00> : vector<512xf32>
    %reduce_sum3A_1299 = vector.multi_reduction <add>, %mul3A_1297, %reduce_sum3A_1298 [0] : vector<64x512xf32> to vector<512xf32>
    %broadcast_in_dim3A_1300 = vector.shape_cast %reduce_sum3A_1299 : vector<512xf32> to vector<1x512xf32>
    %swap3A_1301 = arith.constant 240 : index
    %swap3A_1302 = arith.constant 0 : index
    %swap3A_1303 = vector.load %arg18[%swap3A_1301, %swap3A_1302] : memref<416x512xf32, #tpu.memory_space<vmem>>, vector<1x512xf32>
    tpu.vector_store %arg18[%swap3A_1301, %swap3A_1302], %broadcast_in_dim3A_1300 {strides = array<i32>} : memref<416x512xf32, #tpu.memory_space<vmem>>, vector<1x512xf32>,
    %mul3A_1304 = arith.mulf %slice3A_60, %slice3A_47 : vector<64x512xf32>
    %reduce_sum3A_1305 = arith.constant dense<0.000000e+00> : vector<512xf32>
    %reduce_sum3A_1306 = vector.multi_reduction <add>, %mul3A_1304, %reduce_sum3A_1305 [0] : vector<64x512xf32> to vector<512xf32>
    %broadcast_in_dim3A_1307 = vector.shape_cast %reduce_sum3A_1306 : vector<512xf32> to vector<1x512xf32>
    %swap3A_1308 = arith.constant 241 : index
    %swap3A_1309 = arith.constant 0 : index
    %swap3A_1310 = vector.load %arg18[%swap3A_1308, %swap3A_1309] : memref<416x512xf32, #tpu.memory_space<vmem>>, vector<1x512xf32>
    tpu.vector_store %arg18[%swap3A_1308, %swap3A_1309], %broadcast_in_dim3A_1307 {strides = array<i32>} : memref<416x512xf32, #tpu.memory_space<vmem>>, vector<1x512xf32>,
    %mul3A_1311 = arith.mulf %slice3A_60, %slice3A_48 : vector<64x512xf32>
    %reduce_sum3A_1312 = arith.constant dense<0.000000e+00> : vector<512xf32>
    %reduce_sum3A_1313 = vector.multi_reduction <add>, %mul3A_1311, %reduce_sum3A_1312 [0] : vector<64x512xf32> to vector<512xf32>
    %broadcast_in_dim3A_1314 = vector.shape_cast %reduce_sum3A_1313 : vector<512xf32> to vector<1x512xf32>
    %swap3A_1315 = arith.constant 242 : index
    %swap3A_1316 = arith.constant 0 : index
    %swap3A_1317 = vector.load %arg18[%swap3A_1315, %swap3A_1316] : memref<416x512xf32, #tpu.memory_space<vmem>>, vector<1x512xf32>
    tpu.vector_store %arg18[%swap3A_1315, %swap3A_1316], %broadcast_in_dim3A_1314 {strides = array<i32>} : memref<416x512xf32, #tpu.memory_space<vmem>>, vector<1x512xf32>,
    %mul3A_1318 = arith.mulf %slice3A_60, %slice3A_49 : vector<64x512xf32>
    %reduce_sum3A_1319 = arith.constant dense<0.000000e+00> : vector<512xf32>
    %reduce_sum3A_1320 = vector.multi_reduction <add>, %mul3A_1318, %reduce_sum3A_1319 [0] : vector<64x512xf32> to vector<512xf32>
    %broadcast_in_dim3A_1321 = vector.shape_cast %reduce_sum3A_1320 : vector<512xf32> to vector<1x512xf32>
    %swap3A_1322 = arith.constant 243 : index
    %swap3A_1323 = arith.constant 0 : index
    %swap3A_1324 = vector.load %arg18[%swap3A_1322, %swap3A_1323] : memref<416x512xf32, #tpu.memory_space<vmem>>, vector<1x512xf32>
    tpu.vector_store %arg18[%swap3A_1322, %swap3A_1323], %broadcast_in_dim3A_1321 {strides = array<i32>} : memref<416x512xf32, #tpu.memory_space<vmem>>, vector<1x512xf32>,
    %mul3A_1325 = arith.mulf %slice3A_60, %slice3A_50 : vector<64x512xf32>
    %reduce_sum3A_1326 = arith.constant dense<0.000000e+00> : vector<512xf32>
    %reduce_sum3A_1327 = vector.multi_reduction <add>, %mul3A_1325, %reduce_sum3A_1326 [0] : vector<64x512xf32> to vector<512xf32>
    %broadcast_in_dim3A_1328 = vector.shape_cast %reduce_sum3A_1327 : vector<512xf32> to vector<1x512xf32>
    %swap3A_1329 = arith.constant 244 : index
    %swap3A_1330 = arith.constant 0 : index
    %swap3A_1331 = vector.load %arg18[%swap3A_1329, %swap3A_1330] : memref<416x512xf32, #tpu.memory_space<vmem>>, vector<1x512xf32>
    tpu.vector_store %arg18[%swap3A_1329, %swap3A_1330], %broadcast_in_dim3A_1328 {strides = array<i32>} : memref<416x512xf32, #tpu.memory_space<vmem>>, vector<1x512xf32>,
    %mul3A_1332 = arith.mulf %slice3A_60, %slice3A_51 : vector<64x512xf32>
    %reduce_sum3A_1333 = arith.constant dense<0.000000e+00> : vector<512xf32>
    %reduce_sum3A_1334 = vector.multi_reduction <add>, %mul3A_1332, %reduce_sum3A_1333 [0] : vector<64x512xf32> to vector<512xf32>
    %broadcast_in_dim3A_1335 = vector.shape_cast %reduce_sum3A_1334 : vector<512xf32> to vector<1x512xf32>
    %swap3A_1336 = arith.constant 245 : index
    %swap3A_1337 = arith.constant 0 : index
    %swap3A_1338 = vector.load %arg18[%swap3A_1336, %swap3A_1337] : memref<416x512xf32, #tpu.memory_space<vmem>>, vector<1x512xf32>
    tpu.vector_store %arg18[%swap3A_1336, %swap3A_1337], %broadcast_in_dim3A_1335 {strides = array<i32>} : memref<416x512xf32, #tpu.memory_space<vmem>>, vector<1x512xf32>,
    %mul3A_1339 = arith.mulf %slice3A_60, %slice3A_52 : vector<64x512xf32>
    %reduce_sum3A_1340 = arith.constant dense<0.000000e+00> : vector<512xf32>
    %reduce_sum3A_1341 = vector.multi_reduction <add>, %mul3A_1339, %reduce_sum3A_1340 [0] : vector<64x512xf32> to vector<512xf32>
    %broadcast_in_dim3A_1342 = vector.shape_cast %reduce_sum3A_1341 : vector<512xf32> to vector<1x512xf32>
    %swap3A_1343 = arith.constant 246 : index
    %swap3A_1344 = arith.constant 0 : index
    %swap3A_1345 = vector.load %arg18[%swap3A_1343, %swap3A_1344] : memref<416x512xf32, #tpu.memory_space<vmem>>, vector<1x512xf32>
    tpu.vector_store %arg18[%swap3A_1343, %swap3A_1344], %broadcast_in_dim3A_1342 {strides = array<i32>} : memref<416x512xf32, #tpu.memory_space<vmem>>, vector<1x512xf32>,
    %mul3A_1346 = arith.mulf %slice3A_60, %slice3A_53 : vector<64x512xf32>
    %reduce_sum3A_1347 = arith.constant dense<0.000000e+00> : vector<512xf32>
    %reduce_sum3A_1348 = vector.multi_reduction <add>, %mul3A_1346, %reduce_sum3A_1347 [0] : vector<64x512xf32> to vector<512xf32>
    %broadcast_in_dim3A_1349 = vector.shape_cast %reduce_sum3A_1348 : vector<512xf32> to vector<1x512xf32>
    %swap3A_1350 = arith.constant 247 : index
    %swap3A_1351 = arith.constant 0 : index
    %swap3A_1352 = vector.load %arg18[%swap3A_1350, %swap3A_1351] : memref<416x512xf32, #tpu.memory_space<vmem>>, vector<1x512xf32>
    tpu.vector_store %arg18[%swap3A_1350, %swap3A_1351], %broadcast_in_dim3A_1349 {strides = array<i32>} : memref<416x512xf32, #tpu.memory_space<vmem>>, vector<1x512xf32>,
    %mul3A_1353 = arith.mulf %slice3A_60, %slice3A_54 : vector<64x512xf32>
    %reduce_sum3A_1354 = arith.constant dense<0.000000e+00> : vector<512xf32>
    %reduce_sum3A_1355 = vector.multi_reduction <add>, %mul3A_1353, %reduce_sum3A_1354 [0] : vector<64x512xf32> to vector<512xf32>
    %broadcast_in_dim3A_1356 = vector.shape_cast %reduce_sum3A_1355 : vector<512xf32> to vector<1x512xf32>
    %swap3A_1357 = arith.constant 248 : index
    %swap3A_1358 = arith.constant 0 : index
    %swap3A_1359 = vector.load %arg18[%swap3A_1357, %swap3A_1358] : memref<416x512xf32, #tpu.memory_space<vmem>>, vector<1x512xf32>
    tpu.vector_store %arg18[%swap3A_1357, %swap3A_1358], %broadcast_in_dim3A_1356 {strides = array<i32>} : memref<416x512xf32, #tpu.memory_space<vmem>>, vector<1x512xf32>,
    %mul3A_1360 = arith.mulf %slice3A_60, %slice3A_55 : vector<64x512xf32>
    %reduce_sum3A_1361 = arith.constant dense<0.000000e+00> : vector<512xf32>
    %reduce_sum3A_1362 = vector.multi_reduction <add>, %mul3A_1360, %reduce_sum3A_1361 [0] : vector<64x512xf32> to vector<512xf32>
    %broadcast_in_dim3A_1363 = vector.shape_cast %reduce_sum3A_1362 : vector<512xf32> to vector<1x512xf32>
    %swap3A_1364 = arith.constant 249 : index
    %swap3A_1365 = arith.constant 0 : index
    %swap3A_1366 = vector.load %arg18[%swap3A_1364, %swap3A_1365] : memref<416x512xf32, #tpu.memory_space<vmem>>, vector<1x512xf32>
    tpu.vector_store %arg18[%swap3A_1364, %swap3A_1365], %broadcast_in_dim3A_1363 {strides = array<i32>} : memref<416x512xf32, #tpu.memory_space<vmem>>, vector<1x512xf32>,
    %mul3A_1367 = arith.mulf %slice3A_60, %slice3A_56 : vector<64x512xf32>
    %reduce_sum3A_1368 = arith.constant dense<0.000000e+00> : vector<512xf32>
    %reduce_sum3A_1369 = vector.multi_reduction <add>, %mul3A_1367, %reduce_sum3A_1368 [0] : vector<64x512xf32> to vector<512xf32>
    %broadcast_in_dim3A_1370 = vector.shape_cast %reduce_sum3A_1369 : vector<512xf32> to vector<1x512xf32>
    %swap3A_1371 = arith.constant 250 : index
    %swap3A_1372 = arith.constant 0 : index
    %swap3A_1373 = vector.load %arg18[%swap3A_1371, %swap3A_1372] : memref<416x512xf32, #tpu.memory_space<vmem>>, vector<1x512xf32>
    tpu.vector_store %arg18[%swap3A_1371, %swap3A_1372], %broadcast_in_dim3A_1370 {strides = array<i32>} : memref<416x512xf32, #tpu.memory_space<vmem>>, vector<1x512xf32>,
    %mul3A_1374 = arith.mulf %slice3A_60, %slice3A_57 : vector<64x512xf32>
    %reduce_sum3A_1375 = arith.constant dense<0.000000e+00> : vector<512xf32>
    %reduce_sum3A_1376 = vector.multi_reduction <add>, %mul3A_1374, %reduce_sum3A_1375 [0] : vector<64x512xf32> to vector<512xf32>
    %broadcast_in_dim3A_1377 = vector.shape_cast %reduce_sum3A_1376 : vector<512xf32> to vector<1x512xf32>
    %swap3A_1378 = arith.constant 251 : index
    %swap3A_1379 = arith.constant 0 : index
    %swap3A_1380 = vector.load %arg18[%swap3A_1378, %swap3A_1379] : memref<416x512xf32, #tpu.memory_space<vmem>>, vector<1x512xf32>
    tpu.vector_store %arg18[%swap3A_1378, %swap3A_1379], %broadcast_in_dim3A_1377 {strides = array<i32>} : memref<416x512xf32, #tpu.memory_space<vmem>>, vector<1x512xf32>,
    %mul3A_1381 = arith.mulf %slice3A_60, %slice3A_58 : vector<64x512xf32>
    %reduce_sum3A_1382 = arith.constant dense<0.000000e+00> : vector<512xf32>
    %reduce_sum3A_1383 = vector.multi_reduction <add>, %mul3A_1381, %reduce_sum3A_1382 [0] : vector<64x512xf32> to vector<512xf32>
    %broadcast_in_dim3A_1384 = vector.shape_cast %reduce_sum3A_1383 : vector<512xf32> to vector<1x512xf32>
    %swap3A_1385 = arith.constant 252 : index
    %swap3A_1386 = arith.constant 0 : index
    %swap3A_1387 = vector.load %arg18[%swap3A_1385, %swap3A_1386] : memref<416x512xf32, #tpu.memory_space<vmem>>, vector<1x512xf32>
    tpu.vector_store %arg18[%swap3A_1385, %swap3A_1386], %broadcast_in_dim3A_1384 {strides = array<i32>} : memref<416x512xf32, #tpu.memory_space<vmem>>, vector<1x512xf32>,
    %mul3A_1388 = arith.mulf %slice3A_60, %slice3A_59 : vector<64x512xf32>
    %reduce_sum3A_1389 = arith.constant dense<0.000000e+00> : vector<512xf32>
    %reduce_sum3A_1390 = vector.multi_reduction <add>, %mul3A_1388, %reduce_sum3A_1389 [0] : vector<64x512xf32> to vector<512xf32>
    %broadcast_in_dim3A_1391 = vector.shape_cast %reduce_sum3A_1390 : vector<512xf32> to vector<1x512xf32>
    %swap3A_1392 = arith.constant 253 : index
    %swap3A_1393 = arith.constant 0 : index
    %swap3A_1394 = vector.load %arg18[%swap3A_1392, %swap3A_1393] : memref<416x512xf32, #tpu.memory_space<vmem>>, vector<1x512xf32>
    tpu.vector_store %arg18[%swap3A_1392, %swap3A_1393], %broadcast_in_dim3A_1391 {strides = array<i32>} : memref<416x512xf32, #tpu.memory_space<vmem>>, vector<1x512xf32>,
    %mul3A_1395 = arith.mulf %slice3A_61, %max3A_37 : vector<64x512xf32>
    %reduce_sum3A_1396 = arith.constant dense<0.000000e+00> : vector<512xf32>
    %reduce_sum3A_1397 = vector.multi_reduction <add>, %mul3A_1395, %reduce_sum3A_1396 [0] : vector<64x512xf32> to vector<512xf32>
    %broadcast_in_dim3A_1398 = vector.shape_cast %reduce_sum3A_1397 : vector<512xf32> to vector<1x512xf32>
    %swap3A_1399 = arith.constant 254 : index
    %swap3A_1400 = arith.constant 0 : index
    %swap3A_1401 = vector.load %arg18[%swap3A_1399, %swap3A_1400] : memref<416x512xf32, #tpu.memory_space<vmem>>, vector<1x512xf32>
    tpu.vector_store %arg18[%swap3A_1399, %swap3A_1400], %broadcast_in_dim3A_1398 {strides = array<i32>} : memref<416x512xf32, #tpu.memory_space<vmem>>, vector<1x512xf32>,
    %mul3A_1402 = arith.mulf %slice3A_61, %slice3A : vector<64x512xf32>
    %reduce_sum3A_1403 = arith.constant dense<0.000000e+00> : vector<512xf32>
    %reduce_sum3A_1404 = vector.multi_reduction <add>, %mul3A_1402, %reduce_sum3A_1403 [0] : vector<64x512xf32> to vector<512xf32>
    %broadcast_in_dim3A_1405 = vector.shape_cast %reduce_sum3A_1404 : vector<512xf32> to vector<1x512xf32>
    %swap3A_1406 = arith.constant 255 : index
    %swap3A_1407 = arith.constant 0 : index
    %swap3A_1408 = vector.load %arg18[%swap3A_1406, %swap3A_1407] : memref<416x512xf32, #tpu.memory_space<vmem>>, vector<1x512xf32>
    tpu.vector_store %arg18[%swap3A_1406, %swap3A_1407], %broadcast_in_dim3A_1405 {strides = array<i32>} : memref<416x512xf32, #tpu.memory_space<vmem>>, vector<1x512xf32>,
    %mul3A_1409 = arith.mulf %slice3A_61, %slice3A_43 : vector<64x512xf32>
    %reduce_sum3A_1410 = arith.constant dense<0.000000e+00> : vector<512xf32>
    %reduce_sum3A_1411 = vector.multi_reduction <add>, %mul3A_1409, %reduce_sum3A_1410 [0] : vector<64x512xf32> to vector<512xf32>
    %broadcast_in_dim3A_1412 = vector.shape_cast %reduce_sum3A_1411 : vector<512xf32> to vector<1x512xf32>
    %swap3A_1413 = arith.constant 256 : index
    %swap3A_1414 = arith.constant 0 : index
    %swap3A_1415 = vector.load %arg18[%swap3A_1413, %swap3A_1414] : memref<416x512xf32, #tpu.memory_space<vmem>>, vector<1x512xf32>
    tpu.vector_store %arg18[%swap3A_1413, %swap3A_1414], %broadcast_in_dim3A_1412 {strides = array<i32>} : memref<416x512xf32, #tpu.memory_space<vmem>>, vector<1x512xf32>,
    %mul3A_1416 = arith.mulf %slice3A_61, %slice3A_44 : vector<64x512xf32>
    %reduce_sum3A_1417 = arith.constant dense<0.000000e+00> : vector<512xf32>
    %reduce_sum3A_1418 = vector.multi_reduction <add>, %mul3A_1416, %reduce_sum3A_1417 [0] : vector<64x512xf32> to vector<512xf32>
    %broadcast_in_dim3A_1419 = vector.shape_cast %reduce_sum3A_1418 : vector<512xf32> to vector<1x512xf32>
    %swap3A_1420 = arith.constant 257 : index
    %swap3A_1421 = arith.constant 0 : index
    %swap3A_1422 = vector.load %arg18[%swap3A_1420, %swap3A_1421] : memref<416x512xf32, #tpu.memory_space<vmem>>, vector<1x512xf32>
    tpu.vector_store %arg18[%swap3A_1420, %swap3A_1421], %broadcast_in_dim3A_1419 {strides = array<i32>} : memref<416x512xf32, #tpu.memory_space<vmem>>, vector<1x512xf32>,
    %mul3A_1423 = arith.mulf %slice3A_61, %slice3A_45 : vector<64x512xf32>
    %reduce_sum3A_1424 = arith.constant dense<0.000000e+00> : vector<512xf32>
    %reduce_sum3A_1425 = vector.multi_reduction <add>, %mul3A_1423, %reduce_sum3A_1424 [0] : vector<64x512xf32> to vector<512xf32>
    %broadcast_in_dim3A_1426 = vector.shape_cast %reduce_sum3A_1425 : vector<512xf32> to vector<1x512xf32>
    %swap3A_1427 = arith.constant 258 : index
    %swap3A_1428 = arith.constant 0 : index
    %swap3A_1429 = vector.load %arg18[%swap3A_1427, %swap3A_1428] : memref<416x512xf32, #tpu.memory_space<vmem>>, vector<1x512xf32>
    tpu.vector_store %arg18[%swap3A_1427, %swap3A_1428], %broadcast_in_dim3A_1426 {strides = array<i32>} : memref<416x512xf32, #tpu.memory_space<vmem>>, vector<1x512xf32>,
    %mul3A_1430 = arith.mulf %slice3A_61, %slice3A_46 : vector<64x512xf32>
    %reduce_sum3A_1431 = arith.constant dense<0.000000e+00> : vector<512xf32>
    %reduce_sum3A_1432 = vector.multi_reduction <add>, %mul3A_1430, %reduce_sum3A_1431 [0] : vector<64x512xf32> to vector<512xf32>
    %broadcast_in_dim3A_1433 = vector.shape_cast %reduce_sum3A_1432 : vector<512xf32> to vector<1x512xf32>
    %swap3A_1434 = arith.constant 259 : index
    %swap3A_1435 = arith.constant 0 : index
    %swap3A_1436 = vector.load %arg18[%swap3A_1434, %swap3A_1435] : memref<416x512xf32, #tpu.memory_space<vmem>>, vector<1x512xf32>
    tpu.vector_store %arg18[%swap3A_1434, %swap3A_1435], %broadcast_in_dim3A_1433 {strides = array<i32>} : memref<416x512xf32, #tpu.memory_space<vmem>>, vector<1x512xf32>,
    %mul3A_1437 = arith.mulf %slice3A_61, %slice3A_47 : vector<64x512xf32>
    %reduce_sum3A_1438 = arith.constant dense<0.000000e+00> : vector<512xf32>
    %reduce_sum3A_1439 = vector.multi_reduction <add>, %mul3A_1437, %reduce_sum3A_1438 [0] : vector<64x512xf32> to vector<512xf32>
    %broadcast_in_dim3A_1440 = vector.shape_cast %reduce_sum3A_1439 : vector<512xf32> to vector<1x512xf32>
    %swap3A_1441 = arith.constant 260 : index
    %swap3A_1442 = arith.constant 0 : index
    %swap3A_1443 = vector.load %arg18[%swap3A_1441, %swap3A_1442] : memref<416x512xf32, #tpu.memory_space<vmem>>, vector<1x512xf32>
    tpu.vector_store %arg18[%swap3A_1441, %swap3A_1442], %broadcast_in_dim3A_1440 {strides = array<i32>} : memref<416x512xf32, #tpu.memory_space<vmem>>, vector<1x512xf32>,
    %mul3A_1444 = arith.mulf %slice3A_61, %slice3A_48 : vector<64x512xf32>
    %reduce_sum3A_1445 = arith.constant dense<0.000000e+00> : vector<512xf32>
    %reduce_sum3A_1446 = vector.multi_reduction <add>, %mul3A_1444, %reduce_sum3A_1445 [0] : vector<64x512xf32> to vector<512xf32>
    %broadcast_in_dim3A_1447 = vector.shape_cast %reduce_sum3A_1446 : vector<512xf32> to vector<1x512xf32>
    %swap3A_1448 = arith.constant 261 : index
    %swap3A_1449 = arith.constant 0 : index
    %swap3A_1450 = vector.load %arg18[%swap3A_1448, %swap3A_1449] : memref<416x512xf32, #tpu.memory_space<vmem>>, vector<1x512xf32>
    tpu.vector_store %arg18[%swap3A_1448, %swap3A_1449], %broadcast_in_dim3A_1447 {strides = array<i32>} : memref<416x512xf32, #tpu.memory_space<vmem>>, vector<1x512xf32>,
    %mul3A_1451 = arith.mulf %slice3A_61, %slice3A_49 : vector<64x512xf32>
    %reduce_sum3A_1452 = arith.constant dense<0.000000e+00> : vector<512xf32>
    %reduce_sum3A_1453 = vector.multi_reduction <add>, %mul3A_1451, %reduce_sum3A_1452 [0] : vector<64x512xf32> to vector<512xf32>
    %broadcast_in_dim3A_1454 = vector.shape_cast %reduce_sum3A_1453 : vector<512xf32> to vector<1x512xf32>
    %swap3A_1455 = arith.constant 262 : index
    %swap3A_1456 = arith.constant 0 : index
    %swap3A_1457 = vector.load %arg18[%swap3A_1455, %swap3A_1456] : memref<416x512xf32, #tpu.memory_space<vmem>>, vector<1x512xf32>
    tpu.vector_store %arg18[%swap3A_1455, %swap3A_1456], %broadcast_in_dim3A_1454 {strides = array<i32>} : memref<416x512xf32, #tpu.memory_space<vmem>>, vector<1x512xf32>,
    %mul3A_1458 = arith.mulf %slice3A_61, %slice3A_50 : vector<64x512xf32>
    %reduce_sum3A_1459 = arith.constant dense<0.000000e+00> : vector<512xf32>
    %reduce_sum3A_1460 = vector.multi_reduction <add>, %mul3A_1458, %reduce_sum3A_1459 [0] : vector<64x512xf32> to vector<512xf32>
    %broadcast_in_dim3A_1461 = vector.shape_cast %reduce_sum3A_1460 : vector<512xf32> to vector<1x512xf32>
    %swap3A_1462 = arith.constant 263 : index
    %swap3A_1463 = arith.constant 0 : index
    %swap3A_1464 = vector.load %arg18[%swap3A_1462, %swap3A_1463] : memref<416x512xf32, #tpu.memory_space<vmem>>, vector<1x512xf32>
    tpu.vector_store %arg18[%swap3A_1462, %swap3A_1463], %broadcast_in_dim3A_1461 {strides = array<i32>} : memref<416x512xf32, #tpu.memory_space<vmem>>, vector<1x512xf32>,
    %mul3A_1465 = arith.mulf %slice3A_61, %slice3A_51 : vector<64x512xf32>
    %reduce_sum3A_1466 = arith.constant dense<0.000000e+00> : vector<512xf32>
    %reduce_sum3A_1467 = vector.multi_reduction <add>, %mul3A_1465, %reduce_sum3A_1466 [0] : vector<64x512xf32> to vector<512xf32>
    %broadcast_in_dim3A_1468 = vector.shape_cast %reduce_sum3A_1467 : vector<512xf32> to vector<1x512xf32>
    %swap3A_1469 = arith.constant 264 : index
    %swap3A_1470 = arith.constant 0 : index
    %swap3A_1471 = vector.load %arg18[%swap3A_1469, %swap3A_1470] : memref<416x512xf32, #tpu.memory_space<vmem>>, vector<1x512xf32>
    tpu.vector_store %arg18[%swap3A_1469, %swap3A_1470], %broadcast_in_dim3A_1468 {strides = array<i32>} : memref<416x512xf32, #tpu.memory_space<vmem>>, vector<1x512xf32>,
    %mul3A_1472 = arith.mulf %slice3A_61, %slice3A_52 : vector<64x512xf32>
    %reduce_sum3A_1473 = arith.constant dense<0.000000e+00> : vector<512xf32>
    %reduce_sum3A_1474 = vector.multi_reduction <add>, %mul3A_1472, %reduce_sum3A_1473 [0] : vector<64x512xf32> to vector<512xf32>
    %broadcast_in_dim3A_1475 = vector.shape_cast %reduce_sum3A_1474 : vector<512xf32> to vector<1x512xf32>
    %swap3A_1476 = arith.constant 265 : index
    %swap3A_1477 = arith.constant 0 : index
    %swap3A_1478 = vector.load %arg18[%swap3A_1476, %swap3A_1477] : memref<416x512xf32, #tpu.memory_space<vmem>>, vector<1x512xf32>
    tpu.vector_store %arg18[%swap3A_1476, %swap3A_1477], %broadcast_in_dim3A_1475 {strides = array<i32>} : memref<416x512xf32, #tpu.memory_space<vmem>>, vector<1x512xf32>,
    %mul3A_1479 = arith.mulf %slice3A_61, %slice3A_53 : vector<64x512xf32>
    %reduce_sum3A_1480 = arith.constant dense<0.000000e+00> : vector<512xf32>
    %reduce_sum3A_1481 = vector.multi_reduction <add>, %mul3A_1479, %reduce_sum3A_1480 [0] : vector<64x512xf32> to vector<512xf32>
    %broadcast_in_dim3A_1482 = vector.shape_cast %reduce_sum3A_1481 : vector<512xf32> to vector<1x512xf32>
    %swap3A_1483 = arith.constant 266 : index
    %swap3A_1484 = arith.constant 0 : index
    %swap3A_1485 = vector.load %arg18[%swap3A_1483, %swap3A_1484] : memref<416x512xf32, #tpu.memory_space<vmem>>, vector<1x512xf32>
    tpu.vector_store %arg18[%swap3A_1483, %swap3A_1484], %broadcast_in_dim3A_1482 {strides = array<i32>} : memref<416x512xf32, #tpu.memory_space<vmem>>, vector<1x512xf32>,
    %mul3A_1486 = arith.mulf %slice3A_61, %slice3A_54 : vector<64x512xf32>
    %reduce_sum3A_1487 = arith.constant dense<0.000000e+00> : vector<512xf32>
    %reduce_sum3A_1488 = vector.multi_reduction <add>, %mul3A_1486, %reduce_sum3A_1487 [0] : vector<64x512xf32> to vector<512xf32>
    %broadcast_in_dim3A_1489 = vector.shape_cast %reduce_sum3A_1488 : vector<512xf32> to vector<1x512xf32>
    %swap3A_1490 = arith.constant 267 : index
    %swap3A_1491 = arith.constant 0 : index
    %swap3A_1492 = vector.load %arg18[%swap3A_1490, %swap3A_1491] : memref<416x512xf32, #tpu.memory_space<vmem>>, vector<1x512xf32>
    tpu.vector_store %arg18[%swap3A_1490, %swap3A_1491], %broadcast_in_dim3A_1489 {strides = array<i32>} : memref<416x512xf32, #tpu.memory_space<vmem>>, vector<1x512xf32>,
    %mul3A_1493 = arith.mulf %slice3A_61, %slice3A_55 : vector<64x512xf32>
    %reduce_sum3A_1494 = arith.constant dense<0.000000e+00> : vector<512xf32>
    %reduce_sum3A_1495 = vector.multi_reduction <add>, %mul3A_1493, %reduce_sum3A_1494 [0] : vector<64x512xf32> to vector<512xf32>
    %broadcast_in_dim3A_1496 = vector.shape_cast %reduce_sum3A_1495 : vector<512xf32> to vector<1x512xf32>
    %swap3A_1497 = arith.constant 268 : index
    %swap3A_1498 = arith.constant 0 : index
    %swap3A_1499 = vector.load %arg18[%swap3A_1497, %swap3A_1498] : memref<416x512xf32, #tpu.memory_space<vmem>>, vector<1x512xf32>
    tpu.vector_store %arg18[%swap3A_1497, %swap3A_1498], %broadcast_in_dim3A_1496 {strides = array<i32>} : memref<416x512xf32, #tpu.memory_space<vmem>>, vector<1x512xf32>,
    %mul3A_1500 = arith.mulf %slice3A_61, %slice3A_56 : vector<64x512xf32>
    %reduce_sum3A_1501 = arith.constant dense<0.000000e+00> : vector<512xf32>
    %reduce_sum3A_1502 = vector.multi_reduction <add>, %mul3A_1500, %reduce_sum3A_1501 [0] : vector<64x512xf32> to vector<512xf32>
    %broadcast_in_dim3A_1503 = vector.shape_cast %reduce_sum3A_1502 : vector<512xf32> to vector<1x512xf32>
    %swap3A_1504 = arith.constant 269 : index
    %swap3A_1505 = arith.constant 0 : index
    %swap3A_1506 = vector.load %arg18[%swap3A_1504, %swap3A_1505] : memref<416x512xf32, #tpu.memory_space<vmem>>, vector<1x512xf32>
    tpu.vector_store %arg18[%swap3A_1504, %swap3A_1505], %broadcast_in_dim3A_1503 {strides = array<i32>} : memref<416x512xf32, #tpu.memory_space<vmem>>, vector<1x512xf32>,
    %mul3A_1507 = arith.mulf %slice3A_61, %slice3A_57 : vector<64x512xf32>
    %reduce_sum3A_1508 = arith.constant dense<0.000000e+00> : vector<512xf32>
    %reduce_sum3A_1509 = vector.multi_reduction <add>, %mul3A_1507, %reduce_sum3A_1508 [0] : vector<64x512xf32> to vector<512xf32>
    %broadcast_in_dim3A_1510 = vector.shape_cast %reduce_sum3A_1509 : vector<512xf32> to vector<1x512xf32>
    %swap3A_1511 = arith.constant 270 : index
    %swap3A_1512 = arith.constant 0 : index
    %swap3A_1513 = vector.load %arg18[%swap3A_1511, %swap3A_1512] : memref<416x512xf32, #tpu.memory_space<vmem>>, vector<1x512xf32>
    tpu.vector_store %arg18[%swap3A_1511, %swap3A_1512], %broadcast_in_dim3A_1510 {strides = array<i32>} : memref<416x512xf32, #tpu.memory_space<vmem>>, vector<1x512xf32>,
    %mul3A_1514 = arith.mulf %slice3A_61, %slice3A_58 : vector<64x512xf32>
    %reduce_sum3A_1515 = arith.constant dense<0.000000e+00> : vector<512xf32>
    %reduce_sum3A_1516 = vector.multi_reduction <add>, %mul3A_1514, %reduce_sum3A_1515 [0] : vector<64x512xf32> to vector<512xf32>
    %broadcast_in_dim3A_1517 = vector.shape_cast %reduce_sum3A_1516 : vector<512xf32> to vector<1x512xf32>
    %swap3A_1518 = arith.constant 271 : index
    %swap3A_1519 = arith.constant 0 : index
    %swap3A_1520 = vector.load %arg18[%swap3A_1518, %swap3A_1519] : memref<416x512xf32, #tpu.memory_space<vmem>>, vector<1x512xf32>
    tpu.vector_store %arg18[%swap3A_1518, %swap3A_1519], %broadcast_in_dim3A_1517 {strides = array<i32>} : memref<416x512xf32, #tpu.memory_space<vmem>>, vector<1x512xf32>,
    %mul3A_1521 = arith.mulf %slice3A_61, %slice3A_59 : vector<64x512xf32>
    %reduce_sum3A_1522 = arith.constant dense<0.000000e+00> : vector<512xf32>
    %reduce_sum3A_1523 = vector.multi_reduction <add>, %mul3A_1521, %reduce_sum3A_1522 [0] : vector<64x512xf32> to vector<512xf32>
    %broadcast_in_dim3A_1524 = vector.shape_cast %reduce_sum3A_1523 : vector<512xf32> to vector<1x512xf32>
    %swap3A_1525 = arith.constant 272 : index
    %swap3A_1526 = arith.constant 0 : index
    %swap3A_1527 = vector.load %arg18[%swap3A_1525, %swap3A_1526] : memref<416x512xf32, #tpu.memory_space<vmem>>, vector<1x512xf32>
    tpu.vector_store %arg18[%swap3A_1525, %swap3A_1526], %broadcast_in_dim3A_1524 {strides = array<i32>} : memref<416x512xf32, #tpu.memory_space<vmem>>, vector<1x512xf32>,
    %mul3A_1528 = arith.mulf %slice3A_61, %slice3A_60 : vector<64x512xf32>
    %reduce_sum3A_1529 = arith.constant dense<0.000000e+00> : vector<512xf32>
    %reduce_sum3A_1530 = vector.multi_reduction <add>, %mul3A_1528, %reduce_sum3A_1529 [0] : vector<64x512xf32> to vector<512xf32>
    %broadcast_in_dim3A_1531 = vector.shape_cast %reduce_sum3A_1530 : vector<512xf32> to vector<1x512xf32>
    %swap3A_1532 = arith.constant 273 : index
    %swap3A_1533 = arith.constant 0 : index
    %swap3A_1534 = vector.load %arg18[%swap3A_1532, %swap3A_1533] : memref<416x512xf32, #tpu.memory_space<vmem>>, vector<1x512xf32>
    tpu.vector_store %arg18[%swap3A_1532, %swap3A_1533], %broadcast_in_dim3A_1531 {strides = array<i32>} : memref<416x512xf32, #tpu.memory_space<vmem>>, vector<1x512xf32>,
    %mul3A_1535 = arith.mulf %slice3A_62, %max3A_37 : vector<64x512xf32>
    %reduce_sum3A_1536 = arith.constant dense<0.000000e+00> : vector<512xf32>
    %reduce_sum3A_1537 = vector.multi_reduction <add>, %mul3A_1535, %reduce_sum3A_1536 [0] : vector<64x512xf32> to vector<512xf32>
    %broadcast_in_dim3A_1538 = vector.shape_cast %reduce_sum3A_1537 : vector<512xf32> to vector<1x512xf32>
    %swap3A_1539 = arith.constant 274 : index
    %swap3A_1540 = arith.constant 0 : index
    %swap3A_1541 = vector.load %arg18[%swap3A_1539, %swap3A_1540] : memref<416x512xf32, #tpu.memory_space<vmem>>, vector<1x512xf32>
    tpu.vector_store %arg18[%swap3A_1539, %swap3A_1540], %broadcast_in_dim3A_1538 {strides = array<i32>} : memref<416x512xf32, #tpu.memory_space<vmem>>, vector<1x512xf32>,
    %mul3A_1542 = arith.mulf %slice3A_62, %slice3A : vector<64x512xf32>
    %reduce_sum3A_1543 = arith.constant dense<0.000000e+00> : vector<512xf32>
    %reduce_sum3A_1544 = vector.multi_reduction <add>, %mul3A_1542, %reduce_sum3A_1543 [0] : vector<64x512xf32> to vector<512xf32>
    %broadcast_in_dim3A_1545 = vector.shape_cast %reduce_sum3A_1544 : vector<512xf32> to vector<1x512xf32>
    %swap3A_1546 = arith.constant 275 : index
    %swap3A_1547 = arith.constant 0 : index
    %swap3A_1548 = vector.load %arg18[%swap3A_1546, %swap3A_1547] : memref<416x512xf32, #tpu.memory_space<vmem>>, vector<1x512xf32>
    tpu.vector_store %arg18[%swap3A_1546, %swap3A_1547], %broadcast_in_dim3A_1545 {strides = array<i32>} : memref<416x512xf32, #tpu.memory_space<vmem>>, vector<1x512xf32>,
    %mul3A_1549 = arith.mulf %slice3A_62, %slice3A_43 : vector<64x512xf32>
    %reduce_sum3A_1550 = arith.constant dense<0.000000e+00> : vector<512xf32>
    %reduce_sum3A_1551 = vector.multi_reduction <add>, %mul3A_1549, %reduce_sum3A_1550 [0] : vector<64x512xf32> to vector<512xf32>
    %broadcast_in_dim3A_1552 = vector.shape_cast %reduce_sum3A_1551 : vector<512xf32> to vector<1x512xf32>
    %swap3A_1553 = arith.constant 276 : index
    %swap3A_1554 = arith.constant 0 : index
    %swap3A_1555 = vector.load %arg18[%swap3A_1553, %swap3A_1554] : memref<416x512xf32, #tpu.memory_space<vmem>>, vector<1x512xf32>
    tpu.vector_store %arg18[%swap3A_1553, %swap3A_1554], %broadcast_in_dim3A_1552 {strides = array<i32>} : memref<416x512xf32, #tpu.memory_space<vmem>>, vector<1x512xf32>,
    %mul3A_1556 = arith.mulf %slice3A_62, %slice3A_44 : vector<64x512xf32>
    %reduce_sum3A_1557 = arith.constant dense<0.000000e+00> : vector<512xf32>
    %reduce_sum3A_1558 = vector.multi_reduction <add>, %mul3A_1556, %reduce_sum3A_1557 [0] : vector<64x512xf32> to vector<512xf32>
    %broadcast_in_dim3A_1559 = vector.shape_cast %reduce_sum3A_1558 : vector<512xf32> to vector<1x512xf32>
    %swap3A_1560 = arith.constant 277 : index
    %swap3A_1561 = arith.constant 0 : index
    %swap3A_1562 = vector.load %arg18[%swap3A_1560, %swap3A_1561] : memref<416x512xf32, #tpu.memory_space<vmem>>, vector<1x512xf32>
    tpu.vector_store %arg18[%swap3A_1560, %swap3A_1561], %broadcast_in_dim3A_1559 {strides = array<i32>} : memref<416x512xf32, #tpu.memory_space<vmem>>, vector<1x512xf32>,
    %mul3A_1563 = arith.mulf %slice3A_62, %slice3A_45 : vector<64x512xf32>
    %reduce_sum3A_1564 = arith.constant dense<0.000000e+00> : vector<512xf32>
    %reduce_sum3A_1565 = vector.multi_reduction <add>, %mul3A_1563, %reduce_sum3A_1564 [0] : vector<64x512xf32> to vector<512xf32>
    %broadcast_in_dim3A_1566 = vector.shape_cast %reduce_sum3A_1565 : vector<512xf32> to vector<1x512xf32>
    %swap3A_1567 = arith.constant 278 : index
    %swap3A_1568 = arith.constant 0 : index
    %swap3A_1569 = vector.load %arg18[%swap3A_1567, %swap3A_1568] : memref<416x512xf32, #tpu.memory_space<vmem>>, vector<1x512xf32>
    tpu.vector_store %arg18[%swap3A_1567, %swap3A_1568], %broadcast_in_dim3A_1566 {strides = array<i32>} : memref<416x512xf32, #tpu.memory_space<vmem>>, vector<1x512xf32>,
    %mul3A_1570 = arith.mulf %slice3A_62, %slice3A_46 : vector<64x512xf32>
    %reduce_sum3A_1571 = arith.constant dense<0.000000e+00> : vector<512xf32>
    %reduce_sum3A_1572 = vector.multi_reduction <add>, %mul3A_1570, %reduce_sum3A_1571 [0] : vector<64x512xf32> to vector<512xf32>
    %broadcast_in_dim3A_1573 = vector.shape_cast %reduce_sum3A_1572 : vector<512xf32> to vector<1x512xf32>
    %swap3A_1574 = arith.constant 279 : index
    %swap3A_1575 = arith.constant 0 : index
    %swap3A_1576 = vector.load %arg18[%swap3A_1574, %swap3A_1575] : memref<416x512xf32, #tpu.memory_space<vmem>>, vector<1x512xf32>
    tpu.vector_store %arg18[%swap3A_1574, %swap3A_1575], %broadcast_in_dim3A_1573 {strides = array<i32>} : memref<416x512xf32, #tpu.memory_space<vmem>>, vector<1x512xf32>,
    %mul3A_1577 = arith.mulf %slice3A_62, %slice3A_47 : vector<64x512xf32>
    %reduce_sum3A_1578 = arith.constant dense<0.000000e+00> : vector<512xf32>
    %reduce_sum3A_1579 = vector.multi_reduction <add>, %mul3A_1577, %reduce_sum3A_1578 [0] : vector<64x512xf32> to vector<512xf32>
    %broadcast_in_dim3A_1580 = vector.shape_cast %reduce_sum3A_1579 : vector<512xf32> to vector<1x512xf32>
    %swap3A_1581 = arith.constant 280 : index
    %swap3A_1582 = arith.constant 0 : index
    %swap3A_1583 = vector.load %arg18[%swap3A_1581, %swap3A_1582] : memref<416x512xf32, #tpu.memory_space<vmem>>, vector<1x512xf32>
    tpu.vector_store %arg18[%swap3A_1581, %swap3A_1582], %broadcast_in_dim3A_1580 {strides = array<i32>} : memref<416x512xf32, #tpu.memory_space<vmem>>, vector<1x512xf32>,
    %mul3A_1584 = arith.mulf %slice3A_62, %slice3A_48 : vector<64x512xf32>
    %reduce_sum3A_1585 = arith.constant dense<0.000000e+00> : vector<512xf32>
    %reduce_sum3A_1586 = vector.multi_reduction <add>, %mul3A_1584, %reduce_sum3A_1585 [0] : vector<64x512xf32> to vector<512xf32>
    %broadcast_in_dim3A_1587 = vector.shape_cast %reduce_sum3A_1586 : vector<512xf32> to vector<1x512xf32>
    %swap3A_1588 = arith.constant 281 : index
    %swap3A_1589 = arith.constant 0 : index
    %swap3A_1590 = vector.load %arg18[%swap3A_1588, %swap3A_1589] : memref<416x512xf32, #tpu.memory_space<vmem>>, vector<1x512xf32>
    tpu.vector_store %arg18[%swap3A_1588, %swap3A_1589], %broadcast_in_dim3A_1587 {strides = array<i32>} : memref<416x512xf32, #tpu.memory_space<vmem>>, vector<1x512xf32>,
    %mul3A_1591 = arith.mulf %slice3A_62, %slice3A_49 : vector<64x512xf32>
    %reduce_sum3A_1592 = arith.constant dense<0.000000e+00> : vector<512xf32>
    %reduce_sum3A_1593 = vector.multi_reduction <add>, %mul3A_1591, %reduce_sum3A_1592 [0] : vector<64x512xf32> to vector<512xf32>
    %broadcast_in_dim3A_1594 = vector.shape_cast %reduce_sum3A_1593 : vector<512xf32> to vector<1x512xf32>
    %swap3A_1595 = arith.constant 282 : index
    %swap3A_1596 = arith.constant 0 : index
    %swap3A_1597 = vector.load %arg18[%swap3A_1595, %swap3A_1596] : memref<416x512xf32, #tpu.memory_space<vmem>>, vector<1x512xf32>
    tpu.vector_store %arg18[%swap3A_1595, %swap3A_1596], %broadcast_in_dim3A_1594 {strides = array<i32>} : memref<416x512xf32, #tpu.memory_space<vmem>>, vector<1x512xf32>,
    %mul3A_1598 = arith.mulf %slice3A_62, %slice3A_50 : vector<64x512xf32>
    %reduce_sum3A_1599 = arith.constant dense<0.000000e+00> : vector<512xf32>
    %reduce_sum3A_1600 = vector.multi_reduction <add>, %mul3A_1598, %reduce_sum3A_1599 [0] : vector<64x512xf32> to vector<512xf32>
    %broadcast_in_dim3A_1601 = vector.shape_cast %reduce_sum3A_1600 : vector<512xf32> to vector<1x512xf32>
    %swap3A_1602 = arith.constant 283 : index
    %swap3A_1603 = arith.constant 0 : index
    %swap3A_1604 = vector.load %arg18[%swap3A_1602, %swap3A_1603] : memref<416x512xf32, #tpu.memory_space<vmem>>, vector<1x512xf32>
    tpu.vector_store %arg18[%swap3A_1602, %swap3A_1603], %broadcast_in_dim3A_1601 {strides = array<i32>} : memref<416x512xf32, #tpu.memory_space<vmem>>, vector<1x512xf32>,
    %mul3A_1605 = arith.mulf %slice3A_62, %slice3A_51 : vector<64x512xf32>
    %reduce_sum3A_1606 = arith.constant dense<0.000000e+00> : vector<512xf32>
    %reduce_sum3A_1607 = vector.multi_reduction <add>, %mul3A_1605, %reduce_sum3A_1606 [0] : vector<64x512xf32> to vector<512xf32>
    %broadcast_in_dim3A_1608 = vector.shape_cast %reduce_sum3A_1607 : vector<512xf32> to vector<1x512xf32>
    %swap3A_1609 = arith.constant 284 : index
    %swap3A_1610 = arith.constant 0 : index
    %swap3A_1611 = vector.load %arg18[%swap3A_1609, %swap3A_1610] : memref<416x512xf32, #tpu.memory_space<vmem>>, vector<1x512xf32>
    tpu.vector_store %arg18[%swap3A_1609, %swap3A_1610], %broadcast_in_dim3A_1608 {strides = array<i32>} : memref<416x512xf32, #tpu.memory_space<vmem>>, vector<1x512xf32>,
    %mul3A_1612 = arith.mulf %slice3A_62, %slice3A_52 : vector<64x512xf32>
    %reduce_sum3A_1613 = arith.constant dense<0.000000e+00> : vector<512xf32>
    %reduce_sum3A_1614 = vector.multi_reduction <add>, %mul3A_1612, %reduce_sum3A_1613 [0] : vector<64x512xf32> to vector<512xf32>
    %broadcast_in_dim3A_1615 = vector.shape_cast %reduce_sum3A_1614 : vector<512xf32> to vector<1x512xf32>
    %swap3A_1616 = arith.constant 285 : index
    %swap3A_1617 = arith.constant 0 : index
    %swap3A_1618 = vector.load %arg18[%swap3A_1616, %swap3A_1617] : memref<416x512xf32, #tpu.memory_space<vmem>>, vector<1x512xf32>
    tpu.vector_store %arg18[%swap3A_1616, %swap3A_1617], %broadcast_in_dim3A_1615 {strides = array<i32>} : memref<416x512xf32, #tpu.memory_space<vmem>>, vector<1x512xf32>,
    %mul3A_1619 = arith.mulf %slice3A_62, %slice3A_53 : vector<64x512xf32>
    %reduce_sum3A_1620 = arith.constant dense<0.000000e+00> : vector<512xf32>
    %reduce_sum3A_1621 = vector.multi_reduction <add>, %mul3A_1619, %reduce_sum3A_1620 [0] : vector<64x512xf32> to vector<512xf32>
    %broadcast_in_dim3A_1622 = vector.shape_cast %reduce_sum3A_1621 : vector<512xf32> to vector<1x512xf32>
    %swap3A_1623 = arith.constant 286 : index
    %swap3A_1624 = arith.constant 0 : index
    %swap3A_1625 = vector.load %arg18[%swap3A_1623, %swap3A_1624] : memref<416x512xf32, #tpu.memory_space<vmem>>, vector<1x512xf32>
    tpu.vector_store %arg18[%swap3A_1623, %swap3A_1624], %broadcast_in_dim3A_1622 {strides = array<i32>} : memref<416x512xf32, #tpu.memory_space<vmem>>, vector<1x512xf32>,
    %mul3A_1626 = arith.mulf %slice3A_62, %slice3A_54 : vector<64x512xf32>
    %reduce_sum3A_1627 = arith.constant dense<0.000000e+00> : vector<512xf32>
    %reduce_sum3A_1628 = vector.multi_reduction <add>, %mul3A_1626, %reduce_sum3A_1627 [0] : vector<64x512xf32> to vector<512xf32>
    %broadcast_in_dim3A_1629 = vector.shape_cast %reduce_sum3A_1628 : vector<512xf32> to vector<1x512xf32>
    %swap3A_1630 = arith.constant 287 : index
    %swap3A_1631 = arith.constant 0 : index
    %swap3A_1632 = vector.load %arg18[%swap3A_1630, %swap3A_1631] : memref<416x512xf32, #tpu.memory_space<vmem>>, vector<1x512xf32>
    tpu.vector_store %arg18[%swap3A_1630, %swap3A_1631], %broadcast_in_dim3A_1629 {strides = array<i32>} : memref<416x512xf32, #tpu.memory_space<vmem>>, vector<1x512xf32>,
    %mul3A_1633 = arith.mulf %slice3A_62, %slice3A_55 : vector<64x512xf32>
    %reduce_sum3A_1634 = arith.constant dense<0.000000e+00> : vector<512xf32>
    %reduce_sum3A_1635 = vector.multi_reduction <add>, %mul3A_1633, %reduce_sum3A_1634 [0] : vector<64x512xf32> to vector<512xf32>
    %broadcast_in_dim3A_1636 = vector.shape_cast %reduce_sum3A_1635 : vector<512xf32> to vector<1x512xf32>
    %swap3A_1637 = arith.constant 288 : index
    %swap3A_1638 = arith.constant 0 : index
    %swap3A_1639 = vector.load %arg18[%swap3A_1637, %swap3A_1638] : memref<416x512xf32, #tpu.memory_space<vmem>>, vector<1x512xf32>
    tpu.vector_store %arg18[%swap3A_1637, %swap3A_1638], %broadcast_in_dim3A_1636 {strides = array<i32>} : memref<416x512xf32, #tpu.memory_space<vmem>>, vector<1x512xf32>,
    %mul3A_1640 = arith.mulf %slice3A_62, %slice3A_56 : vector<64x512xf32>
    %reduce_sum3A_1641 = arith.constant dense<0.000000e+00> : vector<512xf32>
    %reduce_sum3A_1642 = vector.multi_reduction <add>, %mul3A_1640, %reduce_sum3A_1641 [0] : vector<64x512xf32> to vector<512xf32>
    %broadcast_in_dim3A_1643 = vector.shape_cast %reduce_sum3A_1642 : vector<512xf32> to vector<1x512xf32>
    %swap3A_1644 = arith.constant 289 : index
    %swap3A_1645 = arith.constant 0 : index
    %swap3A_1646 = vector.load %arg18[%swap3A_1644, %swap3A_1645] : memref<416x512xf32, #tpu.memory_space<vmem>>, vector<1x512xf32>
    tpu.vector_store %arg18[%swap3A_1644, %swap3A_1645], %broadcast_in_dim3A_1643 {strides = array<i32>} : memref<416x512xf32, #tpu.memory_space<vmem>>, vector<1x512xf32>,
    %mul3A_1647 = arith.mulf %slice3A_62, %slice3A_57 : vector<64x512xf32>
    %reduce_sum3A_1648 = arith.constant dense<0.000000e+00> : vector<512xf32>
    %reduce_sum3A_1649 = vector.multi_reduction <add>, %mul3A_1647, %reduce_sum3A_1648 [0] : vector<64x512xf32> to vector<512xf32>
    %broadcast_in_dim3A_1650 = vector.shape_cast %reduce_sum3A_1649 : vector<512xf32> to vector<1x512xf32>
    %swap3A_1651 = arith.constant 290 : index
    %swap3A_1652 = arith.constant 0 : index
    %swap3A_1653 = vector.load %arg18[%swap3A_1651, %swap3A_1652] : memref<416x512xf32, #tpu.memory_space<vmem>>, vector<1x512xf32>
    tpu.vector_store %arg18[%swap3A_1651, %swap3A_1652], %broadcast_in_dim3A_1650 {strides = array<i32>} : memref<416x512xf32, #tpu.memory_space<vmem>>, vector<1x512xf32>,
    %mul3A_1654 = arith.mulf %slice3A_62, %slice3A_58 : vector<64x512xf32>
    %reduce_sum3A_1655 = arith.constant dense<0.000000e+00> : vector<512xf32>
    %reduce_sum3A_1656 = vector.multi_reduction <add>, %mul3A_1654, %reduce_sum3A_1655 [0] : vector<64x512xf32> to vector<512xf32>
    %broadcast_in_dim3A_1657 = vector.shape_cast %reduce_sum3A_1656 : vector<512xf32> to vector<1x512xf32>
    %swap3A_1658 = arith.constant 291 : index
    %swap3A_1659 = arith.constant 0 : index
    %swap3A_1660 = vector.load %arg18[%swap3A_1658, %swap3A_1659] : memref<416x512xf32, #tpu.memory_space<vmem>>, vector<1x512xf32>
    tpu.vector_store %arg18[%swap3A_1658, %swap3A_1659], %broadcast_in_dim3A_1657 {strides = array<i32>} : memref<416x512xf32, #tpu.memory_space<vmem>>, vector<1x512xf32>,
    %mul3A_1661 = arith.mulf %slice3A_62, %slice3A_59 : vector<64x512xf32>
    %reduce_sum3A_1662 = arith.constant dense<0.000000e+00> : vector<512xf32>
    %reduce_sum3A_1663 = vector.multi_reduction <add>, %mul3A_1661, %reduce_sum3A_1662 [0] : vector<64x512xf32> to vector<512xf32>
    %broadcast_in_dim3A_1664 = vector.shape_cast %reduce_sum3A_1663 : vector<512xf32> to vector<1x512xf32>
    %swap3A_1665 = arith.constant 292 : index
    %swap3A_1666 = arith.constant 0 : index
    %swap3A_1667 = vector.load %arg18[%swap3A_1665, %swap3A_1666] : memref<416x512xf32, #tpu.memory_space<vmem>>, vector<1x512xf32>
    tpu.vector_store %arg18[%swap3A_1665, %swap3A_1666], %broadcast_in_dim3A_1664 {strides = array<i32>} : memref<416x512xf32, #tpu.memory_space<vmem>>, vector<1x512xf32>,
    %mul3A_1668 = arith.mulf %slice3A_62, %slice3A_60 : vector<64x512xf32>
    %reduce_sum3A_1669 = arith.constant dense<0.000000e+00> : vector<512xf32>
    %reduce_sum3A_1670 = vector.multi_reduction <add>, %mul3A_1668, %reduce_sum3A_1669 [0] : vector<64x512xf32> to vector<512xf32>
    %broadcast_in_dim3A_1671 = vector.shape_cast %reduce_sum3A_1670 : vector<512xf32> to vector<1x512xf32>
    %swap3A_1672 = arith.constant 293 : index
    %swap3A_1673 = arith.constant 0 : index
    %swap3A_1674 = vector.load %arg18[%swap3A_1672, %swap3A_1673] : memref<416x512xf32, #tpu.memory_space<vmem>>, vector<1x512xf32>
    tpu.vector_store %arg18[%swap3A_1672, %swap3A_1673], %broadcast_in_dim3A_1671 {strides = array<i32>} : memref<416x512xf32, #tpu.memory_space<vmem>>, vector<1x512xf32>,
    %mul3A_1675 = arith.mulf %slice3A_62, %slice3A_61 : vector<64x512xf32>
    %reduce_sum3A_1676 = arith.constant dense<0.000000e+00> : vector<512xf32>
    %reduce_sum3A_1677 = vector.multi_reduction <add>, %mul3A_1675, %reduce_sum3A_1676 [0] : vector<64x512xf32> to vector<512xf32>
    %broadcast_in_dim3A_1678 = vector.shape_cast %reduce_sum3A_1677 : vector<512xf32> to vector<1x512xf32>
    %swap3A_1679 = arith.constant 294 : index
    %swap3A_1680 = arith.constant 0 : index
    %swap3A_1681 = vector.load %arg18[%swap3A_1679, %swap3A_1680] : memref<416x512xf32, #tpu.memory_space<vmem>>, vector<1x512xf32>
    tpu.vector_store %arg18[%swap3A_1679, %swap3A_1680], %broadcast_in_dim3A_1678 {strides = array<i32>} : memref<416x512xf32, #tpu.memory_space<vmem>>, vector<1x512xf32>,
    %mul3A_1682 = arith.mulf %slice3A_63, %max3A_37 : vector<64x512xf32>
    %reduce_sum3A_1683 = arith.constant dense<0.000000e+00> : vector<512xf32>
    %reduce_sum3A_1684 = vector.multi_reduction <add>, %mul3A_1682, %reduce_sum3A_1683 [0] : vector<64x512xf32> to vector<512xf32>
    %broadcast_in_dim3A_1685 = vector.shape_cast %reduce_sum3A_1684 : vector<512xf32> to vector<1x512xf32>
    %swap3A_1686 = arith.constant 295 : index
    %swap3A_1687 = arith.constant 0 : index
    %swap3A_1688 = vector.load %arg18[%swap3A_1686, %swap3A_1687] : memref<416x512xf32, #tpu.memory_space<vmem>>, vector<1x512xf32>
    tpu.vector_store %arg18[%swap3A_1686, %swap3A_1687], %broadcast_in_dim3A_1685 {strides = array<i32>} : memref<416x512xf32, #tpu.memory_space<vmem>>, vector<1x512xf32>,
    %mul3A_1689 = arith.mulf %slice3A_63, %slice3A : vector<64x512xf32>
    %reduce_sum3A_1690 = arith.constant dense<0.000000e+00> : vector<512xf32>
    %reduce_sum3A_1691 = vector.multi_reduction <add>, %mul3A_1689, %reduce_sum3A_1690 [0] : vector<64x512xf32> to vector<512xf32>
    %broadcast_in_dim3A_1692 = vector.shape_cast %reduce_sum3A_1691 : vector<512xf32> to vector<1x512xf32>
    %swap3A_1693 = arith.constant 296 : index
    %swap3A_1694 = arith.constant 0 : index
    %swap3A_1695 = vector.load %arg18[%swap3A_1693, %swap3A_1694] : memref<416x512xf32, #tpu.memory_space<vmem>>, vector<1x512xf32>
    tpu.vector_store %arg18[%swap3A_1693, %swap3A_1694], %broadcast_in_dim3A_1692 {strides = array<i32>} : memref<416x512xf32, #tpu.memory_space<vmem>>, vector<1x512xf32>,
    %mul3A_1696 = arith.mulf %slice3A_63, %slice3A_43 : vector<64x512xf32>
    %reduce_sum3A_1697 = arith.constant dense<0.000000e+00> : vector<512xf32>
    %reduce_sum3A_1698 = vector.multi_reduction <add>, %mul3A_1696, %reduce_sum3A_1697 [0] : vector<64x512xf32> to vector<512xf32>
    %broadcast_in_dim3A_1699 = vector.shape_cast %reduce_sum3A_1698 : vector<512xf32> to vector<1x512xf32>
    %swap3A_1700 = arith.constant 297 : index
    %swap3A_1701 = arith.constant 0 : index
    %swap3A_1702 = vector.load %arg18[%swap3A_1700, %swap3A_1701] : memref<416x512xf32, #tpu.memory_space<vmem>>, vector<1x512xf32>
    tpu.vector_store %arg18[%swap3A_1700, %swap3A_1701], %broadcast_in_dim3A_1699 {strides = array<i32>} : memref<416x512xf32, #tpu.memory_space<vmem>>, vector<1x512xf32>,
    %mul3A_1703 = arith.mulf %slice3A_63, %slice3A_44 : vector<64x512xf32>
    %reduce_sum3A_1704 = arith.constant dense<0.000000e+00> : vector<512xf32>
    %reduce_sum3A_1705 = vector.multi_reduction <add>, %mul3A_1703, %reduce_sum3A_1704 [0] : vector<64x512xf32> to vector<512xf32>
    %broadcast_in_dim3A_1706 = vector.shape_cast %reduce_sum3A_1705 : vector<512xf32> to vector<1x512xf32>
    %swap3A_1707 = arith.constant 298 : index
    %swap3A_1708 = arith.constant 0 : index
    %swap3A_1709 = vector.load %arg18[%swap3A_1707, %swap3A_1708] : memref<416x512xf32, #tpu.memory_space<vmem>>, vector<1x512xf32>
    tpu.vector_store %arg18[%swap3A_1707, %swap3A_1708], %broadcast_in_dim3A_1706 {strides = array<i32>} : memref<416x512xf32, #tpu.memory_space<vmem>>, vector<1x512xf32>,
    %mul3A_1710 = arith.mulf %slice3A_63, %slice3A_45 : vector<64x512xf32>
    %reduce_sum3A_1711 = arith.constant dense<0.000000e+00> : vector<512xf32>
    %reduce_sum3A_1712 = vector.multi_reduction <add>, %mul3A_1710, %reduce_sum3A_1711 [0] : vector<64x512xf32> to vector<512xf32>
    %broadcast_in_dim3A_1713 = vector.shape_cast %reduce_sum3A_1712 : vector<512xf32> to vector<1x512xf32>
    %swap3A_1714 = arith.constant 299 : index
    %swap3A_1715 = arith.constant 0 : index
    %swap3A_1716 = vector.load %arg18[%swap3A_1714, %swap3A_1715] : memref<416x512xf32, #tpu.memory_space<vmem>>, vector<1x512xf32>
    tpu.vector_store %arg18[%swap3A_1714, %swap3A_1715], %broadcast_in_dim3A_1713 {strides = array<i32>} : memref<416x512xf32, #tpu.memory_space<vmem>>, vector<1x512xf32>,
    %mul3A_1717 = arith.mulf %slice3A_63, %slice3A_46 : vector<64x512xf32>
    %reduce_sum3A_1718 = arith.constant dense<0.000000e+00> : vector<512xf32>
    %reduce_sum3A_1719 = vector.multi_reduction <add>, %mul3A_1717, %reduce_sum3A_1718 [0] : vector<64x512xf32> to vector<512xf32>
    %broadcast_in_dim3A_1720 = vector.shape_cast %reduce_sum3A_1719 : vector<512xf32> to vector<1x512xf32>
    %swap3A_1721 = arith.constant 300 : index
    %swap3A_1722 = arith.constant 0 : index
    %swap3A_1723 = vector.load %arg18[%swap3A_1721, %swap3A_1722] : memref<416x512xf32, #tpu.memory_space<vmem>>, vector<1x512xf32>
    tpu.vector_store %arg18[%swap3A_1721, %swap3A_1722], %broadcast_in_dim3A_1720 {strides = array<i32>} : memref<416x512xf32, #tpu.memory_space<vmem>>, vector<1x512xf32>,
    %mul3A_1724 = arith.mulf %slice3A_63, %slice3A_47 : vector<64x512xf32>
    %reduce_sum3A_1725 = arith.constant dense<0.000000e+00> : vector<512xf32>
    %reduce_sum3A_1726 = vector.multi_reduction <add>, %mul3A_1724, %reduce_sum3A_1725 [0] : vector<64x512xf32> to vector<512xf32>
    %broadcast_in_dim3A_1727 = vector.shape_cast %reduce_sum3A_1726 : vector<512xf32> to vector<1x512xf32>
    %swap3A_1728 = arith.constant 301 : index
    %swap3A_1729 = arith.constant 0 : index
    %swap3A_1730 = vector.load %arg18[%swap3A_1728, %swap3A_1729] : memref<416x512xf32, #tpu.memory_space<vmem>>, vector<1x512xf32>
    tpu.vector_store %arg18[%swap3A_1728, %swap3A_1729], %broadcast_in_dim3A_1727 {strides = array<i32>} : memref<416x512xf32, #tpu.memory_space<vmem>>, vector<1x512xf32>,
    %mul3A_1731 = arith.mulf %slice3A_63, %slice3A_48 : vector<64x512xf32>
    %reduce_sum3A_1732 = arith.constant dense<0.000000e+00> : vector<512xf32>
    %reduce_sum3A_1733 = vector.multi_reduction <add>, %mul3A_1731, %reduce_sum3A_1732 [0] : vector<64x512xf32> to vector<512xf32>
    %broadcast_in_dim3A_1734 = vector.shape_cast %reduce_sum3A_1733 : vector<512xf32> to vector<1x512xf32>
    %swap3A_1735 = arith.constant 302 : index
    %swap3A_1736 = arith.constant 0 : index
    %swap3A_1737 = vector.load %arg18[%swap3A_1735, %swap3A_1736] : memref<416x512xf32, #tpu.memory_space<vmem>>, vector<1x512xf32>
    tpu.vector_store %arg18[%swap3A_1735, %swap3A_1736], %broadcast_in_dim3A_1734 {strides = array<i32>} : memref<416x512xf32, #tpu.memory_space<vmem>>, vector<1x512xf32>,
    %mul3A_1738 = arith.mulf %slice3A_63, %slice3A_49 : vector<64x512xf32>
    %reduce_sum3A_1739 = arith.constant dense<0.000000e+00> : vector<512xf32>
    %reduce_sum3A_1740 = vector.multi_reduction <add>, %mul3A_1738, %reduce_sum3A_1739 [0] : vector<64x512xf32> to vector<512xf32>
    %broadcast_in_dim3A_1741 = vector.shape_cast %reduce_sum3A_1740 : vector<512xf32> to vector<1x512xf32>
    %swap3A_1742 = arith.constant 303 : index
    %swap3A_1743 = arith.constant 0 : index
    %swap3A_1744 = vector.load %arg18[%swap3A_1742, %swap3A_1743] : memref<416x512xf32, #tpu.memory_space<vmem>>, vector<1x512xf32>
    tpu.vector_store %arg18[%swap3A_1742, %swap3A_1743], %broadcast_in_dim3A_1741 {strides = array<i32>} : memref<416x512xf32, #tpu.memory_space<vmem>>, vector<1x512xf32>,
    %mul3A_1745 = arith.mulf %slice3A_63, %slice3A_50 : vector<64x512xf32>
    %reduce_sum3A_1746 = arith.constant dense<0.000000e+00> : vector<512xf32>
    %reduce_sum3A_1747 = vector.multi_reduction <add>, %mul3A_1745, %reduce_sum3A_1746 [0] : vector<64x512xf32> to vector<512xf32>
    %broadcast_in_dim3A_1748 = vector.shape_cast %reduce_sum3A_1747 : vector<512xf32> to vector<1x512xf32>
    %swap3A_1749 = arith.constant 304 : index
    %swap3A_1750 = arith.constant 0 : index
    %swap3A_1751 = vector.load %arg18[%swap3A_1749, %swap3A_1750] : memref<416x512xf32, #tpu.memory_space<vmem>>, vector<1x512xf32>
    tpu.vector_store %arg18[%swap3A_1749, %swap3A_1750], %broadcast_in_dim3A_1748 {strides = array<i32>} : memref<416x512xf32, #tpu.memory_space<vmem>>, vector<1x512xf32>,
    %mul3A_1752 = arith.mulf %slice3A_63, %slice3A_51 : vector<64x512xf32>
    %reduce_sum3A_1753 = arith.constant dense<0.000000e+00> : vector<512xf32>
    %reduce_sum3A_1754 = vector.multi_reduction <add>, %mul3A_1752, %reduce_sum3A_1753 [0] : vector<64x512xf32> to vector<512xf32>
    %broadcast_in_dim3A_1755 = vector.shape_cast %reduce_sum3A_1754 : vector<512xf32> to vector<1x512xf32>
    %swap3A_1756 = arith.constant 305 : index
    %swap3A_1757 = arith.constant 0 : index
    %swap3A_1758 = vector.load %arg18[%swap3A_1756, %swap3A_1757] : memref<416x512xf32, #tpu.memory_space<vmem>>, vector<1x512xf32>
    tpu.vector_store %arg18[%swap3A_1756, %swap3A_1757], %broadcast_in_dim3A_1755 {strides = array<i32>} : memref<416x512xf32, #tpu.memory_space<vmem>>, vector<1x512xf32>,
    %mul3A_1759 = arith.mulf %slice3A_63, %slice3A_52 : vector<64x512xf32>
    %reduce_sum3A_1760 = arith.constant dense<0.000000e+00> : vector<512xf32>
    %reduce_sum3A_1761 = vector.multi_reduction <add>, %mul3A_1759, %reduce_sum3A_1760 [0] : vector<64x512xf32> to vector<512xf32>
    %broadcast_in_dim3A_1762 = vector.shape_cast %reduce_sum3A_1761 : vector<512xf32> to vector<1x512xf32>
    %swap3A_1763 = arith.constant 306 : index
    %swap3A_1764 = arith.constant 0 : index
    %swap3A_1765 = vector.load %arg18[%swap3A_1763, %swap3A_1764] : memref<416x512xf32, #tpu.memory_space<vmem>>, vector<1x512xf32>
    tpu.vector_store %arg18[%swap3A_1763, %swap3A_1764], %broadcast_in_dim3A_1762 {strides = array<i32>} : memref<416x512xf32, #tpu.memory_space<vmem>>, vector<1x512xf32>,
    %mul3A_1766 = arith.mulf %slice3A_63, %slice3A_53 : vector<64x512xf32>
    %reduce_sum3A_1767 = arith.constant dense<0.000000e+00> : vector<512xf32>
    %reduce_sum3A_1768 = vector.multi_reduction <add>, %mul3A_1766, %reduce_sum3A_1767 [0] : vector<64x512xf32> to vector<512xf32>
    %broadcast_in_dim3A_1769 = vector.shape_cast %reduce_sum3A_1768 : vector<512xf32> to vector<1x512xf32>
    %swap3A_1770 = arith.constant 307 : index
    %swap3A_1771 = arith.constant 0 : index
    %swap3A_1772 = vector.load %arg18[%swap3A_1770, %swap3A_1771] : memref<416x512xf32, #tpu.memory_space<vmem>>, vector<1x512xf32>
    tpu.vector_store %arg18[%swap3A_1770, %swap3A_1771], %broadcast_in_dim3A_1769 {strides = array<i32>} : memref<416x512xf32, #tpu.memory_space<vmem>>, vector<1x512xf32>,
    %mul3A_1773 = arith.mulf %slice3A_63, %slice3A_54 : vector<64x512xf32>
    %reduce_sum3A_1774 = arith.constant dense<0.000000e+00> : vector<512xf32>
    %reduce_sum3A_1775 = vector.multi_reduction <add>, %mul3A_1773, %reduce_sum3A_1774 [0] : vector<64x512xf32> to vector<512xf32>
    %broadcast_in_dim3A_1776 = vector.shape_cast %reduce_sum3A_1775 : vector<512xf32> to vector<1x512xf32>
    %swap3A_1777 = arith.constant 308 : index
    %swap3A_1778 = arith.constant 0 : index
    %swap3A_1779 = vector.load %arg18[%swap3A_1777, %swap3A_1778] : memref<416x512xf32, #tpu.memory_space<vmem>>, vector<1x512xf32>
    tpu.vector_store %arg18[%swap3A_1777, %swap3A_1778], %broadcast_in_dim3A_1776 {strides = array<i32>} : memref<416x512xf32, #tpu.memory_space<vmem>>, vector<1x512xf32>,
    %mul3A_1780 = arith.mulf %slice3A_63, %slice3A_55 : vector<64x512xf32>
    %reduce_sum3A_1781 = arith.constant dense<0.000000e+00> : vector<512xf32>
    %reduce_sum3A_1782 = vector.multi_reduction <add>, %mul3A_1780, %reduce_sum3A_1781 [0] : vector<64x512xf32> to vector<512xf32>
    %broadcast_in_dim3A_1783 = vector.shape_cast %reduce_sum3A_1782 : vector<512xf32> to vector<1x512xf32>
    %swap3A_1784 = arith.constant 309 : index
    %swap3A_1785 = arith.constant 0 : index
    %swap3A_1786 = vector.load %arg18[%swap3A_1784, %swap3A_1785] : memref<416x512xf32, #tpu.memory_space<vmem>>, vector<1x512xf32>
    tpu.vector_store %arg18[%swap3A_1784, %swap3A_1785], %broadcast_in_dim3A_1783 {strides = array<i32>} : memref<416x512xf32, #tpu.memory_space<vmem>>, vector<1x512xf32>,
    %mul3A_1787 = arith.mulf %slice3A_63, %slice3A_56 : vector<64x512xf32>
    %reduce_sum3A_1788 = arith.constant dense<0.000000e+00> : vector<512xf32>
    %reduce_sum3A_1789 = vector.multi_reduction <add>, %mul3A_1787, %reduce_sum3A_1788 [0] : vector<64x512xf32> to vector<512xf32>
    %broadcast_in_dim3A_1790 = vector.shape_cast %reduce_sum3A_1789 : vector<512xf32> to vector<1x512xf32>
    %swap3A_1791 = arith.constant 310 : index
    %swap3A_1792 = arith.constant 0 : index
    %swap3A_1793 = vector.load %arg18[%swap3A_1791, %swap3A_1792] : memref<416x512xf32, #tpu.memory_space<vmem>>, vector<1x512xf32>
    tpu.vector_store %arg18[%swap3A_1791, %swap3A_1792], %broadcast_in_dim3A_1790 {strides = array<i32>} : memref<416x512xf32, #tpu.memory_space<vmem>>, vector<1x512xf32>,
    %mul3A_1794 = arith.mulf %slice3A_63, %slice3A_57 : vector<64x512xf32>
    %reduce_sum3A_1795 = arith.constant dense<0.000000e+00> : vector<512xf32>
    %reduce_sum3A_1796 = vector.multi_reduction <add>, %mul3A_1794, %reduce_sum3A_1795 [0] : vector<64x512xf32> to vector<512xf32>
    %broadcast_in_dim3A_1797 = vector.shape_cast %reduce_sum3A_1796 : vector<512xf32> to vector<1x512xf32>
    %swap3A_1798 = arith.constant 311 : index
    %swap3A_1799 = arith.constant 0 : index
    %swap3A_1800 = vector.load %arg18[%swap3A_1798, %swap3A_1799] : memref<416x512xf32, #tpu.memory_space<vmem>>, vector<1x512xf32>
    tpu.vector_store %arg18[%swap3A_1798, %swap3A_1799], %broadcast_in_dim3A_1797 {strides = array<i32>} : memref<416x512xf32, #tpu.memory_space<vmem>>, vector<1x512xf32>,
    %mul3A_1801 = arith.mulf %slice3A_63, %slice3A_58 : vector<64x512xf32>
    %reduce_sum3A_1802 = arith.constant dense<0.000000e+00> : vector<512xf32>
    %reduce_sum3A_1803 = vector.multi_reduction <add>, %mul3A_1801, %reduce_sum3A_1802 [0] : vector<64x512xf32> to vector<512xf32>
    %broadcast_in_dim3A_1804 = vector.shape_cast %reduce_sum3A_1803 : vector<512xf32> to vector<1x512xf32>
    %swap3A_1805 = arith.constant 312 : index
    %swap3A_1806 = arith.constant 0 : index
    %swap3A_1807 = vector.load %arg18[%swap3A_1805, %swap3A_1806] : memref<416x512xf32, #tpu.memory_space<vmem>>, vector<1x512xf32>
    tpu.vector_store %arg18[%swap3A_1805, %swap3A_1806], %broadcast_in_dim3A_1804 {strides = array<i32>} : memref<416x512xf32, #tpu.memory_space<vmem>>, vector<1x512xf32>,
    %mul3A_1808 = arith.mulf %slice3A_63, %slice3A_59 : vector<64x512xf32>
    %reduce_sum3A_1809 = arith.constant dense<0.000000e+00> : vector<512xf32>
    %reduce_sum3A_1810 = vector.multi_reduction <add>, %mul3A_1808, %reduce_sum3A_1809 [0] : vector<64x512xf32> to vector<512xf32>
    %broadcast_in_dim3A_1811 = vector.shape_cast %reduce_sum3A_1810 : vector<512xf32> to vector<1x512xf32>
    %swap3A_1812 = arith.constant 313 : index
    %swap3A_1813 = arith.constant 0 : index
    %swap3A_1814 = vector.load %arg18[%swap3A_1812, %swap3A_1813] : memref<416x512xf32, #tpu.memory_space<vmem>>, vector<1x512xf32>
    tpu.vector_store %arg18[%swap3A_1812, %swap3A_1813], %broadcast_in_dim3A_1811 {strides = array<i32>} : memref<416x512xf32, #tpu.memory_space<vmem>>, vector<1x512xf32>,
    %mul3A_1815 = arith.mulf %slice3A_63, %slice3A_60 : vector<64x512xf32>
    %reduce_sum3A_1816 = arith.constant dense<0.000000e+00> : vector<512xf32>
    %reduce_sum3A_1817 = vector.multi_reduction <add>, %mul3A_1815, %reduce_sum3A_1816 [0] : vector<64x512xf32> to vector<512xf32>
    %broadcast_in_dim3A_1818 = vector.shape_cast %reduce_sum3A_1817 : vector<512xf32> to vector<1x512xf32>
    %swap3A_1819 = arith.constant 314 : index
    %swap3A_1820 = arith.constant 0 : index
    %swap3A_1821 = vector.load %arg18[%swap3A_1819, %swap3A_1820] : memref<416x512xf32, #tpu.memory_space<vmem>>, vector<1x512xf32>
    tpu.vector_store %arg18[%swap3A_1819, %swap3A_1820], %broadcast_in_dim3A_1818 {strides = array<i32>} : memref<416x512xf32, #tpu.memory_space<vmem>>, vector<1x512xf32>,
    %mul3A_1822 = arith.mulf %slice3A_63, %slice3A_61 : vector<64x512xf32>
    %reduce_sum3A_1823 = arith.constant dense<0.000000e+00> : vector<512xf32>
    %reduce_sum3A_1824 = vector.multi_reduction <add>, %mul3A_1822, %reduce_sum3A_1823 [0] : vector<64x512xf32> to vector<512xf32>
    %broadcast_in_dim3A_1825 = vector.shape_cast %reduce_sum3A_1824 : vector<512xf32> to vector<1x512xf32>
    %swap3A_1826 = arith.constant 315 : index
    %swap3A_1827 = arith.constant 0 : index
    %swap3A_1828 = vector.load %arg18[%swap3A_1826, %swap3A_1827] : memref<416x512xf32, #tpu.memory_space<vmem>>, vector<1x512xf32>
    tpu.vector_store %arg18[%swap3A_1826, %swap3A_1827], %broadcast_in_dim3A_1825 {strides = array<i32>} : memref<416x512xf32, #tpu.memory_space<vmem>>, vector<1x512xf32>,
    %mul3A_1829 = arith.mulf %slice3A_63, %slice3A_62 : vector<64x512xf32>
    %reduce_sum3A_1830 = arith.constant dense<0.000000e+00> : vector<512xf32>
    %reduce_sum3A_1831 = vector.multi_reduction <add>, %mul3A_1829, %reduce_sum3A_1830 [0] : vector<64x512xf32> to vector<512xf32>
    %broadcast_in_dim3A_1832 = vector.shape_cast %reduce_sum3A_1831 : vector<512xf32> to vector<1x512xf32>
    %swap3A_1833 = arith.constant 316 : index
    %swap3A_1834 = arith.constant 0 : index
    %swap3A_1835 = vector.load %arg18[%swap3A_1833, %swap3A_1834] : memref<416x512xf32, #tpu.memory_space<vmem>>, vector<1x512xf32>
    tpu.vector_store %arg18[%swap3A_1833, %swap3A_1834], %broadcast_in_dim3A_1832 {strides = array<i32>} : memref<416x512xf32, #tpu.memory_space<vmem>>, vector<1x512xf32>,
    %mul3A_1836 = arith.mulf %slice3A_64, %max3A_37 : vector<64x512xf32>
    %reduce_sum3A_1837 = arith.constant dense<0.000000e+00> : vector<512xf32>
    %reduce_sum3A_1838 = vector.multi_reduction <add>, %mul3A_1836, %reduce_sum3A_1837 [0] : vector<64x512xf32> to vector<512xf32>
    %broadcast_in_dim3A_1839 = vector.shape_cast %reduce_sum3A_1838 : vector<512xf32> to vector<1x512xf32>
    %swap3A_1840 = arith.constant 317 : index
    %swap3A_1841 = arith.constant 0 : index
    %swap3A_1842 = vector.load %arg18[%swap3A_1840, %swap3A_1841] : memref<416x512xf32, #tpu.memory_space<vmem>>, vector<1x512xf32>
    tpu.vector_store %arg18[%swap3A_1840, %swap3A_1841], %broadcast_in_dim3A_1839 {strides = array<i32>} : memref<416x512xf32, #tpu.memory_space<vmem>>, vector<1x512xf32>,
    %mul3A_1843 = arith.mulf %slice3A_64, %slice3A : vector<64x512xf32>
    %reduce_sum3A_1844 = arith.constant dense<0.000000e+00> : vector<512xf32>
    %reduce_sum3A_1845 = vector.multi_reduction <add>, %mul3A_1843, %reduce_sum3A_1844 [0] : vector<64x512xf32> to vector<512xf32>
    %broadcast_in_dim3A_1846 = vector.shape_cast %reduce_sum3A_1845 : vector<512xf32> to vector<1x512xf32>
    %swap3A_1847 = arith.constant 318 : index
    %swap3A_1848 = arith.constant 0 : index
    %swap3A_1849 = vector.load %arg18[%swap3A_1847, %swap3A_1848] : memref<416x512xf32, #tpu.memory_space<vmem>>, vector<1x512xf32>
    tpu.vector_store %arg18[%swap3A_1847, %swap3A_1848], %broadcast_in_dim3A_1846 {strides = array<i32>} : memref<416x512xf32, #tpu.memory_space<vmem>>, vector<1x512xf32>,
    %mul3A_1850 = arith.mulf %slice3A_64, %slice3A_43 : vector<64x512xf32>
    %reduce_sum3A_1851 = arith.constant dense<0.000000e+00> : vector<512xf32>
    %reduce_sum3A_1852 = vector.multi_reduction <add>, %mul3A_1850, %reduce_sum3A_1851 [0] : vector<64x512xf32> to vector<512xf32>
    %broadcast_in_dim3A_1853 = vector.shape_cast %reduce_sum3A_1852 : vector<512xf32> to vector<1x512xf32>
    %swap3A_1854 = arith.constant 319 : index
    %swap3A_1855 = arith.constant 0 : index
    %swap3A_1856 = vector.load %arg18[%swap3A_1854, %swap3A_1855] : memref<416x512xf32, #tpu.memory_space<vmem>>, vector<1x512xf32>
    tpu.vector_store %arg18[%swap3A_1854, %swap3A_1855], %broadcast_in_dim3A_1853 {strides = array<i32>} : memref<416x512xf32, #tpu.memory_space<vmem>>, vector<1x512xf32>,
    %mul3A_1857 = arith.mulf %slice3A_64, %slice3A_44 : vector<64x512xf32>
    %reduce_sum3A_1858 = arith.constant dense<0.000000e+00> : vector<512xf32>
    %reduce_sum3A_1859 = vector.multi_reduction <add>, %mul3A_1857, %reduce_sum3A_1858 [0] : vector<64x512xf32> to vector<512xf32>
    %broadcast_in_dim3A_1860 = vector.shape_cast %reduce_sum3A_1859 : vector<512xf32> to vector<1x512xf32>
    %swap3A_1861 = arith.constant 320 : index
    %swap3A_1862 = arith.constant 0 : index
    %swap3A_1863 = vector.load %arg18[%swap3A_1861, %swap3A_1862] : memref<416x512xf32, #tpu.memory_space<vmem>>, vector<1x512xf32>
    tpu.vector_store %arg18[%swap3A_1861, %swap3A_1862], %broadcast_in_dim3A_1860 {strides = array<i32>} : memref<416x512xf32, #tpu.memory_space<vmem>>, vector<1x512xf32>,
    %mul3A_1864 = arith.mulf %slice3A_64, %slice3A_45 : vector<64x512xf32>
    %reduce_sum3A_1865 = arith.constant dense<0.000000e+00> : vector<512xf32>
    %reduce_sum3A_1866 = vector.multi_reduction <add>, %mul3A_1864, %reduce_sum3A_1865 [0] : vector<64x512xf32> to vector<512xf32>
    %broadcast_in_dim3A_1867 = vector.shape_cast %reduce_sum3A_1866 : vector<512xf32> to vector<1x512xf32>
    %swap3A_1868 = arith.constant 321 : index
    %swap3A_1869 = arith.constant 0 : index
    %swap3A_1870 = vector.load %arg18[%swap3A_1868, %swap3A_1869] : memref<416x512xf32, #tpu.memory_space<vmem>>, vector<1x512xf32>
    tpu.vector_store %arg18[%swap3A_1868, %swap3A_1869], %broadcast_in_dim3A_1867 {strides = array<i32>} : memref<416x512xf32, #tpu.memory_space<vmem>>, vector<1x512xf32>,
    %mul3A_1871 = arith.mulf %slice3A_64, %slice3A_46 : vector<64x512xf32>
    %reduce_sum3A_1872 = arith.constant dense<0.000000e+00> : vector<512xf32>
    %reduce_sum3A_1873 = vector.multi_reduction <add>, %mul3A_1871, %reduce_sum3A_1872 [0] : vector<64x512xf32> to vector<512xf32>
    %broadcast_in_dim3A_1874 = vector.shape_cast %reduce_sum3A_1873 : vector<512xf32> to vector<1x512xf32>
    %swap3A_1875 = arith.constant 322 : index
    %swap3A_1876 = arith.constant 0 : index
    %swap3A_1877 = vector.load %arg18[%swap3A_1875, %swap3A_1876] : memref<416x512xf32, #tpu.memory_space<vmem>>, vector<1x512xf32>
    tpu.vector_store %arg18[%swap3A_1875, %swap3A_1876], %broadcast_in_dim3A_1874 {strides = array<i32>} : memref<416x512xf32, #tpu.memory_space<vmem>>, vector<1x512xf32>,
    %mul3A_1878 = arith.mulf %slice3A_64, %slice3A_47 : vector<64x512xf32>
    %reduce_sum3A_1879 = arith.constant dense<0.000000e+00> : vector<512xf32>
    %reduce_sum3A_1880 = vector.multi_reduction <add>, %mul3A_1878, %reduce_sum3A_1879 [0] : vector<64x512xf32> to vector<512xf32>
    %broadcast_in_dim3A_1881 = vector.shape_cast %reduce_sum3A_1880 : vector<512xf32> to vector<1x512xf32>
    %swap3A_1882 = arith.constant 323 : index
    %swap3A_1883 = arith.constant 0 : index
    %swap3A_1884 = vector.load %arg18[%swap3A_1882, %swap3A_1883] : memref<416x512xf32, #tpu.memory_space<vmem>>, vector<1x512xf32>
    tpu.vector_store %arg18[%swap3A_1882, %swap3A_1883], %broadcast_in_dim3A_1881 {strides = array<i32>} : memref<416x512xf32, #tpu.memory_space<vmem>>, vector<1x512xf32>,
    %mul3A_1885 = arith.mulf %slice3A_64, %slice3A_48 : vector<64x512xf32>
    %reduce_sum3A_1886 = arith.constant dense<0.000000e+00> : vector<512xf32>
    %reduce_sum3A_1887 = vector.multi_reduction <add>, %mul3A_1885, %reduce_sum3A_1886 [0] : vector<64x512xf32> to vector<512xf32>
    %broadcast_in_dim3A_1888 = vector.shape_cast %reduce_sum3A_1887 : vector<512xf32> to vector<1x512xf32>
    %swap3A_1889 = arith.constant 324 : index
    %swap3A_1890 = arith.constant 0 : index
    %swap3A_1891 = vector.load %arg18[%swap3A_1889, %swap3A_1890] : memref<416x512xf32, #tpu.memory_space<vmem>>, vector<1x512xf32>
    tpu.vector_store %arg18[%swap3A_1889, %swap3A_1890], %broadcast_in_dim3A_1888 {strides = array<i32>} : memref<416x512xf32, #tpu.memory_space<vmem>>, vector<1x512xf32>,
    %mul3A_1892 = arith.mulf %slice3A_64, %slice3A_49 : vector<64x512xf32>
    %reduce_sum3A_1893 = arith.constant dense<0.000000e+00> : vector<512xf32>
    %reduce_sum3A_1894 = vector.multi_reduction <add>, %mul3A_1892, %reduce_sum3A_1893 [0] : vector<64x512xf32> to vector<512xf32>
    %broadcast_in_dim3A_1895 = vector.shape_cast %reduce_sum3A_1894 : vector<512xf32> to vector<1x512xf32>
    %swap3A_1896 = arith.constant 325 : index
    %swap3A_1897 = arith.constant 0 : index
    %swap3A_1898 = vector.load %arg18[%swap3A_1896, %swap3A_1897] : memref<416x512xf32, #tpu.memory_space<vmem>>, vector<1x512xf32>
    tpu.vector_store %arg18[%swap3A_1896, %swap3A_1897], %broadcast_in_dim3A_1895 {strides = array<i32>} : memref<416x512xf32, #tpu.memory_space<vmem>>, vector<1x512xf32>,
    %mul3A_1899 = arith.mulf %slice3A_64, %slice3A_50 : vector<64x512xf32>
    %reduce_sum3A_1900 = arith.constant dense<0.000000e+00> : vector<512xf32>
    %reduce_sum3A_1901 = vector.multi_reduction <add>, %mul3A_1899, %reduce_sum3A_1900 [0] : vector<64x512xf32> to vector<512xf32>
    %broadcast_in_dim3A_1902 = vector.shape_cast %reduce_sum3A_1901 : vector<512xf32> to vector<1x512xf32>
    %swap3A_1903 = arith.constant 326 : index
    %swap3A_1904 = arith.constant 0 : index
    %swap3A_1905 = vector.load %arg18[%swap3A_1903, %swap3A_1904] : memref<416x512xf32, #tpu.memory_space<vmem>>, vector<1x512xf32>
    tpu.vector_store %arg18[%swap3A_1903, %swap3A_1904], %broadcast_in_dim3A_1902 {strides = array<i32>} : memref<416x512xf32, #tpu.memory_space<vmem>>, vector<1x512xf32>,
    %mul3A_1906 = arith.mulf %slice3A_64, %slice3A_51 : vector<64x512xf32>
    %reduce_sum3A_1907 = arith.constant dense<0.000000e+00> : vector<512xf32>
    %reduce_sum3A_1908 = vector.multi_reduction <add>, %mul3A_1906, %reduce_sum3A_1907 [0] : vector<64x512xf32> to vector<512xf32>
    %broadcast_in_dim3A_1909 = vector.shape_cast %reduce_sum3A_1908 : vector<512xf32> to vector<1x512xf32>
    %swap3A_1910 = arith.constant 327 : index
    %swap3A_1911 = arith.constant 0 : index
    %swap3A_1912 = vector.load %arg18[%swap3A_1910, %swap3A_1911] : memref<416x512xf32, #tpu.memory_space<vmem>>, vector<1x512xf32>
    tpu.vector_store %arg18[%swap3A_1910, %swap3A_1911], %broadcast_in_dim3A_1909 {strides = array<i32>} : memref<416x512xf32, #tpu.memory_space<vmem>>, vector<1x512xf32>,
    %mul3A_1913 = arith.mulf %slice3A_64, %slice3A_52 : vector<64x512xf32>
    %reduce_sum3A_1914 = arith.constant dense<0.000000e+00> : vector<512xf32>
    %reduce_sum3A_1915 = vector.multi_reduction <add>, %mul3A_1913, %reduce_sum3A_1914 [0] : vector<64x512xf32> to vector<512xf32>
    %broadcast_in_dim3A_1916 = vector.shape_cast %reduce_sum3A_1915 : vector<512xf32> to vector<1x512xf32>
    %swap3A_1917 = arith.constant 328 : index
    %swap3A_1918 = arith.constant 0 : index
    %swap3A_1919 = vector.load %arg18[%swap3A_1917, %swap3A_1918] : memref<416x512xf32, #tpu.memory_space<vmem>>, vector<1x512xf32>
    tpu.vector_store %arg18[%swap3A_1917, %swap3A_1918], %broadcast_in_dim3A_1916 {strides = array<i32>} : memref<416x512xf32, #tpu.memory_space<vmem>>, vector<1x512xf32>,
    %mul3A_1920 = arith.mulf %slice3A_64, %slice3A_53 : vector<64x512xf32>
    %reduce_sum3A_1921 = arith.constant dense<0.000000e+00> : vector<512xf32>
    %reduce_sum3A_1922 = vector.multi_reduction <add>, %mul3A_1920, %reduce_sum3A_1921 [0] : vector<64x512xf32> to vector<512xf32>
    %broadcast_in_dim3A_1923 = vector.shape_cast %reduce_sum3A_1922 : vector<512xf32> to vector<1x512xf32>
    %swap3A_1924 = arith.constant 329 : index
    %swap3A_1925 = arith.constant 0 : index
    %swap3A_1926 = vector.load %arg18[%swap3A_1924, %swap3A_1925] : memref<416x512xf32, #tpu.memory_space<vmem>>, vector<1x512xf32>
    tpu.vector_store %arg18[%swap3A_1924, %swap3A_1925], %broadcast_in_dim3A_1923 {strides = array<i32>} : memref<416x512xf32, #tpu.memory_space<vmem>>, vector<1x512xf32>,
    %mul3A_1927 = arith.mulf %slice3A_64, %slice3A_54 : vector<64x512xf32>
    %reduce_sum3A_1928 = arith.constant dense<0.000000e+00> : vector<512xf32>
    %reduce_sum3A_1929 = vector.multi_reduction <add>, %mul3A_1927, %reduce_sum3A_1928 [0] : vector<64x512xf32> to vector<512xf32>
    %broadcast_in_dim3A_1930 = vector.shape_cast %reduce_sum3A_1929 : vector<512xf32> to vector<1x512xf32>
    %swap3A_1931 = arith.constant 330 : index
    %swap3A_1932 = arith.constant 0 : index
    %swap3A_1933 = vector.load %arg18[%swap3A_1931, %swap3A_1932] : memref<416x512xf32, #tpu.memory_space<vmem>>, vector<1x512xf32>
    tpu.vector_store %arg18[%swap3A_1931, %swap3A_1932], %broadcast_in_dim3A_1930 {strides = array<i32>} : memref<416x512xf32, #tpu.memory_space<vmem>>, vector<1x512xf32>,
    %mul3A_1934 = arith.mulf %slice3A_64, %slice3A_55 : vector<64x512xf32>
    %reduce_sum3A_1935 = arith.constant dense<0.000000e+00> : vector<512xf32>
    %reduce_sum3A_1936 = vector.multi_reduction <add>, %mul3A_1934, %reduce_sum3A_1935 [0] : vector<64x512xf32> to vector<512xf32>
    %broadcast_in_dim3A_1937 = vector.shape_cast %reduce_sum3A_1936 : vector<512xf32> to vector<1x512xf32>
    %swap3A_1938 = arith.constant 331 : index
    %swap3A_1939 = arith.constant 0 : index
    %swap3A_1940 = vector.load %arg18[%swap3A_1938, %swap3A_1939] : memref<416x512xf32, #tpu.memory_space<vmem>>, vector<1x512xf32>
    tpu.vector_store %arg18[%swap3A_1938, %swap3A_1939], %broadcast_in_dim3A_1937 {strides = array<i32>} : memref<416x512xf32, #tpu.memory_space<vmem>>, vector<1x512xf32>,
    %mul3A_1941 = arith.mulf %slice3A_64, %slice3A_56 : vector<64x512xf32>
    %reduce_sum3A_1942 = arith.constant dense<0.000000e+00> : vector<512xf32>
    %reduce_sum3A_1943 = vector.multi_reduction <add>, %mul3A_1941, %reduce_sum3A_1942 [0] : vector<64x512xf32> to vector<512xf32>
    %broadcast_in_dim3A_1944 = vector.shape_cast %reduce_sum3A_1943 : vector<512xf32> to vector<1x512xf32>
    %swap3A_1945 = arith.constant 332 : index
    %swap3A_1946 = arith.constant 0 : index
    %swap3A_1947 = vector.load %arg18[%swap3A_1945, %swap3A_1946] : memref<416x512xf32, #tpu.memory_space<vmem>>, vector<1x512xf32>
    tpu.vector_store %arg18[%swap3A_1945, %swap3A_1946], %broadcast_in_dim3A_1944 {strides = array<i32>} : memref<416x512xf32, #tpu.memory_space<vmem>>, vector<1x512xf32>,
    %mul3A_1948 = arith.mulf %slice3A_64, %slice3A_57 : vector<64x512xf32>
    %reduce_sum3A_1949 = arith.constant dense<0.000000e+00> : vector<512xf32>
    %reduce_sum3A_1950 = vector.multi_reduction <add>, %mul3A_1948, %reduce_sum3A_1949 [0] : vector<64x512xf32> to vector<512xf32>
    %broadcast_in_dim3A_1951 = vector.shape_cast %reduce_sum3A_1950 : vector<512xf32> to vector<1x512xf32>
    %swap3A_1952 = arith.constant 333 : index
    %swap3A_1953 = arith.constant 0 : index
    %swap3A_1954 = vector.load %arg18[%swap3A_1952, %swap3A_1953] : memref<416x512xf32, #tpu.memory_space<vmem>>, vector<1x512xf32>
    tpu.vector_store %arg18[%swap3A_1952, %swap3A_1953], %broadcast_in_dim3A_1951 {strides = array<i32>} : memref<416x512xf32, #tpu.memory_space<vmem>>, vector<1x512xf32>,
    %mul3A_1955 = arith.mulf %slice3A_64, %slice3A_58 : vector<64x512xf32>
    %reduce_sum3A_1956 = arith.constant dense<0.000000e+00> : vector<512xf32>
    %reduce_sum3A_1957 = vector.multi_reduction <add>, %mul3A_1955, %reduce_sum3A_1956 [0] : vector<64x512xf32> to vector<512xf32>
    %broadcast_in_dim3A_1958 = vector.shape_cast %reduce_sum3A_1957 : vector<512xf32> to vector<1x512xf32>
    %swap3A_1959 = arith.constant 334 : index
    %swap3A_1960 = arith.constant 0 : index
    %swap3A_1961 = vector.load %arg18[%swap3A_1959, %swap3A_1960] : memref<416x512xf32, #tpu.memory_space<vmem>>, vector<1x512xf32>
    tpu.vector_store %arg18[%swap3A_1959, %swap3A_1960], %broadcast_in_dim3A_1958 {strides = array<i32>} : memref<416x512xf32, #tpu.memory_space<vmem>>, vector<1x512xf32>,
    %mul3A_1962 = arith.mulf %slice3A_64, %slice3A_59 : vector<64x512xf32>
    %reduce_sum3A_1963 = arith.constant dense<0.000000e+00> : vector<512xf32>
    %reduce_sum3A_1964 = vector.multi_reduction <add>, %mul3A_1962, %reduce_sum3A_1963 [0] : vector<64x512xf32> to vector<512xf32>
    %broadcast_in_dim3A_1965 = vector.shape_cast %reduce_sum3A_1964 : vector<512xf32> to vector<1x512xf32>
    %swap3A_1966 = arith.constant 335 : index
    %swap3A_1967 = arith.constant 0 : index
    %swap3A_1968 = vector.load %arg18[%swap3A_1966, %swap3A_1967] : memref<416x512xf32, #tpu.memory_space<vmem>>, vector<1x512xf32>
    tpu.vector_store %arg18[%swap3A_1966, %swap3A_1967], %broadcast_in_dim3A_1965 {strides = array<i32>} : memref<416x512xf32, #tpu.memory_space<vmem>>, vector<1x512xf32>,
    %mul3A_1969 = arith.mulf %slice3A_64, %slice3A_60 : vector<64x512xf32>
    %reduce_sum3A_1970 = arith.constant dense<0.000000e+00> : vector<512xf32>
    %reduce_sum3A_1971 = vector.multi_reduction <add>, %mul3A_1969, %reduce_sum3A_1970 [0] : vector<64x512xf32> to vector<512xf32>
    %broadcast_in_dim3A_1972 = vector.shape_cast %reduce_sum3A_1971 : vector<512xf32> to vector<1x512xf32>
    %swap3A_1973 = arith.constant 336 : index
    %swap3A_1974 = arith.constant 0 : index
    %swap3A_1975 = vector.load %arg18[%swap3A_1973, %swap3A_1974] : memref<416x512xf32, #tpu.memory_space<vmem>>, vector<1x512xf32>
    tpu.vector_store %arg18[%swap3A_1973, %swap3A_1974], %broadcast_in_dim3A_1972 {strides = array<i32>} : memref<416x512xf32, #tpu.memory_space<vmem>>, vector<1x512xf32>,
    %mul3A_1976 = arith.mulf %slice3A_64, %slice3A_61 : vector<64x512xf32>
    %reduce_sum3A_1977 = arith.constant dense<0.000000e+00> : vector<512xf32>
    %reduce_sum3A_1978 = vector.multi_reduction <add>, %mul3A_1976, %reduce_sum3A_1977 [0] : vector<64x512xf32> to vector<512xf32>
    %broadcast_in_dim3A_1979 = vector.shape_cast %reduce_sum3A_1978 : vector<512xf32> to vector<1x512xf32>
    %swap3A_1980 = arith.constant 337 : index
    %swap3A_1981 = arith.constant 0 : index
    %swap3A_1982 = vector.load %arg18[%swap3A_1980, %swap3A_1981] : memref<416x512xf32, #tpu.memory_space<vmem>>, vector<1x512xf32>
    tpu.vector_store %arg18[%swap3A_1980, %swap3A_1981], %broadcast_in_dim3A_1979 {strides = array<i32>} : memref<416x512xf32, #tpu.memory_space<vmem>>, vector<1x512xf32>,
    %mul3A_1983 = arith.mulf %slice3A_64, %slice3A_62 : vector<64x512xf32>
    %reduce_sum3A_1984 = arith.constant dense<0.000000e+00> : vector<512xf32>
    %reduce_sum3A_1985 = vector.multi_reduction <add>, %mul3A_1983, %reduce_sum3A_1984 [0] : vector<64x512xf32> to vector<512xf32>
    %broadcast_in_dim3A_1986 = vector.shape_cast %reduce_sum3A_1985 : vector<512xf32> to vector<1x512xf32>
    %swap3A_1987 = arith.constant 338 : index
    %swap3A_1988 = arith.constant 0 : index
    %swap3A_1989 = vector.load %arg18[%swap3A_1987, %swap3A_1988] : memref<416x512xf32, #tpu.memory_space<vmem>>, vector<1x512xf32>
    tpu.vector_store %arg18[%swap3A_1987, %swap3A_1988], %broadcast_in_dim3A_1986 {strides = array<i32>} : memref<416x512xf32, #tpu.memory_space<vmem>>, vector<1x512xf32>,
    %mul3A_1990 = arith.mulf %slice3A_64, %slice3A_63 : vector<64x512xf32>
    %reduce_sum3A_1991 = arith.constant dense<0.000000e+00> : vector<512xf32>
    %reduce_sum3A_1992 = vector.multi_reduction <add>, %mul3A_1990, %reduce_sum3A_1991 [0] : vector<64x512xf32> to vector<512xf32>
    %broadcast_in_dim3A_1993 = vector.shape_cast %reduce_sum3A_1992 : vector<512xf32> to vector<1x512xf32>
    %swap3A_1994 = arith.constant 339 : index
    %swap3A_1995 = arith.constant 0 : index
    %swap3A_1996 = vector.load %arg18[%swap3A_1994, %swap3A_1995] : memref<416x512xf32, #tpu.memory_space<vmem>>, vector<1x512xf32>
    tpu.vector_store %arg18[%swap3A_1994, %swap3A_1995], %broadcast_in_dim3A_1993 {strides = array<i32>} : memref<416x512xf32, #tpu.memory_space<vmem>>, vector<1x512xf32>,
    %mul3A_1997 = arith.mulf %slice3A_65, %max3A_37 : vector<64x512xf32>
    %reduce_sum3A_1998 = arith.constant dense<0.000000e+00> : vector<512xf32>
    %reduce_sum3A_1999 = vector.multi_reduction <add>, %mul3A_1997, %reduce_sum3A_1998 [0] : vector<64x512xf32> to vector<512xf32>
    %broadcast_in_dim3A_2000 = vector.shape_cast %reduce_sum3A_1999 : vector<512xf32> to vector<1x512xf32>
    %swap3A_2001 = arith.constant 340 : index
    %swap3A_2002 = arith.constant 0 : index
    %swap3A_2003 = vector.load %arg18[%swap3A_2001, %swap3A_2002] : memref<416x512xf32, #tpu.memory_space<vmem>>, vector<1x512xf32>
    tpu.vector_store %arg18[%swap3A_2001, %swap3A_2002], %broadcast_in_dim3A_2000 {strides = array<i32>} : memref<416x512xf32, #tpu.memory_space<vmem>>, vector<1x512xf32>,
    %mul3A_2004 = arith.mulf %slice3A_65, %slice3A : vector<64x512xf32>
    %reduce_sum3A_2005 = arith.constant dense<0.000000e+00> : vector<512xf32>
    %reduce_sum3A_2006 = vector.multi_reduction <add>, %mul3A_2004, %reduce_sum3A_2005 [0] : vector<64x512xf32> to vector<512xf32>
    %broadcast_in_dim3A_2007 = vector.shape_cast %reduce_sum3A_2006 : vector<512xf32> to vector<1x512xf32>
    %swap3A_2008 = arith.constant 341 : index
    %swap3A_2009 = arith.constant 0 : index
    %swap3A_2010 = vector.load %arg18[%swap3A_2008, %swap3A_2009] : memref<416x512xf32, #tpu.memory_space<vmem>>, vector<1x512xf32>
    tpu.vector_store %arg18[%swap3A_2008, %swap3A_2009], %broadcast_in_dim3A_2007 {strides = array<i32>} : memref<416x512xf32, #tpu.memory_space<vmem>>, vector<1x512xf32>,
    %mul3A_2011 = arith.mulf %slice3A_65, %slice3A_43 : vector<64x512xf32>
    %reduce_sum3A_2012 = arith.constant dense<0.000000e+00> : vector<512xf32>
    %reduce_sum3A_2013 = vector.multi_reduction <add>, %mul3A_2011, %reduce_sum3A_2012 [0] : vector<64x512xf32> to vector<512xf32>
    %broadcast_in_dim3A_2014 = vector.shape_cast %reduce_sum3A_2013 : vector<512xf32> to vector<1x512xf32>
    %swap3A_2015 = arith.constant 342 : index
    %swap3A_2016 = arith.constant 0 : index
    %swap3A_2017 = vector.load %arg18[%swap3A_2015, %swap3A_2016] : memref<416x512xf32, #tpu.memory_space<vmem>>, vector<1x512xf32>
    tpu.vector_store %arg18[%swap3A_2015, %swap3A_2016], %broadcast_in_dim3A_2014 {strides = array<i32>} : memref<416x512xf32, #tpu.memory_space<vmem>>, vector<1x512xf32>,
    %mul3A_2018 = arith.mulf %slice3A_65, %slice3A_44 : vector<64x512xf32>
    %reduce_sum3A_2019 = arith.constant dense<0.000000e+00> : vector<512xf32>
    %reduce_sum3A_2020 = vector.multi_reduction <add>, %mul3A_2018, %reduce_sum3A_2019 [0] : vector<64x512xf32> to vector<512xf32>
    %broadcast_in_dim3A_2021 = vector.shape_cast %reduce_sum3A_2020 : vector<512xf32> to vector<1x512xf32>
    %swap3A_2022 = arith.constant 343 : index
    %swap3A_2023 = arith.constant 0 : index
    %swap3A_2024 = vector.load %arg18[%swap3A_2022, %swap3A_2023] : memref<416x512xf32, #tpu.memory_space<vmem>>, vector<1x512xf32>
    tpu.vector_store %arg18[%swap3A_2022, %swap3A_2023], %broadcast_in_dim3A_2021 {strides = array<i32>} : memref<416x512xf32, #tpu.memory_space<vmem>>, vector<1x512xf32>,
    %mul3A_2025 = arith.mulf %slice3A_65, %slice3A_45 : vector<64x512xf32>
    %reduce_sum3A_2026 = arith.constant dense<0.000000e+00> : vector<512xf32>
    %reduce_sum3A_2027 = vector.multi_reduction <add>, %mul3A_2025, %reduce_sum3A_2026 [0] : vector<64x512xf32> to vector<512xf32>
    %broadcast_in_dim3A_2028 = vector.shape_cast %reduce_sum3A_2027 : vector<512xf32> to vector<1x512xf32>
    %swap3A_2029 = arith.constant 344 : index
    %swap3A_2030 = arith.constant 0 : index
    %swap3A_2031 = vector.load %arg18[%swap3A_2029, %swap3A_2030] : memref<416x512xf32, #tpu.memory_space<vmem>>, vector<1x512xf32>
    tpu.vector_store %arg18[%swap3A_2029, %swap3A_2030], %broadcast_in_dim3A_2028 {strides = array<i32>} : memref<416x512xf32, #tpu.memory_space<vmem>>, vector<1x512xf32>,
    %mul3A_2032 = arith.mulf %slice3A_65, %slice3A_46 : vector<64x512xf32>
    %reduce_sum3A_2033 = arith.constant dense<0.000000e+00> : vector<512xf32>
    %reduce_sum3A_2034 = vector.multi_reduction <add>, %mul3A_2032, %reduce_sum3A_2033 [0] : vector<64x512xf32> to vector<512xf32>
    %broadcast_in_dim3A_2035 = vector.shape_cast %reduce_sum3A_2034 : vector<512xf32> to vector<1x512xf32>
    %swap3A_2036 = arith.constant 345 : index
    %swap3A_2037 = arith.constant 0 : index
    %swap3A_2038 = vector.load %arg18[%swap3A_2036, %swap3A_2037] : memref<416x512xf32, #tpu.memory_space<vmem>>, vector<1x512xf32>
    tpu.vector_store %arg18[%swap3A_2036, %swap3A_2037], %broadcast_in_dim3A_2035 {strides = array<i32>} : memref<416x512xf32, #tpu.memory_space<vmem>>, vector<1x512xf32>,
    %mul3A_2039 = arith.mulf %slice3A_65, %slice3A_47 : vector<64x512xf32>
    %reduce_sum3A_2040 = arith.constant dense<0.000000e+00> : vector<512xf32>
    %reduce_sum3A_2041 = vector.multi_reduction <add>, %mul3A_2039, %reduce_sum3A_2040 [0] : vector<64x512xf32> to vector<512xf32>
    %broadcast_in_dim3A_2042 = vector.shape_cast %reduce_sum3A_2041 : vector<512xf32> to vector<1x512xf32>
    %swap3A_2043 = arith.constant 346 : index
    %swap3A_2044 = arith.constant 0 : index
    %swap3A_2045 = vector.load %arg18[%swap3A_2043, %swap3A_2044] : memref<416x512xf32, #tpu.memory_space<vmem>>, vector<1x512xf32>
    tpu.vector_store %arg18[%swap3A_2043, %swap3A_2044], %broadcast_in_dim3A_2042 {strides = array<i32>} : memref<416x512xf32, #tpu.memory_space<vmem>>, vector<1x512xf32>,
    %mul3A_2046 = arith.mulf %slice3A_65, %slice3A_48 : vector<64x512xf32>
    %reduce_sum3A_2047 = arith.constant dense<0.000000e+00> : vector<512xf32>
    %reduce_sum3A_2048 = vector.multi_reduction <add>, %mul3A_2046, %reduce_sum3A_2047 [0] : vector<64x512xf32> to vector<512xf32>
    %broadcast_in_dim3A_2049 = vector.shape_cast %reduce_sum3A_2048 : vector<512xf32> to vector<1x512xf32>
    %swap3A_2050 = arith.constant 347 : index
    %swap3A_2051 = arith.constant 0 : index
    %swap3A_2052 = vector.load %arg18[%swap3A_2050, %swap3A_2051] : memref<416x512xf32, #tpu.memory_space<vmem>>, vector<1x512xf32>
    tpu.vector_store %arg18[%swap3A_2050, %swap3A_2051], %broadcast_in_dim3A_2049 {strides = array<i32>} : memref<416x512xf32, #tpu.memory_space<vmem>>, vector<1x512xf32>,
    %mul3A_2053 = arith.mulf %slice3A_65, %slice3A_49 : vector<64x512xf32>
    %reduce_sum3A_2054 = arith.constant dense<0.000000e+00> : vector<512xf32>
    %reduce_sum3A_2055 = vector.multi_reduction <add>, %mul3A_2053, %reduce_sum3A_2054 [0] : vector<64x512xf32> to vector<512xf32>
    %broadcast_in_dim3A_2056 = vector.shape_cast %reduce_sum3A_2055 : vector<512xf32> to vector<1x512xf32>
    %swap3A_2057 = arith.constant 348 : index
    %swap3A_2058 = arith.constant 0 : index
    %swap3A_2059 = vector.load %arg18[%swap3A_2057, %swap3A_2058] : memref<416x512xf32, #tpu.memory_space<vmem>>, vector<1x512xf32>
    tpu.vector_store %arg18[%swap3A_2057, %swap3A_2058], %broadcast_in_dim3A_2056 {strides = array<i32>} : memref<416x512xf32, #tpu.memory_space<vmem>>, vector<1x512xf32>,
    %mul3A_2060 = arith.mulf %slice3A_65, %slice3A_50 : vector<64x512xf32>
    %reduce_sum3A_2061 = arith.constant dense<0.000000e+00> : vector<512xf32>
    %reduce_sum3A_2062 = vector.multi_reduction <add>, %mul3A_2060, %reduce_sum3A_2061 [0] : vector<64x512xf32> to vector<512xf32>
    %broadcast_in_dim3A_2063 = vector.shape_cast %reduce_sum3A_2062 : vector<512xf32> to vector<1x512xf32>
    %swap3A_2064 = arith.constant 349 : index
    %swap3A_2065 = arith.constant 0 : index
    %swap3A_2066 = vector.load %arg18[%swap3A_2064, %swap3A_2065] : memref<416x512xf32, #tpu.memory_space<vmem>>, vector<1x512xf32>
    tpu.vector_store %arg18[%swap3A_2064, %swap3A_2065], %broadcast_in_dim3A_2063 {strides = array<i32>} : memref<416x512xf32, #tpu.memory_space<vmem>>, vector<1x512xf32>,
    %mul3A_2067 = arith.mulf %slice3A_65, %slice3A_51 : vector<64x512xf32>
    %reduce_sum3A_2068 = arith.constant dense<0.000000e+00> : vector<512xf32>
    %reduce_sum3A_2069 = vector.multi_reduction <add>, %mul3A_2067, %reduce_sum3A_2068 [0] : vector<64x512xf32> to vector<512xf32>
    %broadcast_in_dim3A_2070 = vector.shape_cast %reduce_sum3A_2069 : vector<512xf32> to vector<1x512xf32>
    %swap3A_2071 = arith.constant 350 : index
    %swap3A_2072 = arith.constant 0 : index
    %swap3A_2073 = vector.load %arg18[%swap3A_2071, %swap3A_2072] : memref<416x512xf32, #tpu.memory_space<vmem>>, vector<1x512xf32>
    tpu.vector_store %arg18[%swap3A_2071, %swap3A_2072], %broadcast_in_dim3A_2070 {strides = array<i32>} : memref<416x512xf32, #tpu.memory_space<vmem>>, vector<1x512xf32>,
    %mul3A_2074 = arith.mulf %slice3A_65, %slice3A_52 : vector<64x512xf32>
    %reduce_sum3A_2075 = arith.constant dense<0.000000e+00> : vector<512xf32>
    %reduce_sum3A_2076 = vector.multi_reduction <add>, %mul3A_2074, %reduce_sum3A_2075 [0] : vector<64x512xf32> to vector<512xf32>
    %broadcast_in_dim3A_2077 = vector.shape_cast %reduce_sum3A_2076 : vector<512xf32> to vector<1x512xf32>
    %swap3A_2078 = arith.constant 351 : index
    %swap3A_2079 = arith.constant 0 : index
    %swap3A_2080 = vector.load %arg18[%swap3A_2078, %swap3A_2079] : memref<416x512xf32, #tpu.memory_space<vmem>>, vector<1x512xf32>
    tpu.vector_store %arg18[%swap3A_2078, %swap3A_2079], %broadcast_in_dim3A_2077 {strides = array<i32>} : memref<416x512xf32, #tpu.memory_space<vmem>>, vector<1x512xf32>,
    %mul3A_2081 = arith.mulf %slice3A_65, %slice3A_53 : vector<64x512xf32>
    %reduce_sum3A_2082 = arith.constant dense<0.000000e+00> : vector<512xf32>
    %reduce_sum3A_2083 = vector.multi_reduction <add>, %mul3A_2081, %reduce_sum3A_2082 [0] : vector<64x512xf32> to vector<512xf32>
    %broadcast_in_dim3A_2084 = vector.shape_cast %reduce_sum3A_2083 : vector<512xf32> to vector<1x512xf32>
    %swap3A_2085 = arith.constant 352 : index
    %swap3A_2086 = arith.constant 0 : index
    %swap3A_2087 = vector.load %arg18[%swap3A_2085, %swap3A_2086] : memref<416x512xf32, #tpu.memory_space<vmem>>, vector<1x512xf32>
    tpu.vector_store %arg18[%swap3A_2085, %swap3A_2086], %broadcast_in_dim3A_2084 {strides = array<i32>} : memref<416x512xf32, #tpu.memory_space<vmem>>, vector<1x512xf32>,
    %mul3A_2088 = arith.mulf %slice3A_65, %slice3A_54 : vector<64x512xf32>
    %reduce_sum3A_2089 = arith.constant dense<0.000000e+00> : vector<512xf32>
    %reduce_sum3A_2090 = vector.multi_reduction <add>, %mul3A_2088, %reduce_sum3A_2089 [0] : vector<64x512xf32> to vector<512xf32>
    %broadcast_in_dim3A_2091 = vector.shape_cast %reduce_sum3A_2090 : vector<512xf32> to vector<1x512xf32>
    %swap3A_2092 = arith.constant 353 : index
    %swap3A_2093 = arith.constant 0 : index
    %swap3A_2094 = vector.load %arg18[%swap3A_2092, %swap3A_2093] : memref<416x512xf32, #tpu.memory_space<vmem>>, vector<1x512xf32>
    tpu.vector_store %arg18[%swap3A_2092, %swap3A_2093], %broadcast_in_dim3A_2091 {strides = array<i32>} : memref<416x512xf32, #tpu.memory_space<vmem>>, vector<1x512xf32>,
    %mul3A_2095 = arith.mulf %slice3A_65, %slice3A_55 : vector<64x512xf32>
    %reduce_sum3A_2096 = arith.constant dense<0.000000e+00> : vector<512xf32>
    %reduce_sum3A_2097 = vector.multi_reduction <add>, %mul3A_2095, %reduce_sum3A_2096 [0] : vector<64x512xf32> to vector<512xf32>
    %broadcast_in_dim3A_2098 = vector.shape_cast %reduce_sum3A_2097 : vector<512xf32> to vector<1x512xf32>
    %swap3A_2099 = arith.constant 354 : index
    %swap3A_2100 = arith.constant 0 : index
    %swap3A_2101 = vector.load %arg18[%swap3A_2099, %swap3A_2100] : memref<416x512xf32, #tpu.memory_space<vmem>>, vector<1x512xf32>
    tpu.vector_store %arg18[%swap3A_2099, %swap3A_2100], %broadcast_in_dim3A_2098 {strides = array<i32>} : memref<416x512xf32, #tpu.memory_space<vmem>>, vector<1x512xf32>,
    %mul3A_2102 = arith.mulf %slice3A_65, %slice3A_56 : vector<64x512xf32>
    %reduce_sum3A_2103 = arith.constant dense<0.000000e+00> : vector<512xf32>
    %reduce_sum3A_2104 = vector.multi_reduction <add>, %mul3A_2102, %reduce_sum3A_2103 [0] : vector<64x512xf32> to vector<512xf32>
    %broadcast_in_dim3A_2105 = vector.shape_cast %reduce_sum3A_2104 : vector<512xf32> to vector<1x512xf32>
    %swap3A_2106 = arith.constant 355 : index
    %swap3A_2107 = arith.constant 0 : index
    %swap3A_2108 = vector.load %arg18[%swap3A_2106, %swap3A_2107] : memref<416x512xf32, #tpu.memory_space<vmem>>, vector<1x512xf32>
    tpu.vector_store %arg18[%swap3A_2106, %swap3A_2107], %broadcast_in_dim3A_2105 {strides = array<i32>} : memref<416x512xf32, #tpu.memory_space<vmem>>, vector<1x512xf32>,
    %mul3A_2109 = arith.mulf %slice3A_65, %slice3A_57 : vector<64x512xf32>
    %reduce_sum3A_2110 = arith.constant dense<0.000000e+00> : vector<512xf32>
    %reduce_sum3A_2111 = vector.multi_reduction <add>, %mul3A_2109, %reduce_sum3A_2110 [0] : vector<64x512xf32> to vector<512xf32>
    %broadcast_in_dim3A_2112 = vector.shape_cast %reduce_sum3A_2111 : vector<512xf32> to vector<1x512xf32>
    %swap3A_2113 = arith.constant 356 : index
    %swap3A_2114 = arith.constant 0 : index
    %swap3A_2115 = vector.load %arg18[%swap3A_2113, %swap3A_2114] : memref<416x512xf32, #tpu.memory_space<vmem>>, vector<1x512xf32>
    tpu.vector_store %arg18[%swap3A_2113, %swap3A_2114], %broadcast_in_dim3A_2112 {strides = array<i32>} : memref<416x512xf32, #tpu.memory_space<vmem>>, vector<1x512xf32>,
    %mul3A_2116 = arith.mulf %slice3A_65, %slice3A_58 : vector<64x512xf32>
    %reduce_sum3A_2117 = arith.constant dense<0.000000e+00> : vector<512xf32>
    %reduce_sum3A_2118 = vector.multi_reduction <add>, %mul3A_2116, %reduce_sum3A_2117 [0] : vector<64x512xf32> to vector<512xf32>
    %broadcast_in_dim3A_2119 = vector.shape_cast %reduce_sum3A_2118 : vector<512xf32> to vector<1x512xf32>
    %swap3A_2120 = arith.constant 357 : index
    %swap3A_2121 = arith.constant 0 : index
    %swap3A_2122 = vector.load %arg18[%swap3A_2120, %swap3A_2121] : memref<416x512xf32, #tpu.memory_space<vmem>>, vector<1x512xf32>
    tpu.vector_store %arg18[%swap3A_2120, %swap3A_2121], %broadcast_in_dim3A_2119 {strides = array<i32>} : memref<416x512xf32, #tpu.memory_space<vmem>>, vector<1x512xf32>,
    %mul3A_2123 = arith.mulf %slice3A_65, %slice3A_59 : vector<64x512xf32>
    %reduce_sum3A_2124 = arith.constant dense<0.000000e+00> : vector<512xf32>
    %reduce_sum3A_2125 = vector.multi_reduction <add>, %mul3A_2123, %reduce_sum3A_2124 [0] : vector<64x512xf32> to vector<512xf32>
    %broadcast_in_dim3A_2126 = vector.shape_cast %reduce_sum3A_2125 : vector<512xf32> to vector<1x512xf32>
    %swap3A_2127 = arith.constant 358 : index
    %swap3A_2128 = arith.constant 0 : index
    %swap3A_2129 = vector.load %arg18[%swap3A_2127, %swap3A_2128] : memref<416x512xf32, #tpu.memory_space<vmem>>, vector<1x512xf32>
    tpu.vector_store %arg18[%swap3A_2127, %swap3A_2128], %broadcast_in_dim3A_2126 {strides = array<i32>} : memref<416x512xf32, #tpu.memory_space<vmem>>, vector<1x512xf32>,
    %mul3A_2130 = arith.mulf %slice3A_65, %slice3A_60 : vector<64x512xf32>
    %reduce_sum3A_2131 = arith.constant dense<0.000000e+00> : vector<512xf32>
    %reduce_sum3A_2132 = vector.multi_reduction <add>, %mul3A_2130, %reduce_sum3A_2131 [0] : vector<64x512xf32> to vector<512xf32>
    %broadcast_in_dim3A_2133 = vector.shape_cast %reduce_sum3A_2132 : vector<512xf32> to vector<1x512xf32>
    %swap3A_2134 = arith.constant 359 : index
    %swap3A_2135 = arith.constant 0 : index
    %swap3A_2136 = vector.load %arg18[%swap3A_2134, %swap3A_2135] : memref<416x512xf32, #tpu.memory_space<vmem>>, vector<1x512xf32>
    tpu.vector_store %arg18[%swap3A_2134, %swap3A_2135], %broadcast_in_dim3A_2133 {strides = array<i32>} : memref<416x512xf32, #tpu.memory_space<vmem>>, vector<1x512xf32>,
    %mul3A_2137 = arith.mulf %slice3A_65, %slice3A_61 : vector<64x512xf32>
    %reduce_sum3A_2138 = arith.constant dense<0.000000e+00> : vector<512xf32>
    %reduce_sum3A_2139 = vector.multi_reduction <add>, %mul3A_2137, %reduce_sum3A_2138 [0] : vector<64x512xf32> to vector<512xf32>
    %broadcast_in_dim3A_2140 = vector.shape_cast %reduce_sum3A_2139 : vector<512xf32> to vector<1x512xf32>
    %swap3A_2141 = arith.constant 360 : index
    %swap3A_2142 = arith.constant 0 : index
    %swap3A_2143 = vector.load %arg18[%swap3A_2141, %swap3A_2142] : memref<416x512xf32, #tpu.memory_space<vmem>>, vector<1x512xf32>
    tpu.vector_store %arg18[%swap3A_2141, %swap3A_2142], %broadcast_in_dim3A_2140 {strides = array<i32>} : memref<416x512xf32, #tpu.memory_space<vmem>>, vector<1x512xf32>,
    %mul3A_2144 = arith.mulf %slice3A_65, %slice3A_62 : vector<64x512xf32>
    %reduce_sum3A_2145 = arith.constant dense<0.000000e+00> : vector<512xf32>
    %reduce_sum3A_2146 = vector.multi_reduction <add>, %mul3A_2144, %reduce_sum3A_2145 [0] : vector<64x512xf32> to vector<512xf32>
    %broadcast_in_dim3A_2147 = vector.shape_cast %reduce_sum3A_2146 : vector<512xf32> to vector<1x512xf32>
    %swap3A_2148 = arith.constant 361 : index
    %swap3A_2149 = arith.constant 0 : index
    %swap3A_2150 = vector.load %arg18[%swap3A_2148, %swap3A_2149] : memref<416x512xf32, #tpu.memory_space<vmem>>, vector<1x512xf32>
    tpu.vector_store %arg18[%swap3A_2148, %swap3A_2149], %broadcast_in_dim3A_2147 {strides = array<i32>} : memref<416x512xf32, #tpu.memory_space<vmem>>, vector<1x512xf32>,
    %mul3A_2151 = arith.mulf %slice3A_65, %slice3A_63 : vector<64x512xf32>
    %reduce_sum3A_2152 = arith.constant dense<0.000000e+00> : vector<512xf32>
    %reduce_sum3A_2153 = vector.multi_reduction <add>, %mul3A_2151, %reduce_sum3A_2152 [0] : vector<64x512xf32> to vector<512xf32>
    %broadcast_in_dim3A_2154 = vector.shape_cast %reduce_sum3A_2153 : vector<512xf32> to vector<1x512xf32>
    %swap3A_2155 = arith.constant 362 : index
    %swap3A_2156 = arith.constant 0 : index
    %swap3A_2157 = vector.load %arg18[%swap3A_2155, %swap3A_2156] : memref<416x512xf32, #tpu.memory_space<vmem>>, vector<1x512xf32>
    tpu.vector_store %arg18[%swap3A_2155, %swap3A_2156], %broadcast_in_dim3A_2154 {strides = array<i32>} : memref<416x512xf32, #tpu.memory_space<vmem>>, vector<1x512xf32>,
    %mul3A_2158 = arith.mulf %slice3A_65, %slice3A_64 : vector<64x512xf32>
    %reduce_sum3A_2159 = arith.constant dense<0.000000e+00> : vector<512xf32>
    %reduce_sum3A_2160 = vector.multi_reduction <add>, %mul3A_2158, %reduce_sum3A_2159 [0] : vector<64x512xf32> to vector<512xf32>
    %broadcast_in_dim3A_2161 = vector.shape_cast %reduce_sum3A_2160 : vector<512xf32> to vector<1x512xf32>
    %swap3A_2162 = arith.constant 363 : index
    %swap3A_2163 = arith.constant 0 : index
    %swap3A_2164 = vector.load %arg18[%swap3A_2162, %swap3A_2163] : memref<416x512xf32, #tpu.memory_space<vmem>>, vector<1x512xf32>
    tpu.vector_store %arg18[%swap3A_2162, %swap3A_2163], %broadcast_in_dim3A_2161 {strides = array<i32>} : memref<416x512xf32, #tpu.memory_space<vmem>>, vector<1x512xf32>,
    %mul3A_2165 = arith.mulf %slice3A_66, %max3A_37 : vector<64x512xf32>
    %reduce_sum3A_2166 = arith.constant dense<0.000000e+00> : vector<512xf32>
    %reduce_sum3A_2167 = vector.multi_reduction <add>, %mul3A_2165, %reduce_sum3A_2166 [0] : vector<64x512xf32> to vector<512xf32>
    %broadcast_in_dim3A_2168 = vector.shape_cast %reduce_sum3A_2167 : vector<512xf32> to vector<1x512xf32>
    %swap3A_2169 = arith.constant 364 : index
    %swap3A_2170 = arith.constant 0 : index
    %swap3A_2171 = vector.load %arg18[%swap3A_2169, %swap3A_2170] : memref<416x512xf32, #tpu.memory_space<vmem>>, vector<1x512xf32>
    tpu.vector_store %arg18[%swap3A_2169, %swap3A_2170], %broadcast_in_dim3A_2168 {strides = array<i32>} : memref<416x512xf32, #tpu.memory_space<vmem>>, vector<1x512xf32>,
    %mul3A_2172 = arith.mulf %slice3A_66, %slice3A : vector<64x512xf32>
    %reduce_sum3A_2173 = arith.constant dense<0.000000e+00> : vector<512xf32>
    %reduce_sum3A_2174 = vector.multi_reduction <add>, %mul3A_2172, %reduce_sum3A_2173 [0] : vector<64x512xf32> to vector<512xf32>
    %broadcast_in_dim3A_2175 = vector.shape_cast %reduce_sum3A_2174 : vector<512xf32> to vector<1x512xf32>
    %swap3A_2176 = arith.constant 365 : index
    %swap3A_2177 = arith.constant 0 : index
    %swap3A_2178 = vector.load %arg18[%swap3A_2176, %swap3A_2177] : memref<416x512xf32, #tpu.memory_space<vmem>>, vector<1x512xf32>
    tpu.vector_store %arg18[%swap3A_2176, %swap3A_2177], %broadcast_in_dim3A_2175 {strides = array<i32>} : memref<416x512xf32, #tpu.memory_space<vmem>>, vector<1x512xf32>,
    %mul3A_2179 = arith.mulf %slice3A_66, %slice3A_43 : vector<64x512xf32>
    %reduce_sum3A_2180 = arith.constant dense<0.000000e+00> : vector<512xf32>
    %reduce_sum3A_2181 = vector.multi_reduction <add>, %mul3A_2179, %reduce_sum3A_2180 [0] : vector<64x512xf32> to vector<512xf32>
    %broadcast_in_dim3A_2182 = vector.shape_cast %reduce_sum3A_2181 : vector<512xf32> to vector<1x512xf32>
    %swap3A_2183 = arith.constant 366 : index
    %swap3A_2184 = arith.constant 0 : index
    %swap3A_2185 = vector.load %arg18[%swap3A_2183, %swap3A_2184] : memref<416x512xf32, #tpu.memory_space<vmem>>, vector<1x512xf32>
    tpu.vector_store %arg18[%swap3A_2183, %swap3A_2184], %broadcast_in_dim3A_2182 {strides = array<i32>} : memref<416x512xf32, #tpu.memory_space<vmem>>, vector<1x512xf32>,
    %mul3A_2186 = arith.mulf %slice3A_66, %slice3A_44 : vector<64x512xf32>
    %reduce_sum3A_2187 = arith.constant dense<0.000000e+00> : vector<512xf32>
    %reduce_sum3A_2188 = vector.multi_reduction <add>, %mul3A_2186, %reduce_sum3A_2187 [0] : vector<64x512xf32> to vector<512xf32>
    %broadcast_in_dim3A_2189 = vector.shape_cast %reduce_sum3A_2188 : vector<512xf32> to vector<1x512xf32>
    %swap3A_2190 = arith.constant 367 : index
    %swap3A_2191 = arith.constant 0 : index
    %swap3A_2192 = vector.load %arg18[%swap3A_2190, %swap3A_2191] : memref<416x512xf32, #tpu.memory_space<vmem>>, vector<1x512xf32>
    tpu.vector_store %arg18[%swap3A_2190, %swap3A_2191], %broadcast_in_dim3A_2189 {strides = array<i32>} : memref<416x512xf32, #tpu.memory_space<vmem>>, vector<1x512xf32>,
    %mul3A_2193 = arith.mulf %slice3A_66, %slice3A_45 : vector<64x512xf32>
    %reduce_sum3A_2194 = arith.constant dense<0.000000e+00> : vector<512xf32>
    %reduce_sum3A_2195 = vector.multi_reduction <add>, %mul3A_2193, %reduce_sum3A_2194 [0] : vector<64x512xf32> to vector<512xf32>
    %broadcast_in_dim3A_2196 = vector.shape_cast %reduce_sum3A_2195 : vector<512xf32> to vector<1x512xf32>
    %swap3A_2197 = arith.constant 368 : index
    %swap3A_2198 = arith.constant 0 : index
    %swap3A_2199 = vector.load %arg18[%swap3A_2197, %swap3A_2198] : memref<416x512xf32, #tpu.memory_space<vmem>>, vector<1x512xf32>
    tpu.vector_store %arg18[%swap3A_2197, %swap3A_2198], %broadcast_in_dim3A_2196 {strides = array<i32>} : memref<416x512xf32, #tpu.memory_space<vmem>>, vector<1x512xf32>,
    %mul3A_2200 = arith.mulf %slice3A_66, %slice3A_46 : vector<64x512xf32>
    %reduce_sum3A_2201 = arith.constant dense<0.000000e+00> : vector<512xf32>
    %reduce_sum3A_2202 = vector.multi_reduction <add>, %mul3A_2200, %reduce_sum3A_2201 [0] : vector<64x512xf32> to vector<512xf32>
    %broadcast_in_dim3A_2203 = vector.shape_cast %reduce_sum3A_2202 : vector<512xf32> to vector<1x512xf32>
    %swap3A_2204 = arith.constant 369 : index
    %swap3A_2205 = arith.constant 0 : index
    %swap3A_2206 = vector.load %arg18[%swap3A_2204, %swap3A_2205] : memref<416x512xf32, #tpu.memory_space<vmem>>, vector<1x512xf32>
    tpu.vector_store %arg18[%swap3A_2204, %swap3A_2205], %broadcast_in_dim3A_2203 {strides = array<i32>} : memref<416x512xf32, #tpu.memory_space<vmem>>, vector<1x512xf32>,
    %mul3A_2207 = arith.mulf %slice3A_66, %slice3A_47 : vector<64x512xf32>
    %reduce_sum3A_2208 = arith.constant dense<0.000000e+00> : vector<512xf32>
    %reduce_sum3A_2209 = vector.multi_reduction <add>, %mul3A_2207, %reduce_sum3A_2208 [0] : vector<64x512xf32> to vector<512xf32>
    %broadcast_in_dim3A_2210 = vector.shape_cast %reduce_sum3A_2209 : vector<512xf32> to vector<1x512xf32>
    %swap3A_2211 = arith.constant 370 : index
    %swap3A_2212 = arith.constant 0 : index
    %swap3A_2213 = vector.load %arg18[%swap3A_2211, %swap3A_2212] : memref<416x512xf32, #tpu.memory_space<vmem>>, vector<1x512xf32>
    tpu.vector_store %arg18[%swap3A_2211, %swap3A_2212], %broadcast_in_dim3A_2210 {strides = array<i32>} : memref<416x512xf32, #tpu.memory_space<vmem>>, vector<1x512xf32>,
    %mul3A_2214 = arith.mulf %slice3A_66, %slice3A_48 : vector<64x512xf32>
    %reduce_sum3A_2215 = arith.constant dense<0.000000e+00> : vector<512xf32>
    %reduce_sum3A_2216 = vector.multi_reduction <add>, %mul3A_2214, %reduce_sum3A_2215 [0] : vector<64x512xf32> to vector<512xf32>
    %broadcast_in_dim3A_2217 = vector.shape_cast %reduce_sum3A_2216 : vector<512xf32> to vector<1x512xf32>
    %swap3A_2218 = arith.constant 371 : index
    %swap3A_2219 = arith.constant 0 : index
    %swap3A_2220 = vector.load %arg18[%swap3A_2218, %swap3A_2219] : memref<416x512xf32, #tpu.memory_space<vmem>>, vector<1x512xf32>
    tpu.vector_store %arg18[%swap3A_2218, %swap3A_2219], %broadcast_in_dim3A_2217 {strides = array<i32>} : memref<416x512xf32, #tpu.memory_space<vmem>>, vector<1x512xf32>,
    %mul3A_2221 = arith.mulf %slice3A_66, %slice3A_49 : vector<64x512xf32>
    %reduce_sum3A_2222 = arith.constant dense<0.000000e+00> : vector<512xf32>
    %reduce_sum3A_2223 = vector.multi_reduction <add>, %mul3A_2221, %reduce_sum3A_2222 [0] : vector<64x512xf32> to vector<512xf32>
    %broadcast_in_dim3A_2224 = vector.shape_cast %reduce_sum3A_2223 : vector<512xf32> to vector<1x512xf32>
    %swap3A_2225 = arith.constant 372 : index
    %swap3A_2226 = arith.constant 0 : index
    %swap3A_2227 = vector.load %arg18[%swap3A_2225, %swap3A_2226] : memref<416x512xf32, #tpu.memory_space<vmem>>, vector<1x512xf32>
    tpu.vector_store %arg18[%swap3A_2225, %swap3A_2226], %broadcast_in_dim3A_2224 {strides = array<i32>} : memref<416x512xf32, #tpu.memory_space<vmem>>, vector<1x512xf32>,
    %mul3A_2228 = arith.mulf %slice3A_66, %slice3A_50 : vector<64x512xf32>
    %reduce_sum3A_2229 = arith.constant dense<0.000000e+00> : vector<512xf32>
    %reduce_sum3A_2230 = vector.multi_reduction <add>, %mul3A_2228, %reduce_sum3A_2229 [0] : vector<64x512xf32> to vector<512xf32>
    %broadcast_in_dim3A_2231 = vector.shape_cast %reduce_sum3A_2230 : vector<512xf32> to vector<1x512xf32>
    %swap3A_2232 = arith.constant 373 : index
    %swap3A_2233 = arith.constant 0 : index
    %swap3A_2234 = vector.load %arg18[%swap3A_2232, %swap3A_2233] : memref<416x512xf32, #tpu.memory_space<vmem>>, vector<1x512xf32>
    tpu.vector_store %arg18[%swap3A_2232, %swap3A_2233], %broadcast_in_dim3A_2231 {strides = array<i32>} : memref<416x512xf32, #tpu.memory_space<vmem>>, vector<1x512xf32>,
    %mul3A_2235 = arith.mulf %slice3A_66, %slice3A_51 : vector<64x512xf32>
    %reduce_sum3A_2236 = arith.constant dense<0.000000e+00> : vector<512xf32>
    %reduce_sum3A_2237 = vector.multi_reduction <add>, %mul3A_2235, %reduce_sum3A_2236 [0] : vector<64x512xf32> to vector<512xf32>
    %broadcast_in_dim3A_2238 = vector.shape_cast %reduce_sum3A_2237 : vector<512xf32> to vector<1x512xf32>
    %swap3A_2239 = arith.constant 374 : index
    %swap3A_2240 = arith.constant 0 : index
    %swap3A_2241 = vector.load %arg18[%swap3A_2239, %swap3A_2240] : memref<416x512xf32, #tpu.memory_space<vmem>>, vector<1x512xf32>
    tpu.vector_store %arg18[%swap3A_2239, %swap3A_2240], %broadcast_in_dim3A_2238 {strides = array<i32>} : memref<416x512xf32, #tpu.memory_space<vmem>>, vector<1x512xf32>,
    %mul3A_2242 = arith.mulf %slice3A_66, %slice3A_52 : vector<64x512xf32>
    %reduce_sum3A_2243 = arith.constant dense<0.000000e+00> : vector<512xf32>
    %reduce_sum3A_2244 = vector.multi_reduction <add>, %mul3A_2242, %reduce_sum3A_2243 [0] : vector<64x512xf32> to vector<512xf32>
    %broadcast_in_dim3A_2245 = vector.shape_cast %reduce_sum3A_2244 : vector<512xf32> to vector<1x512xf32>
    %swap3A_2246 = arith.constant 375 : index
    %swap3A_2247 = arith.constant 0 : index
    %swap3A_2248 = vector.load %arg18[%swap3A_2246, %swap3A_2247] : memref<416x512xf32, #tpu.memory_space<vmem>>, vector<1x512xf32>
    tpu.vector_store %arg18[%swap3A_2246, %swap3A_2247], %broadcast_in_dim3A_2245 {strides = array<i32>} : memref<416x512xf32, #tpu.memory_space<vmem>>, vector<1x512xf32>,
    %mul3A_2249 = arith.mulf %slice3A_66, %slice3A_53 : vector<64x512xf32>
    %reduce_sum3A_2250 = arith.constant dense<0.000000e+00> : vector<512xf32>
    %reduce_sum3A_2251 = vector.multi_reduction <add>, %mul3A_2249, %reduce_sum3A_2250 [0] : vector<64x512xf32> to vector<512xf32>
    %broadcast_in_dim3A_2252 = vector.shape_cast %reduce_sum3A_2251 : vector<512xf32> to vector<1x512xf32>
    %swap3A_2253 = arith.constant 376 : index
    %swap3A_2254 = arith.constant 0 : index
    %swap3A_2255 = vector.load %arg18[%swap3A_2253, %swap3A_2254] : memref<416x512xf32, #tpu.memory_space<vmem>>, vector<1x512xf32>
    tpu.vector_store %arg18[%swap3A_2253, %swap3A_2254], %broadcast_in_dim3A_2252 {strides = array<i32>} : memref<416x512xf32, #tpu.memory_space<vmem>>, vector<1x512xf32>,
    %mul3A_2256 = arith.mulf %slice3A_66, %slice3A_54 : vector<64x512xf32>
    %reduce_sum3A_2257 = arith.constant dense<0.000000e+00> : vector<512xf32>
    %reduce_sum3A_2258 = vector.multi_reduction <add>, %mul3A_2256, %reduce_sum3A_2257 [0] : vector<64x512xf32> to vector<512xf32>
    %broadcast_in_dim3A_2259 = vector.shape_cast %reduce_sum3A_2258 : vector<512xf32> to vector<1x512xf32>
    %swap3A_2260 = arith.constant 377 : index
    %swap3A_2261 = arith.constant 0 : index
    %swap3A_2262 = vector.load %arg18[%swap3A_2260, %swap3A_2261] : memref<416x512xf32, #tpu.memory_space<vmem>>, vector<1x512xf32>
    tpu.vector_store %arg18[%swap3A_2260, %swap3A_2261], %broadcast_in_dim3A_2259 {strides = array<i32>} : memref<416x512xf32, #tpu.memory_space<vmem>>, vector<1x512xf32>,
    %mul3A_2263 = arith.mulf %slice3A_66, %slice3A_55 : vector<64x512xf32>
    %reduce_sum3A_2264 = arith.constant dense<0.000000e+00> : vector<512xf32>
    %reduce_sum3A_2265 = vector.multi_reduction <add>, %mul3A_2263, %reduce_sum3A_2264 [0] : vector<64x512xf32> to vector<512xf32>
    %broadcast_in_dim3A_2266 = vector.shape_cast %reduce_sum3A_2265 : vector<512xf32> to vector<1x512xf32>
    %swap3A_2267 = arith.constant 378 : index
    %swap3A_2268 = arith.constant 0 : index
    %swap3A_2269 = vector.load %arg18[%swap3A_2267, %swap3A_2268] : memref<416x512xf32, #tpu.memory_space<vmem>>, vector<1x512xf32>
    tpu.vector_store %arg18[%swap3A_2267, %swap3A_2268], %broadcast_in_dim3A_2266 {strides = array<i32>} : memref<416x512xf32, #tpu.memory_space<vmem>>, vector<1x512xf32>,
    %mul3A_2270 = arith.mulf %slice3A_66, %slice3A_56 : vector<64x512xf32>
    %reduce_sum3A_2271 = arith.constant dense<0.000000e+00> : vector<512xf32>
    %reduce_sum3A_2272 = vector.multi_reduction <add>, %mul3A_2270, %reduce_sum3A_2271 [0] : vector<64x512xf32> to vector<512xf32>
    %broadcast_in_dim3A_2273 = vector.shape_cast %reduce_sum3A_2272 : vector<512xf32> to vector<1x512xf32>
    %swap3A_2274 = arith.constant 379 : index
    %swap3A_2275 = arith.constant 0 : index
    %swap3A_2276 = vector.load %arg18[%swap3A_2274, %swap3A_2275] : memref<416x512xf32, #tpu.memory_space<vmem>>, vector<1x512xf32>
    tpu.vector_store %arg18[%swap3A_2274, %swap3A_2275], %broadcast_in_dim3A_2273 {strides = array<i32>} : memref<416x512xf32, #tpu.memory_space<vmem>>, vector<1x512xf32>,
    %mul3A_2277 = arith.mulf %slice3A_66, %slice3A_57 : vector<64x512xf32>
    %reduce_sum3A_2278 = arith.constant dense<0.000000e+00> : vector<512xf32>
    %reduce_sum3A_2279 = vector.multi_reduction <add>, %mul3A_2277, %reduce_sum3A_2278 [0] : vector<64x512xf32> to vector<512xf32>
    %broadcast_in_dim3A_2280 = vector.shape_cast %reduce_sum3A_2279 : vector<512xf32> to vector<1x512xf32>
    %swap3A_2281 = arith.constant 380 : index
    %swap3A_2282 = arith.constant 0 : index
    %swap3A_2283 = vector.load %arg18[%swap3A_2281, %swap3A_2282] : memref<416x512xf32, #tpu.memory_space<vmem>>, vector<1x512xf32>
    tpu.vector_store %arg18[%swap3A_2281, %swap3A_2282], %broadcast_in_dim3A_2280 {strides = array<i32>} : memref<416x512xf32, #tpu.memory_space<vmem>>, vector<1x512xf32>,
    %mul3A_2284 = arith.mulf %slice3A_66, %slice3A_58 : vector<64x512xf32>
    %reduce_sum3A_2285 = arith.constant dense<0.000000e+00> : vector<512xf32>
    %reduce_sum3A_2286 = vector.multi_reduction <add>, %mul3A_2284, %reduce_sum3A_2285 [0] : vector<64x512xf32> to vector<512xf32>
    %broadcast_in_dim3A_2287 = vector.shape_cast %reduce_sum3A_2286 : vector<512xf32> to vector<1x512xf32>
    %swap3A_2288 = arith.constant 381 : index
    %swap3A_2289 = arith.constant 0 : index
    %swap3A_2290 = vector.load %arg18[%swap3A_2288, %swap3A_2289] : memref<416x512xf32, #tpu.memory_space<vmem>>, vector<1x512xf32>
    tpu.vector_store %arg18[%swap3A_2288, %swap3A_2289], %broadcast_in_dim3A_2287 {strides = array<i32>} : memref<416x512xf32, #tpu.memory_space<vmem>>, vector<1x512xf32>,
    %mul3A_2291 = arith.mulf %slice3A_66, %slice3A_59 : vector<64x512xf32>
    %reduce_sum3A_2292 = arith.constant dense<0.000000e+00> : vector<512xf32>
    %reduce_sum3A_2293 = vector.multi_reduction <add>, %mul3A_2291, %reduce_sum3A_2292 [0] : vector<64x512xf32> to vector<512xf32>
    %broadcast_in_dim3A_2294 = vector.shape_cast %reduce_sum3A_2293 : vector<512xf32> to vector<1x512xf32>
    %swap3A_2295 = arith.constant 382 : index
    %swap3A_2296 = arith.constant 0 : index
    %swap3A_2297 = vector.load %arg18[%swap3A_2295, %swap3A_2296] : memref<416x512xf32, #tpu.memory_space<vmem>>, vector<1x512xf32>
    tpu.vector_store %arg18[%swap3A_2295, %swap3A_2296], %broadcast_in_dim3A_2294 {strides = array<i32>} : memref<416x512xf32, #tpu.memory_space<vmem>>, vector<1x512xf32>,
    %mul3A_2298 = arith.mulf %slice3A_66, %slice3A_60 : vector<64x512xf32>
    %reduce_sum3A_2299 = arith.constant dense<0.000000e+00> : vector<512xf32>
    %reduce_sum3A_2300 = vector.multi_reduction <add>, %mul3A_2298, %reduce_sum3A_2299 [0] : vector<64x512xf32> to vector<512xf32>
    %broadcast_in_dim3A_2301 = vector.shape_cast %reduce_sum3A_2300 : vector<512xf32> to vector<1x512xf32>
    %swap3A_2302 = arith.constant 383 : index
    %swap3A_2303 = arith.constant 0 : index
    %swap3A_2304 = vector.load %arg18[%swap3A_2302, %swap3A_2303] : memref<416x512xf32, #tpu.memory_space<vmem>>, vector<1x512xf32>
    tpu.vector_store %arg18[%swap3A_2302, %swap3A_2303], %broadcast_in_dim3A_2301 {strides = array<i32>} : memref<416x512xf32, #tpu.memory_space<vmem>>, vector<1x512xf32>,
    %mul3A_2305 = arith.mulf %slice3A_66, %slice3A_61 : vector<64x512xf32>
    %reduce_sum3A_2306 = arith.constant dense<0.000000e+00> : vector<512xf32>
    %reduce_sum3A_2307 = vector.multi_reduction <add>, %mul3A_2305, %reduce_sum3A_2306 [0] : vector<64x512xf32> to vector<512xf32>
    %broadcast_in_dim3A_2308 = vector.shape_cast %reduce_sum3A_2307 : vector<512xf32> to vector<1x512xf32>
    %swap3A_2309 = arith.constant 384 : index
    %swap3A_2310 = arith.constant 0 : index
    %swap3A_2311 = vector.load %arg18[%swap3A_2309, %swap3A_2310] : memref<416x512xf32, #tpu.memory_space<vmem>>, vector<1x512xf32>
    tpu.vector_store %arg18[%swap3A_2309, %swap3A_2310], %broadcast_in_dim3A_2308 {strides = array<i32>} : memref<416x512xf32, #tpu.memory_space<vmem>>, vector<1x512xf32>,
    %mul3A_2312 = arith.mulf %slice3A_66, %slice3A_62 : vector<64x512xf32>
    %reduce_sum3A_2313 = arith.constant dense<0.000000e+00> : vector<512xf32>
    %reduce_sum3A_2314 = vector.multi_reduction <add>, %mul3A_2312, %reduce_sum3A_2313 [0] : vector<64x512xf32> to vector<512xf32>
    %broadcast_in_dim3A_2315 = vector.shape_cast %reduce_sum3A_2314 : vector<512xf32> to vector<1x512xf32>
    %swap3A_2316 = arith.constant 385 : index
    %swap3A_2317 = arith.constant 0 : index
    %swap3A_2318 = vector.load %arg18[%swap3A_2316, %swap3A_2317] : memref<416x512xf32, #tpu.memory_space<vmem>>, vector<1x512xf32>
    tpu.vector_store %arg18[%swap3A_2316, %swap3A_2317], %broadcast_in_dim3A_2315 {strides = array<i32>} : memref<416x512xf32, #tpu.memory_space<vmem>>, vector<1x512xf32>,
    %mul3A_2319 = arith.mulf %slice3A_66, %slice3A_63 : vector<64x512xf32>
    %reduce_sum3A_2320 = arith.constant dense<0.000000e+00> : vector<512xf32>
    %reduce_sum3A_2321 = vector.multi_reduction <add>, %mul3A_2319, %reduce_sum3A_2320 [0] : vector<64x512xf32> to vector<512xf32>
    %broadcast_in_dim3A_2322 = vector.shape_cast %reduce_sum3A_2321 : vector<512xf32> to vector<1x512xf32>
    %swap3A_2323 = arith.constant 386 : index
    %swap3A_2324 = arith.constant 0 : index
    %swap3A_2325 = vector.load %arg18[%swap3A_2323, %swap3A_2324] : memref<416x512xf32, #tpu.memory_space<vmem>>, vector<1x512xf32>
    tpu.vector_store %arg18[%swap3A_2323, %swap3A_2324], %broadcast_in_dim3A_2322 {strides = array<i32>} : memref<416x512xf32, #tpu.memory_space<vmem>>, vector<1x512xf32>,
    %mul3A_2326 = arith.mulf %slice3A_66, %slice3A_64 : vector<64x512xf32>
    %reduce_sum3A_2327 = arith.constant dense<0.000000e+00> : vector<512xf32>
    %reduce_sum3A_2328 = vector.multi_reduction <add>, %mul3A_2326, %reduce_sum3A_2327 [0] : vector<64x512xf32> to vector<512xf32>
    %broadcast_in_dim3A_2329 = vector.shape_cast %reduce_sum3A_2328 : vector<512xf32> to vector<1x512xf32>
    %swap3A_2330 = arith.constant 387 : index
    %swap3A_2331 = arith.constant 0 : index
    %swap3A_2332 = vector.load %arg18[%swap3A_2330, %swap3A_2331] : memref<416x512xf32, #tpu.memory_space<vmem>>, vector<1x512xf32>
    tpu.vector_store %arg18[%swap3A_2330, %swap3A_2331], %broadcast_in_dim3A_2329 {strides = array<i32>} : memref<416x512xf32, #tpu.memory_space<vmem>>, vector<1x512xf32>,
    %mul3A_2333 = arith.mulf %slice3A_66, %slice3A_65 : vector<64x512xf32>
    %reduce_sum3A_2334 = arith.constant dense<0.000000e+00> : vector<512xf32>
    %reduce_sum3A_2335 = vector.multi_reduction <add>, %mul3A_2333, %reduce_sum3A_2334 [0] : vector<64x512xf32> to vector<512xf32>
    %broadcast_in_dim3A_2336 = vector.shape_cast %reduce_sum3A_2335 : vector<512xf32> to vector<1x512xf32>
    %swap3A_2337 = arith.constant 388 : index
    %swap3A_2338 = arith.constant 0 : index
    %swap3A_2339 = vector.load %arg18[%swap3A_2337, %swap3A_2338] : memref<416x512xf32, #tpu.memory_space<vmem>>, vector<1x512xf32>
    tpu.vector_store %arg18[%swap3A_2337, %swap3A_2338], %broadcast_in_dim3A_2336 {strides = array<i32>} : memref<416x512xf32, #tpu.memory_space<vmem>>, vector<1x512xf32>,
    %mul3A_2340 = arith.mulf %slice3A_67, %max3A_37 : vector<64x512xf32>
    %reduce_sum3A_2341 = arith.constant dense<0.000000e+00> : vector<512xf32>
    %reduce_sum3A_2342 = vector.multi_reduction <add>, %mul3A_2340, %reduce_sum3A_2341 [0] : vector<64x512xf32> to vector<512xf32>
    %broadcast_in_dim3A_2343 = vector.shape_cast %reduce_sum3A_2342 : vector<512xf32> to vector<1x512xf32>
    %swap3A_2344 = arith.constant 389 : index
    %swap3A_2345 = arith.constant 0 : index
    %swap3A_2346 = vector.load %arg18[%swap3A_2344, %swap3A_2345] : memref<416x512xf32, #tpu.memory_space<vmem>>, vector<1x512xf32>
    tpu.vector_store %arg18[%swap3A_2344, %swap3A_2345], %broadcast_in_dim3A_2343 {strides = array<i32>} : memref<416x512xf32, #tpu.memory_space<vmem>>, vector<1x512xf32>,
    %mul3A_2347 = arith.mulf %slice3A_67, %slice3A : vector<64x512xf32>
    %reduce_sum3A_2348 = arith.constant dense<0.000000e+00> : vector<512xf32>
    %reduce_sum3A_2349 = vector.multi_reduction <add>, %mul3A_2347, %reduce_sum3A_2348 [0] : vector<64x512xf32> to vector<512xf32>
    %broadcast_in_dim3A_2350 = vector.shape_cast %reduce_sum3A_2349 : vector<512xf32> to vector<1x512xf32>
    %swap3A_2351 = arith.constant 390 : index
    %swap3A_2352 = arith.constant 0 : index
    %swap3A_2353 = vector.load %arg18[%swap3A_2351, %swap3A_2352] : memref<416x512xf32, #tpu.memory_space<vmem>>, vector<1x512xf32>
    tpu.vector_store %arg18[%swap3A_2351, %swap3A_2352], %broadcast_in_dim3A_2350 {strides = array<i32>} : memref<416x512xf32, #tpu.memory_space<vmem>>, vector<1x512xf32>,
    %mul3A_2354 = arith.mulf %slice3A_67, %slice3A_43 : vector<64x512xf32>
    %reduce_sum3A_2355 = arith.constant dense<0.000000e+00> : vector<512xf32>
    %reduce_sum3A_2356 = vector.multi_reduction <add>, %mul3A_2354, %reduce_sum3A_2355 [0] : vector<64x512xf32> to vector<512xf32>
    %broadcast_in_dim3A_2357 = vector.shape_cast %reduce_sum3A_2356 : vector<512xf32> to vector<1x512xf32>
    %swap3A_2358 = arith.constant 391 : index
    %swap3A_2359 = arith.constant 0 : index
    %swap3A_2360 = vector.load %arg18[%swap3A_2358, %swap3A_2359] : memref<416x512xf32, #tpu.memory_space<vmem>>, vector<1x512xf32>
    tpu.vector_store %arg18[%swap3A_2358, %swap3A_2359], %broadcast_in_dim3A_2357 {strides = array<i32>} : memref<416x512xf32, #tpu.memory_space<vmem>>, vector<1x512xf32>,
    %mul3A_2361 = arith.mulf %slice3A_67, %slice3A_44 : vector<64x512xf32>
    %reduce_sum3A_2362 = arith.constant dense<0.000000e+00> : vector<512xf32>
    %reduce_sum3A_2363 = vector.multi_reduction <add>, %mul3A_2361, %reduce_sum3A_2362 [0] : vector<64x512xf32> to vector<512xf32>
    %broadcast_in_dim3A_2364 = vector.shape_cast %reduce_sum3A_2363 : vector<512xf32> to vector<1x512xf32>
    %swap3A_2365 = arith.constant 392 : index
    %swap3A_2366 = arith.constant 0 : index
    %swap3A_2367 = vector.load %arg18[%swap3A_2365, %swap3A_2366] : memref<416x512xf32, #tpu.memory_space<vmem>>, vector<1x512xf32>
    tpu.vector_store %arg18[%swap3A_2365, %swap3A_2366], %broadcast_in_dim3A_2364 {strides = array<i32>} : memref<416x512xf32, #tpu.memory_space<vmem>>, vector<1x512xf32>,
    %mul3A_2368 = arith.mulf %slice3A_67, %slice3A_45 : vector<64x512xf32>
    %reduce_sum3A_2369 = arith.constant dense<0.000000e+00> : vector<512xf32>
    %reduce_sum3A_2370 = vector.multi_reduction <add>, %mul3A_2368, %reduce_sum3A_2369 [0] : vector<64x512xf32> to vector<512xf32>
    %broadcast_in_dim3A_2371 = vector.shape_cast %reduce_sum3A_2370 : vector<512xf32> to vector<1x512xf32>
    %swap3A_2372 = arith.constant 393 : index
    %swap3A_2373 = arith.constant 0 : index
    %swap3A_2374 = vector.load %arg18[%swap3A_2372, %swap3A_2373] : memref<416x512xf32, #tpu.memory_space<vmem>>, vector<1x512xf32>
    tpu.vector_store %arg18[%swap3A_2372, %swap3A_2373], %broadcast_in_dim3A_2371 {strides = array<i32>} : memref<416x512xf32, #tpu.memory_space<vmem>>, vector<1x512xf32>,
    %mul3A_2375 = arith.mulf %slice3A_67, %slice3A_46 : vector<64x512xf32>
    %reduce_sum3A_2376 = arith.constant dense<0.000000e+00> : vector<512xf32>
    %reduce_sum3A_2377 = vector.multi_reduction <add>, %mul3A_2375, %reduce_sum3A_2376 [0] : vector<64x512xf32> to vector<512xf32>
    %broadcast_in_dim3A_2378 = vector.shape_cast %reduce_sum3A_2377 : vector<512xf32> to vector<1x512xf32>
    %swap3A_2379 = arith.constant 394 : index
    %swap3A_2380 = arith.constant 0 : index
    %swap3A_2381 = vector.load %arg18[%swap3A_2379, %swap3A_2380] : memref<416x512xf32, #tpu.memory_space<vmem>>, vector<1x512xf32>
    tpu.vector_store %arg18[%swap3A_2379, %swap3A_2380], %broadcast_in_dim3A_2378 {strides = array<i32>} : memref<416x512xf32, #tpu.memory_space<vmem>>, vector<1x512xf32>,
    %mul3A_2382 = arith.mulf %slice3A_67, %slice3A_47 : vector<64x512xf32>
    %reduce_sum3A_2383 = arith.constant dense<0.000000e+00> : vector<512xf32>
    %reduce_sum3A_2384 = vector.multi_reduction <add>, %mul3A_2382, %reduce_sum3A_2383 [0] : vector<64x512xf32> to vector<512xf32>
    %broadcast_in_dim3A_2385 = vector.shape_cast %reduce_sum3A_2384 : vector<512xf32> to vector<1x512xf32>
    %swap3A_2386 = arith.constant 395 : index
    %swap3A_2387 = arith.constant 0 : index
    %swap3A_2388 = vector.load %arg18[%swap3A_2386, %swap3A_2387] : memref<416x512xf32, #tpu.memory_space<vmem>>, vector<1x512xf32>
    tpu.vector_store %arg18[%swap3A_2386, %swap3A_2387], %broadcast_in_dim3A_2385 {strides = array<i32>} : memref<416x512xf32, #tpu.memory_space<vmem>>, vector<1x512xf32>,
    %mul3A_2389 = arith.mulf %slice3A_67, %slice3A_48 : vector<64x512xf32>
    %reduce_sum3A_2390 = arith.constant dense<0.000000e+00> : vector<512xf32>
    %reduce_sum3A_2391 = vector.multi_reduction <add>, %mul3A_2389, %reduce_sum3A_2390 [0] : vector<64x512xf32> to vector<512xf32>
    %broadcast_in_dim3A_2392 = vector.shape_cast %reduce_sum3A_2391 : vector<512xf32> to vector<1x512xf32>
    %swap3A_2393 = arith.constant 396 : index
    %swap3A_2394 = arith.constant 0 : index
    %swap3A_2395 = vector.load %arg18[%swap3A_2393, %swap3A_2394] : memref<416x512xf32, #tpu.memory_space<vmem>>, vector<1x512xf32>
    tpu.vector_store %arg18[%swap3A_2393, %swap3A_2394], %broadcast_in_dim3A_2392 {strides = array<i32>} : memref<416x512xf32, #tpu.memory_space<vmem>>, vector<1x512xf32>,
    %mul3A_2396 = arith.mulf %slice3A_67, %slice3A_49 : vector<64x512xf32>
    %reduce_sum3A_2397 = arith.constant dense<0.000000e+00> : vector<512xf32>
    %reduce_sum3A_2398 = vector.multi_reduction <add>, %mul3A_2396, %reduce_sum3A_2397 [0] : vector<64x512xf32> to vector<512xf32>
    %broadcast_in_dim3A_2399 = vector.shape_cast %reduce_sum3A_2398 : vector<512xf32> to vector<1x512xf32>
    %swap3A_2400 = arith.constant 397 : index
    %swap3A_2401 = arith.constant 0 : index
    %swap3A_2402 = vector.load %arg18[%swap3A_2400, %swap3A_2401] : memref<416x512xf32, #tpu.memory_space<vmem>>, vector<1x512xf32>
    tpu.vector_store %arg18[%swap3A_2400, %swap3A_2401], %broadcast_in_dim3A_2399 {strides = array<i32>} : memref<416x512xf32, #tpu.memory_space<vmem>>, vector<1x512xf32>,
    %mul3A_2403 = arith.mulf %slice3A_67, %slice3A_50 : vector<64x512xf32>
    %reduce_sum3A_2404 = arith.constant dense<0.000000e+00> : vector<512xf32>
    %reduce_sum3A_2405 = vector.multi_reduction <add>, %mul3A_2403, %reduce_sum3A_2404 [0] : vector<64x512xf32> to vector<512xf32>
    %broadcast_in_dim3A_2406 = vector.shape_cast %reduce_sum3A_2405 : vector<512xf32> to vector<1x512xf32>
    %swap3A_2407 = arith.constant 398 : index
    %swap3A_2408 = arith.constant 0 : index
    %swap3A_2409 = vector.load %arg18[%swap3A_2407, %swap3A_2408] : memref<416x512xf32, #tpu.memory_space<vmem>>, vector<1x512xf32>
    tpu.vector_store %arg18[%swap3A_2407, %swap3A_2408], %broadcast_in_dim3A_2406 {strides = array<i32>} : memref<416x512xf32, #tpu.memory_space<vmem>>, vector<1x512xf32>,
    %mul3A_2410 = arith.mulf %slice3A_67, %slice3A_51 : vector<64x512xf32>
    %reduce_sum3A_2411 = arith.constant dense<0.000000e+00> : vector<512xf32>
    %reduce_sum3A_2412 = vector.multi_reduction <add>, %mul3A_2410, %reduce_sum3A_2411 [0] : vector<64x512xf32> to vector<512xf32>
    %broadcast_in_dim3A_2413 = vector.shape_cast %reduce_sum3A_2412 : vector<512xf32> to vector<1x512xf32>
    %swap3A_2414 = arith.constant 399 : index
    %swap3A_2415 = arith.constant 0 : index
    %swap3A_2416 = vector.load %arg18[%swap3A_2414, %swap3A_2415] : memref<416x512xf32, #tpu.memory_space<vmem>>, vector<1x512xf32>
    tpu.vector_store %arg18[%swap3A_2414, %swap3A_2415], %broadcast_in_dim3A_2413 {strides = array<i32>} : memref<416x512xf32, #tpu.memory_space<vmem>>, vector<1x512xf32>,
    %mul3A_2417 = arith.mulf %slice3A_67, %slice3A_52 : vector<64x512xf32>
    %reduce_sum3A_2418 = arith.constant dense<0.000000e+00> : vector<512xf32>
    %reduce_sum3A_2419 = vector.multi_reduction <add>, %mul3A_2417, %reduce_sum3A_2418 [0] : vector<64x512xf32> to vector<512xf32>
    %broadcast_in_dim3A_2420 = vector.shape_cast %reduce_sum3A_2419 : vector<512xf32> to vector<1x512xf32>
    %swap3A_2421 = arith.constant 400 : index
    %swap3A_2422 = arith.constant 0 : index
    %swap3A_2423 = vector.load %arg18[%swap3A_2421, %swap3A_2422] : memref<416x512xf32, #tpu.memory_space<vmem>>, vector<1x512xf32>
    tpu.vector_store %arg18[%swap3A_2421, %swap3A_2422], %broadcast_in_dim3A_2420 {strides = array<i32>} : memref<416x512xf32, #tpu.memory_space<vmem>>, vector<1x512xf32>,
    %mul3A_2424 = arith.mulf %slice3A_67, %slice3A_53 : vector<64x512xf32>
    %reduce_sum3A_2425 = arith.constant dense<0.000000e+00> : vector<512xf32>
    %reduce_sum3A_2426 = vector.multi_reduction <add>, %mul3A_2424, %reduce_sum3A_2425 [0] : vector<64x512xf32> to vector<512xf32>
    %broadcast_in_dim3A_2427 = vector.shape_cast %reduce_sum3A_2426 : vector<512xf32> to vector<1x512xf32>
    %swap3A_2428 = arith.constant 401 : index
    %swap3A_2429 = arith.constant 0 : index
    %swap3A_2430 = vector.load %arg18[%swap3A_2428, %swap3A_2429] : memref<416x512xf32, #tpu.memory_space<vmem>>, vector<1x512xf32>
    tpu.vector_store %arg18[%swap3A_2428, %swap3A_2429], %broadcast_in_dim3A_2427 {strides = array<i32>} : memref<416x512xf32, #tpu.memory_space<vmem>>, vector<1x512xf32>,
    %mul3A_2431 = arith.mulf %slice3A_67, %slice3A_54 : vector<64x512xf32>
    %reduce_sum3A_2432 = arith.constant dense<0.000000e+00> : vector<512xf32>
    %reduce_sum3A_2433 = vector.multi_reduction <add>, %mul3A_2431, %reduce_sum3A_2432 [0] : vector<64x512xf32> to vector<512xf32>
    %broadcast_in_dim3A_2434 = vector.shape_cast %reduce_sum3A_2433 : vector<512xf32> to vector<1x512xf32>
    %swap3A_2435 = arith.constant 402 : index
    %swap3A_2436 = arith.constant 0 : index
    %swap3A_2437 = vector.load %arg18[%swap3A_2435, %swap3A_2436] : memref<416x512xf32, #tpu.memory_space<vmem>>, vector<1x512xf32>
    tpu.vector_store %arg18[%swap3A_2435, %swap3A_2436], %broadcast_in_dim3A_2434 {strides = array<i32>} : memref<416x512xf32, #tpu.memory_space<vmem>>, vector<1x512xf32>,
    %mul3A_2438 = arith.mulf %slice3A_67, %slice3A_55 : vector<64x512xf32>
    %reduce_sum3A_2439 = arith.constant dense<0.000000e+00> : vector<512xf32>
    %reduce_sum3A_2440 = vector.multi_reduction <add>, %mul3A_2438, %reduce_sum3A_2439 [0] : vector<64x512xf32> to vector<512xf32>
    %broadcast_in_dim3A_2441 = vector.shape_cast %reduce_sum3A_2440 : vector<512xf32> to vector<1x512xf32>
    %swap3A_2442 = arith.constant 403 : index
    %swap3A_2443 = arith.constant 0 : index
    %swap3A_2444 = vector.load %arg18[%swap3A_2442, %swap3A_2443] : memref<416x512xf32, #tpu.memory_space<vmem>>, vector<1x512xf32>
    tpu.vector_store %arg18[%swap3A_2442, %swap3A_2443], %broadcast_in_dim3A_2441 {strides = array<i32>} : memref<416x512xf32, #tpu.memory_space<vmem>>, vector<1x512xf32>,
    %mul3A_2445 = arith.mulf %slice3A_67, %slice3A_56 : vector<64x512xf32>
    %reduce_sum3A_2446 = arith.constant dense<0.000000e+00> : vector<512xf32>
    %reduce_sum3A_2447 = vector.multi_reduction <add>, %mul3A_2445, %reduce_sum3A_2446 [0] : vector<64x512xf32> to vector<512xf32>
    %broadcast_in_dim3A_2448 = vector.shape_cast %reduce_sum3A_2447 : vector<512xf32> to vector<1x512xf32>
    %swap3A_2449 = arith.constant 404 : index
    %swap3A_2450 = arith.constant 0 : index
    %swap3A_2451 = vector.load %arg18[%swap3A_2449, %swap3A_2450] : memref<416x512xf32, #tpu.memory_space<vmem>>, vector<1x512xf32>
    tpu.vector_store %arg18[%swap3A_2449, %swap3A_2450], %broadcast_in_dim3A_2448 {strides = array<i32>} : memref<416x512xf32, #tpu.memory_space<vmem>>, vector<1x512xf32>,
    %mul3A_2452 = arith.mulf %slice3A_67, %slice3A_57 : vector<64x512xf32>
    %reduce_sum3A_2453 = arith.constant dense<0.000000e+00> : vector<512xf32>
    %reduce_sum3A_2454 = vector.multi_reduction <add>, %mul3A_2452, %reduce_sum3A_2453 [0] : vector<64x512xf32> to vector<512xf32>
    %broadcast_in_dim3A_2455 = vector.shape_cast %reduce_sum3A_2454 : vector<512xf32> to vector<1x512xf32>
    %swap3A_2456 = arith.constant 405 : index
    %swap3A_2457 = arith.constant 0 : index
    %swap3A_2458 = vector.load %arg18[%swap3A_2456, %swap3A_2457] : memref<416x512xf32, #tpu.memory_space<vmem>>, vector<1x512xf32>
    tpu.vector_store %arg18[%swap3A_2456, %swap3A_2457], %broadcast_in_dim3A_2455 {strides = array<i32>} : memref<416x512xf32, #tpu.memory_space<vmem>>, vector<1x512xf32>,
    %mul3A_2459 = arith.mulf %slice3A_67, %slice3A_58 : vector<64x512xf32>
    %reduce_sum3A_2460 = arith.constant dense<0.000000e+00> : vector<512xf32>
    %reduce_sum3A_2461 = vector.multi_reduction <add>, %mul3A_2459, %reduce_sum3A_2460 [0] : vector<64x512xf32> to vector<512xf32>
    %broadcast_in_dim3A_2462 = vector.shape_cast %reduce_sum3A_2461 : vector<512xf32> to vector<1x512xf32>
    %swap3A_2463 = arith.constant 406 : index
    %swap3A_2464 = arith.constant 0 : index
    %swap3A_2465 = vector.load %arg18[%swap3A_2463, %swap3A_2464] : memref<416x512xf32, #tpu.memory_space<vmem>>, vector<1x512xf32>
    tpu.vector_store %arg18[%swap3A_2463, %swap3A_2464], %broadcast_in_dim3A_2462 {strides = array<i32>} : memref<416x512xf32, #tpu.memory_space<vmem>>, vector<1x512xf32>,
    %mul3A_2466 = arith.mulf %slice3A_67, %slice3A_59 : vector<64x512xf32>
    %reduce_sum3A_2467 = arith.constant dense<0.000000e+00> : vector<512xf32>
    %reduce_sum3A_2468 = vector.multi_reduction <add>, %mul3A_2466, %reduce_sum3A_2467 [0] : vector<64x512xf32> to vector<512xf32>
    %broadcast_in_dim3A_2469 = vector.shape_cast %reduce_sum3A_2468 : vector<512xf32> to vector<1x512xf32>
    %swap3A_2470 = arith.constant 407 : index
    %swap3A_2471 = arith.constant 0 : index
    %swap3A_2472 = vector.load %arg18[%swap3A_2470, %swap3A_2471] : memref<416x512xf32, #tpu.memory_space<vmem>>, vector<1x512xf32>
    tpu.vector_store %arg18[%swap3A_2470, %swap3A_2471], %broadcast_in_dim3A_2469 {strides = array<i32>} : memref<416x512xf32, #tpu.memory_space<vmem>>, vector<1x512xf32>,
    %mul3A_2473 = arith.mulf %slice3A_67, %slice3A_60 : vector<64x512xf32>
    %reduce_sum3A_2474 = arith.constant dense<0.000000e+00> : vector<512xf32>
    %reduce_sum3A_2475 = vector.multi_reduction <add>, %mul3A_2473, %reduce_sum3A_2474 [0] : vector<64x512xf32> to vector<512xf32>
    %broadcast_in_dim3A_2476 = vector.shape_cast %reduce_sum3A_2475 : vector<512xf32> to vector<1x512xf32>
    %swap3A_2477 = arith.constant 408 : index
    %swap3A_2478 = arith.constant 0 : index
    %swap3A_2479 = vector.load %arg18[%swap3A_2477, %swap3A_2478] : memref<416x512xf32, #tpu.memory_space<vmem>>, vector<1x512xf32>
    tpu.vector_store %arg18[%swap3A_2477, %swap3A_2478], %broadcast_in_dim3A_2476 {strides = array<i32>} : memref<416x512xf32, #tpu.memory_space<vmem>>, vector<1x512xf32>,
    %mul3A_2480 = arith.mulf %slice3A_67, %slice3A_61 : vector<64x512xf32>
    %reduce_sum3A_2481 = arith.constant dense<0.000000e+00> : vector<512xf32>
    %reduce_sum3A_2482 = vector.multi_reduction <add>, %mul3A_2480, %reduce_sum3A_2481 [0] : vector<64x512xf32> to vector<512xf32>
    %broadcast_in_dim3A_2483 = vector.shape_cast %reduce_sum3A_2482 : vector<512xf32> to vector<1x512xf32>
    %swap3A_2484 = arith.constant 409 : index
    %swap3A_2485 = arith.constant 0 : index
    %swap3A_2486 = vector.load %arg18[%swap3A_2484, %swap3A_2485] : memref<416x512xf32, #tpu.memory_space<vmem>>, vector<1x512xf32>
    tpu.vector_store %arg18[%swap3A_2484, %swap3A_2485], %broadcast_in_dim3A_2483 {strides = array<i32>} : memref<416x512xf32, #tpu.memory_space<vmem>>, vector<1x512xf32>,
    %mul3A_2487 = arith.mulf %slice3A_67, %slice3A_62 : vector<64x512xf32>
    %reduce_sum3A_2488 = arith.constant dense<0.000000e+00> : vector<512xf32>
    %reduce_sum3A_2489 = vector.multi_reduction <add>, %mul3A_2487, %reduce_sum3A_2488 [0] : vector<64x512xf32> to vector<512xf32>
    %broadcast_in_dim3A_2490 = vector.shape_cast %reduce_sum3A_2489 : vector<512xf32> to vector<1x512xf32>
    %swap3A_2491 = arith.constant 410 : index
    %swap3A_2492 = arith.constant 0 : index
    %swap3A_2493 = vector.load %arg18[%swap3A_2491, %swap3A_2492] : memref<416x512xf32, #tpu.memory_space<vmem>>, vector<1x512xf32>
    tpu.vector_store %arg18[%swap3A_2491, %swap3A_2492], %broadcast_in_dim3A_2490 {strides = array<i32>} : memref<416x512xf32, #tpu.memory_space<vmem>>, vector<1x512xf32>,
    %mul3A_2494 = arith.mulf %slice3A_67, %slice3A_63 : vector<64x512xf32>
    %reduce_sum3A_2495 = arith.constant dense<0.000000e+00> : vector<512xf32>
    %reduce_sum3A_2496 = vector.multi_reduction <add>, %mul3A_2494, %reduce_sum3A_2495 [0] : vector<64x512xf32> to vector<512xf32>
    %broadcast_in_dim3A_2497 = vector.shape_cast %reduce_sum3A_2496 : vector<512xf32> to vector<1x512xf32>
    %swap3A_2498 = arith.constant 411 : index
    %swap3A_2499 = arith.constant 0 : index
    %swap3A_2500 = vector.load %arg18[%swap3A_2498, %swap3A_2499] : memref<416x512xf32, #tpu.memory_space<vmem>>, vector<1x512xf32>
    tpu.vector_store %arg18[%swap3A_2498, %swap3A_2499], %broadcast_in_dim3A_2497 {strides = array<i32>} : memref<416x512xf32, #tpu.memory_space<vmem>>, vector<1x512xf32>,
    %mul3A_2501 = arith.mulf %slice3A_67, %slice3A_64 : vector<64x512xf32>
    %reduce_sum3A_2502 = arith.constant dense<0.000000e+00> : vector<512xf32>
    %reduce_sum3A_2503 = vector.multi_reduction <add>, %mul3A_2501, %reduce_sum3A_2502 [0] : vector<64x512xf32> to vector<512xf32>
    %broadcast_in_dim3A_2504 = vector.shape_cast %reduce_sum3A_2503 : vector<512xf32> to vector<1x512xf32>
    %swap3A_2505 = arith.constant 412 : index
    %swap3A_2506 = arith.constant 0 : index
    %swap3A_2507 = vector.load %arg18[%swap3A_2505, %swap3A_2506] : memref<416x512xf32, #tpu.memory_space<vmem>>, vector<1x512xf32>
    tpu.vector_store %arg18[%swap3A_2505, %swap3A_2506], %broadcast_in_dim3A_2504 {strides = array<i32>} : memref<416x512xf32, #tpu.memory_space<vmem>>, vector<1x512xf32>,
    %mul3A_2508 = arith.mulf %slice3A_67, %slice3A_65 : vector<64x512xf32>
    %reduce_sum3A_2509 = arith.constant dense<0.000000e+00> : vector<512xf32>
    %reduce_sum3A_2510 = vector.multi_reduction <add>, %mul3A_2508, %reduce_sum3A_2509 [0] : vector<64x512xf32> to vector<512xf32>
    %broadcast_in_dim3A_2511 = vector.shape_cast %reduce_sum3A_2510 : vector<512xf32> to vector<1x512xf32>
    %swap3A_2512 = arith.constant 413 : index
    %swap3A_2513 = arith.constant 0 : index
    %swap3A_2514 = vector.load %arg18[%swap3A_2512, %swap3A_2513] : memref<416x512xf32, #tpu.memory_space<vmem>>, vector<1x512xf32>
    tpu.vector_store %arg18[%swap3A_2512, %swap3A_2513], %broadcast_in_dim3A_2511 {strides = array<i32>} : memref<416x512xf32, #tpu.memory_space<vmem>>, vector<1x512xf32>,
    %mul3A_2515 = arith.mulf %slice3A_67, %slice3A_66 : vector<64x512xf32>
    %reduce_sum3A_2516 = arith.constant dense<0.000000e+00> : vector<512xf32>
    %reduce_sum3A_2517 = vector.multi_reduction <add>, %mul3A_2515, %reduce_sum3A_2516 [0] : vector<64x512xf32> to vector<512xf32>
    %broadcast_in_dim3A_2518 = vector.shape_cast %reduce_sum3A_2517 : vector<512xf32> to vector<1x512xf32>
    %swap3A_2519 = arith.constant 414 : index
    %swap3A_2520 = arith.constant 0 : index
    %swap3A_2521 = vector.load %arg18[%swap3A_2519, %swap3A_2520] : memref<416x512xf32, #tpu.memory_space<vmem>>, vector<1x512xf32>
    tpu.vector_store %arg18[%swap3A_2519, %swap3A_2520], %broadcast_in_dim3A_2518 {strides = array<i32>} : memref<416x512xf32, #tpu.memory_space<vmem>>, vector<1x512xf32>,
    %broadcast_in_dim3A_2522 = arith.constant 0.000000e+00 : f32
    %broadcast_in_dim3A_2523 = vector.broadcast %broadcast_in_dim3A_2522 : f32 to vector<1x512xf32>
    %swap3A_2524 = arith.constant 415 : index
    %swap3A_2525 = arith.constant 0 : index
    %swap3A_2526 = vector.load %arg18[%swap3A_2524, %swap3A_2525] : memref<416x512xf32, #tpu.memory_space<vmem>>, vector<1x512xf32>
    tpu.vector_store %arg18[%swap3A_2524, %swap3A_2525], %broadcast_in_dim3A_2523 {strides = array<i32>} : memref<416x512xf32, #tpu.memory_space<vmem>>, vector<1x512xf32>,
    %get3A_2527 = arith.constant 0 : index
    %get3A_2528 = arith.constant 0 : index
    %get3A_2529 = vector.load %arg9[%get3A_2527, %get3A_2528] : memref<512x416xf32, #tpu.memory_space<vmem>>, vector<512x416xf32>
    %get3A_2530 = arith.constant 0 : index
    %get3A_2531 = arith.constant 0 : index
    %get3A_2532 = vector.load %arg18[%get3A_2530, %get3A_2531] : memref<416x512xf32, #tpu.memory_space<vmem>>, vector<416x512xf32>
    %dot_general3A_2533 = arith.constant dense<0.000000e+00> : vector<512x512xf32>
    %dot_general3A_2534 = tpu.matmul %get3A_2529, %get3A_2532, %dot_general3A_2533 {dimension_numbers = #tpu.dot_dimension_numbers<[1], [0], [0], [1], [0, 0, 1, 1], [], []>, transpose_lhs_hint = false} : vector<512x416xf32>, vector<416x512xf32>, vector<512x512xf32> -> vector<512x512xf32>
    %get3A_2535 = arith.constant 0 : index
    %get3A_2536 = arith.constant 0 : index
    %get3A_2537 = vector.load %arg10[%get3A_2535, %get3A_2536] : memref<512x1xf32, #tpu.memory_space<vmem>>, vector<512x1xf32>
    %add3A_2538 = vector.broadcast %get3A_2537 : vector<512x1xf32> to vector<512x512xf32>
    %add3A_2539 = arith.addf %dot_general3A_2534, %add3A_2538 : vector<512x512xf32>
    %max3A_2540 = arith.constant 0.000000e+00 : f32
    %max3A_2541 = vector.broadcast %max3A_2540 : f32 to vector<512x512xf32>
    %max3A_2542 = arith.maximumf %add3A_2539, %max3A_2541 : vector<512x512xf32>
    %get3A_2543 = arith.constant 0 : index
    %get3A_2544 = arith.constant 0 : index
    %get3A_2545 = vector.load %arg11[%get3A_2543, %get3A_2544] : memref<512x512xf32, #tpu.memory_space<vmem>>, vector<512x512xf32>
    %dot_general3A_2546 = arith.constant dense<0.000000e+00> : vector<512x512xf32>
    %dot_general3A_2547 = tpu.matmul %get3A_2545, %max3A_2542, %dot_general3A_2546 {dimension_numbers = #tpu.dot_dimension_numbers<[1], [0], [0], [1], [0, 0, 1, 1], [], []>, transpose_lhs_hint = false} : vector<512x512xf32>, vector<512x512xf32>, vector<512x512xf32> -> vector<512x512xf32>
    %get3A_2548 = arith.constant 0 : index
    %get3A_2549 = arith.constant 0 : index
    %get3A_2550 = vector.load %arg12[%get3A_2548, %get3A_2549] : memref<512x1xf32, #tpu.memory_space<vmem>>, vector<512x1xf32>
    %add3A_2551 = vector.broadcast %get3A_2550 : vector<512x1xf32> to vector<512x512xf32>
    %add3A_2552 = arith.addf %dot_general3A_2547, %add3A_2551 : vector<512x512xf32>
    %max3A_2553 = arith.constant 0.000000e+00 : f32
    %max3A_2554 = vector.broadcast %max3A_2553 : f32 to vector<512x512xf32>
    %max3A_2555 = arith.maximumf %add3A_2552, %max3A_2554 : vector<512x512xf32>
    %get3A_2556 = arith.constant 0 : index
    %get3A_2557 = arith.constant 0 : index
    %get3A_2558 = vector.load %arg13[%get3A_2556, %get3A_2557] : memref<256x512xf32, #tpu.memory_space<vmem>>, vector<256x512xf32>
    %dot_general3A_2559 = arith.constant dense<0.000000e+00> : vector<256x512xf32>
    %dot_general3A_2560 = tpu.matmul %get3A_2558, %max3A_2555, %dot_general3A_2559 {dimension_numbers = #tpu.dot_dimension_numbers<[1], [0], [0], [1], [0, 0, 1, 1], [], []>, transpose_lhs_hint = false} : vector<256x512xf32>, vector<512x512xf32>, vector<256x512xf32> -> vector<256x512xf32>
    %get3A_2561 = arith.constant 0 : index
    %get3A_2562 = arith.constant 0 : index
    %get3A_2563 = vector.load %arg14[%get3A_2561, %get3A_2562] : memref<256x1xf32, #tpu.memory_space<vmem>>, vector<256x1xf32>
    %add3A_2564 = vector.broadcast %get3A_2563 : vector<256x1xf32> to vector<256x512xf32>
    %add3A_2565 = arith.addf %dot_general3A_2560, %add3A_2564 : vector<256x512xf32>
    %max3A_2566 = arith.constant 0.000000e+00 : f32
    %max3A_2567 = vector.broadcast %max3A_2566 : f32 to vector<256x512xf32>
    %max3A_2568 = arith.maximumf %add3A_2565, %max3A_2567 : vector<256x512xf32>
    %get3A_2569 = arith.constant 0 : index
    %get3A_2570 = arith.constant 0 : index
    %get3A_2571 = vector.load %arg15[%get3A_2569, %get3A_2570] : memref<1x256xf32, #tpu.memory_space<vmem>>, vector<1x256xf32>
    %dot_general3A_2572 = arith.constant dense<0.000000e+00> : vector<1x512xf32>
    %dot_general3A_2573 = tpu.matmul %get3A_2571, %max3A_2568, %dot_general3A_2572 {dimension_numbers = #tpu.dot_dimension_numbers<[1], [0], [0], [1], [0, 0, 1, 1], [], []>, transpose_lhs_hint = false} : vector<1x256xf32>, vector<256x512xf32>, vector<1x512xf32> -> vector<1x512xf32>
    %get3A_2574 = arith.constant 0 : index
    %get3A_2575 = arith.constant 0 : index
    %get3A_2576 = vector.load %arg16[%get3A_2574, %get3A_2575] : memref<1x1xf32, #tpu.memory_space<vmem>>, vector<1x1xf32>
    %add3A_2577 = vector.broadcast %get3A_2576 : vector<1x1xf32> to vector<1x512xf32>
    %add3A_2578 = arith.addf %dot_general3A_2573, %add3A_2577 : vector<1x512xf32>
    %swap3A_2579 = arith.constant 0 : index
    %swap3A_2580 = arith.constant 0 : index
    %swap3A_2581 = vector.load %arg17[%swap3A_2579, %swap3A_2580] : memref<1x512xf32, #tpu.memory_space<vmem>>, vector<1x512xf32>
    tpu.vector_store %arg17[%swap3A_2579, %swap3A_2580], %add3A_2578 {strides = array<i32>} : memref<1x512xf32, #tpu.memory_space<vmem>>, vector<1x512xf32>,
    return
  }
  func.func @transform_0(%arg0: i32) -> (i32, i32) {
    %c0_i32 = arith.constant 0 : i32
    %c0_i32_0 = arith.constant 0 : i32
    return %c0_i32, %arg0 : i32, i32
  }
  func.func @transform_1(%arg0: i32) -> (i32, i32) {
    %c0_i32 = arith.constant 0 : i32
    %c0_i32_0 = arith.constant 0 : i32
    return %arg0, %c0_i32 : i32, i32
  }
  func.func @transform_2(%arg0: i32) -> (i32, i32) {
    %c0_i32 = arith.constant 0 : i32
    %c0_i32_0 = arith.constant 0 : i32
    %c0_i32_1 = arith.constant 0 : i32
    return %c0_i32, %c0_i32_0 : i32, i32
  }
  func.func @transform_3(%arg0: i32) -> (i32, i32) {
    %c0_i32 = arith.constant 0 : i32
    %c0_i32_0 = arith.constant 0 : i32
    %c0_i32_1 = arith.constant 0 : i32
    return %c0_i32, %c0_i32_0 : i32, i32
  }
  func.func @transform_4(%arg0: i32) -> (i32, i32) {
    %c0_i32 = arith.constant 0 : i32
    %c0_i32_0 = arith.constant 0 : i32
    %c0_i32_1 = arith.constant 0 : i32
    return %c0_i32, %c0_i32_0 : i32, i32
  }
  func.func @transform_5(%arg0: i32) -> (i32, i32) {
    %c0_i32 = arith.constant 0 : i32
    %c0_i32_0 = arith.constant 0 : i32
    %c0_i32_1 = arith.constant 0 : i32
    return %c0_i32, %c0_i32_0 : i32, i32
  }
  func.func @transform_6(%arg0: i32) -> (i32, i32) {
    %c0_i32 = arith.constant 0 : i32
    %c0_i32_0 = arith.constant 0 : i32
    %c0_i32_1 = arith.constant 0 : i32
    return %c0_i32, %c0_i32_0 : i32, i32
  }
  func.func @transform_7(%arg0: i32) -> (i32, i32) {
    %c0_i32 = arith.constant 0 : i32
    %c0_i32_0 = arith.constant 0 : i32
    %c0_i32_1 = arith.constant 0 : i32
    return %c0_i32, %c0_i32_0 : i32, i32
  }
  func.func @transform_8(%arg0: i32) -> (i32, i32) {
    %c0_i32 = arith.constant 0 : i32
    %c0_i32_0 = arith.constant 0 : i32
    %c0_i32_1 = arith.constant 0 : i32
    return %c0_i32, %c0_i32_0 : i32, i32
  }
  func.func @transform_9(%arg0: i32) -> (i32, i32) {
    %c0_i32 = arith.constant 0 : i32
    %c0_i32_0 = arith.constant 0 : i32
    %c0_i32_1 = arith.constant 0 : i32
    return %c0_i32, %c0_i32_0 : i32, i32
  }
  func.func @transform_10(%arg0: i32) -> (i32, i32) {
    %c0_i32 = arith.constant 0 : i32
    %c0_i32_0 = arith.constant 0 : i32
    %c0_i32_1 = arith.constant 0 : i32
    return %c0_i32, %c0_i32_0 : i32, i32
  }
  func.func @transform_11(%arg0: i32) -> (i32, i32) {
    %c0_i32 = arith.constant 0 : i32
    %c0_i32_0 = arith.constant 0 : i32
    %c0_i32_1 = arith.constant 0 : i32
    return %c0_i32, %c0_i32_0 : i32, i32
  }
  func.func @transform_12(%arg0: i32) -> (i32, i32) {
    %c0_i32 = arith.constant 0 : i32
    %c0_i32_0 = arith.constant 0 : i32
    %c0_i32_1 = arith.constant 0 : i32
    return %c0_i32, %c0_i32_0 : i32, i32
  }
  func.func @transform_13(%arg0: i32) -> (i32, i32) {
    %c0_i32 = arith.constant 0 : i32
    %c0_i32_0 = arith.constant 0 : i32
    %c0_i32_1 = arith.constant 0 : i32
    return %c0_i32, %c0_i32_0 : i32, i32
  }
  func.func @transform_14(%arg0: i32) -> (i32, i32) {
    %c0_i32 = arith.constant 0 : i32
    %c0_i32_0 = arith.constant 0 : i32
    %c0_i32_1 = arith.constant 0 : i32
    return %c0_i32, %c0_i32_0 : i32, i32
  }
  func.func @transform_15(%arg0: i32) -> (i32, i32) {
    %c0_i32 = arith.constant 0 : i32
    %c0_i32_0 = arith.constant 0 : i32
    %c0_i32_1 = arith.constant 0 : i32
    return %c0_i32, %c0_i32_0 : i32, i32
  }
  func.func @transform_16(%arg0: i32) -> (i32, i32) {
    %c0_i32 = arith.constant 0 : i32
    %c0_i32_0 = arith.constant 0 : i32
    return %c0_i32, %arg0 : i32, i32
  }
}

</mosaic_0001>

<sc_bundles>
// kernel: kernel.4.cloned.1.call-start
scs
__scs_entry_jumppad:
0x0: {  	(pc) =	sbr.rel $0x88, $3  }
0x1: {  	(tag) =	ssettag $0x0;
	lr =	simm.s32 $0x1  }
0x2: {  	[smem:$0x3F90] =	sst lr;
	_ =	strace $0xD0000000  }
0x3: {  	_ = 	snop  }
0x4: {  	_ = 	snop  }
0x5: {  	_ = 	snop  }
0x6: {  	_ = 	snop  }
0x7: {  	_ = 	snop  }
__scs_overlays_trampoline_lowered:
0x8: {  	[smem:$0x3F9F] =	sst s0  }
0x9: {  	[smem:$0x3FA0] =	sst s1  }
0xa: {  	[smem:$0x3FA1] =	sst s2  }
0xb: {  	[smem:$0x3FA2] =	sst s3  }
0xc: {  	[smem:$0x3FA3] =	sst s4  }
0xd: {  	[smem:$0x3FA4] =	sst s5  }
0xe: {  	[smem:$0x3FA5] =	sst s6  }
0xf: {  	[smem:$0x3FA6] =	sst s7  }
0x10: {  	[smem:$0x3FA7] =	sst s8  }
0x11: {  	[smem:$0x3FA8] =	sst s9;
	s0 =	simm.s32 @!p0 $0x0  }
0x12: {  	s1 =	sld [smem:$0x3F8E];
	s0 =	simm.s32 @p0 $0x1  }
0x13: {  	[smem:$0x3FA9] =	sst s0;
	s0 =	simm.s32 @!p1 $0x0  }
0x14: {  	s2 =	sld [smem:$0x3F8D];
	s0 =	simm.s32 @p1 $0x1  }
0x15: {  	[smem:$0x3FAA] =	sst s0;
	s0 =	simm.s32 @!p2 $0x0  }
0x16: {  	s3 =	sld [smem:$0x3FDB];
	s0 =	simm.s32 @p2 $0x1  }
0x17: {  	s4 =	simm.s32 $0x1BF5;
	[smem:$0x3FAC] =	sst s0  }
0x18: {  	s0 =	sld [smem:$0x3F8F];
	_ =	swait.ge [sflag:s4], $0x0  }
0x19: {  	s7 =	sld [smem:$0x3F90]  }
0x1a: {  	s8 =	sadd.s32 $0xFFFFE003, lr  }
0x1b: {  	s9 =	sadd.s32 $0xFFFFFEF7, lr;
	s5 =	simm.s32 $0xFFFFFFFF;
	p2 =	slt.u32 s8, $0xFFFFF086  }
0x1c: {  	p1 =	slt.u32 s9, $0xF7A;
	s5 =	simm.s32 @!p2 $0x0  }
0x1d: {  	s5 =	simm.s32 @p1 $0x1;
	p0 =	seq.s32 s7, s2  }
0x1e: {  	s7 =	smul.u32 @!p0 $0xF7A, s2;
	p2 =	seq.s32 @!p0 s5, $0x0  }
0x1f: {  	s9 =	smul.u32 $0xF7A, s1;
	s8 =	simm.s32 @!p0 $0x1BF5;
	p2 =	por !p2, p0  }
0x20: {  	[sflag:s8] =	ssyncset.s32 @!p0 $0xFFFFF086;
	s6 =	sadd.s32 @!p0 s3, s7;
	s7 =	simm.s32 @!p0 $0x108  }
0x21: {  	s3 =	sadd.s32 s3, s9;
	s6 =	sadd.s32 @!p0 $0x88, s6;
	s7 =	simm.s32 @p2 $0x1082  }
0x22: {  	[simem:s7], [sflag:s8] =	dma.local @!p0 [hbm:s6], $0xF7A  }
0x23: {  	s9 =	sor.u32 $0xD0000000, s2;
	s6 =	simm.s32 $0x108;
	_ =	swait.ge @!p0 [sflag:s8], $0x0  }
0x24: {  	s3 =	sadd.s32 $0x88, s3;
	s6 =	simm.s32 @!p1 $0x1082;
	[sflag:s4] =	ssyncset.s32 $0xFFFFF086  }
0x25: {  	[simem:s6], [sflag:s4] =	dma.local [hbm:s3], $0xF7A  }
0x26: {  	[smem:$0x3F90] =	sst s1;
	(tag) =	ssettag s2;
	_ =	strace s9  }
0x27: {  	s1 =	sld [smem:$0x3FA0]  }
0x28: {  	s2 =	sld [smem:$0x3FA1]  }
0x29: {  	s4 =	sld [smem:$0x3FA3]  }
0x2a: {  	p0 =	seq.s32 s5, $0x0;
	s5 =	sld [smem:$0x3FA4]  }
0x2b: {  	s6 =	sld [smem:$0x3FA5]  }
0x2c: {  	s7 =	sld [smem:$0x3FA6]  }
0x2d: {  	s3 =	simm.s32 $0x108;
	s8 =	sld [smem:$0x3FA7]  }
0x2e: {  	s3 =	simm.s32 @!p0 $0x1082;
	s9 =	sld [smem:$0x3FA8]  }
0x2f: {  	lr =	sadd.s32 s0, s3;
	s0 =	sld [smem:$0x3F9F]  }
0x30: {  	s3 =	sld [smem:$0x3FA2]  }
0x31: {  	[smem:$0x3FAB] =	sst s10  }
0x32: {  	s10 =	sld [smem:$0x3FA9];
	_ =	sdelay $0x3  }
0x33: {  	p0 =	seq.s32 s10, $0x1;
	s10 =	sld [smem:$0x3FAB];
	_ =	sdelay $0x3  }
0x34: {  	[smem:$0x3FAB] =	sst s10  }
0x35: {  	s10 =	sld [smem:$0x3FAA];
	_ =	sdelay $0x3  }
0x36: {  	p1 =	seq.s32 s10, $0x1;
	s10 =	sld [smem:$0x3FAB];
	_ =	sdelay $0x3  }
0x37: {  	[smem:$0x3FAB] =	sst s10  }
0x38: {  	s10 =	sld [smem:$0x3FAC]  }
0x39: {  	_ = 	snop;
	(pc) =	sbr.ind lr, $3  }
0x3a: {  	_ = 	snop  }
0x3b: {  	_ = 	snop  }
0x3c: {  	p2 =	seq.s32 s10, $0x1;
	s10 =	sld [smem:$0x3FAB]  }
0x3d: {  	_ =	shalt  }
0x3e: {  	_ =	shalt  }
0x3f: {  	_ =	shalt  }
0x40: {  	_ =	shalt  }
0x41: {  	_ =	shalt  }
0x42: {  	_ =	shalt  }
0x43: {  	_ =	shalt  }
0x44: {  	_ =	shalt  }
0x45: {  	_ =	shalt  }
0x46: {  	_ =	shalt  }
0x47: {  	_ =	shalt  }
0x48: {  	_ =	shalt  }
0x49: {  	_ =	shalt  }
0x4a: {  	_ =	shalt  }
0x4b: {  	_ =	shalt  }
0x4c: {  	_ =	shalt  }
0x4d: {  	_ =	shalt  }
0x4e: {  	_ =	shalt  }
0x4f: {  	_ =	shalt  }
0x50: {  	_ =	shalt  }
0x51: {  	_ =	shalt  }
0x52: {  	_ =	shalt  }
0x53: {  	_ =	shalt  }
0x54: {  	_ =	shalt  }
0x55: {  	_ =	shalt  }
0x56: {  	_ =	shalt  }
0x57: {  	_ =	shalt  }
0x58: {  	_ =	shalt  }
0x59: {  	_ =	shalt  }
0x5a: {  	_ =	shalt  }
0x5b: {  	_ =	shalt  }
0x5c: {  	_ =	shalt  }
0x5d: {  	_ =	shalt  }
0x5e: {  	_ =	shalt  }
0x5f: {  	_ =	shalt  }
0x60: {  	_ =	shalt  }
0x61: {  	_ =	shalt  }
0x62: {  	_ =	shalt  }
0x63: {  	_ =	shalt  }
0x64: {  	_ =	shalt  }
0x65: {  	_ =	shalt  }
0x66: {  	_ =	shalt  }
0x67: {  	_ =	shalt  }
0x68: {  	_ =	shalt  }
0x69: {  	_ =	shalt  }
0x6a: {  	_ =	shalt  }
0x6b: {  	_ =	shalt  }
0x6c: {  	_ =	shalt  }
0x6d: {  	_ =	shalt  }
0x6e: {  	_ =	shalt  }
0x6f: {  	_ =	shalt  }
0x70: {  	_ =	shalt  }
0x71: {  	_ =	shalt  }
0x72: {  	_ =	shalt  }
0x73: {  	_ =	shalt  }
0x74: {  	_ =	shalt  }
0x75: {  	_ =	shalt  }
0x76: {  	_ =	shalt  }
0x77: {  	_ =	shalt  }
0x78: {  	_ =	shalt  }
0x79: {  	_ =	shalt  }
0x7a: {  	_ =	shalt  }
0x7b: {  	_ =	shalt  }
0x7c: {  	_ =	shalt  }
0x7d: {  	_ =	shalt  }
0x7e: {  	_ =	shalt  }
0x7f: {  	_ =	shalt  }
0x80: {  	_ =	shalt  }
0x81: {  	_ =	shalt  }
0x82: {  	_ =	shalt  }
0x83: {  	_ =	shalt  }
0x84: {  	_ =	shalt  }
0x85: {  	_ =	shalt  }
0x86: {  	_ =	shalt  }
0x87: {  	_ =	shalt  }
.Lfunc_end0:
.L_simem_size_0:
called_computation_lowered:
.L_overlay_start_0:
0x88: {  	s2 =	sld [smem:$0x3FD9]  }
0x89: {  	s3 =	sld [smem:$0x3FFE];
	_ =	sdelay $0x1  }
0x8a: {  	s1 =	srdreg.scid  }
0x8b: {  	s0 =	sand.u32 $0x1, s1  }
0x8c: {  	s16 =	sshll.u32 s0, $0xA;
	s2 =	sadd.s32 s3, s2  }
0x8d: {  	s2 =	sadd.s32 s2, s16  }
0x8e: {  	[smem:$0x3FB7] =	sst s2  }
0x8f: {  	_ = 	snop  }
0x90: {  	(tm) =	ssettm $0x1  }
0x91: {  	s17 =	sld [smem:$0x3FFB];
	_ =	sdelay $0x3  }
0x92: {  	_ =	strace s17  }
0x93: {  	s2 =	sld [smem:$0x3FFC];
	_ =	sdelay $0x3  }
0x94: {  	_ =	strace s2  }
0x95: {  	s2 =	sld [smem:$0x3FFD];
	_ =	sdelay $0x3  }
0x96: {  	_ =	strace s2  }
0x97: {  	_ =	strace $0x8FFFFFFF  }
0x98: {  	s18 =	sld [smem:$0x3FDB];
	_ =	sdelay $0x1  }
0x99: {  	s19 =	simm.s32 $_scs_section_size  }
0x9a: {  	s4 =	simm.s32 $_size__tile_overlayer_lowered;
	s5 =	simm.s32 $_tile_overlayer_lowered  }
0x9b: {  	s22 =	simm.s32 $0x1BFF;
	s21 =	sshll.u32 s5, $0x1;
	s2 =	sadd.s32 s19, s18  }
0x9c: {  	s6 =	simm.s32 $0x0;
	s20 =	sshll.u32 s4, $0x1;
	s4 =	sadd.s32 s21, s2  }
0x9d: {  	[timem:s6], [sflag:s22] =	dma.local [hbm:s4], s20  }
0x9e: {  	_ =	swait.ge [sflag:s22], s20  }
0x9f: {  	s3 =	ssub.s32 $0x0, s20;
	[sflag:s22] =	ssyncset.done $0x0  }
0xa0: {  	[sflag:s22] =	ssyncadd.s32 s3;
	_ =	sdelay $0x1  }
0xa1: {  	s23 =	simm.s32 $0x1B8B  }
0xa2: {  	_ =	swait.ge [sflag:s23], $0x1  }
0xa3: {  	[sflag:s23] =	ssyncset.done $0x0  }
0xa4: {  	s25 =	simm.s32 $0x1B8E;
	s24 =	sld [smem:$0x3FFE];
	[sflag:s23] =	ssyncadd.s32 $0xFFFFFFFF  }
0xa5: {  	s26 =	simm.s32 $execute0_lowered;
	[smem:$0x3FD2] =	sst s25  }
0xa6: {  	s4 =	sshll.u32 s26, $0x1;
	_ =	strace $0x80000046;
	[dreg:$0x1] =	wrdreg $0xFFFFFFFF  }
0xa7: {  	s28 =	simm.s32 $_size_execute0_lowered;
	s2 =	sadd.s32 s2, s4;
	[dreg:$0x0] =	wrdreg $0x0  }
0xa8: {  	s4 =	sshll.u32 s28, $0x1;
	[dreg:$0x2] =	wrdreg s2  }
0xa9: {  	[dreg:$0x3] =	wrdreg s4  }
0xaa: {  	[dreg:$0x4] =	wrdreg $0xC0  }
0xab: {  	_ =	task [dreg:s6], $0x5FFFF  }
0xac: {  	[dreg:$0x1] =	wrdreg $0xFFFFFFFF  }
0xad: {  	[dreg:$0x0] =	wrdreg $0x60  }
0xae: {  	[dreg:$0x2] =	wrdreg s24  }
0xaf: {  	[dreg:$0x3] =	wrdreg $0x9  }
0xb0: {  	_ =	task.clear_ibuf [dreg:s6], $0x4FFFF;
	_ =	strace $0x90000046  }
0xb1: {  	s29 =	simm.s32 $0x9;
	_ =	strace $0x80000048  }
0xb2: {  	_ =	swait.ge [sflag:s29], $0x1  }
0xb3: {  	[sflag:s29] =	ssyncadd.s32 $0xFFFFFFFF  }
0xb4: {  	_ =	strace $0x90000048  }
0xb5: {  	_ =	sfence  }
0xb6: {  	s30 =	sld [smem:$0x0];
	_ =	sdelay $0x2  }
0xb7: {  	s31 =	sshll.u32 s1, $0xD;
	s1 =	sshrl.u32 s1, $0x2  }
0xb8: {  	s3 =	sand.u32 $0x4000, s31;
	s1 =	sadd.s32 s1, s30  }
0xb9: {  	s0 =	sor.u32 s3, s0;
	s1 =	sshll.u32 s1, $0x11  }
0xba: {  	s0 =	sor.u32 s1, s0  }
0xbb: {  	s0 =	sadd.s32 $0x8F2B, s0  }
0xbc: {  	[sflag:s0] =	ssyncadd.remote.s32 $0x1  }
0xbd: {  	_ =	sfence.sel $0xFFFF  }
0xbe: {  	[dreg:$0x0] =	wrdreg $0xFFFFFFFF;
	(pc) =	sbr.abs _section_cstart, $3  }
0xbf: {  	[dreg:$0x1] =	wrdreg $0xFFFFFFFF  }
0xc0: {  	_ =	task.clear_ibuf [dreg:s6], $0x2FFFF;
	_ =	strace $0x9FFFFFFF  }
0xc1: {  	(tm) =	ssettm $0x7FFFFFFF  }
tec
execute0_lowered:
.L_overlay_start_1:
0x0: {  	(tag) =	ssettag $0x1  }
0x1: {  	s1 =	srdreg.scid;
	s0 =	stileid.u32  }
0x2: {  	s14 =	sand.u32 $0x1, s1;
	s28 =	sshll.u32 s0, $0x1  }
0x3: {  	s8 =	sor.u32 s14, s28  }
0x4: {  	s9 =	rddreg [dreg:$0x0];
	s13 =	smul.u32 $0xD00, s8  }
0x5: {  	s2 =	simm.s32 $0x0;
	s1 =	rddreg [dreg:$0x1]  }
0x6: {  	[smem:$0x7FF] =	sst s2;
	s15 =	sadd.s32 $0x2200, s9;
	s3 =	sshrl.u32 s13, $0x3  }
0x7: {  	_ =	strace $0x80000047;
	s4 =	sadd.s32 s15, s3;
	s3 =	simm.s32 $0x2  }
0x8: {  	[tilespmem:s2], [sflag:$0x2] =	stream.linear.gather [hbm4b:s4+s2], $0x340, $0x38;
	[tilespmem:$0xD340] =	vst v63  }
0x9: {  	_ =	swait.ge [sflag:s3], $0x340  }
0xa: {  	s6 =	simm.s32 $0x340;
	[sflag:s3] =	ssyncset.done $0x0  }
0xb: {  	s7 =	simm.s32 $0x1;
	s5 =	sadd.s32 $0xF44800, s9;
	[sflag:s3] =	ssyncadd.s32 $0xFFFFFCC0  }
0xc: {  	[tilespmem:s6], [sflag:$0x1] =	stream.indirect.gather [hbm4b:s5+s6], $0x40, s2, s6, $0xb8;
	[tilespmem:$0xD340] =	vst v63  }
0xd: {  	s8 =	smul.u32 $0x6800, s8;
	_ =	swait.ge [sflag:s7], $0xD000  }
0xe: {  	s16 =	sadd.s32 $0x5600, s9;
	[sflag:s7] =	ssyncset.done $0x0  }
0xf: {  	s8 =	sadd.s32 s16, s8;
	[sflag:s7] =	ssyncadd.s32 $0xFFFF3000  }
0x10: {  	[hbm4b:s8+s2] =	stream.linear.scatter [tilespmem:s6], [sflag:$0x2], $0xD000, $0x38;
	[tilespmem:$0xD340] =	vst v63  }
0x11: {  	s10 =	sadd.s32 $0x340, s13;
	_ =	swait.ge [sflag:s3], $0xD000  }
0x12: {  	s29 =	sshrl.u32 s10, $0x3;
	[sflag:s3] =	ssyncset.done $0x0  }
0x13: {  	s9 =	sadd.s32 s15, s29;
	[sflag:s3] =	ssyncadd.s32 $0xFFFF3000  }
0x14: {  	[tilespmem:s2], [sflag:$0x2] =	stream.linear.gather [hbm4b:s9+s2], $0x340, $0x38;
	[tilespmem:$0xD340] =	vst v63  }
0x15: {  	_ =	swait.ge [sflag:s3], $0x340  }
0x16: {  	[sflag:s3] =	ssyncset.done $0x0  }
0x17: {  	[sflag:s3] =	ssyncadd.s32 $0xFFFFFCC0  }
0x18: {  	[tilespmem:s6], [sflag:$0x1] =	stream.indirect.gather [hbm4b:s5+s6], $0x40, s2, s6, $0xb8;
	[tilespmem:$0xD340] =	vst v63  }
0x19: {  	_ =	swait.ge [sflag:s7], $0xD000  }
0x1a: {  	s10 =	sshll.u32 s10, $0x3;
	[sflag:s7] =	ssyncset.done $0x0  }
0x1b: {  	s10 =	sadd.s32 s16, s10;
	[sflag:s7] =	ssyncadd.s32 $0xFFFF3000  }
0x1c: {  	[hbm4b:s10+s2] =	stream.linear.scatter [tilespmem:s6], [sflag:$0x2], $0xD000, $0x38;
	[tilespmem:$0xD340] =	vst v63  }
0x1d: {  	s12 =	sadd.s32 $0x680, s13;
	_ =	swait.ge [sflag:s3], $0xD000  }
0x1e: {  	s11 =	sshrl.u32 s12, $0x3;
	[sflag:s3] =	ssyncset.done $0x0  }
0x1f: {  	s11 =	sadd.s32 s15, s11;
	[sflag:s3] =	ssyncadd.s32 $0xFFFF3000  }
0x20: {  	[tilespmem:s2], [sflag:$0x2] =	stream.linear.gather [hbm4b:s11+s2], $0x340, $0x38;
	[tilespmem:$0xD340] =	vst v63  }
0x21: {  	_ =	swait.ge [sflag:s3], $0x340  }
0x22: {  	[sflag:s3] =	ssyncset.done $0x0  }
0x23: {  	[sflag:s3] =	ssyncadd.s32 $0xFFFFFCC0  }
0x24: {  	[tilespmem:s6], [sflag:$0x1] =	stream.indirect.gather [hbm4b:s5+s6], $0x40, s2, s6, $0xb8;
	[tilespmem:$0xD340] =	vst v63  }
0x25: {  	_ =	swait.ge [sflag:s7], $0xD000  }
0x26: {  	s12 =	sshll.u32 s12, $0x3;
	[sflag:s7] =	ssyncset.done $0x0  }
0x27: {  	s12 =	sadd.s32 s16, s12;
	[sflag:s7] =	ssyncadd.s32 $0xFFFF3000  }
0x28: {  	[hbm4b:s12+s2] =	stream.linear.scatter [tilespmem:s6], [sflag:$0x2], $0xD000, $0x38;
	[tilespmem:$0xD340] =	vst v63  }
0x29: {  	s17 =	sadd.s32 $0x9C0, s13;
	_ =	swait.ge [sflag:s3], $0xD000  }
0x2a: {  	s13 =	sshrl.u32 s17, $0x3;
	[sflag:s3] =	ssyncset.done $0x0  }
0x2b: {  	s14 =	ssub.s32 $0x2, s14;
	s13 =	sadd.s32 s15, s13;
	[sflag:s3] =	ssyncadd.s32 $0xFFFF3000  }
0x2c: {  	[tilespmem:s2], [sflag:$0x2] =	stream.linear.gather [hbm4b:s13+s2], $0x340, $0x38;
	[tilespmem:$0xD340] =	vst v63  }
0x2d: {  	s30 =	sshrl.u32 s14, $0x1;
	_ =	swait.ge [sflag:s3], $0x340  }
0x2e: {  	s15 =	ssub.s32 s14, s30;
	[sflag:s3] =	ssyncset.done $0x0  }
0x2f: {  	s15 =	smax.u32 s15, $0x1;
	[sflag:s3] =	ssyncadd.s32 $0xFFFFFCC0  }
0x30: {  	[tilespmem:s6], [sflag:$0x1] =	stream.indirect.gather [hbm4b:s5+s6], $0x40, s2, s6, $0xb8;
	[tilespmem:$0xD340] =	vst v63  }
0x31: {  	p0 =	sne.s32 s15, $0x1;
	_ =	swait.ge [sflag:s7], $0xD000  }
.Ltmp0:
0x32: {  	s31 =	sshll.u32 s17, $0x3;
	[sflag:s7] =	ssyncset.done $0x0;
	(pc) =	sbr.rel @!p0 .LBB2_2-.Ltmp0, $4  }
0x33: {  	s14 =	sadd.s32 s16, s31;
	[sflag:s7] =	ssyncadd.s32 $0xFFFF3000  }
0x34: {  	[hbm4b:s14+s2] =	stream.linear.scatter [tilespmem:s6], [sflag:$0x2], $0xD000, $0x38;
	[tilespmem:$0xD340] =	vst v63  }
0x35: {  	_ =	swait.ge [sflag:s3], $0xD000  }
0x36: {  	s15 =	sadd.s32 $0xFFFFFFFF, s15;
	[sflag:s3] =	ssyncset.done $0x0  }
.LBB2_1:
0x37: {  	p0 =	sne.s32 s15, $0x1;
	s15 =	sadd.s32 $0xFFFFFFFF, s15;
	[sflag:s3] =	ssyncadd.s32 $0xFFFF3000  }
0x38: {  	[tilespmem:s2], [sflag:$0x2] =	stream.linear.gather [hbm4b:s4+s2], $0x340, $0x38;
	[tilespmem:$0xD340] =	vst v63  }
0x39: {  	_ =	swait.ge [sflag:s3], $0x340  }
0x3a: {  	[sflag:s3] =	ssyncset.done $0x0  }
0x3b: {  	[sflag:s3] =	ssyncadd.s32 $0xFFFFFCC0  }
0x3c: {  	[tilespmem:s6], [sflag:$0x1] =	stream.indirect.gather [hbm4b:s5+s6], $0x40, s2, s6, $0xb8;
	[tilespmem:$0xD340] =	vst v63  }
0x3d: {  	_ =	swait.ge [sflag:s7], $0xD000  }
0x3e: {  	[sflag:s7] =	ssyncset.done $0x0  }
0x3f: {  	[sflag:s7] =	ssyncadd.s32 $0xFFFF3000  }
0x40: {  	[hbm4b:s8+s2] =	stream.linear.scatter [tilespmem:s6], [sflag:$0x2], $0xD000, $0x38;
	[tilespmem:$0xD340] =	vst v63  }
0x41: {  	_ =	swait.ge [sflag:s3], $0xD000  }
0x42: {  	[sflag:s3] =	ssyncset.done $0x0  }
0x43: {  	[sflag:s3] =	ssyncadd.s32 $0xFFFF3000  }
0x44: {  	[tilespmem:s2], [sflag:$0x2] =	stream.linear.gather [hbm4b:s9+s2], $0x340, $0x38;
	[tilespmem:$0xD340] =	vst v63  }
0x45: {  	_ =	swait.ge [sflag:s3], $0x340  }
0x46: {  	[sflag:s3] =	ssyncset.done $0x0  }
0x47: {  	[sflag:s3] =	ssyncadd.s32 $0xFFFFFCC0  }
0x48: {  	[tilespmem:s6], [sflag:$0x1] =	stream.indirect.gather [hbm4b:s5+s6], $0x40, s2, s6, $0xb8;
	[tilespmem:$0xD340] =	vst v63  }
0x49: {  	_ =	swait.ge [sflag:s7], $0xD000  }
0x4a: {  	[sflag:s7] =	ssyncset.done $0x0  }
0x4b: {  	[sflag:s7] =	ssyncadd.s32 $0xFFFF3000  }
0x4c: {  	[hbm4b:s10+s2] =	stream.linear.scatter [tilespmem:s6], [sflag:$0x2], $0xD000, $0x38;
	[tilespmem:$0xD340] =	vst v63  }
0x4d: {  	_ =	swait.ge [sflag:s3], $0xD000  }
0x4e: {  	[sflag:s3] =	ssyncset.done $0x0  }
0x4f: {  	[sflag:s3] =	ssyncadd.s32 $0xFFFF3000  }
0x50: {  	[tilespmem:s2], [sflag:$0x2] =	stream.linear.gather [hbm4b:s11+s2], $0x340, $0x38;
	[tilespmem:$0xD340] =	vst v63  }
0x51: {  	_ =	swait.ge [sflag:s3], $0x340  }
0x52: {  	[sflag:s3] =	ssyncset.done $0x0  }
0x53: {  	[sflag:s3] =	ssyncadd.s32 $0xFFFFFCC0  }
0x54: {  	[tilespmem:s6], [sflag:$0x1] =	stream.indirect.gather [hbm4b:s5+s6], $0x40, s2, s6, $0xb8;
	[tilespmem:$0xD340] =	vst v63  }
0x55: {  	_ =	swait.ge [sflag:s7], $0xD000  }
0x56: {  	[sflag:s7] =	ssyncset.done $0x0  }
0x57: {  	[sflag:s7] =	ssyncadd.s32 $0xFFFF3000  }
0x58: {  	[hbm4b:s12+s2] =	stream.linear.scatter [tilespmem:s6], [sflag:$0x2], $0xD000, $0x38;
	[tilespmem:$0xD340] =	vst v63  }
0x59: {  	_ =	swait.ge [sflag:s3], $0xD000  }
0x5a: {  	[sflag:s3] =	ssyncset.done $0x0  }
0x5b: {  	[sflag:s3] =	ssyncadd.s32 $0xFFFF3000  }
0x5c: {  	[tilespmem:s2], [sflag:$0x2] =	stream.linear.gather [hbm4b:s13+s2], $0x340, $0x38;
	[tilespmem:$0xD340] =	vst v63  }
0x5d: {  	_ =	swait.ge [sflag:s3], $0x340  }
0x5e: {  	[sflag:s3] =	ssyncset.done $0x0  }
0x5f: {  	[sflag:s3] =	ssyncadd.s32 $0xFFFFFCC0  }
0x60: {  	[tilespmem:s6], [sflag:$0x1] =	stream.indirect.gather [hbm4b:s5+s6], $0x40, s2, s6, $0xb8;
	[tilespmem:$0xD340] =	vst v63  }
0x61: {  	_ =	swait.ge [sflag:s7], $0xD000  }
.Ltmp1:
0x62: {  	[sflag:s7] =	ssyncset.done $0x0;
	(pc) =	sbr.rel @p0 .LBB2_1-.Ltmp1, $4  }
0x63: {  	[sflag:s7] =	ssyncadd.s32 $0xFFFF3000  }
0x64: {  	[hbm4b:s14+s2] =	stream.linear.scatter [tilespmem:s6], [sflag:$0x2], $0xD000, $0x38;
	[tilespmem:$0xD340] =	vst v63  }
0x65: {  	_ =	swait.ge [sflag:s3], $0xD000  }
0x66: {  	[sflag:s3] =	ssyncset.done $0x0  }
.LBB2_2:
0x67: {  	[sflag:s3] =	ssyncadd.s32 $0xFFFF3000  }
0x68: {  	_ =	sfence.sel $0x180000  }
0x69: {  	[bflag:$0x0] =	sbarrier.arrive $0xFFFF  }
0x6a: {  	p0 =	sne.s32 s0, $0x0;
	_ =	strace $0x90000047  }
0x6b: {  	s0 =	sadd.s32 @!p0 $0x100000, s1;
	[bflag:$0x2] =	sbarrier.arrive $0xFFFF  }
0x6c: {  	[sflag:s0] =	ssyncadd.tile.s32 @!p0 $0x1;
	_ =	shalt  }
.Lfunc_end2:
_tile_overlayer_lowered:
.L_overlay_start_2:
0x6d: {  	(tag) =	ssettag $0x2  }
0x6e: {  	s0 =	rddreg [dreg:$0x0];
	s2 =	stileid.u32  }
0x6f: {  	s1 =	rddreg [dreg:$0x1];
	p0 =	sne.s32 s2, $0x0  }
0x70: {  	s3 =	rddreg [dreg:$0x2];
	[bflag:$0x3] =	sbarrier.arrive $0xFFFF;
	s2 =	simm.s32 @!p0 $0x1C02  }
0x71: {  	[timem:s3], [sflag:s2] =	dma.local @!p0 [hbm:s0], s1  }
0x72: {  	s0 =	simm.s32 @!p0 $0x2  }
0x73: {  	_ =	swait.ge @!p0 [sflag:s0], s1  }
0x74: {  	s1 =	ssub.s32 @!p0 $0x0, s1;
	[sflag:s0] =	ssyncset.done @!p0 $0x0  }
0x75: {  	[sflag:s0] =	ssyncadd.s32 @!p0 s1  }
0x76: {  	[bflag:$0x3] =	sbarrier.arrive $0xFFFF  }
0x77: {  	_ =	shalt  }

</sc_bundles>
